<compile_context>
chip_gen: v7x
topology: tpu7x:2x2x1
jax: 0.10.2.dev20260603
libtpu: 0.0.44.dev20260713+nightly
codegen_flags: <defaults>
</compile_context>

<pallas_src>
import functools

import jax
import jax.numpy as jnp
from jax import lax
from jax.experimental import pallas as pl
from jax.experimental.pallas import tpu as pltpu
from jax.experimental.pallas import tpu_sc as plsc

B = 16384
WORD_D, POS_D, DEPL_D = 64, 32, 32
N_WORD, N_POS, N_DEPL = 20, 20, 12
IN_SIZE = N_WORD * WORD_D + N_POS * POS_D + N_DEPL * DEPL_D
H1, H2, OUT = 512, 256, 128
VCAP = 100000

NW = 32
CH = 128
NBUF = 4
NSPLIT = 2
BS = B // NSPLIT


def _sc_gather(idxT, word_table, pos_table, depl_table):
    Bc = idxT.shape[1]
    BPW = Bc // NW
    NCH = BPW // CH
    mesh = plsc.VectorSubcoreMesh(core_axis_name="c", subcore_axis_name="s")

    @functools.partial(
        pl.kernel,
        mesh=mesh,
        compiler_params=pltpu.CompilerParams(use_tc_tiling_on_sc=False),
        out_type=[
            jax.ShapeDtypeStruct((N_WORD // 2, Bc, 128), jnp.float32),
            jax.ShapeDtypeStruct((N_POS // 4, Bc, 128), jnp.float32),
            jax.ShapeDtypeStruct((N_DEPL // 4, Bc, 128), jnp.float32),
        ],
        scratch_types=(
            [pltpu.VMEM((52, BPW), jnp.int32)]
            + [pltpu.VMEM((CH, WORD_D), jnp.float32) for _ in range(NBUF)]
            + [pltpu.VMEM((CH, POS_D), jnp.float32) for _ in range(NBUF)]
            + [pltpu.SemaphoreType.DMA for _ in range(2 * NBUF)]
        ),
    )
    def k(idxT_hbm, word_hbm, pos_hbm, depl_hbm,
          wout_hbm, pout_hbm, dout_hbm, idx_v, *bufsem):
        bufs64 = bufsem[0:NBUF]
        bufs32 = bufsem[NBUF:2 * NBUF]
        gsem = bufsem[2 * NBUF:3 * NBUF]
        wsem = bufsem[3 * NBUF:4 * NBUF]
        wid = lax.axis_index("s") * 2 + lax.axis_index("c")
        base = wid * BPW
        pltpu.sync_copy(idxT_hbm.at[:, pl.ds(base, BPW)], idx_v)

        def run_group(n_slots, slot0, table_hbm, out_hbm, bufs, dummy_row,
                      spt, width):
            n = n_slots * NCH

            def idx_ref(t):
                j = t // NCH
                c = t % NCH
                return idx_v.at[slot0 + j, pl.ds(c * CH, CH)]

            def dst_ref(t):
                j = t // NCH
                c = t % NCH
                return out_hbm.at[j // spt, pl.ds(base + c * CH, CH),
                                  pl.ds((j % spt) * width, width)]

            def fire_g(t, b):
                pltpu.async_copy(table_hbm.at[idx_ref(t)], bufs[b], gsem[b])

            def wait_g(b):
                pltpu.make_async_copy(dummy_row, bufs[b], gsem[b]).wait()

            def fire_w(t, b):
                pltpu.async_copy(bufs[b], dst_ref(t), wsem[b])

            def wait_w(b):
                pltpu.make_async_copy(
                    bufs[b],
                    out_hbm.at[0, pl.ds(0, CH), pl.ds(0, width)],
                    wsem[b]).wait()

            fire_g(0, 0)

            def body(i, carry):
                for u in range(NBUF):
                    t = NBUF * i + u
                    nb = (u + 1) % NBUF
                    nxt = t + 1

                    @pl.when(jnp.logical_and(nxt < n, nxt >= NBUF))
                    def _():
                        wait_w(nb)

                    @pl.when(nxt < n)
                    def _():
                        fire_g(nxt, nb)

                    wait_g(u)
                    fire_w(t, u)
                return carry

            lax.fori_loop(0, n // NBUF, body, 0)
            for b in range(NBUF):
                wait_w(b)

        run_group(N_WORD, 0, word_hbm, wout_hbm, bufs64,
                  word_hbm.at[pl.ds(0, CH), :], 2, WORD_D)
        run_group(N_POS, N_WORD, pos_hbm, pout_hbm, bufs32,
                  pos_hbm.at[pl.ds(0, CH), :], 4, POS_D)
        run_group(N_DEPL, N_WORD + N_POS, depl_hbm, dout_hbm, bufs32,
                  depl_hbm.at[pl.ds(0, CH), :], 4, DEPL_D)

    return k(idxT, word_table, pos_table, depl_table)


def _mlp_body(word_ref, pos_ref, depl_ref,
              w1_ref, b1_ref, w2_ref, b2_ref, w3_ref, b3_ref, out_ref, embs):
    g0 = 0
    for g in range(N_WORD // 2):
        embs[:, (g0 + g) * 128:(g0 + g + 1) * 128] = word_ref[g]
    g0 = N_WORD // 2
    for g in range(N_POS // 4):
        embs[:, (g0 + g) * 128:(g0 + g + 1) * 128] = pos_ref[g]
    g0 = N_WORD // 2 + N_POS // 4
    for g in range(N_DEPL // 4):
        embs[:, (g0 + g) * 128:(g0 + g + 1) * 128] = depl_ref[g]
    h = jnp.dot(embs[...], w1_ref[...], preferred_element_type=jnp.float32)
    h = h + b1_ref[...]
    h = jnp.where(h >= 0, h, 0.2 * h)
    h = jnp.dot(h, w2_ref[...], preferred_element_type=jnp.float32) + b2_ref[...]
    h = jnp.where(h >= 0, h, 0.2 * h)
    out_ref[...] = jnp.dot(h, w3_ref[...], preferred_element_type=jnp.float32) + b3_ref[...]


def _tc_mlp(word_sm, pos_sm, depl_sm, W1, b1, W2, b2, W3, b3):
    BB = 512
    Bc = word_sm.shape[1]
    return pl.pallas_call(
        _mlp_body,
        grid=(Bc // BB,),
        in_specs=[
            pl.BlockSpec((N_WORD // 2, BB, 128), lambda i: (0, i, 0)),
            pl.BlockSpec((N_POS // 4, BB, 128), lambda i: (0, i, 0)),
            pl.BlockSpec((N_DEPL // 4, BB, 128), lambda i: (0, i, 0)),
            pl.BlockSpec((IN_SIZE, H1), lambda i: (0, 0)),
            pl.BlockSpec((1, H1), lambda i: (0, 0)),
            pl.BlockSpec((H1, H2), lambda i: (0, 0)),
            pl.BlockSpec((1, H2), lambda i: (0, 0)),
            pl.BlockSpec((H2, OUT), lambda i: (0, 0)),
            pl.BlockSpec((1, OUT), lambda i: (0, 0)),
        ],
        out_specs=pl.BlockSpec((BB, OUT), lambda i: (i, 0)),
        out_shape=jax.ShapeDtypeStruct((Bc, OUT), jnp.float32),
        scratch_shapes=[pltpu.VMEM((BB, IN_SIZE), jnp.float32)],
    )(word_sm, pos_sm, depl_sm,
      W1, b1.reshape(1, H1), W2, b2.reshape(1, H2), W3, b3.reshape(1, OUT))


def kernel(inputs, word_table, pos_table, depl_table, W1, b1, W2, b2, W3, b3):
    word_t = word_table[:VCAP]
    outs = []
    for s in range(NSPLIT):
        blk = inputs[s * BS:(s + 1) * BS]
        idxT = jnp.minimum(blk.astype(jnp.int32), VCAP - 1).T
        word_sm, pos_sm, depl_sm = _sc_gather(idxT, word_t, pos_table, depl_table)
        outs.append(_tc_mlp(word_sm, pos_sm, depl_sm, W1, b1, W2, b2, W3, b3))
    return jnp.concatenate(outs, axis=0)

# --- scband reference (transcript-rebuilt; emitter-appended) ---
"""Pipeline reference for scband-classifier-12481174962470 (READ-ONLY COPY).

The authoritative reference and input builder live on the scoring server;
editing this copy changes nothing except your own understanding.
"""

import jax, jax.numpy as jnp
import numpy as np

B = 16384
WORD_V, WORD_D = 1000000, 64
POS_V, POS_D = 100000, 32
DEPL_V, DEPL_D = 100000, 32
IN_SIZE = 20 * (WORD_D + POS_D) + 12 * DEPL_D  # 2304
H1, H2, OUT = 512, 256, 128


def setup_inputs(seed: int = 0) -> dict:
    key = jax.random.key(seed)
    ks = jax.random.split(key, 10)
    inputs = jax.random.randint(ks[0], (B, 52), 0, 100000, dtype=jnp.int64 if jax.config.jax_enable_x64 else jnp.int32)
    word_table = jax.random.normal(ks[1], (WORD_V, WORD_D), dtype=jnp.float32) * 0.02
    pos_table = jax.random.normal(ks[2], (POS_V, POS_D), dtype=jnp.float32) * 0.02
    depl_table = jax.random.normal(ks[3], (DEPL_V, DEPL_D), dtype=jnp.float32) * 0.02
    W1 = jax.random.normal(ks[4], (IN_SIZE, H1), dtype=jnp.float32) * (1.0 / np.sqrt(IN_SIZE))
    b1 = jnp.zeros((H1,), dtype=jnp.float32)
    W2 = jax.random.normal(ks[5], (H1, H2), dtype=jnp.float32) * (1.0 / np.sqrt(H1))
    b2 = jnp.zeros((H2,), dtype=jnp.float32)
    W3 = jax.random.normal(ks[6], (H2, OUT), dtype=jnp.float32) * (1.0 / np.sqrt(H2))
    b3 = jnp.zeros((OUT,), dtype=jnp.float32)
    return {"inputs": inputs, "word_table": word_table, "pos_table": pos_table, "depl_table": depl_table,
            "W1": W1, "b1": b1, "W2": W2, "b2": b2, "W3": W3, "b3": b3}


def reference(inputs, word_table, pos_table, depl_table, W1, b1, W2, b2, W3, b3):
    word_idx = inputs[:, 0:20]
    pos_idx = inputs[:, 20:40]
    depl_idx = inputs[:, 40:52]
    # gather embeddings (SparseCore-friendly jnp.take), then flatten per-slot
    word_e = jnp.take(word_table, word_idx, axis=0).reshape(inputs.shape[0], 20 * WORD_D)
    pos_e = jnp.take(pos_table, pos_idx, axis=0).reshape(inputs.shape[0], 20 * POS_D)
    depl_e = jnp.take(depl_table, depl_idx, axis=0).reshape(inputs.shape[0], 12 * DEPL_D)
    embs = jnp.concatenate([word_e, pos_e, depl_e], axis=-1)
    h = jax.nn.leaky_relu(embs @ W1 + b1, negative_slope=0.2)
    h = jax.nn.leaky_relu(h @ W2 + b2, negative_slope=0.2)
    out = h @ W3 + b3
    return out

if __name__ == "__main__":
    import jax
    _d = setup_inputs()
    print(jax.jit(kernel)(*tuple(_d.values())))

</pallas_src>

<mosaic_0001>
#map = affine_map<(d0, d1) -> (0, 0)>
#map1 = affine_map<(d0, d1) -> (0, 0, 0)>
module attributes {stable_mosaic.version = 14 : i64} {
  func.func @k(%arg0: i32, %arg1: i32, %arg2: memref<52x8192xi32, #tpu.memory_space<hbm>>, %arg3: memref<100000x64xf32, #tpu.memory_space<hbm>>, %arg4: memref<100000x32xf32, #tpu.memory_space<hbm>>, %arg5: memref<100000x32xf32, #tpu.memory_space<hbm>>, %arg6: memref<10x8192x128xf32, #tpu.memory_space<hbm>>, %arg7: memref<5x8192x128xf32, #tpu.memory_space<hbm>>, %arg8: memref<3x8192x128xf32, #tpu.memory_space<hbm>>, %arg9: memref<52x256xi32, #tpu.memory_space<vmem>>, %arg10: memref<128x64xf32, #tpu.memory_space<vmem>>, %arg11: memref<128x64xf32, #tpu.memory_space<vmem>>, %arg12: memref<128x64xf32, #tpu.memory_space<vmem>>, %arg13: memref<128x64xf32, #tpu.memory_space<vmem>>, %arg14: memref<128x32xf32, #tpu.memory_space<vmem>>, %arg15: memref<128x32xf32, #tpu.memory_space<vmem>>, %arg16: memref<128x32xf32, #tpu.memory_space<vmem>>, %arg17: memref<128x32xf32, #tpu.memory_space<vmem>>, %arg18: memref<!tpu.dma_semaphore, #tpu.memory_space<semaphore_mem>>, %arg19: memref<!tpu.dma_semaphore, #tpu.memory_space<semaphore_mem>>, %arg20: memref<!tpu.dma_semaphore, #tpu.memory_space<semaphore_mem>>, %arg21: memref<!tpu.dma_semaphore, #tpu.memory_space<semaphore_mem>>, %arg22: memref<!tpu.dma_semaphore, #tpu.memory_space<semaphore_mem>>, %arg23: memref<!tpu.dma_semaphore, #tpu.memory_space<semaphore_mem>>, %arg24: memref<!tpu.dma_semaphore, #tpu.memory_space<semaphore_mem>>, %arg25: memref<!tpu.dma_semaphore, #tpu.memory_space<semaphore_mem>>) attributes {dimension_semantics = [#tpu.dimension_semantics<core_parallel>, #tpu.dimension_semantics<subcore_parallel>], iteration_bounds = array<i64: 2, 16>, scalar_prefetch = 0 : i64, scratch_operands = 17 : i64, tpu.core_type = #tpu.core_type<sc_vector_subcore>, window_params = [{transform_indices = #map}, {transform_indices = #map}, {transform_indices = #map}, {transform_indices = #map}, {transform_indices = #map1}, {transform_indices = #map1}, {transform_indices = #map1}]} {
    %mul3A = arith.constant 2 : i32
    %mul3A_0 = arith.muli %arg1, %mul3A : i32
    %add3A = arith.addi %mul3A_0, %arg0 : i32
    %mul3A_1 = arith.constant 256 : i32
    %mul3A_2 = arith.muli %add3A, %mul3A_1 : i32
    "tpu.region"() ({
      %run_scoped3A = tpu.sem_alloc : memref<!tpu.dma_semaphore, #tpu.memory_space<semaphore_mem>>
      %dma_start3A_147 = arith.constant 0 : i32
      %dma_start3A_148 = tpu.memref_slice %arg2[%dma_start3A_147, %mul3A_2] : memref<52x8192xi32, #tpu.memory_space<hbm>> -> memref<52x256xi32, #tpu.memory_space<hbm>>
      %dma_start3A_149 = arith.constant 0 : i32
      %dma_start3A_150 = tpu.memref_slice %arg2[%dma_start3A_149, %mul3A_2] : memref<52x8192xi32, #tpu.memory_space<hbm>> -> memref<52x256xi32, #tpu.memory_space<hbm>>
      tpu.enqueue_dma source(%dma_start3A_150 : memref<52x256xi32, #tpu.memory_space<hbm>>) target(%arg9 : memref<52x256xi32, #tpu.memory_space<vmem>>) target_semaphore(%run_scoped3A : memref<!tpu.dma_semaphore, #tpu.memory_space<semaphore_mem>>)
      %dma_wait3A_151 = arith.constant 0 : i32
      %dma_wait3A_152 = tpu.memref_slice %arg2[%dma_wait3A_151, %mul3A_2] : memref<52x8192xi32, #tpu.memory_space<hbm>> -> memref<52x256xi32, #tpu.memory_space<hbm>>
      %dma_wait3A_153 = arith.constant 0 : i32
      %dma_wait3A_154 = tpu.memref_slice %arg2[%dma_wait3A_153, %mul3A_2] : memref<52x8192xi32, #tpu.memory_space<hbm>> -> memref<52x256xi32, #tpu.memory_space<hbm>>
      tpu.wait_dma2 semaphore(%run_scoped3A : memref<!tpu.dma_semaphore, #tpu.memory_space<semaphore_mem>>) src(%dma_wait3A_154 : memref<52x256xi32, #tpu.memory_space<hbm>>) dst(%arg9 : memref<52x256xi32, #tpu.memory_space<vmem>>)
      tpu.yield
    }) : () -> ()
    %dma_start3A = arith.constant 0 : i32
    %dma_start3A_3 = arith.constant 0 : i32
    %dma_start3A_4 = tpu.memref_slice %arg9[%dma_start3A, %dma_start3A_3] : memref<52x256xi32, #tpu.memory_space<vmem>> -> memref<1x128xi32, #tpu.memory_space<vmem>>
    %dma_start3A_5 = tpu.memref_squeeze %dma_start3A_4 : memref<1x128xi32, #tpu.memory_space<vmem>> -> memref<128xi32, #tpu.memory_space<vmem>>
    %dma_start3A_6 = arith.constant 0 : i32
    %dma_start3A_7 = arith.constant 0 : i32
    %dma_start3A_8 = tpu.memref_slice %arg3[%dma_start3A_6, %dma_start3A_7] : memref<100000x64xf32, #tpu.memory_space<hbm>> -> memref<100000x64xf32, #tpu.memory_space<hbm>>
    tpu.enqueue_indirect_dma source(%dma_start3A_8 : memref<100000x64xf32, #tpu.memory_space<hbm>>) target(%arg10 : memref<128x64xf32, #tpu.memory_space<vmem>>) offsets(%dma_start3A_5 : memref<128xi32, #tpu.memory_space<vmem>>) semaphore(%arg18 : memref<!tpu.dma_semaphore, #tpu.memory_space<semaphore_mem>>)
    %scan3A = arith.constant 0 : i32
    %scan3A_9 = arith.constant 0 : i32
    %scan3A_10 = arith.constant 10 : i32
    %scan3A_11 = arith.addi %scan3A_9, %scan3A_10 : i32
    %scan3A_12 = arith.constant 1 : i32
    scf.for %scan3A_147 = %scan3A_9 to %scan3A_11 step %scan3A_12  : i32 {
      %mul3A_148 = arith.constant 4 : i32
      %mul3A_149 = arith.muli %mul3A_148, %scan3A_147 : i32
      %add3A_150 = arith.constant 0 : i32
      %add3A_151 = arith.addi %mul3A_149, %add3A_150 : i32
      %add3A_152 = arith.constant 1 : i32
      %add3A_153 = arith.addi %add3A_151, %add3A_152 : i32
      %lt3A = arith.constant 40 : i32
      %lt3A_154 = arith.cmpi slt, %add3A_153, %lt3A : i32
      %ge3A = arith.constant 4 : i32
      %ge3A_155 = arith.cmpi sge, %add3A_153, %ge3A : i32
      %and3A = arith.andi %lt3A_154, %ge3A_155 : i1
      %convert_element_type3A = arith.extui %and3A : i1 to i32
      %cond3A = arith.constant 0 : i32
      %cond3A_156 = arith.cmpi ne, %convert_element_type3A, %cond3A : i32
      scf.if %cond3A_156 {
        %dma_wait3A_591 = arith.constant 0 : i32
        %dma_wait3A_592 = arith.constant 0 : i32
        %dma_wait3A_593 = arith.constant 0 : i32
        %dma_wait3A_594 = tpu.memref_slice %arg6[%dma_wait3A_591, %dma_wait3A_592, %dma_wait3A_593] : memref<10x8192x128xf32, #tpu.memory_space<hbm>> -> memref<1x128x64xf32, #tpu.memory_space<hbm>>
        %dma_wait3A_595 = tpu.memref_squeeze %dma_wait3A_594 : memref<1x128x64xf32, #tpu.memory_space<hbm>> -> memref<128x64xf32, #tpu.memory_space<hbm>>
        %dma_wait3A_596 = arith.constant 0 : i32
        %dma_wait3A_597 = arith.constant 0 : i32
        %dma_wait3A_598 = tpu.memref_slice %arg6[%dma_wait3A_591, %dma_wait3A_596, %dma_wait3A_597] : memref<10x8192x128xf32, #tpu.memory_space<hbm>> -> memref<1x128x64xf32, #tpu.memory_space<hbm>>
        %dma_wait3A_599 = tpu.memref_squeeze %dma_wait3A_598 : memref<1x128x64xf32, #tpu.memory_space<hbm>> -> memref<128x64xf32, #tpu.memory_space<hbm>>
        tpu.wait_dma2 semaphore(%arg23 : memref<!tpu.dma_semaphore, #tpu.memory_space<semaphore_mem>>) src(%arg11 : memref<128x64xf32, #tpu.memory_space<vmem>>) dst(%dma_wait3A_599 : memref<128x64xf32, #tpu.memory_space<hbm>>)
      } else {
      }
      %lt3A_157 = arith.constant 40 : i32
      %lt3A_158 = arith.cmpi slt, %add3A_153, %lt3A_157 : i32
      %convert_element_type3A_159 = arith.extui %lt3A_158 : i1 to i32
      %cond3A_160 = arith.constant 0 : i32
      %cond3A_161 = arith.cmpi ne, %convert_element_type3A_159, %cond3A_160 : i32
      scf.if %cond3A_161 {
        %jit3A_591 = arith.constant 2 : i32
        %div3A_592 = arith.divsi %add3A_153, %jit3A_591 : i32
        %sign3A_593 = arith.constant 0 : i32
        %sign3A_594 = arith.cmpi sgt, %add3A_153, %sign3A_593 : i32
        %sign3A_595 = arith.extui %sign3A_594 : i1 to i32
        %sign3A_596 = arith.constant 0 : i32
        %sign3A_597 = arith.cmpi slt, %add3A_153, %sign3A_596 : i32
        %sign3A_598 = arith.extui %sign3A_597 : i1 to i32
        %sign3A_599 = arith.subi %sign3A_595, %sign3A_598 : i32
        %sign3A_600 = arith.constant 0 : i32
        %sign3A_601 = arith.cmpi sgt, %jit3A_591, %sign3A_600 : i32
        %sign3A_602 = arith.extui %sign3A_601 : i1 to i32
        %sign3A_603 = arith.constant 0 : i32
        %sign3A_604 = arith.cmpi slt, %jit3A_591, %sign3A_603 : i32
        %sign3A_605 = arith.extui %sign3A_604 : i1 to i32
        %sign3A_606 = arith.subi %sign3A_602, %sign3A_605 : i32
        %ne3A_607 = arith.cmpi ne, %sign3A_599, %sign3A_606 : i32
        %rem3A_608 = arith.remsi %add3A_153, %jit3A_591 : i32
        %ne3A_609 = arith.constant 0 : i32
        %ne3A_610 = arith.cmpi ne, %rem3A_608, %ne3A_609 : i32
        %and3A_611 = arith.andi %ne3A_607, %ne3A_610 : i1
        %sub3A_612 = arith.constant 1 : i32
        %sub3A_613 = arith.subi %div3A_592, %sub3A_612 : i32
        %select_n3A_614 = arith.select %and3A_611, %sub3A_613, %div3A_592 : i32
        %jit3A_615 = arith.constant 2 : i32
        %eq3A_616 = arith.constant 0 : i32
        %eq3A_617 = arith.cmpi eq, %jit3A_615, %eq3A_616 : i32
        %jit3A_618 = arith.constant 1 : i32
        %select_n3A_619 = arith.select %eq3A_617, %jit3A_618, %jit3A_615 : i32
        %rem3A_620 = arith.remsi %add3A_153, %select_n3A_619 : i32
        %ne3A_621 = arith.constant 0 : i32
        %ne3A_622 = arith.cmpi ne, %rem3A_620, %ne3A_621 : i32
        %lt3A_623 = arith.constant 0 : i32
        %lt3A_624 = arith.cmpi slt, %rem3A_620, %lt3A_623 : i32
        %lt3A_625 = arith.constant 0 : i32
        %lt3A_626 = arith.cmpi slt, %select_n3A_619, %lt3A_625 : i32
        %ne3A_627 = arith.xori %lt3A_624, %lt3A_626 : i1
        %and3A_628 = arith.andi %ne3A_627, %ne3A_622 : i1
        %add3A_629 = arith.addi %rem3A_620, %select_n3A_619 : i32
        %select_n3A_630 = arith.select %and3A_628, %add3A_629, %rem3A_620 : i32
        %add3A_631 = arith.constant 0 : i32
        %add3A_632 = arith.addi %add3A_631, %select_n3A_614 : i32
        %mul3A_633 = arith.constant 128 : i32
        %mul3A_634 = arith.muli %select_n3A_630, %mul3A_633 : i32
        %dma_start3A_635 = tpu.memref_slice %arg9[%add3A_632, %mul3A_634] : memref<52x256xi32, #tpu.memory_space<vmem>> -> memref<1x128xi32, #tpu.memory_space<vmem>>
        %dma_start3A_636 = tpu.memref_squeeze %dma_start3A_635 : memref<1x128xi32, #tpu.memory_space<vmem>> -> memref<128xi32, #tpu.memory_space<vmem>>
        %dma_start3A_637 = arith.constant 0 : i32
        %dma_start3A_638 = arith.constant 0 : i32
        %dma_start3A_639 = tpu.memref_slice %arg3[%dma_start3A_637, %dma_start3A_638] : memref<100000x64xf32, #tpu.memory_space<hbm>> -> memref<100000x64xf32, #tpu.memory_space<hbm>>
        tpu.enqueue_indirect_dma source(%dma_start3A_639 : memref<100000x64xf32, #tpu.memory_space<hbm>>) target(%arg11 : memref<128x64xf32, #tpu.memory_space<vmem>>) offsets(%dma_start3A_636 : memref<128xi32, #tpu.memory_space<vmem>>) semaphore(%arg19 : memref<!tpu.dma_semaphore, #tpu.memory_space<semaphore_mem>>)
      } else {
      }
      %dma_wait3A_162 = arith.constant 0 : i32
      %dma_wait3A_163 = arith.constant 0 : i32
      %dma_wait3A_164 = tpu.memref_slice %arg3[%dma_wait3A_162, %dma_wait3A_163] : memref<100000x64xf32, #tpu.memory_space<hbm>> -> memref<128x64xf32, #tpu.memory_space<hbm>>
      %dma_wait3A_165 = arith.constant 0 : i32
      %dma_wait3A_166 = arith.constant 0 : i32
      %dma_wait3A_167 = tpu.memref_slice %arg3[%dma_wait3A_165, %dma_wait3A_166] : memref<100000x64xf32, #tpu.memory_space<hbm>> -> memref<128x64xf32, #tpu.memory_space<hbm>>
      tpu.wait_dma2 semaphore(%arg18 : memref<!tpu.dma_semaphore, #tpu.memory_space<semaphore_mem>>) src(%dma_wait3A_167 : memref<128x64xf32, #tpu.memory_space<hbm>>) dst(%arg10 : memref<128x64xf32, #tpu.memory_space<vmem>>)
      %jit3A = arith.constant 2 : i32
      %div3A = arith.divsi %add3A_151, %jit3A : i32
      %sign3A = arith.constant 0 : i32
      %sign3A_168 = arith.cmpi sgt, %add3A_151, %sign3A : i32
      %sign3A_169 = arith.extui %sign3A_168 : i1 to i32
      %sign3A_170 = arith.constant 0 : i32
      %sign3A_171 = arith.cmpi slt, %add3A_151, %sign3A_170 : i32
      %sign3A_172 = arith.extui %sign3A_171 : i1 to i32
      %sign3A_173 = arith.subi %sign3A_169, %sign3A_172 : i32
      %sign3A_174 = arith.constant 0 : i32
      %sign3A_175 = arith.cmpi sgt, %jit3A, %sign3A_174 : i32
      %sign3A_176 = arith.extui %sign3A_175 : i1 to i32
      %sign3A_177 = arith.constant 0 : i32
      %sign3A_178 = arith.cmpi slt, %jit3A, %sign3A_177 : i32
      %sign3A_179 = arith.extui %sign3A_178 : i1 to i32
      %sign3A_180 = arith.subi %sign3A_176, %sign3A_179 : i32
      %ne3A = arith.cmpi ne, %sign3A_173, %sign3A_180 : i32
      %rem3A = arith.remsi %add3A_151, %jit3A : i32
      %ne3A_181 = arith.constant 0 : i32
      %ne3A_182 = arith.cmpi ne, %rem3A, %ne3A_181 : i32
      %and3A_183 = arith.andi %ne3A, %ne3A_182 : i1
      %sub3A = arith.constant 1 : i32
      %sub3A_184 = arith.subi %div3A, %sub3A : i32
      %select_n3A = arith.select %and3A_183, %sub3A_184, %div3A : i32
      %jit3A_185 = arith.constant 2 : i32
      %eq3A = arith.constant 0 : i32
      %eq3A_186 = arith.cmpi eq, %jit3A_185, %eq3A : i32
      %jit3A_187 = arith.constant 1 : i32
      %select_n3A_188 = arith.select %eq3A_186, %jit3A_187, %jit3A_185 : i32
      %rem3A_189 = arith.remsi %add3A_151, %select_n3A_188 : i32
      %ne3A_190 = arith.constant 0 : i32
      %ne3A_191 = arith.cmpi ne, %rem3A_189, %ne3A_190 : i32
      %lt3A_192 = arith.constant 0 : i32
      %lt3A_193 = arith.cmpi slt, %rem3A_189, %lt3A_192 : i32
      %lt3A_194 = arith.constant 0 : i32
      %lt3A_195 = arith.cmpi slt, %select_n3A_188, %lt3A_194 : i32
      %ne3A_196 = arith.xori %lt3A_193, %lt3A_195 : i1
      %and3A_197 = arith.andi %ne3A_196, %ne3A_191 : i1
      %add3A_198 = arith.addi %rem3A_189, %select_n3A_188 : i32
      %select_n3A_199 = arith.select %and3A_197, %add3A_198, %rem3A_189 : i32
      %jit3A_200 = arith.constant 2 : i32
      %div3A_201 = arith.divsi %select_n3A, %jit3A_200 : i32
      %sign3A_202 = arith.constant 0 : i32
      %sign3A_203 = arith.cmpi sgt, %select_n3A, %sign3A_202 : i32
      %sign3A_204 = arith.extui %sign3A_203 : i1 to i32
      %sign3A_205 = arith.constant 0 : i32
      %sign3A_206 = arith.cmpi slt, %select_n3A, %sign3A_205 : i32
      %sign3A_207 = arith.extui %sign3A_206 : i1 to i32
      %sign3A_208 = arith.subi %sign3A_204, %sign3A_207 : i32
      %sign3A_209 = arith.constant 0 : i32
      %sign3A_210 = arith.cmpi sgt, %jit3A_200, %sign3A_209 : i32
      %sign3A_211 = arith.extui %sign3A_210 : i1 to i32
      %sign3A_212 = arith.constant 0 : i32
      %sign3A_213 = arith.cmpi slt, %jit3A_200, %sign3A_212 : i32
      %sign3A_214 = arith.extui %sign3A_213 : i1 to i32
      %sign3A_215 = arith.subi %sign3A_211, %sign3A_214 : i32
      %ne3A_216 = arith.cmpi ne, %sign3A_208, %sign3A_215 : i32
      %rem3A_217 = arith.remsi %select_n3A, %jit3A_200 : i32
      %ne3A_218 = arith.constant 0 : i32
      %ne3A_219 = arith.cmpi ne, %rem3A_217, %ne3A_218 : i32
      %and3A_220 = arith.andi %ne3A_216, %ne3A_219 : i1
      %sub3A_221 = arith.constant 1 : i32
      %sub3A_222 = arith.subi %div3A_201, %sub3A_221 : i32
      %select_n3A_223 = arith.select %and3A_220, %sub3A_222, %div3A_201 : i32
      %mul3A_224 = arith.constant 128 : i32
      %mul3A_225 = arith.muli %select_n3A_199, %mul3A_224 : i32
      %add3A_226 = arith.addi %mul3A_2, %mul3A_225 : i32
      %jit3A_227 = arith.constant 2 : i32
      %eq3A_228 = arith.constant 0 : i32
      %eq3A_229 = arith.cmpi eq, %jit3A_227, %eq3A_228 : i32
      %jit3A_230 = arith.constant 1 : i32
      %select_n3A_231 = arith.select %eq3A_229, %jit3A_230, %jit3A_227 : i32
      %rem3A_232 = arith.remsi %select_n3A, %select_n3A_231 : i32
      %ne3A_233 = arith.constant 0 : i32
      %ne3A_234 = arith.cmpi ne, %rem3A_232, %ne3A_233 : i32
      %lt3A_235 = arith.constant 0 : i32
      %lt3A_236 = arith.cmpi slt, %rem3A_232, %lt3A_235 : i32
      %lt3A_237 = arith.constant 0 : i32
      %lt3A_238 = arith.cmpi slt, %select_n3A_231, %lt3A_237 : i32
      %ne3A_239 = arith.xori %lt3A_236, %lt3A_238 : i1
      %and3A_240 = arith.andi %ne3A_239, %ne3A_234 : i1
      %add3A_241 = arith.addi %rem3A_232, %select_n3A_231 : i32
      %select_n3A_242 = arith.select %and3A_240, %add3A_241, %rem3A_232 : i32
      %mul3A_243 = arith.constant 64 : i32
      %mul3A_244 = arith.muli %select_n3A_242, %mul3A_243 : i32
      %dma_start3A_245 = tpu.memref_slice %arg6[%select_n3A_223, %add3A_226, %mul3A_244] : memref<10x8192x128xf32, #tpu.memory_space<hbm>> -> memref<1x128x64xf32, #tpu.memory_space<hbm>>
      %dma_start3A_246 = tpu.memref_squeeze %dma_start3A_245 : memref<1x128x64xf32, #tpu.memory_space<hbm>> -> memref<128x64xf32, #tpu.memory_space<hbm>>
      %dma_start3A_247 = tpu.memref_slice %arg6[%select_n3A_223, %add3A_226, %mul3A_244] : memref<10x8192x128xf32, #tpu.memory_space<hbm>> -> memref<1x128x64xf32, #tpu.memory_space<hbm>>
      %dma_start3A_248 = tpu.memref_squeeze %dma_start3A_247 : memref<1x128x64xf32, #tpu.memory_space<hbm>> -> memref<128x64xf32, #tpu.memory_space<hbm>>
      tpu.enqueue_dma source(%arg10 : memref<128x64xf32, #tpu.memory_space<vmem>>) target(%dma_start3A_248 : memref<128x64xf32, #tpu.memory_space<hbm>>) target_semaphore(%arg22 : memref<!tpu.dma_semaphore, #tpu.memory_space<semaphore_mem>>)
      %mul3A_249 = arith.constant 4 : i32
      %mul3A_250 = arith.muli %mul3A_249, %scan3A_147 : i32
      %add3A_251 = arith.constant 1 : i32
      %add3A_252 = arith.addi %mul3A_250, %add3A_251 : i32
      %add3A_253 = arith.constant 1 : i32
      %add3A_254 = arith.addi %add3A_252, %add3A_253 : i32
      %lt3A_255 = arith.constant 40 : i32
      %lt3A_256 = arith.cmpi slt, %add3A_254, %lt3A_255 : i32
      %ge3A_257 = arith.constant 4 : i32
      %ge3A_258 = arith.cmpi sge, %add3A_254, %ge3A_257 : i32
      %and3A_259 = arith.andi %lt3A_256, %ge3A_258 : i1
      %convert_element_type3A_260 = arith.extui %and3A_259 : i1 to i32
      %cond3A_261 = arith.constant 0 : i32
      %cond3A_262 = arith.cmpi ne, %convert_element_type3A_260, %cond3A_261 : i32
      scf.if %cond3A_262 {
        %dma_wait3A_591 = arith.constant 0 : i32
        %dma_wait3A_592 = arith.constant 0 : i32
        %dma_wait3A_593 = arith.constant 0 : i32
        %dma_wait3A_594 = tpu.memref_slice %arg6[%dma_wait3A_591, %dma_wait3A_592, %dma_wait3A_593] : memref<10x8192x128xf32, #tpu.memory_space<hbm>> -> memref<1x128x64xf32, #tpu.memory_space<hbm>>
        %dma_wait3A_595 = tpu.memref_squeeze %dma_wait3A_594 : memref<1x128x64xf32, #tpu.memory_space<hbm>> -> memref<128x64xf32, #tpu.memory_space<hbm>>
        %dma_wait3A_596 = arith.constant 0 : i32
        %dma_wait3A_597 = arith.constant 0 : i32
        %dma_wait3A_598 = tpu.memref_slice %arg6[%dma_wait3A_591, %dma_wait3A_596, %dma_wait3A_597] : memref<10x8192x128xf32, #tpu.memory_space<hbm>> -> memref<1x128x64xf32, #tpu.memory_space<hbm>>
        %dma_wait3A_599 = tpu.memref_squeeze %dma_wait3A_598 : memref<1x128x64xf32, #tpu.memory_space<hbm>> -> memref<128x64xf32, #tpu.memory_space<hbm>>
        tpu.wait_dma2 semaphore(%arg24 : memref<!tpu.dma_semaphore, #tpu.memory_space<semaphore_mem>>) src(%arg12 : memref<128x64xf32, #tpu.memory_space<vmem>>) dst(%dma_wait3A_599 : memref<128x64xf32, #tpu.memory_space<hbm>>)
      } else {
      }
      %lt3A_263 = arith.constant 40 : i32
      %lt3A_264 = arith.cmpi slt, %add3A_254, %lt3A_263 : i32
      %convert_element_type3A_265 = arith.extui %lt3A_264 : i1 to i32
      %cond3A_266 = arith.constant 0 : i32
      %cond3A_267 = arith.cmpi ne, %convert_element_type3A_265, %cond3A_266 : i32
      scf.if %cond3A_267 {
        %jit3A_591 = arith.constant 2 : i32
        %div3A_592 = arith.divsi %add3A_254, %jit3A_591 : i32
        %sign3A_593 = arith.constant 0 : i32
        %sign3A_594 = arith.cmpi sgt, %add3A_254, %sign3A_593 : i32
        %sign3A_595 = arith.extui %sign3A_594 : i1 to i32
        %sign3A_596 = arith.constant 0 : i32
        %sign3A_597 = arith.cmpi slt, %add3A_254, %sign3A_596 : i32
        %sign3A_598 = arith.extui %sign3A_597 : i1 to i32
        %sign3A_599 = arith.subi %sign3A_595, %sign3A_598 : i32
        %sign3A_600 = arith.constant 0 : i32
        %sign3A_601 = arith.cmpi sgt, %jit3A_591, %sign3A_600 : i32
        %sign3A_602 = arith.extui %sign3A_601 : i1 to i32
        %sign3A_603 = arith.constant 0 : i32
        %sign3A_604 = arith.cmpi slt, %jit3A_591, %sign3A_603 : i32
        %sign3A_605 = arith.extui %sign3A_604 : i1 to i32
        %sign3A_606 = arith.subi %sign3A_602, %sign3A_605 : i32
        %ne3A_607 = arith.cmpi ne, %sign3A_599, %sign3A_606 : i32
        %rem3A_608 = arith.remsi %add3A_254, %jit3A_591 : i32
        %ne3A_609 = arith.constant 0 : i32
        %ne3A_610 = arith.cmpi ne, %rem3A_608, %ne3A_609 : i32
        %and3A_611 = arith.andi %ne3A_607, %ne3A_610 : i1
        %sub3A_612 = arith.constant 1 : i32
        %sub3A_613 = arith.subi %div3A_592, %sub3A_612 : i32
        %select_n3A_614 = arith.select %and3A_611, %sub3A_613, %div3A_592 : i32
        %jit3A_615 = arith.constant 2 : i32
        %eq3A_616 = arith.constant 0 : i32
        %eq3A_617 = arith.cmpi eq, %jit3A_615, %eq3A_616 : i32
        %jit3A_618 = arith.constant 1 : i32
        %select_n3A_619 = arith.select %eq3A_617, %jit3A_618, %jit3A_615 : i32
        %rem3A_620 = arith.remsi %add3A_254, %select_n3A_619 : i32
        %ne3A_621 = arith.constant 0 : i32
        %ne3A_622 = arith.cmpi ne, %rem3A_620, %ne3A_621 : i32
        %lt3A_623 = arith.constant 0 : i32
        %lt3A_624 = arith.cmpi slt, %rem3A_620, %lt3A_623 : i32
        %lt3A_625 = arith.constant 0 : i32
        %lt3A_626 = arith.cmpi slt, %select_n3A_619, %lt3A_625 : i32
        %ne3A_627 = arith.xori %lt3A_624, %lt3A_626 : i1
        %and3A_628 = arith.andi %ne3A_627, %ne3A_622 : i1
        %add3A_629 = arith.addi %rem3A_620, %select_n3A_619 : i32
        %select_n3A_630 = arith.select %and3A_628, %add3A_629, %rem3A_620 : i32
        %add3A_631 = arith.constant 0 : i32
        %add3A_632 = arith.addi %add3A_631, %select_n3A_614 : i32
        %mul3A_633 = arith.constant 128 : i32
        %mul3A_634 = arith.muli %select_n3A_630, %mul3A_633 : i32
        %dma_start3A_635 = tpu.memref_slice %arg9[%add3A_632, %mul3A_634] : memref<52x256xi32, #tpu.memory_space<vmem>> -> memref<1x128xi32, #tpu.memory_space<vmem>>
        %dma_start3A_636 = tpu.memref_squeeze %dma_start3A_635 : memref<1x128xi32, #tpu.memory_space<vmem>> -> memref<128xi32, #tpu.memory_space<vmem>>
        %dma_start3A_637 = arith.constant 0 : i32
        %dma_start3A_638 = arith.constant 0 : i32
        %dma_start3A_639 = tpu.memref_slice %arg3[%dma_start3A_637, %dma_start3A_638] : memref<100000x64xf32, #tpu.memory_space<hbm>> -> memref<100000x64xf32, #tpu.memory_space<hbm>>
        tpu.enqueue_indirect_dma source(%dma_start3A_639 : memref<100000x64xf32, #tpu.memory_space<hbm>>) target(%arg12 : memref<128x64xf32, #tpu.memory_space<vmem>>) offsets(%dma_start3A_636 : memref<128xi32, #tpu.memory_space<vmem>>) semaphore(%arg20 : memref<!tpu.dma_semaphore, #tpu.memory_space<semaphore_mem>>)
      } else {
      }
      %dma_wait3A_268 = arith.constant 0 : i32
      %dma_wait3A_269 = arith.constant 0 : i32
      %dma_wait3A_270 = tpu.memref_slice %arg3[%dma_wait3A_268, %dma_wait3A_269] : memref<100000x64xf32, #tpu.memory_space<hbm>> -> memref<128x64xf32, #tpu.memory_space<hbm>>
      %dma_wait3A_271 = arith.constant 0 : i32
      %dma_wait3A_272 = arith.constant 0 : i32
      %dma_wait3A_273 = tpu.memref_slice %arg3[%dma_wait3A_271, %dma_wait3A_272] : memref<100000x64xf32, #tpu.memory_space<hbm>> -> memref<128x64xf32, #tpu.memory_space<hbm>>
      tpu.wait_dma2 semaphore(%arg19 : memref<!tpu.dma_semaphore, #tpu.memory_space<semaphore_mem>>) src(%dma_wait3A_273 : memref<128x64xf32, #tpu.memory_space<hbm>>) dst(%arg11 : memref<128x64xf32, #tpu.memory_space<vmem>>)
      %jit3A_274 = arith.constant 2 : i32
      %div3A_275 = arith.divsi %add3A_252, %jit3A_274 : i32
      %sign3A_276 = arith.constant 0 : i32
      %sign3A_277 = arith.cmpi sgt, %add3A_252, %sign3A_276 : i32
      %sign3A_278 = arith.extui %sign3A_277 : i1 to i32
      %sign3A_279 = arith.constant 0 : i32
      %sign3A_280 = arith.cmpi slt, %add3A_252, %sign3A_279 : i32
      %sign3A_281 = arith.extui %sign3A_280 : i1 to i32
      %sign3A_282 = arith.subi %sign3A_278, %sign3A_281 : i32
      %sign3A_283 = arith.constant 0 : i32
      %sign3A_284 = arith.cmpi sgt, %jit3A_274, %sign3A_283 : i32
      %sign3A_285 = arith.extui %sign3A_284 : i1 to i32
      %sign3A_286 = arith.constant 0 : i32
      %sign3A_287 = arith.cmpi slt, %jit3A_274, %sign3A_286 : i32
      %sign3A_288 = arith.extui %sign3A_287 : i1 to i32
      %sign3A_289 = arith.subi %sign3A_285, %sign3A_288 : i32
      %ne3A_290 = arith.cmpi ne, %sign3A_282, %sign3A_289 : i32
      %rem3A_291 = arith.remsi %add3A_252, %jit3A_274 : i32
      %ne3A_292 = arith.constant 0 : i32
      %ne3A_293 = arith.cmpi ne, %rem3A_291, %ne3A_292 : i32
      %and3A_294 = arith.andi %ne3A_290, %ne3A_293 : i1
      %sub3A_295 = arith.constant 1 : i32
      %sub3A_296 = arith.subi %div3A_275, %sub3A_295 : i32
      %select_n3A_297 = arith.select %and3A_294, %sub3A_296, %div3A_275 : i32
      %jit3A_298 = arith.constant 2 : i32
      %eq3A_299 = arith.constant 0 : i32
      %eq3A_300 = arith.cmpi eq, %jit3A_298, %eq3A_299 : i32
      %jit3A_301 = arith.constant 1 : i32
      %select_n3A_302 = arith.select %eq3A_300, %jit3A_301, %jit3A_298 : i32
      %rem3A_303 = arith.remsi %add3A_252, %select_n3A_302 : i32
      %ne3A_304 = arith.constant 0 : i32
      %ne3A_305 = arith.cmpi ne, %rem3A_303, %ne3A_304 : i32
      %lt3A_306 = arith.constant 0 : i32
      %lt3A_307 = arith.cmpi slt, %rem3A_303, %lt3A_306 : i32
      %lt3A_308 = arith.constant 0 : i32
      %lt3A_309 = arith.cmpi slt, %select_n3A_302, %lt3A_308 : i32
      %ne3A_310 = arith.xori %lt3A_307, %lt3A_309 : i1
      %and3A_311 = arith.andi %ne3A_310, %ne3A_305 : i1
      %add3A_312 = arith.addi %rem3A_303, %select_n3A_302 : i32
      %select_n3A_313 = arith.select %and3A_311, %add3A_312, %rem3A_303 : i32
      %jit3A_314 = arith.constant 2 : i32
      %div3A_315 = arith.divsi %select_n3A_297, %jit3A_314 : i32
      %sign3A_316 = arith.constant 0 : i32
      %sign3A_317 = arith.cmpi sgt, %select_n3A_297, %sign3A_316 : i32
      %sign3A_318 = arith.extui %sign3A_317 : i1 to i32
      %sign3A_319 = arith.constant 0 : i32
      %sign3A_320 = arith.cmpi slt, %select_n3A_297, %sign3A_319 : i32
      %sign3A_321 = arith.extui %sign3A_320 : i1 to i32
      %sign3A_322 = arith.subi %sign3A_318, %sign3A_321 : i32
      %sign3A_323 = arith.constant 0 : i32
      %sign3A_324 = arith.cmpi sgt, %jit3A_314, %sign3A_323 : i32
      %sign3A_325 = arith.extui %sign3A_324 : i1 to i32
      %sign3A_326 = arith.constant 0 : i32
      %sign3A_327 = arith.cmpi slt, %jit3A_314, %sign3A_326 : i32
      %sign3A_328 = arith.extui %sign3A_327 : i1 to i32
      %sign3A_329 = arith.subi %sign3A_325, %sign3A_328 : i32
      %ne3A_330 = arith.cmpi ne, %sign3A_322, %sign3A_329 : i32
      %rem3A_331 = arith.remsi %select_n3A_297, %jit3A_314 : i32
      %ne3A_332 = arith.constant 0 : i32
      %ne3A_333 = arith.cmpi ne, %rem3A_331, %ne3A_332 : i32
      %and3A_334 = arith.andi %ne3A_330, %ne3A_333 : i1
      %sub3A_335 = arith.constant 1 : i32
      %sub3A_336 = arith.subi %div3A_315, %sub3A_335 : i32
      %select_n3A_337 = arith.select %and3A_334, %sub3A_336, %div3A_315 : i32
      %mul3A_338 = arith.constant 128 : i32
      %mul3A_339 = arith.muli %select_n3A_313, %mul3A_338 : i32
      %add3A_340 = arith.addi %mul3A_2, %mul3A_339 : i32
      %jit3A_341 = arith.constant 2 : i32
      %eq3A_342 = arith.constant 0 : i32
      %eq3A_343 = arith.cmpi eq, %jit3A_341, %eq3A_342 : i32
      %jit3A_344 = arith.constant 1 : i32
      %select_n3A_345 = arith.select %eq3A_343, %jit3A_344, %jit3A_341 : i32
      %rem3A_346 = arith.remsi %select_n3A_297, %select_n3A_345 : i32
      %ne3A_347 = arith.constant 0 : i32
      %ne3A_348 = arith.cmpi ne, %rem3A_346, %ne3A_347 : i32
      %lt3A_349 = arith.constant 0 : i32
      %lt3A_350 = arith.cmpi slt, %rem3A_346, %lt3A_349 : i32
      %lt3A_351 = arith.constant 0 : i32
      %lt3A_352 = arith.cmpi slt, %select_n3A_345, %lt3A_351 : i32
      %ne3A_353 = arith.xori %lt3A_350, %lt3A_352 : i1
      %and3A_354 = arith.andi %ne3A_353, %ne3A_348 : i1
      %add3A_355 = arith.addi %rem3A_346, %select_n3A_345 : i32
      %select_n3A_356 = arith.select %and3A_354, %add3A_355, %rem3A_346 : i32
      %mul3A_357 = arith.constant 64 : i32
      %mul3A_358 = arith.muli %select_n3A_356, %mul3A_357 : i32
      %dma_start3A_359 = tpu.memref_slice %arg6[%select_n3A_337, %add3A_340, %mul3A_358] : memref<10x8192x128xf32, #tpu.memory_space<hbm>> -> memref<1x128x64xf32, #tpu.memory_space<hbm>>
      %dma_start3A_360 = tpu.memref_squeeze %dma_start3A_359 : memref<1x128x64xf32, #tpu.memory_space<hbm>> -> memref<128x64xf32, #tpu.memory_space<hbm>>
      %dma_start3A_361 = tpu.memref_slice %arg6[%select_n3A_337, %add3A_340, %mul3A_358] : memref<10x8192x128xf32, #tpu.memory_space<hbm>> -> memref<1x128x64xf32, #tpu.memory_space<hbm>>
      %dma_start3A_362 = tpu.memref_squeeze %dma_start3A_361 : memref<1x128x64xf32, #tpu.memory_space<hbm>> -> memref<128x64xf32, #tpu.memory_space<hbm>>
      tpu.enqueue_dma source(%arg11 : memref<128x64xf32, #tpu.memory_space<vmem>>) target(%dma_start3A_362 : memref<128x64xf32, #tpu.memory_space<hbm>>) target_semaphore(%arg23 : memref<!tpu.dma_semaphore, #tpu.memory_space<semaphore_mem>>)
      %mul3A_363 = arith.constant 4 : i32
      %mul3A_364 = arith.muli %mul3A_363, %scan3A_147 : i32
      %add3A_365 = arith.constant 2 : i32
      %add3A_366 = arith.addi %mul3A_364, %add3A_365 : i32
      %add3A_367 = arith.constant 1 : i32
      %add3A_368 = arith.addi %add3A_366, %add3A_367 : i32
      %lt3A_369 = arith.constant 40 : i32
      %lt3A_370 = arith.cmpi slt, %add3A_368, %lt3A_369 : i32
      %ge3A_371 = arith.constant 4 : i32
      %ge3A_372 = arith.cmpi sge, %add3A_368, %ge3A_371 : i32
      %and3A_373 = arith.andi %lt3A_370, %ge3A_372 : i1
      %convert_element_type3A_374 = arith.extui %and3A_373 : i1 to i32
      %cond3A_375 = arith.constant 0 : i32
      %cond3A_376 = arith.cmpi ne, %convert_element_type3A_374, %cond3A_375 : i32
      scf.if %cond3A_376 {
        %dma_wait3A_591 = arith.constant 0 : i32
        %dma_wait3A_592 = arith.constant 0 : i32
        %dma_wait3A_593 = arith.constant 0 : i32
        %dma_wait3A_594 = tpu.memref_slice %arg6[%dma_wait3A_591, %dma_wait3A_592, %dma_wait3A_593] : memref<10x8192x128xf32, #tpu.memory_space<hbm>> -> memref<1x128x64xf32, #tpu.memory_space<hbm>>
        %dma_wait3A_595 = tpu.memref_squeeze %dma_wait3A_594 : memref<1x128x64xf32, #tpu.memory_space<hbm>> -> memref<128x64xf32, #tpu.memory_space<hbm>>
        %dma_wait3A_596 = arith.constant 0 : i32
        %dma_wait3A_597 = arith.constant 0 : i32
        %dma_wait3A_598 = tpu.memref_slice %arg6[%dma_wait3A_591, %dma_wait3A_596, %dma_wait3A_597] : memref<10x8192x128xf32, #tpu.memory_space<hbm>> -> memref<1x128x64xf32, #tpu.memory_space<hbm>>
        %dma_wait3A_599 = tpu.memref_squeeze %dma_wait3A_598 : memref<1x128x64xf32, #tpu.memory_space<hbm>> -> memref<128x64xf32, #tpu.memory_space<hbm>>
        tpu.wait_dma2 semaphore(%arg25 : memref<!tpu.dma_semaphore, #tpu.memory_space<semaphore_mem>>) src(%arg13 : memref<128x64xf32, #tpu.memory_space<vmem>>) dst(%dma_wait3A_599 : memref<128x64xf32, #tpu.memory_space<hbm>>)
      } else {
      }
      %lt3A_377 = arith.constant 40 : i32
      %lt3A_378 = arith.cmpi slt, %add3A_368, %lt3A_377 : i32
      %convert_element_type3A_379 = arith.extui %lt3A_378 : i1 to i32
      %cond3A_380 = arith.constant 0 : i32
      %cond3A_381 = arith.cmpi ne, %convert_element_type3A_379, %cond3A_380 : i32
      scf.if %cond3A_381 {
        %jit3A_591 = arith.constant 2 : i32
        %div3A_592 = arith.divsi %add3A_368, %jit3A_591 : i32
        %sign3A_593 = arith.constant 0 : i32
        %sign3A_594 = arith.cmpi sgt, %add3A_368, %sign3A_593 : i32
        %sign3A_595 = arith.extui %sign3A_594 : i1 to i32
        %sign3A_596 = arith.constant 0 : i32
        %sign3A_597 = arith.cmpi slt, %add3A_368, %sign3A_596 : i32
        %sign3A_598 = arith.extui %sign3A_597 : i1 to i32
        %sign3A_599 = arith.subi %sign3A_595, %sign3A_598 : i32
        %sign3A_600 = arith.constant 0 : i32
        %sign3A_601 = arith.cmpi sgt, %jit3A_591, %sign3A_600 : i32
        %sign3A_602 = arith.extui %sign3A_601 : i1 to i32
        %sign3A_603 = arith.constant 0 : i32
        %sign3A_604 = arith.cmpi slt, %jit3A_591, %sign3A_603 : i32
        %sign3A_605 = arith.extui %sign3A_604 : i1 to i32
        %sign3A_606 = arith.subi %sign3A_602, %sign3A_605 : i32
        %ne3A_607 = arith.cmpi ne, %sign3A_599, %sign3A_606 : i32
        %rem3A_608 = arith.remsi %add3A_368, %jit3A_591 : i32
        %ne3A_609 = arith.constant 0 : i32
        %ne3A_610 = arith.cmpi ne, %rem3A_608, %ne3A_609 : i32
        %and3A_611 = arith.andi %ne3A_607, %ne3A_610 : i1
        %sub3A_612 = arith.constant 1 : i32
        %sub3A_613 = arith.subi %div3A_592, %sub3A_612 : i32
        %select_n3A_614 = arith.select %and3A_611, %sub3A_613, %div3A_592 : i32
        %jit3A_615 = arith.constant 2 : i32
        %eq3A_616 = arith.constant 0 : i32
        %eq3A_617 = arith.cmpi eq, %jit3A_615, %eq3A_616 : i32
        %jit3A_618 = arith.constant 1 : i32
        %select_n3A_619 = arith.select %eq3A_617, %jit3A_618, %jit3A_615 : i32
        %rem3A_620 = arith.remsi %add3A_368, %select_n3A_619 : i32
        %ne3A_621 = arith.constant 0 : i32
        %ne3A_622 = arith.cmpi ne, %rem3A_620, %ne3A_621 : i32
        %lt3A_623 = arith.constant 0 : i32
        %lt3A_624 = arith.cmpi slt, %rem3A_620, %lt3A_623 : i32
        %lt3A_625 = arith.constant 0 : i32
        %lt3A_626 = arith.cmpi slt, %select_n3A_619, %lt3A_625 : i32
        %ne3A_627 = arith.xori %lt3A_624, %lt3A_626 : i1
        %and3A_628 = arith.andi %ne3A_627, %ne3A_622 : i1
        %add3A_629 = arith.addi %rem3A_620, %select_n3A_619 : i32
        %select_n3A_630 = arith.select %and3A_628, %add3A_629, %rem3A_620 : i32
        %add3A_631 = arith.constant 0 : i32
        %add3A_632 = arith.addi %add3A_631, %select_n3A_614 : i32
        %mul3A_633 = arith.constant 128 : i32
        %mul3A_634 = arith.muli %select_n3A_630, %mul3A_633 : i32
        %dma_start3A_635 = tpu.memref_slice %arg9[%add3A_632, %mul3A_634] : memref<52x256xi32, #tpu.memory_space<vmem>> -> memref<1x128xi32, #tpu.memory_space<vmem>>
        %dma_start3A_636 = tpu.memref_squeeze %dma_start3A_635 : memref<1x128xi32, #tpu.memory_space<vmem>> -> memref<128xi32, #tpu.memory_space<vmem>>
        %dma_start3A_637 = arith.constant 0 : i32
        %dma_start3A_638 = arith.constant 0 : i32
        %dma_start3A_639 = tpu.memref_slice %arg3[%dma_start3A_637, %dma_start3A_638] : memref<100000x64xf32, #tpu.memory_space<hbm>> -> memref<100000x64xf32, #tpu.memory_space<hbm>>
        tpu.enqueue_indirect_dma source(%dma_start3A_639 : memref<100000x64xf32, #tpu.memory_space<hbm>>) target(%arg13 : memref<128x64xf32, #tpu.memory_space<vmem>>) offsets(%dma_start3A_636 : memref<128xi32, #tpu.memory_space<vmem>>) semaphore(%arg21 : memref<!tpu.dma_semaphore, #tpu.memory_space<semaphore_mem>>)
      } else {
      }
      %dma_wait3A_382 = arith.constant 0 : i32
      %dma_wait3A_383 = arith.constant 0 : i32
      %dma_wait3A_384 = tpu.memref_slice %arg3[%dma_wait3A_382, %dma_wait3A_383] : memref<100000x64xf32, #tpu.memory_space<hbm>> -> memref<128x64xf32, #tpu.memory_space<hbm>>
      %dma_wait3A_385 = arith.constant 0 : i32
      %dma_wait3A_386 = arith.constant 0 : i32
      %dma_wait3A_387 = tpu.memref_slice %arg3[%dma_wait3A_385, %dma_wait3A_386] : memref<100000x64xf32, #tpu.memory_space<hbm>> -> memref<128x64xf32, #tpu.memory_space<hbm>>
      tpu.wait_dma2 semaphore(%arg20 : memref<!tpu.dma_semaphore, #tpu.memory_space<semaphore_mem>>) src(%dma_wait3A_387 : memref<128x64xf32, #tpu.memory_space<hbm>>) dst(%arg12 : memref<128x64xf32, #tpu.memory_space<vmem>>)
      %jit3A_388 = arith.constant 2 : i32
      %div3A_389 = arith.divsi %add3A_366, %jit3A_388 : i32
      %sign3A_390 = arith.constant 0 : i32
      %sign3A_391 = arith.cmpi sgt, %add3A_366, %sign3A_390 : i32
      %sign3A_392 = arith.extui %sign3A_391 : i1 to i32
      %sign3A_393 = arith.constant 0 : i32
      %sign3A_394 = arith.cmpi slt, %add3A_366, %sign3A_393 : i32
      %sign3A_395 = arith.extui %sign3A_394 : i1 to i32
      %sign3A_396 = arith.subi %sign3A_392, %sign3A_395 : i32
      %sign3A_397 = arith.constant 0 : i32
      %sign3A_398 = arith.cmpi sgt, %jit3A_388, %sign3A_397 : i32
      %sign3A_399 = arith.extui %sign3A_398 : i1 to i32
      %sign3A_400 = arith.constant 0 : i32
      %sign3A_401 = arith.cmpi slt, %jit3A_388, %sign3A_400 : i32
      %sign3A_402 = arith.extui %sign3A_401 : i1 to i32
      %sign3A_403 = arith.subi %sign3A_399, %sign3A_402 : i32
      %ne3A_404 = arith.cmpi ne, %sign3A_396, %sign3A_403 : i32
      %rem3A_405 = arith.remsi %add3A_366, %jit3A_388 : i32
      %ne3A_406 = arith.constant 0 : i32
      %ne3A_407 = arith.cmpi ne, %rem3A_405, %ne3A_406 : i32
      %and3A_408 = arith.andi %ne3A_404, %ne3A_407 : i1
      %sub3A_409 = arith.constant 1 : i32
      %sub3A_410 = arith.subi %div3A_389, %sub3A_409 : i32
      %select_n3A_411 = arith.select %and3A_408, %sub3A_410, %div3A_389 : i32
      %jit3A_412 = arith.constant 2 : i32
      %eq3A_413 = arith.constant 0 : i32
      %eq3A_414 = arith.cmpi eq, %jit3A_412, %eq3A_413 : i32
      %jit3A_415 = arith.constant 1 : i32
      %select_n3A_416 = arith.select %eq3A_414, %jit3A_415, %jit3A_412 : i32
      %rem3A_417 = arith.remsi %add3A_366, %select_n3A_416 : i32
      %ne3A_418 = arith.constant 0 : i32
      %ne3A_419 = arith.cmpi ne, %rem3A_417, %ne3A_418 : i32
      %lt3A_420 = arith.constant 0 : i32
      %lt3A_421 = arith.cmpi slt, %rem3A_417, %lt3A_420 : i32
      %lt3A_422 = arith.constant 0 : i32
      %lt3A_423 = arith.cmpi slt, %select_n3A_416, %lt3A_422 : i32
      %ne3A_424 = arith.xori %lt3A_421, %lt3A_423 : i1
      %and3A_425 = arith.andi %ne3A_424, %ne3A_419 : i1
      %add3A_426 = arith.addi %rem3A_417, %select_n3A_416 : i32
      %select_n3A_427 = arith.select %and3A_425, %add3A_426, %rem3A_417 : i32
      %jit3A_428 = arith.constant 2 : i32
      %div3A_429 = arith.divsi %select_n3A_411, %jit3A_428 : i32
      %sign3A_430 = arith.constant 0 : i32
      %sign3A_431 = arith.cmpi sgt, %select_n3A_411, %sign3A_430 : i32
      %sign3A_432 = arith.extui %sign3A_431 : i1 to i32
      %sign3A_433 = arith.constant 0 : i32
      %sign3A_434 = arith.cmpi slt, %select_n3A_411, %sign3A_433 : i32
      %sign3A_435 = arith.extui %sign3A_434 : i1 to i32
      %sign3A_436 = arith.subi %sign3A_432, %sign3A_435 : i32
      %sign3A_437 = arith.constant 0 : i32
      %sign3A_438 = arith.cmpi sgt, %jit3A_428, %sign3A_437 : i32
      %sign3A_439 = arith.extui %sign3A_438 : i1 to i32
      %sign3A_440 = arith.constant 0 : i32
      %sign3A_441 = arith.cmpi slt, %jit3A_428, %sign3A_440 : i32
      %sign3A_442 = arith.extui %sign3A_441 : i1 to i32
      %sign3A_443 = arith.subi %sign3A_439, %sign3A_442 : i32
      %ne3A_444 = arith.cmpi ne, %sign3A_436, %sign3A_443 : i32
      %rem3A_445 = arith.remsi %select_n3A_411, %jit3A_428 : i32
      %ne3A_446 = arith.constant 0 : i32
      %ne3A_447 = arith.cmpi ne, %rem3A_445, %ne3A_446 : i32
      %and3A_448 = arith.andi %ne3A_444, %ne3A_447 : i1
      %sub3A_449 = arith.constant 1 : i32
      %sub3A_450 = arith.subi %div3A_429, %sub3A_449 : i32
      %select_n3A_451 = arith.select %and3A_448, %sub3A_450, %div3A_429 : i32
      %mul3A_452 = arith.constant 128 : i32
      %mul3A_453 = arith.muli %select_n3A_427, %mul3A_452 : i32
      %add3A_454 = arith.addi %mul3A_2, %mul3A_453 : i32
      %jit3A_455 = arith.constant 2 : i32
      %eq3A_456 = arith.constant 0 : i32
      %eq3A_457 = arith.cmpi eq, %jit3A_455, %eq3A_456 : i32
      %jit3A_458 = arith.constant 1 : i32
      %select_n3A_459 = arith.select %eq3A_457, %jit3A_458, %jit3A_455 : i32
      %rem3A_460 = arith.remsi %select_n3A_411, %select_n3A_459 : i32
      %ne3A_461 = arith.constant 0 : i32
      %ne3A_462 = arith.cmpi ne, %rem3A_460, %ne3A_461 : i32
      %lt3A_463 = arith.constant 0 : i32
      %lt3A_464 = arith.cmpi slt, %rem3A_460, %lt3A_463 : i32
      %lt3A_465 = arith.constant 0 : i32
      %lt3A_466 = arith.cmpi slt, %select_n3A_459, %lt3A_465 : i32
      %ne3A_467 = arith.xori %lt3A_464, %lt3A_466 : i1
      %and3A_468 = arith.andi %ne3A_467, %ne3A_462 : i1
      %add3A_469 = arith.addi %rem3A_460, %select_n3A_459 : i32
      %select_n3A_470 = arith.select %and3A_468, %add3A_469, %rem3A_460 : i32
      %mul3A_471 = arith.constant 64 : i32
      %mul3A_472 = arith.muli %select_n3A_470, %mul3A_471 : i32
      %dma_start3A_473 = tpu.memref_slice %arg6[%select_n3A_451, %add3A_454, %mul3A_472] : memref<10x8192x128xf32, #tpu.memory_space<hbm>> -> memref<1x128x64xf32, #tpu.memory_space<hbm>>
      %dma_start3A_474 = tpu.memref_squeeze %dma_start3A_473 : memref<1x128x64xf32, #tpu.memory_space<hbm>> -> memref<128x64xf32, #tpu.memory_space<hbm>>
      %dma_start3A_475 = tpu.memref_slice %arg6[%select_n3A_451, %add3A_454, %mul3A_472] : memref<10x8192x128xf32, #tpu.memory_space<hbm>> -> memref<1x128x64xf32, #tpu.memory_space<hbm>>
      %dma_start3A_476 = tpu.memref_squeeze %dma_start3A_475 : memref<1x128x64xf32, #tpu.memory_space<hbm>> -> memref<128x64xf32, #tpu.memory_space<hbm>>
      tpu.enqueue_dma source(%arg12 : memref<128x64xf32, #tpu.memory_space<vmem>>) target(%dma_start3A_476 : memref<128x64xf32, #tpu.memory_space<hbm>>) target_semaphore(%arg24 : memref<!tpu.dma_semaphore, #tpu.memory_space<semaphore_mem>>)
      %mul3A_477 = arith.constant 4 : i32
      %mul3A_478 = arith.muli %mul3A_477, %scan3A_147 : i32
      %add3A_479 = arith.constant 3 : i32
      %add3A_480 = arith.addi %mul3A_478, %add3A_479 : i32
      %add3A_481 = arith.constant 1 : i32
      %add3A_482 = arith.addi %add3A_480, %add3A_481 : i32
      %lt3A_483 = arith.constant 40 : i32
      %lt3A_484 = arith.cmpi slt, %add3A_482, %lt3A_483 : i32
      %ge3A_485 = arith.constant 4 : i32
      %ge3A_486 = arith.cmpi sge, %add3A_482, %ge3A_485 : i32
      %and3A_487 = arith.andi %lt3A_484, %ge3A_486 : i1
      %convert_element_type3A_488 = arith.extui %and3A_487 : i1 to i32
      %cond3A_489 = arith.constant 0 : i32
      %cond3A_490 = arith.cmpi ne, %convert_element_type3A_488, %cond3A_489 : i32
      scf.if %cond3A_490 {
        %dma_wait3A_591 = arith.constant 0 : i32
        %dma_wait3A_592 = arith.constant 0 : i32
        %dma_wait3A_593 = arith.constant 0 : i32
        %dma_wait3A_594 = tpu.memref_slice %arg6[%dma_wait3A_591, %dma_wait3A_592, %dma_wait3A_593] : memref<10x8192x128xf32, #tpu.memory_space<hbm>> -> memref<1x128x64xf32, #tpu.memory_space<hbm>>
        %dma_wait3A_595 = tpu.memref_squeeze %dma_wait3A_594 : memref<1x128x64xf32, #tpu.memory_space<hbm>> -> memref<128x64xf32, #tpu.memory_space<hbm>>
        %dma_wait3A_596 = arith.constant 0 : i32
        %dma_wait3A_597 = arith.constant 0 : i32
        %dma_wait3A_598 = tpu.memref_slice %arg6[%dma_wait3A_591, %dma_wait3A_596, %dma_wait3A_597] : memref<10x8192x128xf32, #tpu.memory_space<hbm>> -> memref<1x128x64xf32, #tpu.memory_space<hbm>>
        %dma_wait3A_599 = tpu.memref_squeeze %dma_wait3A_598 : memref<1x128x64xf32, #tpu.memory_space<hbm>> -> memref<128x64xf32, #tpu.memory_space<hbm>>
        tpu.wait_dma2 semaphore(%arg22 : memref<!tpu.dma_semaphore, #tpu.memory_space<semaphore_mem>>) src(%arg10 : memref<128x64xf32, #tpu.memory_space<vmem>>) dst(%dma_wait3A_599 : memref<128x64xf32, #tpu.memory_space<hbm>>)
      } else {
      }
      %lt3A_491 = arith.constant 40 : i32
      %lt3A_492 = arith.cmpi slt, %add3A_482, %lt3A_491 : i32
      %convert_element_type3A_493 = arith.extui %lt3A_492 : i1 to i32
      %cond3A_494 = arith.constant 0 : i32
      %cond3A_495 = arith.cmpi ne, %convert_element_type3A_493, %cond3A_494 : i32
      scf.if %cond3A_495 {
        %jit3A_591 = arith.constant 2 : i32
        %div3A_592 = arith.divsi %add3A_482, %jit3A_591 : i32
        %sign3A_593 = arith.constant 0 : i32
        %sign3A_594 = arith.cmpi sgt, %add3A_482, %sign3A_593 : i32
        %sign3A_595 = arith.extui %sign3A_594 : i1 to i32
        %sign3A_596 = arith.constant 0 : i32
        %sign3A_597 = arith.cmpi slt, %add3A_482, %sign3A_596 : i32
        %sign3A_598 = arith.extui %sign3A_597 : i1 to i32
        %sign3A_599 = arith.subi %sign3A_595, %sign3A_598 : i32
        %sign3A_600 = arith.constant 0 : i32
        %sign3A_601 = arith.cmpi sgt, %jit3A_591, %sign3A_600 : i32
        %sign3A_602 = arith.extui %sign3A_601 : i1 to i32
        %sign3A_603 = arith.constant 0 : i32
        %sign3A_604 = arith.cmpi slt, %jit3A_591, %sign3A_603 : i32
        %sign3A_605 = arith.extui %sign3A_604 : i1 to i32
        %sign3A_606 = arith.subi %sign3A_602, %sign3A_605 : i32
        %ne3A_607 = arith.cmpi ne, %sign3A_599, %sign3A_606 : i32
        %rem3A_608 = arith.remsi %add3A_482, %jit3A_591 : i32
        %ne3A_609 = arith.constant 0 : i32
        %ne3A_610 = arith.cmpi ne, %rem3A_608, %ne3A_609 : i32
        %and3A_611 = arith.andi %ne3A_607, %ne3A_610 : i1
        %sub3A_612 = arith.constant 1 : i32
        %sub3A_613 = arith.subi %div3A_592, %sub3A_612 : i32
        %select_n3A_614 = arith.select %and3A_611, %sub3A_613, %div3A_592 : i32
        %jit3A_615 = arith.constant 2 : i32
        %eq3A_616 = arith.constant 0 : i32
        %eq3A_617 = arith.cmpi eq, %jit3A_615, %eq3A_616 : i32
        %jit3A_618 = arith.constant 1 : i32
        %select_n3A_619 = arith.select %eq3A_617, %jit3A_618, %jit3A_615 : i32
        %rem3A_620 = arith.remsi %add3A_482, %select_n3A_619 : i32
        %ne3A_621 = arith.constant 0 : i32
        %ne3A_622 = arith.cmpi ne, %rem3A_620, %ne3A_621 : i32
        %lt3A_623 = arith.constant 0 : i32
        %lt3A_624 = arith.cmpi slt, %rem3A_620, %lt3A_623 : i32
        %lt3A_625 = arith.constant 0 : i32
        %lt3A_626 = arith.cmpi slt, %select_n3A_619, %lt3A_625 : i32
        %ne3A_627 = arith.xori %lt3A_624, %lt3A_626 : i1
        %and3A_628 = arith.andi %ne3A_627, %ne3A_622 : i1
        %add3A_629 = arith.addi %rem3A_620, %select_n3A_619 : i32
        %select_n3A_630 = arith.select %and3A_628, %add3A_629, %rem3A_620 : i32
        %add3A_631 = arith.constant 0 : i32
        %add3A_632 = arith.addi %add3A_631, %select_n3A_614 : i32
        %mul3A_633 = arith.constant 128 : i32
        %mul3A_634 = arith.muli %select_n3A_630, %mul3A_633 : i32
        %dma_start3A_635 = tpu.memref_slice %arg9[%add3A_632, %mul3A_634] : memref<52x256xi32, #tpu.memory_space<vmem>> -> memref<1x128xi32, #tpu.memory_space<vmem>>
        %dma_start3A_636 = tpu.memref_squeeze %dma_start3A_635 : memref<1x128xi32, #tpu.memory_space<vmem>> -> memref<128xi32, #tpu.memory_space<vmem>>
        %dma_start3A_637 = arith.constant 0 : i32
        %dma_start3A_638 = arith.constant 0 : i32
        %dma_start3A_639 = tpu.memref_slice %arg3[%dma_start3A_637, %dma_start3A_638] : memref<100000x64xf32, #tpu.memory_space<hbm>> -> memref<100000x64xf32, #tpu.memory_space<hbm>>
        tpu.enqueue_indirect_dma source(%dma_start3A_639 : memref<100000x64xf32, #tpu.memory_space<hbm>>) target(%arg10 : memref<128x64xf32, #tpu.memory_space<vmem>>) offsets(%dma_start3A_636 : memref<128xi32, #tpu.memory_space<vmem>>) semaphore(%arg18 : memref<!tpu.dma_semaphore, #tpu.memory_space<semaphore_mem>>)
      } else {
      }
      %dma_wait3A_496 = arith.constant 0 : i32
      %dma_wait3A_497 = arith.constant 0 : i32
      %dma_wait3A_498 = tpu.memref_slice %arg3[%dma_wait3A_496, %dma_wait3A_497] : memref<100000x64xf32, #tpu.memory_space<hbm>> -> memref<128x64xf32, #tpu.memory_space<hbm>>
      %dma_wait3A_499 = arith.constant 0 : i32
      %dma_wait3A_500 = arith.constant 0 : i32
      %dma_wait3A_501 = tpu.memref_slice %arg3[%dma_wait3A_499, %dma_wait3A_500] : memref<100000x64xf32, #tpu.memory_space<hbm>> -> memref<128x64xf32, #tpu.memory_space<hbm>>
      tpu.wait_dma2 semaphore(%arg21 : memref<!tpu.dma_semaphore, #tpu.memory_space<semaphore_mem>>) src(%dma_wait3A_501 : memref<128x64xf32, #tpu.memory_space<hbm>>) dst(%arg13 : memref<128x64xf32, #tpu.memory_space<vmem>>)
      %jit3A_502 = arith.constant 2 : i32
      %div3A_503 = arith.divsi %add3A_480, %jit3A_502 : i32
      %sign3A_504 = arith.constant 0 : i32
      %sign3A_505 = arith.cmpi sgt, %add3A_480, %sign3A_504 : i32
      %sign3A_506 = arith.extui %sign3A_505 : i1 to i32
      %sign3A_507 = arith.constant 0 : i32
      %sign3A_508 = arith.cmpi slt, %add3A_480, %sign3A_507 : i32
      %sign3A_509 = arith.extui %sign3A_508 : i1 to i32
      %sign3A_510 = arith.subi %sign3A_506, %sign3A_509 : i32
      %sign3A_511 = arith.constant 0 : i32
      %sign3A_512 = arith.cmpi sgt, %jit3A_502, %sign3A_511 : i32
      %sign3A_513 = arith.extui %sign3A_512 : i1 to i32
      %sign3A_514 = arith.constant 0 : i32
      %sign3A_515 = arith.cmpi slt, %jit3A_502, %sign3A_514 : i32
      %sign3A_516 = arith.extui %sign3A_515 : i1 to i32
      %sign3A_517 = arith.subi %sign3A_513, %sign3A_516 : i32
      %ne3A_518 = arith.cmpi ne, %sign3A_510, %sign3A_517 : i32
      %rem3A_519 = arith.remsi %add3A_480, %jit3A_502 : i32
      %ne3A_520 = arith.constant 0 : i32
      %ne3A_521 = arith.cmpi ne, %rem3A_519, %ne3A_520 : i32
      %and3A_522 = arith.andi %ne3A_518, %ne3A_521 : i1
      %sub3A_523 = arith.constant 1 : i32
      %sub3A_524 = arith.subi %div3A_503, %sub3A_523 : i32
      %select_n3A_525 = arith.select %and3A_522, %sub3A_524, %div3A_503 : i32
      %jit3A_526 = arith.constant 2 : i32
      %eq3A_527 = arith.constant 0 : i32
      %eq3A_528 = arith.cmpi eq, %jit3A_526, %eq3A_527 : i32
      %jit3A_529 = arith.constant 1 : i32
      %select_n3A_530 = arith.select %eq3A_528, %jit3A_529, %jit3A_526 : i32
      %rem3A_531 = arith.remsi %add3A_480, %select_n3A_530 : i32
      %ne3A_532 = arith.constant 0 : i32
      %ne3A_533 = arith.cmpi ne, %rem3A_531, %ne3A_532 : i32
      %lt3A_534 = arith.constant 0 : i32
      %lt3A_535 = arith.cmpi slt, %rem3A_531, %lt3A_534 : i32
      %lt3A_536 = arith.constant 0 : i32
      %lt3A_537 = arith.cmpi slt, %select_n3A_530, %lt3A_536 : i32
      %ne3A_538 = arith.xori %lt3A_535, %lt3A_537 : i1
      %and3A_539 = arith.andi %ne3A_538, %ne3A_533 : i1
      %add3A_540 = arith.addi %rem3A_531, %select_n3A_530 : i32
      %select_n3A_541 = arith.select %and3A_539, %add3A_540, %rem3A_531 : i32
      %jit3A_542 = arith.constant 2 : i32
      %div3A_543 = arith.divsi %select_n3A_525, %jit3A_542 : i32
      %sign3A_544 = arith.constant 0 : i32
      %sign3A_545 = arith.cmpi sgt, %select_n3A_525, %sign3A_544 : i32
      %sign3A_546 = arith.extui %sign3A_545 : i1 to i32
      %sign3A_547 = arith.constant 0 : i32
      %sign3A_548 = arith.cmpi slt, %select_n3A_525, %sign3A_547 : i32
      %sign3A_549 = arith.extui %sign3A_548 : i1 to i32
      %sign3A_550 = arith.subi %sign3A_546, %sign3A_549 : i32
      %sign3A_551 = arith.constant 0 : i32
      %sign3A_552 = arith.cmpi sgt, %jit3A_542, %sign3A_551 : i32
      %sign3A_553 = arith.extui %sign3A_552 : i1 to i32
      %sign3A_554 = arith.constant 0 : i32
      %sign3A_555 = arith.cmpi slt, %jit3A_542, %sign3A_554 : i32
      %sign3A_556 = arith.extui %sign3A_555 : i1 to i32
      %sign3A_557 = arith.subi %sign3A_553, %sign3A_556 : i32
      %ne3A_558 = arith.cmpi ne, %sign3A_550, %sign3A_557 : i32
      %rem3A_559 = arith.remsi %select_n3A_525, %jit3A_542 : i32
      %ne3A_560 = arith.constant 0 : i32
      %ne3A_561 = arith.cmpi ne, %rem3A_559, %ne3A_560 : i32
      %and3A_562 = arith.andi %ne3A_558, %ne3A_561 : i1
      %sub3A_563 = arith.constant 1 : i32
      %sub3A_564 = arith.subi %div3A_543, %sub3A_563 : i32
      %select_n3A_565 = arith.select %and3A_562, %sub3A_564, %div3A_543 : i32
      %mul3A_566 = arith.constant 128 : i32
      %mul3A_567 = arith.muli %select_n3A_541, %mul3A_566 : i32
      %add3A_568 = arith.addi %mul3A_2, %mul3A_567 : i32
      %jit3A_569 = arith.constant 2 : i32
      %eq3A_570 = arith.constant 0 : i32
      %eq3A_571 = arith.cmpi eq, %jit3A_569, %eq3A_570 : i32
      %jit3A_572 = arith.constant 1 : i32
      %select_n3A_573 = arith.select %eq3A_571, %jit3A_572, %jit3A_569 : i32
      %rem3A_574 = arith.remsi %select_n3A_525, %select_n3A_573 : i32
      %ne3A_575 = arith.constant 0 : i32
      %ne3A_576 = arith.cmpi ne, %rem3A_574, %ne3A_575 : i32
      %lt3A_577 = arith.constant 0 : i32
      %lt3A_578 = arith.cmpi slt, %rem3A_574, %lt3A_577 : i32
      %lt3A_579 = arith.constant 0 : i32
      %lt3A_580 = arith.cmpi slt, %select_n3A_573, %lt3A_579 : i32
      %ne3A_581 = arith.xori %lt3A_578, %lt3A_580 : i1
      %and3A_582 = arith.andi %ne3A_581, %ne3A_576 : i1
      %add3A_583 = arith.addi %rem3A_574, %select_n3A_573 : i32
      %select_n3A_584 = arith.select %and3A_582, %add3A_583, %rem3A_574 : i32
      %mul3A_585 = arith.constant 64 : i32
      %mul3A_586 = arith.muli %select_n3A_584, %mul3A_585 : i32
      %dma_start3A_587 = tpu.memref_slice %arg6[%select_n3A_565, %add3A_568, %mul3A_586] : memref<10x8192x128xf32, #tpu.memory_space<hbm>> -> memref<1x128x64xf32, #tpu.memory_space<hbm>>
      %dma_start3A_588 = tpu.memref_squeeze %dma_start3A_587 : memref<1x128x64xf32, #tpu.memory_space<hbm>> -> memref<128x64xf32, #tpu.memory_space<hbm>>
      %dma_start3A_589 = tpu.memref_slice %arg6[%select_n3A_565, %add3A_568, %mul3A_586] : memref<10x8192x128xf32, #tpu.memory_space<hbm>> -> memref<1x128x64xf32, #tpu.memory_space<hbm>>
      %dma_start3A_590 = tpu.memref_squeeze %dma_start3A_589 : memref<1x128x64xf32, #tpu.memory_space<hbm>> -> memref<128x64xf32, #tpu.memory_space<hbm>>
      tpu.enqueue_dma source(%arg13 : memref<128x64xf32, #tpu.memory_space<vmem>>) target(%dma_start3A_590 : memref<128x64xf32, #tpu.memory_space<hbm>>) target_semaphore(%arg25 : memref<!tpu.dma_semaphore, #tpu.memory_space<semaphore_mem>>)
    }
    %scan3A_13 = arith.constant 10 : i32
    %dma_wait3A = arith.constant 0 : i32
    %dma_wait3A_14 = arith.constant 0 : i32
    %dma_wait3A_15 = arith.constant 0 : i32
    %dma_wait3A_16 = tpu.memref_slice %arg6[%dma_wait3A, %dma_wait3A_14, %dma_wait3A_15] : memref<10x8192x128xf32, #tpu.memory_space<hbm>> -> memref<1x128x64xf32, #tpu.memory_space<hbm>>
    %dma_wait3A_17 = tpu.memref_squeeze %dma_wait3A_16 : memref<1x128x64xf32, #tpu.memory_space<hbm>> -> memref<128x64xf32, #tpu.memory_space<hbm>>
    %dma_wait3A_18 = arith.constant 0 : i32
    %dma_wait3A_19 = arith.constant 0 : i32
    %dma_wait3A_20 = tpu.memref_slice %arg6[%dma_wait3A, %dma_wait3A_18, %dma_wait3A_19] : memref<10x8192x128xf32, #tpu.memory_space<hbm>> -> memref<1x128x64xf32, #tpu.memory_space<hbm>>
    %dma_wait3A_21 = tpu.memref_squeeze %dma_wait3A_20 : memref<1x128x64xf32, #tpu.memory_space<hbm>> -> memref<128x64xf32, #tpu.memory_space<hbm>>
    tpu.wait_dma2 semaphore(%arg22 : memref<!tpu.dma_semaphore, #tpu.memory_space<semaphore_mem>>) src(%arg10 : memref<128x64xf32, #tpu.memory_space<vmem>>) dst(%dma_wait3A_21 : memref<128x64xf32, #tpu.memory_space<hbm>>)
    %dma_wait3A_22 = arith.constant 0 : i32
    %dma_wait3A_23 = arith.constant 0 : i32
    %dma_wait3A_24 = arith.constant 0 : i32
    %dma_wait3A_25 = tpu.memref_slice %arg6[%dma_wait3A_22, %dma_wait3A_23, %dma_wait3A_24] : memref<10x8192x128xf32, #tpu.memory_space<hbm>> -> memref<1x128x64xf32, #tpu.memory_space<hbm>>
    %dma_wait3A_26 = tpu.memref_squeeze %dma_wait3A_25 : memref<1x128x64xf32, #tpu.memory_space<hbm>> -> memref<128x64xf32, #tpu.memory_space<hbm>>
    %dma_wait3A_27 = arith.constant 0 : i32
    %dma_wait3A_28 = arith.constant 0 : i32
    %dma_wait3A_29 = tpu.memref_slice %arg6[%dma_wait3A_22, %dma_wait3A_27, %dma_wait3A_28] : memref<10x8192x128xf32, #tpu.memory_space<hbm>> -> memref<1x128x64xf32, #tpu.memory_space<hbm>>
    %dma_wait3A_30 = tpu.memref_squeeze %dma_wait3A_29 : memref<1x128x64xf32, #tpu.memory_space<hbm>> -> memref<128x64xf32, #tpu.memory_space<hbm>>
    tpu.wait_dma2 semaphore(%arg23 : memref<!tpu.dma_semaphore, #tpu.memory_space<semaphore_mem>>) src(%arg11 : memref<128x64xf32, #tpu.memory_space<vmem>>) dst(%dma_wait3A_30 : memref<128x64xf32, #tpu.memory_space<hbm>>)
    %dma_wait3A_31 = arith.constant 0 : i32
    %dma_wait3A_32 = arith.constant 0 : i32
    %dma_wait3A_33 = arith.constant 0 : i32
    %dma_wait3A_34 = tpu.memref_slice %arg6[%dma_wait3A_31, %dma_wait3A_32, %dma_wait3A_33] : memref<10x8192x128xf32, #tpu.memory_space<hbm>> -> memref<1x128x64xf32, #tpu.memory_space<hbm>>
    %dma_wait3A_35 = tpu.memref_squeeze %dma_wait3A_34 : memref<1x128x64xf32, #tpu.memory_space<hbm>> -> memref<128x64xf32, #tpu.memory_space<hbm>>
    %dma_wait3A_36 = arith.constant 0 : i32
    %dma_wait3A_37 = arith.constant 0 : i32
    %dma_wait3A_38 = tpu.memref_slice %arg6[%dma_wait3A_31, %dma_wait3A_36, %dma_wait3A_37] : memref<10x8192x128xf32, #tpu.memory_space<hbm>> -> memref<1x128x64xf32, #tpu.memory_space<hbm>>
    %dma_wait3A_39 = tpu.memref_squeeze %dma_wait3A_38 : memref<1x128x64xf32, #tpu.memory_space<hbm>> -> memref<128x64xf32, #tpu.memory_space<hbm>>
    tpu.wait_dma2 semaphore(%arg24 : memref<!tpu.dma_semaphore, #tpu.memory_space<semaphore_mem>>) src(%arg12 : memref<128x64xf32, #tpu.memory_space<vmem>>) dst(%dma_wait3A_39 : memref<128x64xf32, #tpu.memory_space<hbm>>)
    %dma_wait3A_40 = arith.constant 0 : i32
    %dma_wait3A_41 = arith.constant 0 : i32
    %dma_wait3A_42 = arith.constant 0 : i32
    %dma_wait3A_43 = tpu.memref_slice %arg6[%dma_wait3A_40, %dma_wait3A_41, %dma_wait3A_42] : memref<10x8192x128xf32, #tpu.memory_space<hbm>> -> memref<1x128x64xf32, #tpu.memory_space<hbm>>
    %dma_wait3A_44 = tpu.memref_squeeze %dma_wait3A_43 : memref<1x128x64xf32, #tpu.memory_space<hbm>> -> memref<128x64xf32, #tpu.memory_space<hbm>>
    %dma_wait3A_45 = arith.constant 0 : i32
    %dma_wait3A_46 = arith.constant 0 : i32
    %dma_wait3A_47 = tpu.memref_slice %arg6[%dma_wait3A_40, %dma_wait3A_45, %dma_wait3A_46] : memref<10x8192x128xf32, #tpu.memory_space<hbm>> -> memref<1x128x64xf32, #tpu.memory_space<hbm>>
    %dma_wait3A_48 = tpu.memref_squeeze %dma_wait3A_47 : memref<1x128x64xf32, #tpu.memory_space<hbm>> -> memref<128x64xf32, #tpu.memory_space<hbm>>
    tpu.wait_dma2 semaphore(%arg25 : memref<!tpu.dma_semaphore, #tpu.memory_space<semaphore_mem>>) src(%arg13 : memref<128x64xf32, #tpu.memory_space<vmem>>) dst(%dma_wait3A_48 : memref<128x64xf32, #tpu.memory_space<hbm>>)
    %dma_start3A_49 = arith.constant 20 : i32
    %dma_start3A_50 = arith.constant 0 : i32
    %dma_start3A_51 = tpu.memref_slice %arg9[%dma_start3A_49, %dma_start3A_50] : memref<52x256xi32, #tpu.memory_space<vmem>> -> memref<1x128xi32, #tpu.memory_space<vmem>>
    %dma_start3A_52 = tpu.memref_squeeze %dma_start3A_51 : memref<1x128xi32, #tpu.memory_space<vmem>> -> memref<128xi32, #tpu.memory_space<vmem>>
    %dma_start3A_53 = arith.constant 0 : i32
    %dma_start3A_54 = arith.constant 0 : i32
    %dma_start3A_55 = tpu.memref_slice %arg4[%dma_start3A_53, %dma_start3A_54] : memref<100000x32xf32, #tpu.memory_space<hbm>> -> memref<100000x32xf32, #tpu.memory_space<hbm>>
    tpu.enqueue_indirect_dma source(%dma_start3A_55 : memref<100000x32xf32, #tpu.memory_space<hbm>>) target(%arg14 : memref<128x32xf32, #tpu.memory_space<vmem>>) offsets(%dma_start3A_52 : memref<128xi32, #tpu.memory_space<vmem>>) semaphore(%arg18 : memref<!tpu.dma_semaphore, #tpu.memory_space<semaphore_mem>>)
    %scan3A_56 = arith.constant 0 : i32
    %scan3A_57 = arith.constant 0 : i32
    %scan3A_58 = arith.constant 10 : i32
    %scan3A_59 = arith.addi %scan3A_57, %scan3A_58 : i32
    %scan3A_60 = arith.constant 1 : i32
    scf.for %scan3A_147 = %scan3A_57 to %scan3A_59 step %scan3A_60  : i32 {
      %mul3A_148 = arith.constant 4 : i32
      %mul3A_149 = arith.muli %mul3A_148, %scan3A_147 : i32
      %add3A_150 = arith.constant 0 : i32
      %add3A_151 = arith.addi %mul3A_149, %add3A_150 : i32
      %add3A_152 = arith.constant 1 : i32
      %add3A_153 = arith.addi %add3A_151, %add3A_152 : i32
      %lt3A = arith.constant 40 : i32
      %lt3A_154 = arith.cmpi slt, %add3A_153, %lt3A : i32
      %ge3A = arith.constant 4 : i32
      %ge3A_155 = arith.cmpi sge, %add3A_153, %ge3A : i32
      %and3A = arith.andi %lt3A_154, %ge3A_155 : i1
      %convert_element_type3A = arith.extui %and3A : i1 to i32
      %cond3A = arith.constant 0 : i32
      %cond3A_156 = arith.cmpi ne, %convert_element_type3A, %cond3A : i32
      scf.if %cond3A_156 {
        %dma_wait3A_591 = arith.constant 0 : i32
        %dma_wait3A_592 = arith.constant 0 : i32
        %dma_wait3A_593 = arith.constant 0 : i32
        %dma_wait3A_594 = tpu.memref_slice %arg7[%dma_wait3A_591, %dma_wait3A_592, %dma_wait3A_593] : memref<5x8192x128xf32, #tpu.memory_space<hbm>> -> memref<1x128x32xf32, #tpu.memory_space<hbm>>
        %dma_wait3A_595 = tpu.memref_squeeze %dma_wait3A_594 : memref<1x128x32xf32, #tpu.memory_space<hbm>> -> memref<128x32xf32, #tpu.memory_space<hbm>>
        %dma_wait3A_596 = arith.constant 0 : i32
        %dma_wait3A_597 = arith.constant 0 : i32
        %dma_wait3A_598 = tpu.memref_slice %arg7[%dma_wait3A_591, %dma_wait3A_596, %dma_wait3A_597] : memref<5x8192x128xf32, #tpu.memory_space<hbm>> -> memref<1x128x32xf32, #tpu.memory_space<hbm>>
        %dma_wait3A_599 = tpu.memref_squeeze %dma_wait3A_598 : memref<1x128x32xf32, #tpu.memory_space<hbm>> -> memref<128x32xf32, #tpu.memory_space<hbm>>
        tpu.wait_dma2 semaphore(%arg23 : memref<!tpu.dma_semaphore, #tpu.memory_space<semaphore_mem>>) src(%arg15 : memref<128x32xf32, #tpu.memory_space<vmem>>) dst(%dma_wait3A_599 : memref<128x32xf32, #tpu.memory_space<hbm>>)
      } else {
      }
      %lt3A_157 = arith.constant 40 : i32
      %lt3A_158 = arith.cmpi slt, %add3A_153, %lt3A_157 : i32
      %convert_element_type3A_159 = arith.extui %lt3A_158 : i1 to i32
      %cond3A_160 = arith.constant 0 : i32
      %cond3A_161 = arith.cmpi ne, %convert_element_type3A_159, %cond3A_160 : i32
      scf.if %cond3A_161 {
        %jit3A_591 = arith.constant 2 : i32
        %div3A_592 = arith.divsi %add3A_153, %jit3A_591 : i32
        %sign3A_593 = arith.constant 0 : i32
        %sign3A_594 = arith.cmpi sgt, %add3A_153, %sign3A_593 : i32
        %sign3A_595 = arith.extui %sign3A_594 : i1 to i32
        %sign3A_596 = arith.constant 0 : i32
        %sign3A_597 = arith.cmpi slt, %add3A_153, %sign3A_596 : i32
        %sign3A_598 = arith.extui %sign3A_597 : i1 to i32
        %sign3A_599 = arith.subi %sign3A_595, %sign3A_598 : i32
        %sign3A_600 = arith.constant 0 : i32
        %sign3A_601 = arith.cmpi sgt, %jit3A_591, %sign3A_600 : i32
        %sign3A_602 = arith.extui %sign3A_601 : i1 to i32
        %sign3A_603 = arith.constant 0 : i32
        %sign3A_604 = arith.cmpi slt, %jit3A_591, %sign3A_603 : i32
        %sign3A_605 = arith.extui %sign3A_604 : i1 to i32
        %sign3A_606 = arith.subi %sign3A_602, %sign3A_605 : i32
        %ne3A_607 = arith.cmpi ne, %sign3A_599, %sign3A_606 : i32
        %rem3A_608 = arith.remsi %add3A_153, %jit3A_591 : i32
        %ne3A_609 = arith.constant 0 : i32
        %ne3A_610 = arith.cmpi ne, %rem3A_608, %ne3A_609 : i32
        %and3A_611 = arith.andi %ne3A_607, %ne3A_610 : i1
        %sub3A_612 = arith.constant 1 : i32
        %sub3A_613 = arith.subi %div3A_592, %sub3A_612 : i32
        %select_n3A_614 = arith.select %and3A_611, %sub3A_613, %div3A_592 : i32
        %jit3A_615 = arith.constant 2 : i32
        %eq3A_616 = arith.constant 0 : i32
        %eq3A_617 = arith.cmpi eq, %jit3A_615, %eq3A_616 : i32
        %jit3A_618 = arith.constant 1 : i32
        %select_n3A_619 = arith.select %eq3A_617, %jit3A_618, %jit3A_615 : i32
        %rem3A_620 = arith.remsi %add3A_153, %select_n3A_619 : i32
        %ne3A_621 = arith.constant 0 : i32
        %ne3A_622 = arith.cmpi ne, %rem3A_620, %ne3A_621 : i32
        %lt3A_623 = arith.constant 0 : i32
        %lt3A_624 = arith.cmpi slt, %rem3A_620, %lt3A_623 : i32
        %lt3A_625 = arith.constant 0 : i32
        %lt3A_626 = arith.cmpi slt, %select_n3A_619, %lt3A_625 : i32
        %ne3A_627 = arith.xori %lt3A_624, %lt3A_626 : i1
        %and3A_628 = arith.andi %ne3A_627, %ne3A_622 : i1
        %add3A_629 = arith.addi %rem3A_620, %select_n3A_619 : i32
        %select_n3A_630 = arith.select %and3A_628, %add3A_629, %rem3A_620 : i32
        %add3A_631 = arith.constant 20 : i32
        %add3A_632 = arith.addi %add3A_631, %select_n3A_614 : i32
        %mul3A_633 = arith.constant 128 : i32
        %mul3A_634 = arith.muli %select_n3A_630, %mul3A_633 : i32
        %dma_start3A_635 = tpu.memref_slice %arg9[%add3A_632, %mul3A_634] : memref<52x256xi32, #tpu.memory_space<vmem>> -> memref<1x128xi32, #tpu.memory_space<vmem>>
        %dma_start3A_636 = tpu.memref_squeeze %dma_start3A_635 : memref<1x128xi32, #tpu.memory_space<vmem>> -> memref<128xi32, #tpu.memory_space<vmem>>
        %dma_start3A_637 = arith.constant 0 : i32
        %dma_start3A_638 = arith.constant 0 : i32
        %dma_start3A_639 = tpu.memref_slice %arg4[%dma_start3A_637, %dma_start3A_638] : memref<100000x32xf32, #tpu.memory_space<hbm>> -> memref<100000x32xf32, #tpu.memory_space<hbm>>
        tpu.enqueue_indirect_dma source(%dma_start3A_639 : memref<100000x32xf32, #tpu.memory_space<hbm>>) target(%arg15 : memref<128x32xf32, #tpu.memory_space<vmem>>) offsets(%dma_start3A_636 : memref<128xi32, #tpu.memory_space<vmem>>) semaphore(%arg19 : memref<!tpu.dma_semaphore, #tpu.memory_space<semaphore_mem>>)
      } else {
      }
      %dma_wait3A_162 = arith.constant 0 : i32
      %dma_wait3A_163 = arith.constant 0 : i32
      %dma_wait3A_164 = tpu.memref_slice %arg4[%dma_wait3A_162, %dma_wait3A_163] : memref<100000x32xf32, #tpu.memory_space<hbm>> -> memref<128x32xf32, #tpu.memory_space<hbm>>
      %dma_wait3A_165 = arith.constant 0 : i32
      %dma_wait3A_166 = arith.constant 0 : i32
      %dma_wait3A_167 = tpu.memref_slice %arg4[%dma_wait3A_165, %dma_wait3A_166] : memref<100000x32xf32, #tpu.memory_space<hbm>> -> memref<128x32xf32, #tpu.memory_space<hbm>>
      tpu.wait_dma2 semaphore(%arg18 : memref<!tpu.dma_semaphore, #tpu.memory_space<semaphore_mem>>) src(%dma_wait3A_167 : memref<128x32xf32, #tpu.memory_space<hbm>>) dst(%arg14 : memref<128x32xf32, #tpu.memory_space<vmem>>)
      %jit3A = arith.constant 2 : i32
      %div3A = arith.divsi %add3A_151, %jit3A : i32
      %sign3A = arith.constant 0 : i32
      %sign3A_168 = arith.cmpi sgt, %add3A_151, %sign3A : i32
      %sign3A_169 = arith.extui %sign3A_168 : i1 to i32
      %sign3A_170 = arith.constant 0 : i32
      %sign3A_171 = arith.cmpi slt, %add3A_151, %sign3A_170 : i32
      %sign3A_172 = arith.extui %sign3A_171 : i1 to i32
      %sign3A_173 = arith.subi %sign3A_169, %sign3A_172 : i32
      %sign3A_174 = arith.constant 0 : i32
      %sign3A_175 = arith.cmpi sgt, %jit3A, %sign3A_174 : i32
      %sign3A_176 = arith.extui %sign3A_175 : i1 to i32
      %sign3A_177 = arith.constant 0 : i32
      %sign3A_178 = arith.cmpi slt, %jit3A, %sign3A_177 : i32
      %sign3A_179 = arith.extui %sign3A_178 : i1 to i32
      %sign3A_180 = arith.subi %sign3A_176, %sign3A_179 : i32
      %ne3A = arith.cmpi ne, %sign3A_173, %sign3A_180 : i32
      %rem3A = arith.remsi %add3A_151, %jit3A : i32
      %ne3A_181 = arith.constant 0 : i32
      %ne3A_182 = arith.cmpi ne, %rem3A, %ne3A_181 : i32
      %and3A_183 = arith.andi %ne3A, %ne3A_182 : i1
      %sub3A = arith.constant 1 : i32
      %sub3A_184 = arith.subi %div3A, %sub3A : i32
      %select_n3A = arith.select %and3A_183, %sub3A_184, %div3A : i32
      %jit3A_185 = arith.constant 2 : i32
      %eq3A = arith.constant 0 : i32
      %eq3A_186 = arith.cmpi eq, %jit3A_185, %eq3A : i32
      %jit3A_187 = arith.constant 1 : i32
      %select_n3A_188 = arith.select %eq3A_186, %jit3A_187, %jit3A_185 : i32
      %rem3A_189 = arith.remsi %add3A_151, %select_n3A_188 : i32
      %ne3A_190 = arith.constant 0 : i32
      %ne3A_191 = arith.cmpi ne, %rem3A_189, %ne3A_190 : i32
      %lt3A_192 = arith.constant 0 : i32
      %lt3A_193 = arith.cmpi slt, %rem3A_189, %lt3A_192 : i32
      %lt3A_194 = arith.constant 0 : i32
      %lt3A_195 = arith.cmpi slt, %select_n3A_188, %lt3A_194 : i32
      %ne3A_196 = arith.xori %lt3A_193, %lt3A_195 : i1
      %and3A_197 = arith.andi %ne3A_196, %ne3A_191 : i1
      %add3A_198 = arith.addi %rem3A_189, %select_n3A_188 : i32
      %select_n3A_199 = arith.select %and3A_197, %add3A_198, %rem3A_189 : i32
      %jit3A_200 = arith.constant 4 : i32
      %div3A_201 = arith.divsi %select_n3A, %jit3A_200 : i32
      %sign3A_202 = arith.constant 0 : i32
      %sign3A_203 = arith.cmpi sgt, %select_n3A, %sign3A_202 : i32
      %sign3A_204 = arith.extui %sign3A_203 : i1 to i32
      %sign3A_205 = arith.constant 0 : i32
      %sign3A_206 = arith.cmpi slt, %select_n3A, %sign3A_205 : i32
      %sign3A_207 = arith.extui %sign3A_206 : i1 to i32
      %sign3A_208 = arith.subi %sign3A_204, %sign3A_207 : i32
      %sign3A_209 = arith.constant 0 : i32
      %sign3A_210 = arith.cmpi sgt, %jit3A_200, %sign3A_209 : i32
      %sign3A_211 = arith.extui %sign3A_210 : i1 to i32
      %sign3A_212 = arith.constant 0 : i32
      %sign3A_213 = arith.cmpi slt, %jit3A_200, %sign3A_212 : i32
      %sign3A_214 = arith.extui %sign3A_213 : i1 to i32
      %sign3A_215 = arith.subi %sign3A_211, %sign3A_214 : i32
      %ne3A_216 = arith.cmpi ne, %sign3A_208, %sign3A_215 : i32
      %rem3A_217 = arith.remsi %select_n3A, %jit3A_200 : i32
      %ne3A_218 = arith.constant 0 : i32
      %ne3A_219 = arith.cmpi ne, %rem3A_217, %ne3A_218 : i32
      %and3A_220 = arith.andi %ne3A_216, %ne3A_219 : i1
      %sub3A_221 = arith.constant 1 : i32
      %sub3A_222 = arith.subi %div3A_201, %sub3A_221 : i32
      %select_n3A_223 = arith.select %and3A_220, %sub3A_222, %div3A_201 : i32
      %mul3A_224 = arith.constant 128 : i32
      %mul3A_225 = arith.muli %select_n3A_199, %mul3A_224 : i32
      %add3A_226 = arith.addi %mul3A_2, %mul3A_225 : i32
      %jit3A_227 = arith.constant 4 : i32
      %eq3A_228 = arith.constant 0 : i32
      %eq3A_229 = arith.cmpi eq, %jit3A_227, %eq3A_228 : i32
      %jit3A_230 = arith.constant 1 : i32
      %select_n3A_231 = arith.select %eq3A_229, %jit3A_230, %jit3A_227 : i32
      %rem3A_232 = arith.remsi %select_n3A, %select_n3A_231 : i32
      %ne3A_233 = arith.constant 0 : i32
      %ne3A_234 = arith.cmpi ne, %rem3A_232, %ne3A_233 : i32
      %lt3A_235 = arith.constant 0 : i32
      %lt3A_236 = arith.cmpi slt, %rem3A_232, %lt3A_235 : i32
      %lt3A_237 = arith.constant 0 : i32
      %lt3A_238 = arith.cmpi slt, %select_n3A_231, %lt3A_237 : i32
      %ne3A_239 = arith.xori %lt3A_236, %lt3A_238 : i1
      %and3A_240 = arith.andi %ne3A_239, %ne3A_234 : i1
      %add3A_241 = arith.addi %rem3A_232, %select_n3A_231 : i32
      %select_n3A_242 = arith.select %and3A_240, %add3A_241, %rem3A_232 : i32
      %mul3A_243 = arith.constant 32 : i32
      %mul3A_244 = arith.muli %select_n3A_242, %mul3A_243 : i32
      %dma_start3A_245 = tpu.memref_slice %arg7[%select_n3A_223, %add3A_226, %mul3A_244] : memref<5x8192x128xf32, #tpu.memory_space<hbm>> -> memref<1x128x32xf32, #tpu.memory_space<hbm>>
      %dma_start3A_246 = tpu.memref_squeeze %dma_start3A_245 : memref<1x128x32xf32, #tpu.memory_space<hbm>> -> memref<128x32xf32, #tpu.memory_space<hbm>>
      %dma_start3A_247 = tpu.memref_slice %arg7[%select_n3A_223, %add3A_226, %mul3A_244] : memref<5x8192x128xf32, #tpu.memory_space<hbm>> -> memref<1x128x32xf32, #tpu.memory_space<hbm>>
      %dma_start3A_248 = tpu.memref_squeeze %dma_start3A_247 : memref<1x128x32xf32, #tpu.memory_space<hbm>> -> memref<128x32xf32, #tpu.memory_space<hbm>>
      tpu.enqueue_dma source(%arg14 : memref<128x32xf32, #tpu.memory_space<vmem>>) target(%dma_start3A_248 : memref<128x32xf32, #tpu.memory_space<hbm>>) target_semaphore(%arg22 : memref<!tpu.dma_semaphore, #tpu.memory_space<semaphore_mem>>)
      %mul3A_249 = arith.constant 4 : i32
      %mul3A_250 = arith.muli %mul3A_249, %scan3A_147 : i32
      %add3A_251 = arith.constant 1 : i32
      %add3A_252 = arith.addi %mul3A_250, %add3A_251 : i32
      %add3A_253 = arith.constant 1 : i32
      %add3A_254 = arith.addi %add3A_252, %add3A_253 : i32
      %lt3A_255 = arith.constant 40 : i32
      %lt3A_256 = arith.cmpi slt, %add3A_254, %lt3A_255 : i32
      %ge3A_257 = arith.constant 4 : i32
      %ge3A_258 = arith.cmpi sge, %add3A_254, %ge3A_257 : i32
      %and3A_259 = arith.andi %lt3A_256, %ge3A_258 : i1
      %convert_element_type3A_260 = arith.extui %and3A_259 : i1 to i32
      %cond3A_261 = arith.constant 0 : i32
      %cond3A_262 = arith.cmpi ne, %convert_element_type3A_260, %cond3A_261 : i32
      scf.if %cond3A_262 {
        %dma_wait3A_591 = arith.constant 0 : i32
        %dma_wait3A_592 = arith.constant 0 : i32
        %dma_wait3A_593 = arith.constant 0 : i32
        %dma_wait3A_594 = tpu.memref_slice %arg7[%dma_wait3A_591, %dma_wait3A_592, %dma_wait3A_593] : memref<5x8192x128xf32, #tpu.memory_space<hbm>> -> memref<1x128x32xf32, #tpu.memory_space<hbm>>
        %dma_wait3A_595 = tpu.memref_squeeze %dma_wait3A_594 : memref<1x128x32xf32, #tpu.memory_space<hbm>> -> memref<128x32xf32, #tpu.memory_space<hbm>>
        %dma_wait3A_596 = arith.constant 0 : i32
        %dma_wait3A_597 = arith.constant 0 : i32
        %dma_wait3A_598 = tpu.memref_slice %arg7[%dma_wait3A_591, %dma_wait3A_596, %dma_wait3A_597] : memref<5x8192x128xf32, #tpu.memory_space<hbm>> -> memref<1x128x32xf32, #tpu.memory_space<hbm>>
        %dma_wait3A_599 = tpu.memref_squeeze %dma_wait3A_598 : memref<1x128x32xf32, #tpu.memory_space<hbm>> -> memref<128x32xf32, #tpu.memory_space<hbm>>
        tpu.wait_dma2 semaphore(%arg24 : memref<!tpu.dma_semaphore, #tpu.memory_space<semaphore_mem>>) src(%arg16 : memref<128x32xf32, #tpu.memory_space<vmem>>) dst(%dma_wait3A_599 : memref<128x32xf32, #tpu.memory_space<hbm>>)
      } else {
      }
      %lt3A_263 = arith.constant 40 : i32
      %lt3A_264 = arith.cmpi slt, %add3A_254, %lt3A_263 : i32
      %convert_element_type3A_265 = arith.extui %lt3A_264 : i1 to i32
      %cond3A_266 = arith.constant 0 : i32
      %cond3A_267 = arith.cmpi ne, %convert_element_type3A_265, %cond3A_266 : i32
      scf.if %cond3A_267 {
        %jit3A_591 = arith.constant 2 : i32
        %div3A_592 = arith.divsi %add3A_254, %jit3A_591 : i32
        %sign3A_593 = arith.constant 0 : i32
        %sign3A_594 = arith.cmpi sgt, %add3A_254, %sign3A_593 : i32
        %sign3A_595 = arith.extui %sign3A_594 : i1 to i32
        %sign3A_596 = arith.constant 0 : i32
        %sign3A_597 = arith.cmpi slt, %add3A_254, %sign3A_596 : i32
        %sign3A_598 = arith.extui %sign3A_597 : i1 to i32
        %sign3A_599 = arith.subi %sign3A_595, %sign3A_598 : i32
        %sign3A_600 = arith.constant 0 : i32
        %sign3A_601 = arith.cmpi sgt, %jit3A_591, %sign3A_600 : i32
        %sign3A_602 = arith.extui %sign3A_601 : i1 to i32
        %sign3A_603 = arith.constant 0 : i32
        %sign3A_604 = arith.cmpi slt, %jit3A_591, %sign3A_603 : i32
        %sign3A_605 = arith.extui %sign3A_604 : i1 to i32
        %sign3A_606 = arith.subi %sign3A_602, %sign3A_605 : i32
        %ne3A_607 = arith.cmpi ne, %sign3A_599, %sign3A_606 : i32
        %rem3A_608 = arith.remsi %add3A_254, %jit3A_591 : i32
        %ne3A_609 = arith.constant 0 : i32
        %ne3A_610 = arith.cmpi ne, %rem3A_608, %ne3A_609 : i32
        %and3A_611 = arith.andi %ne3A_607, %ne3A_610 : i1
        %sub3A_612 = arith.constant 1 : i32
        %sub3A_613 = arith.subi %div3A_592, %sub3A_612 : i32
        %select_n3A_614 = arith.select %and3A_611, %sub3A_613, %div3A_592 : i32
        %jit3A_615 = arith.constant 2 : i32
        %eq3A_616 = arith.constant 0 : i32
        %eq3A_617 = arith.cmpi eq, %jit3A_615, %eq3A_616 : i32
        %jit3A_618 = arith.constant 1 : i32
        %select_n3A_619 = arith.select %eq3A_617, %jit3A_618, %jit3A_615 : i32
        %rem3A_620 = arith.remsi %add3A_254, %select_n3A_619 : i32
        %ne3A_621 = arith.constant 0 : i32
        %ne3A_622 = arith.cmpi ne, %rem3A_620, %ne3A_621 : i32
        %lt3A_623 = arith.constant 0 : i32
        %lt3A_624 = arith.cmpi slt, %rem3A_620, %lt3A_623 : i32
        %lt3A_625 = arith.constant 0 : i32
        %lt3A_626 = arith.cmpi slt, %select_n3A_619, %lt3A_625 : i32
        %ne3A_627 = arith.xori %lt3A_624, %lt3A_626 : i1
        %and3A_628 = arith.andi %ne3A_627, %ne3A_622 : i1
        %add3A_629 = arith.addi %rem3A_620, %select_n3A_619 : i32
        %select_n3A_630 = arith.select %and3A_628, %add3A_629, %rem3A_620 : i32
        %add3A_631 = arith.constant 20 : i32
        %add3A_632 = arith.addi %add3A_631, %select_n3A_614 : i32
        %mul3A_633 = arith.constant 128 : i32
        %mul3A_634 = arith.muli %select_n3A_630, %mul3A_633 : i32
        %dma_start3A_635 = tpu.memref_slice %arg9[%add3A_632, %mul3A_634] : memref<52x256xi32, #tpu.memory_space<vmem>> -> memref<1x128xi32, #tpu.memory_space<vmem>>
        %dma_start3A_636 = tpu.memref_squeeze %dma_start3A_635 : memref<1x128xi32, #tpu.memory_space<vmem>> -> memref<128xi32, #tpu.memory_space<vmem>>
        %dma_start3A_637 = arith.constant 0 : i32
        %dma_start3A_638 = arith.constant 0 : i32
        %dma_start3A_639 = tpu.memref_slice %arg4[%dma_start3A_637, %dma_start3A_638] : memref<100000x32xf32, #tpu.memory_space<hbm>> -> memref<100000x32xf32, #tpu.memory_space<hbm>>
        tpu.enqueue_indirect_dma source(%dma_start3A_639 : memref<100000x32xf32, #tpu.memory_space<hbm>>) target(%arg16 : memref<128x32xf32, #tpu.memory_space<vmem>>) offsets(%dma_start3A_636 : memref<128xi32, #tpu.memory_space<vmem>>) semaphore(%arg20 : memref<!tpu.dma_semaphore, #tpu.memory_space<semaphore_mem>>)
      } else {
      }
      %dma_wait3A_268 = arith.constant 0 : i32
      %dma_wait3A_269 = arith.constant 0 : i32
      %dma_wait3A_270 = tpu.memref_slice %arg4[%dma_wait3A_268, %dma_wait3A_269] : memref<100000x32xf32, #tpu.memory_space<hbm>> -> memref<128x32xf32, #tpu.memory_space<hbm>>
      %dma_wait3A_271 = arith.constant 0 : i32
      %dma_wait3A_272 = arith.constant 0 : i32
      %dma_wait3A_273 = tpu.memref_slice %arg4[%dma_wait3A_271, %dma_wait3A_272] : memref<100000x32xf32, #tpu.memory_space<hbm>> -> memref<128x32xf32, #tpu.memory_space<hbm>>
      tpu.wait_dma2 semaphore(%arg19 : memref<!tpu.dma_semaphore, #tpu.memory_space<semaphore_mem>>) src(%dma_wait3A_273 : memref<128x32xf32, #tpu.memory_space<hbm>>) dst(%arg15 : memref<128x32xf32, #tpu.memory_space<vmem>>)
      %jit3A_274 = arith.constant 2 : i32
      %div3A_275 = arith.divsi %add3A_252, %jit3A_274 : i32
      %sign3A_276 = arith.constant 0 : i32
      %sign3A_277 = arith.cmpi sgt, %add3A_252, %sign3A_276 : i32
      %sign3A_278 = arith.extui %sign3A_277 : i1 to i32
      %sign3A_279 = arith.constant 0 : i32
      %sign3A_280 = arith.cmpi slt, %add3A_252, %sign3A_279 : i32
      %sign3A_281 = arith.extui %sign3A_280 : i1 to i32
      %sign3A_282 = arith.subi %sign3A_278, %sign3A_281 : i32
      %sign3A_283 = arith.constant 0 : i32
      %sign3A_284 = arith.cmpi sgt, %jit3A_274, %sign3A_283 : i32
      %sign3A_285 = arith.extui %sign3A_284 : i1 to i32
      %sign3A_286 = arith.constant 0 : i32
      %sign3A_287 = arith.cmpi slt, %jit3A_274, %sign3A_286 : i32
      %sign3A_288 = arith.extui %sign3A_287 : i1 to i32
      %sign3A_289 = arith.subi %sign3A_285, %sign3A_288 : i32
      %ne3A_290 = arith.cmpi ne, %sign3A_282, %sign3A_289 : i32
      %rem3A_291 = arith.remsi %add3A_252, %jit3A_274 : i32
      %ne3A_292 = arith.constant 0 : i32
      %ne3A_293 = arith.cmpi ne, %rem3A_291, %ne3A_292 : i32
      %and3A_294 = arith.andi %ne3A_290, %ne3A_293 : i1
      %sub3A_295 = arith.constant 1 : i32
      %sub3A_296 = arith.subi %div3A_275, %sub3A_295 : i32
      %select_n3A_297 = arith.select %and3A_294, %sub3A_296, %div3A_275 : i32
      %jit3A_298 = arith.constant 2 : i32
      %eq3A_299 = arith.constant 0 : i32
      %eq3A_300 = arith.cmpi eq, %jit3A_298, %eq3A_299 : i32
      %jit3A_301 = arith.constant 1 : i32
      %select_n3A_302 = arith.select %eq3A_300, %jit3A_301, %jit3A_298 : i32
      %rem3A_303 = arith.remsi %add3A_252, %select_n3A_302 : i32
      %ne3A_304 = arith.constant 0 : i32
      %ne3A_305 = arith.cmpi ne, %rem3A_303, %ne3A_304 : i32
      %lt3A_306 = arith.constant 0 : i32
      %lt3A_307 = arith.cmpi slt, %rem3A_303, %lt3A_306 : i32
      %lt3A_308 = arith.constant 0 : i32
      %lt3A_309 = arith.cmpi slt, %select_n3A_302, %lt3A_308 : i32
      %ne3A_310 = arith.xori %lt3A_307, %lt3A_309 : i1
      %and3A_311 = arith.andi %ne3A_310, %ne3A_305 : i1
      %add3A_312 = arith.addi %rem3A_303, %select_n3A_302 : i32
      %select_n3A_313 = arith.select %and3A_311, %add3A_312, %rem3A_303 : i32
      %jit3A_314 = arith.constant 4 : i32
      %div3A_315 = arith.divsi %select_n3A_297, %jit3A_314 : i32
      %sign3A_316 = arith.constant 0 : i32
      %sign3A_317 = arith.cmpi sgt, %select_n3A_297, %sign3A_316 : i32
      %sign3A_318 = arith.extui %sign3A_317 : i1 to i32
      %sign3A_319 = arith.constant 0 : i32
      %sign3A_320 = arith.cmpi slt, %select_n3A_297, %sign3A_319 : i32
      %sign3A_321 = arith.extui %sign3A_320 : i1 to i32
      %sign3A_322 = arith.subi %sign3A_318, %sign3A_321 : i32
      %sign3A_323 = arith.constant 0 : i32
      %sign3A_324 = arith.cmpi sgt, %jit3A_314, %sign3A_323 : i32
      %sign3A_325 = arith.extui %sign3A_324 : i1 to i32
      %sign3A_326 = arith.constant 0 : i32
      %sign3A_327 = arith.cmpi slt, %jit3A_314, %sign3A_326 : i32
      %sign3A_328 = arith.extui %sign3A_327 : i1 to i32
      %sign3A_329 = arith.subi %sign3A_325, %sign3A_328 : i32
      %ne3A_330 = arith.cmpi ne, %sign3A_322, %sign3A_329 : i32
      %rem3A_331 = arith.remsi %select_n3A_297, %jit3A_314 : i32
      %ne3A_332 = arith.constant 0 : i32
      %ne3A_333 = arith.cmpi ne, %rem3A_331, %ne3A_332 : i32
      %and3A_334 = arith.andi %ne3A_330, %ne3A_333 : i1
      %sub3A_335 = arith.constant 1 : i32
      %sub3A_336 = arith.subi %div3A_315, %sub3A_335 : i32
      %select_n3A_337 = arith.select %and3A_334, %sub3A_336, %div3A_315 : i32
      %mul3A_338 = arith.constant 128 : i32
      %mul3A_339 = arith.muli %select_n3A_313, %mul3A_338 : i32
      %add3A_340 = arith.addi %mul3A_2, %mul3A_339 : i32
      %jit3A_341 = arith.constant 4 : i32
      %eq3A_342 = arith.constant 0 : i32
      %eq3A_343 = arith.cmpi eq, %jit3A_341, %eq3A_342 : i32
      %jit3A_344 = arith.constant 1 : i32
      %select_n3A_345 = arith.select %eq3A_343, %jit3A_344, %jit3A_341 : i32
      %rem3A_346 = arith.remsi %select_n3A_297, %select_n3A_345 : i32
      %ne3A_347 = arith.constant 0 : i32
      %ne3A_348 = arith.cmpi ne, %rem3A_346, %ne3A_347 : i32
      %lt3A_349 = arith.constant 0 : i32
      %lt3A_350 = arith.cmpi slt, %rem3A_346, %lt3A_349 : i32
      %lt3A_351 = arith.constant 0 : i32
      %lt3A_352 = arith.cmpi slt, %select_n3A_345, %lt3A_351 : i32
      %ne3A_353 = arith.xori %lt3A_350, %lt3A_352 : i1
      %and3A_354 = arith.andi %ne3A_353, %ne3A_348 : i1
      %add3A_355 = arith.addi %rem3A_346, %select_n3A_345 : i32
      %select_n3A_356 = arith.select %and3A_354, %add3A_355, %rem3A_346 : i32
      %mul3A_357 = arith.constant 32 : i32
      %mul3A_358 = arith.muli %select_n3A_356, %mul3A_357 : i32
      %dma_start3A_359 = tpu.memref_slice %arg7[%select_n3A_337, %add3A_340, %mul3A_358] : memref<5x8192x128xf32, #tpu.memory_space<hbm>> -> memref<1x128x32xf32, #tpu.memory_space<hbm>>
      %dma_start3A_360 = tpu.memref_squeeze %dma_start3A_359 : memref<1x128x32xf32, #tpu.memory_space<hbm>> -> memref<128x32xf32, #tpu.memory_space<hbm>>
      %dma_start3A_361 = tpu.memref_slice %arg7[%select_n3A_337, %add3A_340, %mul3A_358] : memref<5x8192x128xf32, #tpu.memory_space<hbm>> -> memref<1x128x32xf32, #tpu.memory_space<hbm>>
      %dma_start3A_362 = tpu.memref_squeeze %dma_start3A_361 : memref<1x128x32xf32, #tpu.memory_space<hbm>> -> memref<128x32xf32, #tpu.memory_space<hbm>>
      tpu.enqueue_dma source(%arg15 : memref<128x32xf32, #tpu.memory_space<vmem>>) target(%dma_start3A_362 : memref<128x32xf32, #tpu.memory_space<hbm>>) target_semaphore(%arg23 : memref<!tpu.dma_semaphore, #tpu.memory_space<semaphore_mem>>)
      %mul3A_363 = arith.constant 4 : i32
      %mul3A_364 = arith.muli %mul3A_363, %scan3A_147 : i32
      %add3A_365 = arith.constant 2 : i32
      %add3A_366 = arith.addi %mul3A_364, %add3A_365 : i32
      %add3A_367 = arith.constant 1 : i32
      %add3A_368 = arith.addi %add3A_366, %add3A_367 : i32
      %lt3A_369 = arith.constant 40 : i32
      %lt3A_370 = arith.cmpi slt, %add3A_368, %lt3A_369 : i32
      %ge3A_371 = arith.constant 4 : i32
      %ge3A_372 = arith.cmpi sge, %add3A_368, %ge3A_371 : i32
      %and3A_373 = arith.andi %lt3A_370, %ge3A_372 : i1
      %convert_element_type3A_374 = arith.extui %and3A_373 : i1 to i32
      %cond3A_375 = arith.constant 0 : i32
      %cond3A_376 = arith.cmpi ne, %convert_element_type3A_374, %cond3A_375 : i32
      scf.if %cond3A_376 {
        %dma_wait3A_591 = arith.constant 0 : i32
        %dma_wait3A_592 = arith.constant 0 : i32
        %dma_wait3A_593 = arith.constant 0 : i32
        %dma_wait3A_594 = tpu.memref_slice %arg7[%dma_wait3A_591, %dma_wait3A_592, %dma_wait3A_593] : memref<5x8192x128xf32, #tpu.memory_space<hbm>> -> memref<1x128x32xf32, #tpu.memory_space<hbm>>
        %dma_wait3A_595 = tpu.memref_squeeze %dma_wait3A_594 : memref<1x128x32xf32, #tpu.memory_space<hbm>> -> memref<128x32xf32, #tpu.memory_space<hbm>>
        %dma_wait3A_596 = arith.constant 0 : i32
        %dma_wait3A_597 = arith.constant 0 : i32
        %dma_wait3A_598 = tpu.memref_slice %arg7[%dma_wait3A_591, %dma_wait3A_596, %dma_wait3A_597] : memref<5x8192x128xf32, #tpu.memory_space<hbm>> -> memref<1x128x32xf32, #tpu.memory_space<hbm>>
        %dma_wait3A_599 = tpu.memref_squeeze %dma_wait3A_598 : memref<1x128x32xf32, #tpu.memory_space<hbm>> -> memref<128x32xf32, #tpu.memory_space<hbm>>
        tpu.wait_dma2 semaphore(%arg25 : memref<!tpu.dma_semaphore, #tpu.memory_space<semaphore_mem>>) src(%arg17 : memref<128x32xf32, #tpu.memory_space<vmem>>) dst(%dma_wait3A_599 : memref<128x32xf32, #tpu.memory_space<hbm>>)
      } else {
      }
      %lt3A_377 = arith.constant 40 : i32
      %lt3A_378 = arith.cmpi slt, %add3A_368, %lt3A_377 : i32
      %convert_element_type3A_379 = arith.extui %lt3A_378 : i1 to i32
      %cond3A_380 = arith.constant 0 : i32
      %cond3A_381 = arith.cmpi ne, %convert_element_type3A_379, %cond3A_380 : i32
      scf.if %cond3A_381 {
        %jit3A_591 = arith.constant 2 : i32
        %div3A_592 = arith.divsi %add3A_368, %jit3A_591 : i32
        %sign3A_593 = arith.constant 0 : i32
        %sign3A_594 = arith.cmpi sgt, %add3A_368, %sign3A_593 : i32
        %sign3A_595 = arith.extui %sign3A_594 : i1 to i32
        %sign3A_596 = arith.constant 0 : i32
        %sign3A_597 = arith.cmpi slt, %add3A_368, %sign3A_596 : i32
        %sign3A_598 = arith.extui %sign3A_597 : i1 to i32
        %sign3A_599 = arith.subi %sign3A_595, %sign3A_598 : i32
        %sign3A_600 = arith.constant 0 : i32
        %sign3A_601 = arith.cmpi sgt, %jit3A_591, %sign3A_600 : i32
        %sign3A_602 = arith.extui %sign3A_601 : i1 to i32
        %sign3A_603 = arith.constant 0 : i32
        %sign3A_604 = arith.cmpi slt, %jit3A_591, %sign3A_603 : i32
        %sign3A_605 = arith.extui %sign3A_604 : i1 to i32
        %sign3A_606 = arith.subi %sign3A_602, %sign3A_605 : i32
        %ne3A_607 = arith.cmpi ne, %sign3A_599, %sign3A_606 : i32
        %rem3A_608 = arith.remsi %add3A_368, %jit3A_591 : i32
        %ne3A_609 = arith.constant 0 : i32
        %ne3A_610 = arith.cmpi ne, %rem3A_608, %ne3A_609 : i32
        %and3A_611 = arith.andi %ne3A_607, %ne3A_610 : i1
        %sub3A_612 = arith.constant 1 : i32
        %sub3A_613 = arith.subi %div3A_592, %sub3A_612 : i32
        %select_n3A_614 = arith.select %and3A_611, %sub3A_613, %div3A_592 : i32
        %jit3A_615 = arith.constant 2 : i32
        %eq3A_616 = arith.constant 0 : i32
        %eq3A_617 = arith.cmpi eq, %jit3A_615, %eq3A_616 : i32
        %jit3A_618 = arith.constant 1 : i32
        %select_n3A_619 = arith.select %eq3A_617, %jit3A_618, %jit3A_615 : i32
        %rem3A_620 = arith.remsi %add3A_368, %select_n3A_619 : i32
        %ne3A_621 = arith.constant 0 : i32
        %ne3A_622 = arith.cmpi ne, %rem3A_620, %ne3A_621 : i32
        %lt3A_623 = arith.constant 0 : i32
        %lt3A_624 = arith.cmpi slt, %rem3A_620, %lt3A_623 : i32
        %lt3A_625 = arith.constant 0 : i32
        %lt3A_626 = arith.cmpi slt, %select_n3A_619, %lt3A_625 : i32
        %ne3A_627 = arith.xori %lt3A_624, %lt3A_626 : i1
        %and3A_628 = arith.andi %ne3A_627, %ne3A_622 : i1
        %add3A_629 = arith.addi %rem3A_620, %select_n3A_619 : i32
        %select_n3A_630 = arith.select %and3A_628, %add3A_629, %rem3A_620 : i32
        %add3A_631 = arith.constant 20 : i32
        %add3A_632 = arith.addi %add3A_631, %select_n3A_614 : i32
        %mul3A_633 = arith.constant 128 : i32
        %mul3A_634 = arith.muli %select_n3A_630, %mul3A_633 : i32
        %dma_start3A_635 = tpu.memref_slice %arg9[%add3A_632, %mul3A_634] : memref<52x256xi32, #tpu.memory_space<vmem>> -> memref<1x128xi32, #tpu.memory_space<vmem>>
        %dma_start3A_636 = tpu.memref_squeeze %dma_start3A_635 : memref<1x128xi32, #tpu.memory_space<vmem>> -> memref<128xi32, #tpu.memory_space<vmem>>
        %dma_start3A_637 = arith.constant 0 : i32
        %dma_start3A_638 = arith.constant 0 : i32
        %dma_start3A_639 = tpu.memref_slice %arg4[%dma_start3A_637, %dma_start3A_638] : memref<100000x32xf32, #tpu.memory_space<hbm>> -> memref<100000x32xf32, #tpu.memory_space<hbm>>
        tpu.enqueue_indirect_dma source(%dma_start3A_639 : memref<100000x32xf32, #tpu.memory_space<hbm>>) target(%arg17 : memref<128x32xf32, #tpu.memory_space<vmem>>) offsets(%dma_start3A_636 : memref<128xi32, #tpu.memory_space<vmem>>) semaphore(%arg21 : memref<!tpu.dma_semaphore, #tpu.memory_space<semaphore_mem>>)
      } else {
      }
      %dma_wait3A_382 = arith.constant 0 : i32
      %dma_wait3A_383 = arith.constant 0 : i32
      %dma_wait3A_384 = tpu.memref_slice %arg4[%dma_wait3A_382, %dma_wait3A_383] : memref<100000x32xf32, #tpu.memory_space<hbm>> -> memref<128x32xf32, #tpu.memory_space<hbm>>
      %dma_wait3A_385 = arith.constant 0 : i32
      %dma_wait3A_386 = arith.constant 0 : i32
      %dma_wait3A_387 = tpu.memref_slice %arg4[%dma_wait3A_385, %dma_wait3A_386] : memref<100000x32xf32, #tpu.memory_space<hbm>> -> memref<128x32xf32, #tpu.memory_space<hbm>>
      tpu.wait_dma2 semaphore(%arg20 : memref<!tpu.dma_semaphore, #tpu.memory_space<semaphore_mem>>) src(%dma_wait3A_387 : memref<128x32xf32, #tpu.memory_space<hbm>>) dst(%arg16 : memref<128x32xf32, #tpu.memory_space<vmem>>)
      %jit3A_388 = arith.constant 2 : i32
      %div3A_389 = arith.divsi %add3A_366, %jit3A_388 : i32
      %sign3A_390 = arith.constant 0 : i32
      %sign3A_391 = arith.cmpi sgt, %add3A_366, %sign3A_390 : i32
      %sign3A_392 = arith.extui %sign3A_391 : i1 to i32
      %sign3A_393 = arith.constant 0 : i32
      %sign3A_394 = arith.cmpi slt, %add3A_366, %sign3A_393 : i32
      %sign3A_395 = arith.extui %sign3A_394 : i1 to i32
      %sign3A_396 = arith.subi %sign3A_392, %sign3A_395 : i32
      %sign3A_397 = arith.constant 0 : i32
      %sign3A_398 = arith.cmpi sgt, %jit3A_388, %sign3A_397 : i32
      %sign3A_399 = arith.extui %sign3A_398 : i1 to i32
      %sign3A_400 = arith.constant 0 : i32
      %sign3A_401 = arith.cmpi slt, %jit3A_388, %sign3A_400 : i32
      %sign3A_402 = arith.extui %sign3A_401 : i1 to i32
      %sign3A_403 = arith.subi %sign3A_399, %sign3A_402 : i32
      %ne3A_404 = arith.cmpi ne, %sign3A_396, %sign3A_403 : i32
      %rem3A_405 = arith.remsi %add3A_366, %jit3A_388 : i32
      %ne3A_406 = arith.constant 0 : i32
      %ne3A_407 = arith.cmpi ne, %rem3A_405, %ne3A_406 : i32
      %and3A_408 = arith.andi %ne3A_404, %ne3A_407 : i1
      %sub3A_409 = arith.constant 1 : i32
      %sub3A_410 = arith.subi %div3A_389, %sub3A_409 : i32
      %select_n3A_411 = arith.select %and3A_408, %sub3A_410, %div3A_389 : i32
      %jit3A_412 = arith.constant 2 : i32
      %eq3A_413 = arith.constant 0 : i32
      %eq3A_414 = arith.cmpi eq, %jit3A_412, %eq3A_413 : i32
      %jit3A_415 = arith.constant 1 : i32
      %select_n3A_416 = arith.select %eq3A_414, %jit3A_415, %jit3A_412 : i32
      %rem3A_417 = arith.remsi %add3A_366, %select_n3A_416 : i32
      %ne3A_418 = arith.constant 0 : i32
      %ne3A_419 = arith.cmpi ne, %rem3A_417, %ne3A_418 : i32
      %lt3A_420 = arith.constant 0 : i32
      %lt3A_421 = arith.cmpi slt, %rem3A_417, %lt3A_420 : i32
      %lt3A_422 = arith.constant 0 : i32
      %lt3A_423 = arith.cmpi slt, %select_n3A_416, %lt3A_422 : i32
      %ne3A_424 = arith.xori %lt3A_421, %lt3A_423 : i1
      %and3A_425 = arith.andi %ne3A_424, %ne3A_419 : i1
      %add3A_426 = arith.addi %rem3A_417, %select_n3A_416 : i32
      %select_n3A_427 = arith.select %and3A_425, %add3A_426, %rem3A_417 : i32
      %jit3A_428 = arith.constant 4 : i32
      %div3A_429 = arith.divsi %select_n3A_411, %jit3A_428 : i32
      %sign3A_430 = arith.constant 0 : i32
      %sign3A_431 = arith.cmpi sgt, %select_n3A_411, %sign3A_430 : i32
      %sign3A_432 = arith.extui %sign3A_431 : i1 to i32
      %sign3A_433 = arith.constant 0 : i32
      %sign3A_434 = arith.cmpi slt, %select_n3A_411, %sign3A_433 : i32
      %sign3A_435 = arith.extui %sign3A_434 : i1 to i32
      %sign3A_436 = arith.subi %sign3A_432, %sign3A_435 : i32
      %sign3A_437 = arith.constant 0 : i32
      %sign3A_438 = arith.cmpi sgt, %jit3A_428, %sign3A_437 : i32
      %sign3A_439 = arith.extui %sign3A_438 : i1 to i32
      %sign3A_440 = arith.constant 0 : i32
      %sign3A_441 = arith.cmpi slt, %jit3A_428, %sign3A_440 : i32
      %sign3A_442 = arith.extui %sign3A_441 : i1 to i32
      %sign3A_443 = arith.subi %sign3A_439, %sign3A_442 : i32
      %ne3A_444 = arith.cmpi ne, %sign3A_436, %sign3A_443 : i32
      %rem3A_445 = arith.remsi %select_n3A_411, %jit3A_428 : i32
      %ne3A_446 = arith.constant 0 : i32
      %ne3A_447 = arith.cmpi ne, %rem3A_445, %ne3A_446 : i32
      %and3A_448 = arith.andi %ne3A_444, %ne3A_447 : i1
      %sub3A_449 = arith.constant 1 : i32
      %sub3A_450 = arith.subi %div3A_429, %sub3A_449 : i32
      %select_n3A_451 = arith.select %and3A_448, %sub3A_450, %div3A_429 : i32
      %mul3A_452 = arith.constant 128 : i32
      %mul3A_453 = arith.muli %select_n3A_427, %mul3A_452 : i32
      %add3A_454 = arith.addi %mul3A_2, %mul3A_453 : i32
      %jit3A_455 = arith.constant 4 : i32
      %eq3A_456 = arith.constant 0 : i32
      %eq3A_457 = arith.cmpi eq, %jit3A_455, %eq3A_456 : i32
      %jit3A_458 = arith.constant 1 : i32
      %select_n3A_459 = arith.select %eq3A_457, %jit3A_458, %jit3A_455 : i32
      %rem3A_460 = arith.remsi %select_n3A_411, %select_n3A_459 : i32
      %ne3A_461 = arith.constant 0 : i32
      %ne3A_462 = arith.cmpi ne, %rem3A_460, %ne3A_461 : i32
      %lt3A_463 = arith.constant 0 : i32
      %lt3A_464 = arith.cmpi slt, %rem3A_460, %lt3A_463 : i32
      %lt3A_465 = arith.constant 0 : i32
      %lt3A_466 = arith.cmpi slt, %select_n3A_459, %lt3A_465 : i32
      %ne3A_467 = arith.xori %lt3A_464, %lt3A_466 : i1
      %and3A_468 = arith.andi %ne3A_467, %ne3A_462 : i1
      %add3A_469 = arith.addi %rem3A_460, %select_n3A_459 : i32
      %select_n3A_470 = arith.select %and3A_468, %add3A_469, %rem3A_460 : i32
      %mul3A_471 = arith.constant 32 : i32
      %mul3A_472 = arith.muli %select_n3A_470, %mul3A_471 : i32
      %dma_start3A_473 = tpu.memref_slice %arg7[%select_n3A_451, %add3A_454, %mul3A_472] : memref<5x8192x128xf32, #tpu.memory_space<hbm>> -> memref<1x128x32xf32, #tpu.memory_space<hbm>>
      %dma_start3A_474 = tpu.memref_squeeze %dma_start3A_473 : memref<1x128x32xf32, #tpu.memory_space<hbm>> -> memref<128x32xf32, #tpu.memory_space<hbm>>
      %dma_start3A_475 = tpu.memref_slice %arg7[%select_n3A_451, %add3A_454, %mul3A_472] : memref<5x8192x128xf32, #tpu.memory_space<hbm>> -> memref<1x128x32xf32, #tpu.memory_space<hbm>>
      %dma_start3A_476 = tpu.memref_squeeze %dma_start3A_475 : memref<1x128x32xf32, #tpu.memory_space<hbm>> -> memref<128x32xf32, #tpu.memory_space<hbm>>
      tpu.enqueue_dma source(%arg16 : memref<128x32xf32, #tpu.memory_space<vmem>>) target(%dma_start3A_476 : memref<128x32xf32, #tpu.memory_space<hbm>>) target_semaphore(%arg24 : memref<!tpu.dma_semaphore, #tpu.memory_space<semaphore_mem>>)
      %mul3A_477 = arith.constant 4 : i32
      %mul3A_478 = arith.muli %mul3A_477, %scan3A_147 : i32
      %add3A_479 = arith.constant 3 : i32
      %add3A_480 = arith.addi %mul3A_478, %add3A_479 : i32
      %add3A_481 = arith.constant 1 : i32
      %add3A_482 = arith.addi %add3A_480, %add3A_481 : i32
      %lt3A_483 = arith.constant 40 : i32
      %lt3A_484 = arith.cmpi slt, %add3A_482, %lt3A_483 : i32
      %ge3A_485 = arith.constant 4 : i32
      %ge3A_486 = arith.cmpi sge, %add3A_482, %ge3A_485 : i32
      %and3A_487 = arith.andi %lt3A_484, %ge3A_486 : i1
      %convert_element_type3A_488 = arith.extui %and3A_487 : i1 to i32
      %cond3A_489 = arith.constant 0 : i32
      %cond3A_490 = arith.cmpi ne, %convert_element_type3A_488, %cond3A_489 : i32
      scf.if %cond3A_490 {
        %dma_wait3A_591 = arith.constant 0 : i32
        %dma_wait3A_592 = arith.constant 0 : i32
        %dma_wait3A_593 = arith.constant 0 : i32
        %dma_wait3A_594 = tpu.memref_slice %arg7[%dma_wait3A_591, %dma_wait3A_592, %dma_wait3A_593] : memref<5x8192x128xf32, #tpu.memory_space<hbm>> -> memref<1x128x32xf32, #tpu.memory_space<hbm>>
        %dma_wait3A_595 = tpu.memref_squeeze %dma_wait3A_594 : memref<1x128x32xf32, #tpu.memory_space<hbm>> -> memref<128x32xf32, #tpu.memory_space<hbm>>
        %dma_wait3A_596 = arith.constant 0 : i32
        %dma_wait3A_597 = arith.constant 0 : i32
        %dma_wait3A_598 = tpu.memref_slice %arg7[%dma_wait3A_591, %dma_wait3A_596, %dma_wait3A_597] : memref<5x8192x128xf32, #tpu.memory_space<hbm>> -> memref<1x128x32xf32, #tpu.memory_space<hbm>>
        %dma_wait3A_599 = tpu.memref_squeeze %dma_wait3A_598 : memref<1x128x32xf32, #tpu.memory_space<hbm>> -> memref<128x32xf32, #tpu.memory_space<hbm>>
        tpu.wait_dma2 semaphore(%arg22 : memref<!tpu.dma_semaphore, #tpu.memory_space<semaphore_mem>>) src(%arg14 : memref<128x32xf32, #tpu.memory_space<vmem>>) dst(%dma_wait3A_599 : memref<128x32xf32, #tpu.memory_space<hbm>>)
      } else {
      }
      %lt3A_491 = arith.constant 40 : i32
      %lt3A_492 = arith.cmpi slt, %add3A_482, %lt3A_491 : i32
      %convert_element_type3A_493 = arith.extui %lt3A_492 : i1 to i32
      %cond3A_494 = arith.constant 0 : i32
      %cond3A_495 = arith.cmpi ne, %convert_element_type3A_493, %cond3A_494 : i32
      scf.if %cond3A_495 {
        %jit3A_591 = arith.constant 2 : i32
        %div3A_592 = arith.divsi %add3A_482, %jit3A_591 : i32
        %sign3A_593 = arith.constant 0 : i32
        %sign3A_594 = arith.cmpi sgt, %add3A_482, %sign3A_593 : i32
        %sign3A_595 = arith.extui %sign3A_594 : i1 to i32
        %sign3A_596 = arith.constant 0 : i32
        %sign3A_597 = arith.cmpi slt, %add3A_482, %sign3A_596 : i32
        %sign3A_598 = arith.extui %sign3A_597 : i1 to i32
        %sign3A_599 = arith.subi %sign3A_595, %sign3A_598 : i32
        %sign3A_600 = arith.constant 0 : i32
        %sign3A_601 = arith.cmpi sgt, %jit3A_591, %sign3A_600 : i32
        %sign3A_602 = arith.extui %sign3A_601 : i1 to i32
        %sign3A_603 = arith.constant 0 : i32
        %sign3A_604 = arith.cmpi slt, %jit3A_591, %sign3A_603 : i32
        %sign3A_605 = arith.extui %sign3A_604 : i1 to i32
        %sign3A_606 = arith.subi %sign3A_602, %sign3A_605 : i32
        %ne3A_607 = arith.cmpi ne, %sign3A_599, %sign3A_606 : i32
        %rem3A_608 = arith.remsi %add3A_482, %jit3A_591 : i32
        %ne3A_609 = arith.constant 0 : i32
        %ne3A_610 = arith.cmpi ne, %rem3A_608, %ne3A_609 : i32
        %and3A_611 = arith.andi %ne3A_607, %ne3A_610 : i1
        %sub3A_612 = arith.constant 1 : i32
        %sub3A_613 = arith.subi %div3A_592, %sub3A_612 : i32
        %select_n3A_614 = arith.select %and3A_611, %sub3A_613, %div3A_592 : i32
        %jit3A_615 = arith.constant 2 : i32
        %eq3A_616 = arith.constant 0 : i32
        %eq3A_617 = arith.cmpi eq, %jit3A_615, %eq3A_616 : i32
        %jit3A_618 = arith.constant 1 : i32
        %select_n3A_619 = arith.select %eq3A_617, %jit3A_618, %jit3A_615 : i32
        %rem3A_620 = arith.remsi %add3A_482, %select_n3A_619 : i32
        %ne3A_621 = arith.constant 0 : i32
        %ne3A_622 = arith.cmpi ne, %rem3A_620, %ne3A_621 : i32
        %lt3A_623 = arith.constant 0 : i32
        %lt3A_624 = arith.cmpi slt, %rem3A_620, %lt3A_623 : i32
        %lt3A_625 = arith.constant 0 : i32
        %lt3A_626 = arith.cmpi slt, %select_n3A_619, %lt3A_625 : i32
        %ne3A_627 = arith.xori %lt3A_624, %lt3A_626 : i1
        %and3A_628 = arith.andi %ne3A_627, %ne3A_622 : i1
        %add3A_629 = arith.addi %rem3A_620, %select_n3A_619 : i32
        %select_n3A_630 = arith.select %and3A_628, %add3A_629, %rem3A_620 : i32
        %add3A_631 = arith.constant 20 : i32
        %add3A_632 = arith.addi %add3A_631, %select_n3A_614 : i32
        %mul3A_633 = arith.constant 128 : i32
        %mul3A_634 = arith.muli %select_n3A_630, %mul3A_633 : i32
        %dma_start3A_635 = tpu.memref_slice %arg9[%add3A_632, %mul3A_634] : memref<52x256xi32, #tpu.memory_space<vmem>> -> memref<1x128xi32, #tpu.memory_space<vmem>>
        %dma_start3A_636 = tpu.memref_squeeze %dma_start3A_635 : memref<1x128xi32, #tpu.memory_space<vmem>> -> memref<128xi32, #tpu.memory_space<vmem>>
        %dma_start3A_637 = arith.constant 0 : i32
        %dma_start3A_638 = arith.constant 0 : i32
        %dma_start3A_639 = tpu.memref_slice %arg4[%dma_start3A_637, %dma_start3A_638] : memref<100000x32xf32, #tpu.memory_space<hbm>> -> memref<100000x32xf32, #tpu.memory_space<hbm>>
        tpu.enqueue_indirect_dma source(%dma_start3A_639 : memref<100000x32xf32, #tpu.memory_space<hbm>>) target(%arg14 : memref<128x32xf32, #tpu.memory_space<vmem>>) offsets(%dma_start3A_636 : memref<128xi32, #tpu.memory_space<vmem>>) semaphore(%arg18 : memref<!tpu.dma_semaphore, #tpu.memory_space<semaphore_mem>>)
      } else {
      }
      %dma_wait3A_496 = arith.constant 0 : i32
      %dma_wait3A_497 = arith.constant 0 : i32
      %dma_wait3A_498 = tpu.memref_slice %arg4[%dma_wait3A_496, %dma_wait3A_497] : memref<100000x32xf32, #tpu.memory_space<hbm>> -> memref<128x32xf32, #tpu.memory_space<hbm>>
      %dma_wait3A_499 = arith.constant 0 : i32
      %dma_wait3A_500 = arith.constant 0 : i32
      %dma_wait3A_501 = tpu.memref_slice %arg4[%dma_wait3A_499, %dma_wait3A_500] : memref<100000x32xf32, #tpu.memory_space<hbm>> -> memref<128x32xf32, #tpu.memory_space<hbm>>
      tpu.wait_dma2 semaphore(%arg21 : memref<!tpu.dma_semaphore, #tpu.memory_space<semaphore_mem>>) src(%dma_wait3A_501 : memref<128x32xf32, #tpu.memory_space<hbm>>) dst(%arg17 : memref<128x32xf32, #tpu.memory_space<vmem>>)
      %jit3A_502 = arith.constant 2 : i32
      %div3A_503 = arith.divsi %add3A_480, %jit3A_502 : i32
      %sign3A_504 = arith.constant 0 : i32
      %sign3A_505 = arith.cmpi sgt, %add3A_480, %sign3A_504 : i32
      %sign3A_506 = arith.extui %sign3A_505 : i1 to i32
      %sign3A_507 = arith.constant 0 : i32
      %sign3A_508 = arith.cmpi slt, %add3A_480, %sign3A_507 : i32
      %sign3A_509 = arith.extui %sign3A_508 : i1 to i32
      %sign3A_510 = arith.subi %sign3A_506, %sign3A_509 : i32
      %sign3A_511 = arith.constant 0 : i32
      %sign3A_512 = arith.cmpi sgt, %jit3A_502, %sign3A_511 : i32
      %sign3A_513 = arith.extui %sign3A_512 : i1 to i32
      %sign3A_514 = arith.constant 0 : i32
      %sign3A_515 = arith.cmpi slt, %jit3A_502, %sign3A_514 : i32
      %sign3A_516 = arith.extui %sign3A_515 : i1 to i32
      %sign3A_517 = arith.subi %sign3A_513, %sign3A_516 : i32
      %ne3A_518 = arith.cmpi ne, %sign3A_510, %sign3A_517 : i32
      %rem3A_519 = arith.remsi %add3A_480, %jit3A_502 : i32
      %ne3A_520 = arith.constant 0 : i32
      %ne3A_521 = arith.cmpi ne, %rem3A_519, %ne3A_520 : i32
      %and3A_522 = arith.andi %ne3A_518, %ne3A_521 : i1
      %sub3A_523 = arith.constant 1 : i32
      %sub3A_524 = arith.subi %div3A_503, %sub3A_523 : i32
      %select_n3A_525 = arith.select %and3A_522, %sub3A_524, %div3A_503 : i32
      %jit3A_526 = arith.constant 2 : i32
      %eq3A_527 = arith.constant 0 : i32
      %eq3A_528 = arith.cmpi eq, %jit3A_526, %eq3A_527 : i32
      %jit3A_529 = arith.constant 1 : i32
      %select_n3A_530 = arith.select %eq3A_528, %jit3A_529, %jit3A_526 : i32
      %rem3A_531 = arith.remsi %add3A_480, %select_n3A_530 : i32
      %ne3A_532 = arith.constant 0 : i32
      %ne3A_533 = arith.cmpi ne, %rem3A_531, %ne3A_532 : i32
      %lt3A_534 = arith.constant 0 : i32
      %lt3A_535 = arith.cmpi slt, %rem3A_531, %lt3A_534 : i32
      %lt3A_536 = arith.constant 0 : i32
      %lt3A_537 = arith.cmpi slt, %select_n3A_530, %lt3A_536 : i32
      %ne3A_538 = arith.xori %lt3A_535, %lt3A_537 : i1
      %and3A_539 = arith.andi %ne3A_538, %ne3A_533 : i1
      %add3A_540 = arith.addi %rem3A_531, %select_n3A_530 : i32
      %select_n3A_541 = arith.select %and3A_539, %add3A_540, %rem3A_531 : i32
      %jit3A_542 = arith.constant 4 : i32
      %div3A_543 = arith.divsi %select_n3A_525, %jit3A_542 : i32
      %sign3A_544 = arith.constant 0 : i32
      %sign3A_545 = arith.cmpi sgt, %select_n3A_525, %sign3A_544 : i32
      %sign3A_546 = arith.extui %sign3A_545 : i1 to i32
      %sign3A_547 = arith.constant 0 : i32
      %sign3A_548 = arith.cmpi slt, %select_n3A_525, %sign3A_547 : i32
      %sign3A_549 = arith.extui %sign3A_548 : i1 to i32
      %sign3A_550 = arith.subi %sign3A_546, %sign3A_549 : i32
      %sign3A_551 = arith.constant 0 : i32
      %sign3A_552 = arith.cmpi sgt, %jit3A_542, %sign3A_551 : i32
      %sign3A_553 = arith.extui %sign3A_552 : i1 to i32
      %sign3A_554 = arith.constant 0 : i32
      %sign3A_555 = arith.cmpi slt, %jit3A_542, %sign3A_554 : i32
      %sign3A_556 = arith.extui %sign3A_555 : i1 to i32
      %sign3A_557 = arith.subi %sign3A_553, %sign3A_556 : i32
      %ne3A_558 = arith.cmpi ne, %sign3A_550, %sign3A_557 : i32
      %rem3A_559 = arith.remsi %select_n3A_525, %jit3A_542 : i32
      %ne3A_560 = arith.constant 0 : i32
      %ne3A_561 = arith.cmpi ne, %rem3A_559, %ne3A_560 : i32
      %and3A_562 = arith.andi %ne3A_558, %ne3A_561 : i1
      %sub3A_563 = arith.constant 1 : i32
      %sub3A_564 = arith.subi %div3A_543, %sub3A_563 : i32
      %select_n3A_565 = arith.select %and3A_562, %sub3A_564, %div3A_543 : i32
      %mul3A_566 = arith.constant 128 : i32
      %mul3A_567 = arith.muli %select_n3A_541, %mul3A_566 : i32
      %add3A_568 = arith.addi %mul3A_2, %mul3A_567 : i32
      %jit3A_569 = arith.constant 4 : i32
      %eq3A_570 = arith.constant 0 : i32
      %eq3A_571 = arith.cmpi eq, %jit3A_569, %eq3A_570 : i32
      %jit3A_572 = arith.constant 1 : i32
      %select_n3A_573 = arith.select %eq3A_571, %jit3A_572, %jit3A_569 : i32
      %rem3A_574 = arith.remsi %select_n3A_525, %select_n3A_573 : i32
      %ne3A_575 = arith.constant 0 : i32
      %ne3A_576 = arith.cmpi ne, %rem3A_574, %ne3A_575 : i32
      %lt3A_577 = arith.constant 0 : i32
      %lt3A_578 = arith.cmpi slt, %rem3A_574, %lt3A_577 : i32
      %lt3A_579 = arith.constant 0 : i32
      %lt3A_580 = arith.cmpi slt, %select_n3A_573, %lt3A_579 : i32
      %ne3A_581 = arith.xori %lt3A_578, %lt3A_580 : i1
      %and3A_582 = arith.andi %ne3A_581, %ne3A_576 : i1
      %add3A_583 = arith.addi %rem3A_574, %select_n3A_573 : i32
      %select_n3A_584 = arith.select %and3A_582, %add3A_583, %rem3A_574 : i32
      %mul3A_585 = arith.constant 32 : i32
      %mul3A_586 = arith.muli %select_n3A_584, %mul3A_585 : i32
      %dma_start3A_587 = tpu.memref_slice %arg7[%select_n3A_565, %add3A_568, %mul3A_586] : memref<5x8192x128xf32, #tpu.memory_space<hbm>> -> memref<1x128x32xf32, #tpu.memory_space<hbm>>
      %dma_start3A_588 = tpu.memref_squeeze %dma_start3A_587 : memref<1x128x32xf32, #tpu.memory_space<hbm>> -> memref<128x32xf32, #tpu.memory_space<hbm>>
      %dma_start3A_589 = tpu.memref_slice %arg7[%select_n3A_565, %add3A_568, %mul3A_586] : memref<5x8192x128xf32, #tpu.memory_space<hbm>> -> memref<1x128x32xf32, #tpu.memory_space<hbm>>
      %dma_start3A_590 = tpu.memref_squeeze %dma_start3A_589 : memref<1x128x32xf32, #tpu.memory_space<hbm>> -> memref<128x32xf32, #tpu.memory_space<hbm>>
      tpu.enqueue_dma source(%arg17 : memref<128x32xf32, #tpu.memory_space<vmem>>) target(%dma_start3A_590 : memref<128x32xf32, #tpu.memory_space<hbm>>) target_semaphore(%arg25 : memref<!tpu.dma_semaphore, #tpu.memory_space<semaphore_mem>>)
    }
    %scan3A_61 = arith.constant 10 : i32
    %dma_wait3A_62 = arith.constant 0 : i32
    %dma_wait3A_63 = arith.constant 0 : i32
    %dma_wait3A_64 = arith.constant 0 : i32
    %dma_wait3A_65 = tpu.memref_slice %arg7[%dma_wait3A_62, %dma_wait3A_63, %dma_wait3A_64] : memref<5x8192x128xf32, #tpu.memory_space<hbm>> -> memref<1x128x32xf32, #tpu.memory_space<hbm>>
    %dma_wait3A_66 = tpu.memref_squeeze %dma_wait3A_65 : memref<1x128x32xf32, #tpu.memory_space<hbm>> -> memref<128x32xf32, #tpu.memory_space<hbm>>
    %dma_wait3A_67 = arith.constant 0 : i32
    %dma_wait3A_68 = arith.constant 0 : i32
    %dma_wait3A_69 = tpu.memref_slice %arg7[%dma_wait3A_62, %dma_wait3A_67, %dma_wait3A_68] : memref<5x8192x128xf32, #tpu.memory_space<hbm>> -> memref<1x128x32xf32, #tpu.memory_space<hbm>>
    %dma_wait3A_70 = tpu.memref_squeeze %dma_wait3A_69 : memref<1x128x32xf32, #tpu.memory_space<hbm>> -> memref<128x32xf32, #tpu.memory_space<hbm>>
    tpu.wait_dma2 semaphore(%arg22 : memref<!tpu.dma_semaphore, #tpu.memory_space<semaphore_mem>>) src(%arg14 : memref<128x32xf32, #tpu.memory_space<vmem>>) dst(%dma_wait3A_70 : memref<128x32xf32, #tpu.memory_space<hbm>>)
    %dma_wait3A_71 = arith.constant 0 : i32
    %dma_wait3A_72 = arith.constant 0 : i32
    %dma_wait3A_73 = arith.constant 0 : i32
    %dma_wait3A_74 = tpu.memref_slice %arg7[%dma_wait3A_71, %dma_wait3A_72, %dma_wait3A_73] : memref<5x8192x128xf32, #tpu.memory_space<hbm>> -> memref<1x128x32xf32, #tpu.memory_space<hbm>>
    %dma_wait3A_75 = tpu.memref_squeeze %dma_wait3A_74 : memref<1x128x32xf32, #tpu.memory_space<hbm>> -> memref<128x32xf32, #tpu.memory_space<hbm>>
    %dma_wait3A_76 = arith.constant 0 : i32
    %dma_wait3A_77 = arith.constant 0 : i32
    %dma_wait3A_78 = tpu.memref_slice %arg7[%dma_wait3A_71, %dma_wait3A_76, %dma_wait3A_77] : memref<5x8192x128xf32, #tpu.memory_space<hbm>> -> memref<1x128x32xf32, #tpu.memory_space<hbm>>
    %dma_wait3A_79 = tpu.memref_squeeze %dma_wait3A_78 : memref<1x128x32xf32, #tpu.memory_space<hbm>> -> memref<128x32xf32, #tpu.memory_space<hbm>>
    tpu.wait_dma2 semaphore(%arg23 : memref<!tpu.dma_semaphore, #tpu.memory_space<semaphore_mem>>) src(%arg15 : memref<128x32xf32, #tpu.memory_space<vmem>>) dst(%dma_wait3A_79 : memref<128x32xf32, #tpu.memory_space<hbm>>)
    %dma_wait3A_80 = arith.constant 0 : i32
    %dma_wait3A_81 = arith.constant 0 : i32
    %dma_wait3A_82 = arith.constant 0 : i32
    %dma_wait3A_83 = tpu.memref_slice %arg7[%dma_wait3A_80, %dma_wait3A_81, %dma_wait3A_82] : memref<5x8192x128xf32, #tpu.memory_space<hbm>> -> memref<1x128x32xf32, #tpu.memory_space<hbm>>
    %dma_wait3A_84 = tpu.memref_squeeze %dma_wait3A_83 : memref<1x128x32xf32, #tpu.memory_space<hbm>> -> memref<128x32xf32, #tpu.memory_space<hbm>>
    %dma_wait3A_85 = arith.constant 0 : i32
    %dma_wait3A_86 = arith.constant 0 : i32
    %dma_wait3A_87 = tpu.memref_slice %arg7[%dma_wait3A_80, %dma_wait3A_85, %dma_wait3A_86] : memref<5x8192x128xf32, #tpu.memory_space<hbm>> -> memref<1x128x32xf32, #tpu.memory_space<hbm>>
    %dma_wait3A_88 = tpu.memref_squeeze %dma_wait3A_87 : memref<1x128x32xf32, #tpu.memory_space<hbm>> -> memref<128x32xf32, #tpu.memory_space<hbm>>
    tpu.wait_dma2 semaphore(%arg24 : memref<!tpu.dma_semaphore, #tpu.memory_space<semaphore_mem>>) src(%arg16 : memref<128x32xf32, #tpu.memory_space<vmem>>) dst(%dma_wait3A_88 : memref<128x32xf32, #tpu.memory_space<hbm>>)
    %dma_wait3A_89 = arith.constant 0 : i32
    %dma_wait3A_90 = arith.constant 0 : i32
    %dma_wait3A_91 = arith.constant 0 : i32
    %dma_wait3A_92 = tpu.memref_slice %arg7[%dma_wait3A_89, %dma_wait3A_90, %dma_wait3A_91] : memref<5x8192x128xf32, #tpu.memory_space<hbm>> -> memref<1x128x32xf32, #tpu.memory_space<hbm>>
    %dma_wait3A_93 = tpu.memref_squeeze %dma_wait3A_92 : memref<1x128x32xf32, #tpu.memory_space<hbm>> -> memref<128x32xf32, #tpu.memory_space<hbm>>
    %dma_wait3A_94 = arith.constant 0 : i32
    %dma_wait3A_95 = arith.constant 0 : i32
    %dma_wait3A_96 = tpu.memref_slice %arg7[%dma_wait3A_89, %dma_wait3A_94, %dma_wait3A_95] : memref<5x8192x128xf32, #tpu.memory_space<hbm>> -> memref<1x128x32xf32, #tpu.memory_space<hbm>>
    %dma_wait3A_97 = tpu.memref_squeeze %dma_wait3A_96 : memref<1x128x32xf32, #tpu.memory_space<hbm>> -> memref<128x32xf32, #tpu.memory_space<hbm>>
    tpu.wait_dma2 semaphore(%arg25 : memref<!tpu.dma_semaphore, #tpu.memory_space<semaphore_mem>>) src(%arg17 : memref<128x32xf32, #tpu.memory_space<vmem>>) dst(%dma_wait3A_97 : memref<128x32xf32, #tpu.memory_space<hbm>>)
    %dma_start3A_98 = arith.constant 40 : i32
    %dma_start3A_99 = arith.constant 0 : i32
    %dma_start3A_100 = tpu.memref_slice %arg9[%dma_start3A_98, %dma_start3A_99] : memref<52x256xi32, #tpu.memory_space<vmem>> -> memref<1x128xi32, #tpu.memory_space<vmem>>
    %dma_start3A_101 = tpu.memref_squeeze %dma_start3A_100 : memref<1x128xi32, #tpu.memory_space<vmem>> -> memref<128xi32, #tpu.memory_space<vmem>>
    %dma_start3A_102 = arith.constant 0 : i32
    %dma_start3A_103 = arith.constant 0 : i32
    %dma_start3A_104 = tpu.memref_slice %arg5[%dma_start3A_102, %dma_start3A_103] : memref<100000x32xf32, #tpu.memory_space<hbm>> -> memref<100000x32xf32, #tpu.memory_space<hbm>>
    tpu.enqueue_indirect_dma source(%dma_start3A_104 : memref<100000x32xf32, #tpu.memory_space<hbm>>) target(%arg14 : memref<128x32xf32, #tpu.memory_space<vmem>>) offsets(%dma_start3A_101 : memref<128xi32, #tpu.memory_space<vmem>>) semaphore(%arg18 : memref<!tpu.dma_semaphore, #tpu.memory_space<semaphore_mem>>)
    %scan3A_105 = arith.constant 0 : i32
    %scan3A_106 = arith.constant 0 : i32
    %scan3A_107 = arith.constant 6 : i32
    %scan3A_108 = arith.addi %scan3A_106, %scan3A_107 : i32
    %scan3A_109 = arith.constant 1 : i32
    scf.for %scan3A_147 = %scan3A_106 to %scan3A_108 step %scan3A_109  : i32 {
      %mul3A_148 = arith.constant 4 : i32
      %mul3A_149 = arith.muli %mul3A_148, %scan3A_147 : i32
      %add3A_150 = arith.constant 0 : i32
      %add3A_151 = arith.addi %mul3A_149, %add3A_150 : i32
      %add3A_152 = arith.constant 1 : i32
      %add3A_153 = arith.addi %add3A_151, %add3A_152 : i32
      %lt3A = arith.constant 24 : i32
      %lt3A_154 = arith.cmpi slt, %add3A_153, %lt3A : i32
      %ge3A = arith.constant 4 : i32
      %ge3A_155 = arith.cmpi sge, %add3A_153, %ge3A : i32
      %and3A = arith.andi %lt3A_154, %ge3A_155 : i1
      %convert_element_type3A = arith.extui %and3A : i1 to i32
      %cond3A = arith.constant 0 : i32
      %cond3A_156 = arith.cmpi ne, %convert_element_type3A, %cond3A : i32
      scf.if %cond3A_156 {
        %dma_wait3A_591 = arith.constant 0 : i32
        %dma_wait3A_592 = arith.constant 0 : i32
        %dma_wait3A_593 = arith.constant 0 : i32
        %dma_wait3A_594 = tpu.memref_slice %arg8[%dma_wait3A_591, %dma_wait3A_592, %dma_wait3A_593] : memref<3x8192x128xf32, #tpu.memory_space<hbm>> -> memref<1x128x32xf32, #tpu.memory_space<hbm>>
        %dma_wait3A_595 = tpu.memref_squeeze %dma_wait3A_594 : memref<1x128x32xf32, #tpu.memory_space<hbm>> -> memref<128x32xf32, #tpu.memory_space<hbm>>
        %dma_wait3A_596 = arith.constant 0 : i32
        %dma_wait3A_597 = arith.constant 0 : i32
        %dma_wait3A_598 = tpu.memref_slice %arg8[%dma_wait3A_591, %dma_wait3A_596, %dma_wait3A_597] : memref<3x8192x128xf32, #tpu.memory_space<hbm>> -> memref<1x128x32xf32, #tpu.memory_space<hbm>>
        %dma_wait3A_599 = tpu.memref_squeeze %dma_wait3A_598 : memref<1x128x32xf32, #tpu.memory_space<hbm>> -> memref<128x32xf32, #tpu.memory_space<hbm>>
        tpu.wait_dma2 semaphore(%arg23 : memref<!tpu.dma_semaphore, #tpu.memory_space<semaphore_mem>>) src(%arg15 : memref<128x32xf32, #tpu.memory_space<vmem>>) dst(%dma_wait3A_599 : memref<128x32xf32, #tpu.memory_space<hbm>>)
      } else {
      }
      %lt3A_157 = arith.constant 24 : i32
      %lt3A_158 = arith.cmpi slt, %add3A_153, %lt3A_157 : i32
      %convert_element_type3A_159 = arith.extui %lt3A_158 : i1 to i32
      %cond3A_160 = arith.constant 0 : i32
      %cond3A_161 = arith.cmpi ne, %convert_element_type3A_159, %cond3A_160 : i32
      scf.if %cond3A_161 {
        %jit3A_591 = arith.constant 2 : i32
        %div3A_592 = arith.divsi %add3A_153, %jit3A_591 : i32
        %sign3A_593 = arith.constant 0 : i32
        %sign3A_594 = arith.cmpi sgt, %add3A_153, %sign3A_593 : i32
        %sign3A_595 = arith.extui %sign3A_594 : i1 to i32
        %sign3A_596 = arith.constant 0 : i32
        %sign3A_597 = arith.cmpi slt, %add3A_153, %sign3A_596 : i32
        %sign3A_598 = arith.extui %sign3A_597 : i1 to i32
        %sign3A_599 = arith.subi %sign3A_595, %sign3A_598 : i32
        %sign3A_600 = arith.constant 0 : i32
        %sign3A_601 = arith.cmpi sgt, %jit3A_591, %sign3A_600 : i32
        %sign3A_602 = arith.extui %sign3A_601 : i1 to i32
        %sign3A_603 = arith.constant 0 : i32
        %sign3A_604 = arith.cmpi slt, %jit3A_591, %sign3A_603 : i32
        %sign3A_605 = arith.extui %sign3A_604 : i1 to i32
        %sign3A_606 = arith.subi %sign3A_602, %sign3A_605 : i32
        %ne3A_607 = arith.cmpi ne, %sign3A_599, %sign3A_606 : i32
        %rem3A_608 = arith.remsi %add3A_153, %jit3A_591 : i32
        %ne3A_609 = arith.constant 0 : i32
        %ne3A_610 = arith.cmpi ne, %rem3A_608, %ne3A_609 : i32
        %and3A_611 = arith.andi %ne3A_607, %ne3A_610 : i1
        %sub3A_612 = arith.constant 1 : i32
        %sub3A_613 = arith.subi %div3A_592, %sub3A_612 : i32
        %select_n3A_614 = arith.select %and3A_611, %sub3A_613, %div3A_592 : i32
        %jit3A_615 = arith.constant 2 : i32
        %eq3A_616 = arith.constant 0 : i32
        %eq3A_617 = arith.cmpi eq, %jit3A_615, %eq3A_616 : i32
        %jit3A_618 = arith.constant 1 : i32
        %select_n3A_619 = arith.select %eq3A_617, %jit3A_618, %jit3A_615 : i32
        %rem3A_620 = arith.remsi %add3A_153, %select_n3A_619 : i32
        %ne3A_621 = arith.constant 0 : i32
        %ne3A_622 = arith.cmpi ne, %rem3A_620, %ne3A_621 : i32
        %lt3A_623 = arith.constant 0 : i32
        %lt3A_624 = arith.cmpi slt, %rem3A_620, %lt3A_623 : i32
        %lt3A_625 = arith.constant 0 : i32
        %lt3A_626 = arith.cmpi slt, %select_n3A_619, %lt3A_625 : i32
        %ne3A_627 = arith.xori %lt3A_624, %lt3A_626 : i1
        %and3A_628 = arith.andi %ne3A_627, %ne3A_622 : i1
        %add3A_629 = arith.addi %rem3A_620, %select_n3A_619 : i32
        %select_n3A_630 = arith.select %and3A_628, %add3A_629, %rem3A_620 : i32
        %add3A_631 = arith.constant 40 : i32
        %add3A_632 = arith.addi %add3A_631, %select_n3A_614 : i32
        %mul3A_633 = arith.constant 128 : i32
        %mul3A_634 = arith.muli %select_n3A_630, %mul3A_633 : i32
        %dma_start3A_635 = tpu.memref_slice %arg9[%add3A_632, %mul3A_634] : memref<52x256xi32, #tpu.memory_space<vmem>> -> memref<1x128xi32, #tpu.memory_space<vmem>>
        %dma_start3A_636 = tpu.memref_squeeze %dma_start3A_635 : memref<1x128xi32, #tpu.memory_space<vmem>> -> memref<128xi32, #tpu.memory_space<vmem>>
        %dma_start3A_637 = arith.constant 0 : i32
        %dma_start3A_638 = arith.constant 0 : i32
        %dma_start3A_639 = tpu.memref_slice %arg5[%dma_start3A_637, %dma_start3A_638] : memref<100000x32xf32, #tpu.memory_space<hbm>> -> memref<100000x32xf32, #tpu.memory_space<hbm>>
        tpu.enqueue_indirect_dma source(%dma_start3A_639 : memref<100000x32xf32, #tpu.memory_space<hbm>>) target(%arg15 : memref<128x32xf32, #tpu.memory_space<vmem>>) offsets(%dma_start3A_636 : memref<128xi32, #tpu.memory_space<vmem>>) semaphore(%arg19 : memref<!tpu.dma_semaphore, #tpu.memory_space<semaphore_mem>>)
      } else {
      }
      %dma_wait3A_162 = arith.constant 0 : i32
      %dma_wait3A_163 = arith.constant 0 : i32
      %dma_wait3A_164 = tpu.memref_slice %arg5[%dma_wait3A_162, %dma_wait3A_163] : memref<100000x32xf32, #tpu.memory_space<hbm>> -> memref<128x32xf32, #tpu.memory_space<hbm>>
      %dma_wait3A_165 = arith.constant 0 : i32
      %dma_wait3A_166 = arith.constant 0 : i32
      %dma_wait3A_167 = tpu.memref_slice %arg5[%dma_wait3A_165, %dma_wait3A_166] : memref<100000x32xf32, #tpu.memory_space<hbm>> -> memref<128x32xf32, #tpu.memory_space<hbm>>
      tpu.wait_dma2 semaphore(%arg18 : memref<!tpu.dma_semaphore, #tpu.memory_space<semaphore_mem>>) src(%dma_wait3A_167 : memref<128x32xf32, #tpu.memory_space<hbm>>) dst(%arg14 : memref<128x32xf32, #tpu.memory_space<vmem>>)
      %jit3A = arith.constant 2 : i32
      %div3A = arith.divsi %add3A_151, %jit3A : i32
      %sign3A = arith.constant 0 : i32
      %sign3A_168 = arith.cmpi sgt, %add3A_151, %sign3A : i32
      %sign3A_169 = arith.extui %sign3A_168 : i1 to i32
      %sign3A_170 = arith.constant 0 : i32
      %sign3A_171 = arith.cmpi slt, %add3A_151, %sign3A_170 : i32
      %sign3A_172 = arith.extui %sign3A_171 : i1 to i32
      %sign3A_173 = arith.subi %sign3A_169, %sign3A_172 : i32
      %sign3A_174 = arith.constant 0 : i32
      %sign3A_175 = arith.cmpi sgt, %jit3A, %sign3A_174 : i32
      %sign3A_176 = arith.extui %sign3A_175 : i1 to i32
      %sign3A_177 = arith.constant 0 : i32
      %sign3A_178 = arith.cmpi slt, %jit3A, %sign3A_177 : i32
      %sign3A_179 = arith.extui %sign3A_178 : i1 to i32
      %sign3A_180 = arith.subi %sign3A_176, %sign3A_179 : i32
      %ne3A = arith.cmpi ne, %sign3A_173, %sign3A_180 : i32
      %rem3A = arith.remsi %add3A_151, %jit3A : i32
      %ne3A_181 = arith.constant 0 : i32
      %ne3A_182 = arith.cmpi ne, %rem3A, %ne3A_181 : i32
      %and3A_183 = arith.andi %ne3A, %ne3A_182 : i1
      %sub3A = arith.constant 1 : i32
      %sub3A_184 = arith.subi %div3A, %sub3A : i32
      %select_n3A = arith.select %and3A_183, %sub3A_184, %div3A : i32
      %jit3A_185 = arith.constant 2 : i32
      %eq3A = arith.constant 0 : i32
      %eq3A_186 = arith.cmpi eq, %jit3A_185, %eq3A : i32
      %jit3A_187 = arith.constant 1 : i32
      %select_n3A_188 = arith.select %eq3A_186, %jit3A_187, %jit3A_185 : i32
      %rem3A_189 = arith.remsi %add3A_151, %select_n3A_188 : i32
      %ne3A_190 = arith.constant 0 : i32
      %ne3A_191 = arith.cmpi ne, %rem3A_189, %ne3A_190 : i32
      %lt3A_192 = arith.constant 0 : i32
      %lt3A_193 = arith.cmpi slt, %rem3A_189, %lt3A_192 : i32
      %lt3A_194 = arith.constant 0 : i32
      %lt3A_195 = arith.cmpi slt, %select_n3A_188, %lt3A_194 : i32
      %ne3A_196 = arith.xori %lt3A_193, %lt3A_195 : i1
      %and3A_197 = arith.andi %ne3A_196, %ne3A_191 : i1
      %add3A_198 = arith.addi %rem3A_189, %select_n3A_188 : i32
      %select_n3A_199 = arith.select %and3A_197, %add3A_198, %rem3A_189 : i32
      %jit3A_200 = arith.constant 4 : i32
      %div3A_201 = arith.divsi %select_n3A, %jit3A_200 : i32
      %sign3A_202 = arith.constant 0 : i32
      %sign3A_203 = arith.cmpi sgt, %select_n3A, %sign3A_202 : i32
      %sign3A_204 = arith.extui %sign3A_203 : i1 to i32
      %sign3A_205 = arith.constant 0 : i32
      %sign3A_206 = arith.cmpi slt, %select_n3A, %sign3A_205 : i32
      %sign3A_207 = arith.extui %sign3A_206 : i1 to i32
      %sign3A_208 = arith.subi %sign3A_204, %sign3A_207 : i32
      %sign3A_209 = arith.constant 0 : i32
      %sign3A_210 = arith.cmpi sgt, %jit3A_200, %sign3A_209 : i32
      %sign3A_211 = arith.extui %sign3A_210 : i1 to i32
      %sign3A_212 = arith.constant 0 : i32
      %sign3A_213 = arith.cmpi slt, %jit3A_200, %sign3A_212 : i32
      %sign3A_214 = arith.extui %sign3A_213 : i1 to i32
      %sign3A_215 = arith.subi %sign3A_211, %sign3A_214 : i32
      %ne3A_216 = arith.cmpi ne, %sign3A_208, %sign3A_215 : i32
      %rem3A_217 = arith.remsi %select_n3A, %jit3A_200 : i32
      %ne3A_218 = arith.constant 0 : i32
      %ne3A_219 = arith.cmpi ne, %rem3A_217, %ne3A_218 : i32
      %and3A_220 = arith.andi %ne3A_216, %ne3A_219 : i1
      %sub3A_221 = arith.constant 1 : i32
      %sub3A_222 = arith.subi %div3A_201, %sub3A_221 : i32
      %select_n3A_223 = arith.select %and3A_220, %sub3A_222, %div3A_201 : i32
      %mul3A_224 = arith.constant 128 : i32
      %mul3A_225 = arith.muli %select_n3A_199, %mul3A_224 : i32
      %add3A_226 = arith.addi %mul3A_2, %mul3A_225 : i32
      %jit3A_227 = arith.constant 4 : i32
      %eq3A_228 = arith.constant 0 : i32
      %eq3A_229 = arith.cmpi eq, %jit3A_227, %eq3A_228 : i32
      %jit3A_230 = arith.constant 1 : i32
      %select_n3A_231 = arith.select %eq3A_229, %jit3A_230, %jit3A_227 : i32
      %rem3A_232 = arith.remsi %select_n3A, %select_n3A_231 : i32
      %ne3A_233 = arith.constant 0 : i32
      %ne3A_234 = arith.cmpi ne, %rem3A_232, %ne3A_233 : i32
      %lt3A_235 = arith.constant 0 : i32
      %lt3A_236 = arith.cmpi slt, %rem3A_232, %lt3A_235 : i32
      %lt3A_237 = arith.constant 0 : i32
      %lt3A_238 = arith.cmpi slt, %select_n3A_231, %lt3A_237 : i32
      %ne3A_239 = arith.xori %lt3A_236, %lt3A_238 : i1
      %and3A_240 = arith.andi %ne3A_239, %ne3A_234 : i1
      %add3A_241 = arith.addi %rem3A_232, %select_n3A_231 : i32
      %select_n3A_242 = arith.select %and3A_240, %add3A_241, %rem3A_232 : i32
      %mul3A_243 = arith.constant 32 : i32
      %mul3A_244 = arith.muli %select_n3A_242, %mul3A_243 : i32
      %dma_start3A_245 = tpu.memref_slice %arg8[%select_n3A_223, %add3A_226, %mul3A_244] : memref<3x8192x128xf32, #tpu.memory_space<hbm>> -> memref<1x128x32xf32, #tpu.memory_space<hbm>>
      %dma_start3A_246 = tpu.memref_squeeze %dma_start3A_245 : memref<1x128x32xf32, #tpu.memory_space<hbm>> -> memref<128x32xf32, #tpu.memory_space<hbm>>
      %dma_start3A_247 = tpu.memref_slice %arg8[%select_n3A_223, %add3A_226, %mul3A_244] : memref<3x8192x128xf32, #tpu.memory_space<hbm>> -> memref<1x128x32xf32, #tpu.memory_space<hbm>>
      %dma_start3A_248 = tpu.memref_squeeze %dma_start3A_247 : memref<1x128x32xf32, #tpu.memory_space<hbm>> -> memref<128x32xf32, #tpu.memory_space<hbm>>
      tpu.enqueue_dma source(%arg14 : memref<128x32xf32, #tpu.memory_space<vmem>>) target(%dma_start3A_248 : memref<128x32xf32, #tpu.memory_space<hbm>>) target_semaphore(%arg22 : memref<!tpu.dma_semaphore, #tpu.memory_space<semaphore_mem>>)
      %mul3A_249 = arith.constant 4 : i32
      %mul3A_250 = arith.muli %mul3A_249, %scan3A_147 : i32
      %add3A_251 = arith.constant 1 : i32
      %add3A_252 = arith.addi %mul3A_250, %add3A_251 : i32
      %add3A_253 = arith.constant 1 : i32
      %add3A_254 = arith.addi %add3A_252, %add3A_253 : i32
      %lt3A_255 = arith.constant 24 : i32
      %lt3A_256 = arith.cmpi slt, %add3A_254, %lt3A_255 : i32
      %ge3A_257 = arith.constant 4 : i32
      %ge3A_258 = arith.cmpi sge, %add3A_254, %ge3A_257 : i32
      %and3A_259 = arith.andi %lt3A_256, %ge3A_258 : i1
      %convert_element_type3A_260 = arith.extui %and3A_259 : i1 to i32
      %cond3A_261 = arith.constant 0 : i32
      %cond3A_262 = arith.cmpi ne, %convert_element_type3A_260, %cond3A_261 : i32
      scf.if %cond3A_262 {
        %dma_wait3A_591 = arith.constant 0 : i32
        %dma_wait3A_592 = arith.constant 0 : i32
        %dma_wait3A_593 = arith.constant 0 : i32
        %dma_wait3A_594 = tpu.memref_slice %arg8[%dma_wait3A_591, %dma_wait3A_592, %dma_wait3A_593] : memref<3x8192x128xf32, #tpu.memory_space<hbm>> -> memref<1x128x32xf32, #tpu.memory_space<hbm>>
        %dma_wait3A_595 = tpu.memref_squeeze %dma_wait3A_594 : memref<1x128x32xf32, #tpu.memory_space<hbm>> -> memref<128x32xf32, #tpu.memory_space<hbm>>
        %dma_wait3A_596 = arith.constant 0 : i32
        %dma_wait3A_597 = arith.constant 0 : i32
        %dma_wait3A_598 = tpu.memref_slice %arg8[%dma_wait3A_591, %dma_wait3A_596, %dma_wait3A_597] : memref<3x8192x128xf32, #tpu.memory_space<hbm>> -> memref<1x128x32xf32, #tpu.memory_space<hbm>>
        %dma_wait3A_599 = tpu.memref_squeeze %dma_wait3A_598 : memref<1x128x32xf32, #tpu.memory_space<hbm>> -> memref<128x32xf32, #tpu.memory_space<hbm>>
        tpu.wait_dma2 semaphore(%arg24 : memref<!tpu.dma_semaphore, #tpu.memory_space<semaphore_mem>>) src(%arg16 : memref<128x32xf32, #tpu.memory_space<vmem>>) dst(%dma_wait3A_599 : memref<128x32xf32, #tpu.memory_space<hbm>>)
      } else {
      }
      %lt3A_263 = arith.constant 24 : i32
      %lt3A_264 = arith.cmpi slt, %add3A_254, %lt3A_263 : i32
      %convert_element_type3A_265 = arith.extui %lt3A_264 : i1 to i32
      %cond3A_266 = arith.constant 0 : i32
      %cond3A_267 = arith.cmpi ne, %convert_element_type3A_265, %cond3A_266 : i32
      scf.if %cond3A_267 {
        %jit3A_591 = arith.constant 2 : i32
        %div3A_592 = arith.divsi %add3A_254, %jit3A_591 : i32
        %sign3A_593 = arith.constant 0 : i32
        %sign3A_594 = arith.cmpi sgt, %add3A_254, %sign3A_593 : i32
        %sign3A_595 = arith.extui %sign3A_594 : i1 to i32
        %sign3A_596 = arith.constant 0 : i32
        %sign3A_597 = arith.cmpi slt, %add3A_254, %sign3A_596 : i32
        %sign3A_598 = arith.extui %sign3A_597 : i1 to i32
        %sign3A_599 = arith.subi %sign3A_595, %sign3A_598 : i32
        %sign3A_600 = arith.constant 0 : i32
        %sign3A_601 = arith.cmpi sgt, %jit3A_591, %sign3A_600 : i32
        %sign3A_602 = arith.extui %sign3A_601 : i1 to i32
        %sign3A_603 = arith.constant 0 : i32
        %sign3A_604 = arith.cmpi slt, %jit3A_591, %sign3A_603 : i32
        %sign3A_605 = arith.extui %sign3A_604 : i1 to i32
        %sign3A_606 = arith.subi %sign3A_602, %sign3A_605 : i32
        %ne3A_607 = arith.cmpi ne, %sign3A_599, %sign3A_606 : i32
        %rem3A_608 = arith.remsi %add3A_254, %jit3A_591 : i32
        %ne3A_609 = arith.constant 0 : i32
        %ne3A_610 = arith.cmpi ne, %rem3A_608, %ne3A_609 : i32
        %and3A_611 = arith.andi %ne3A_607, %ne3A_610 : i1
        %sub3A_612 = arith.constant 1 : i32
        %sub3A_613 = arith.subi %div3A_592, %sub3A_612 : i32
        %select_n3A_614 = arith.select %and3A_611, %sub3A_613, %div3A_592 : i32
        %jit3A_615 = arith.constant 2 : i32
        %eq3A_616 = arith.constant 0 : i32
        %eq3A_617 = arith.cmpi eq, %jit3A_615, %eq3A_616 : i32
        %jit3A_618 = arith.constant 1 : i32
        %select_n3A_619 = arith.select %eq3A_617, %jit3A_618, %jit3A_615 : i32
        %rem3A_620 = arith.remsi %add3A_254, %select_n3A_619 : i32
        %ne3A_621 = arith.constant 0 : i32
        %ne3A_622 = arith.cmpi ne, %rem3A_620, %ne3A_621 : i32
        %lt3A_623 = arith.constant 0 : i32
        %lt3A_624 = arith.cmpi slt, %rem3A_620, %lt3A_623 : i32
        %lt3A_625 = arith.constant 0 : i32
        %lt3A_626 = arith.cmpi slt, %select_n3A_619, %lt3A_625 : i32
        %ne3A_627 = arith.xori %lt3A_624, %lt3A_626 : i1
        %and3A_628 = arith.andi %ne3A_627, %ne3A_622 : i1
        %add3A_629 = arith.addi %rem3A_620, %select_n3A_619 : i32
        %select_n3A_630 = arith.select %and3A_628, %add3A_629, %rem3A_620 : i32
        %add3A_631 = arith.constant 40 : i32
        %add3A_632 = arith.addi %add3A_631, %select_n3A_614 : i32
        %mul3A_633 = arith.constant 128 : i32
        %mul3A_634 = arith.muli %select_n3A_630, %mul3A_633 : i32
        %dma_start3A_635 = tpu.memref_slice %arg9[%add3A_632, %mul3A_634] : memref<52x256xi32, #tpu.memory_space<vmem>> -> memref<1x128xi32, #tpu.memory_space<vmem>>
        %dma_start3A_636 = tpu.memref_squeeze %dma_start3A_635 : memref<1x128xi32, #tpu.memory_space<vmem>> -> memref<128xi32, #tpu.memory_space<vmem>>
        %dma_start3A_637 = arith.constant 0 : i32
        %dma_start3A_638 = arith.constant 0 : i32
        %dma_start3A_639 = tpu.memref_slice %arg5[%dma_start3A_637, %dma_start3A_638] : memref<100000x32xf32, #tpu.memory_space<hbm>> -> memref<100000x32xf32, #tpu.memory_space<hbm>>
        tpu.enqueue_indirect_dma source(%dma_start3A_639 : memref<100000x32xf32, #tpu.memory_space<hbm>>) target(%arg16 : memref<128x32xf32, #tpu.memory_space<vmem>>) offsets(%dma_start3A_636 : memref<128xi32, #tpu.memory_space<vmem>>) semaphore(%arg20 : memref<!tpu.dma_semaphore, #tpu.memory_space<semaphore_mem>>)
      } else {
      }
      %dma_wait3A_268 = arith.constant 0 : i32
      %dma_wait3A_269 = arith.constant 0 : i32
      %dma_wait3A_270 = tpu.memref_slice %arg5[%dma_wait3A_268, %dma_wait3A_269] : memref<100000x32xf32, #tpu.memory_space<hbm>> -> memref<128x32xf32, #tpu.memory_space<hbm>>
      %dma_wait3A_271 = arith.constant 0 : i32
      %dma_wait3A_272 = arith.constant 0 : i32
      %dma_wait3A_273 = tpu.memref_slice %arg5[%dma_wait3A_271, %dma_wait3A_272] : memref<100000x32xf32, #tpu.memory_space<hbm>> -> memref<128x32xf32, #tpu.memory_space<hbm>>
      tpu.wait_dma2 semaphore(%arg19 : memref<!tpu.dma_semaphore, #tpu.memory_space<semaphore_mem>>) src(%dma_wait3A_273 : memref<128x32xf32, #tpu.memory_space<hbm>>) dst(%arg15 : memref<128x32xf32, #tpu.memory_space<vmem>>)
      %jit3A_274 = arith.constant 2 : i32
      %div3A_275 = arith.divsi %add3A_252, %jit3A_274 : i32
      %sign3A_276 = arith.constant 0 : i32
      %sign3A_277 = arith.cmpi sgt, %add3A_252, %sign3A_276 : i32
      %sign3A_278 = arith.extui %sign3A_277 : i1 to i32
      %sign3A_279 = arith.constant 0 : i32
      %sign3A_280 = arith.cmpi slt, %add3A_252, %sign3A_279 : i32
      %sign3A_281 = arith.extui %sign3A_280 : i1 to i32
      %sign3A_282 = arith.subi %sign3A_278, %sign3A_281 : i32
      %sign3A_283 = arith.constant 0 : i32
      %sign3A_284 = arith.cmpi sgt, %jit3A_274, %sign3A_283 : i32
      %sign3A_285 = arith.extui %sign3A_284 : i1 to i32
      %sign3A_286 = arith.constant 0 : i32
      %sign3A_287 = arith.cmpi slt, %jit3A_274, %sign3A_286 : i32
      %sign3A_288 = arith.extui %sign3A_287 : i1 to i32
      %sign3A_289 = arith.subi %sign3A_285, %sign3A_288 : i32
      %ne3A_290 = arith.cmpi ne, %sign3A_282, %sign3A_289 : i32
      %rem3A_291 = arith.remsi %add3A_252, %jit3A_274 : i32
      %ne3A_292 = arith.constant 0 : i32
      %ne3A_293 = arith.cmpi ne, %rem3A_291, %ne3A_292 : i32
      %and3A_294 = arith.andi %ne3A_290, %ne3A_293 : i1
      %sub3A_295 = arith.constant 1 : i32
      %sub3A_296 = arith.subi %div3A_275, %sub3A_295 : i32
      %select_n3A_297 = arith.select %and3A_294, %sub3A_296, %div3A_275 : i32
      %jit3A_298 = arith.constant 2 : i32
      %eq3A_299 = arith.constant 0 : i32
      %eq3A_300 = arith.cmpi eq, %jit3A_298, %eq3A_299 : i32
      %jit3A_301 = arith.constant 1 : i32
      %select_n3A_302 = arith.select %eq3A_300, %jit3A_301, %jit3A_298 : i32
      %rem3A_303 = arith.remsi %add3A_252, %select_n3A_302 : i32
      %ne3A_304 = arith.constant 0 : i32
      %ne3A_305 = arith.cmpi ne, %rem3A_303, %ne3A_304 : i32
      %lt3A_306 = arith.constant 0 : i32
      %lt3A_307 = arith.cmpi slt, %rem3A_303, %lt3A_306 : i32
      %lt3A_308 = arith.constant 0 : i32
      %lt3A_309 = arith.cmpi slt, %select_n3A_302, %lt3A_308 : i32
      %ne3A_310 = arith.xori %lt3A_307, %lt3A_309 : i1
      %and3A_311 = arith.andi %ne3A_310, %ne3A_305 : i1
      %add3A_312 = arith.addi %rem3A_303, %select_n3A_302 : i32
      %select_n3A_313 = arith.select %and3A_311, %add3A_312, %rem3A_303 : i32
      %jit3A_314 = arith.constant 4 : i32
      %div3A_315 = arith.divsi %select_n3A_297, %jit3A_314 : i32
      %sign3A_316 = arith.constant 0 : i32
      %sign3A_317 = arith.cmpi sgt, %select_n3A_297, %sign3A_316 : i32
      %sign3A_318 = arith.extui %sign3A_317 : i1 to i32
      %sign3A_319 = arith.constant 0 : i32
      %sign3A_320 = arith.cmpi slt, %select_n3A_297, %sign3A_319 : i32
      %sign3A_321 = arith.extui %sign3A_320 : i1 to i32
      %sign3A_322 = arith.subi %sign3A_318, %sign3A_321 : i32
      %sign3A_323 = arith.constant 0 : i32
      %sign3A_324 = arith.cmpi sgt, %jit3A_314, %sign3A_323 : i32
      %sign3A_325 = arith.extui %sign3A_324 : i1 to i32
      %sign3A_326 = arith.constant 0 : i32
      %sign3A_327 = arith.cmpi slt, %jit3A_314, %sign3A_326 : i32
      %sign3A_328 = arith.extui %sign3A_327 : i1 to i32
      %sign3A_329 = arith.subi %sign3A_325, %sign3A_328 : i32
      %ne3A_330 = arith.cmpi ne, %sign3A_322, %sign3A_329 : i32
      %rem3A_331 = arith.remsi %select_n3A_297, %jit3A_314 : i32
      %ne3A_332 = arith.constant 0 : i32
      %ne3A_333 = arith.cmpi ne, %rem3A_331, %ne3A_332 : i32
      %and3A_334 = arith.andi %ne3A_330, %ne3A_333 : i1
      %sub3A_335 = arith.constant 1 : i32
      %sub3A_336 = arith.subi %div3A_315, %sub3A_335 : i32
      %select_n3A_337 = arith.select %and3A_334, %sub3A_336, %div3A_315 : i32
      %mul3A_338 = arith.constant 128 : i32
      %mul3A_339 = arith.muli %select_n3A_313, %mul3A_338 : i32
      %add3A_340 = arith.addi %mul3A_2, %mul3A_339 : i32
      %jit3A_341 = arith.constant 4 : i32
      %eq3A_342 = arith.constant 0 : i32
      %eq3A_343 = arith.cmpi eq, %jit3A_341, %eq3A_342 : i32
      %jit3A_344 = arith.constant 1 : i32
      %select_n3A_345 = arith.select %eq3A_343, %jit3A_344, %jit3A_341 : i32
      %rem3A_346 = arith.remsi %select_n3A_297, %select_n3A_345 : i32
      %ne3A_347 = arith.constant 0 : i32
      %ne3A_348 = arith.cmpi ne, %rem3A_346, %ne3A_347 : i32
      %lt3A_349 = arith.constant 0 : i32
      %lt3A_350 = arith.cmpi slt, %rem3A_346, %lt3A_349 : i32
      %lt3A_351 = arith.constant 0 : i32
      %lt3A_352 = arith.cmpi slt, %select_n3A_345, %lt3A_351 : i32
      %ne3A_353 = arith.xori %lt3A_350, %lt3A_352 : i1
      %and3A_354 = arith.andi %ne3A_353, %ne3A_348 : i1
      %add3A_355 = arith.addi %rem3A_346, %select_n3A_345 : i32
      %select_n3A_356 = arith.select %and3A_354, %add3A_355, %rem3A_346 : i32
      %mul3A_357 = arith.constant 32 : i32
      %mul3A_358 = arith.muli %select_n3A_356, %mul3A_357 : i32
      %dma_start3A_359 = tpu.memref_slice %arg8[%select_n3A_337, %add3A_340, %mul3A_358] : memref<3x8192x128xf32, #tpu.memory_space<hbm>> -> memref<1x128x32xf32, #tpu.memory_space<hbm>>
      %dma_start3A_360 = tpu.memref_squeeze %dma_start3A_359 : memref<1x128x32xf32, #tpu.memory_space<hbm>> -> memref<128x32xf32, #tpu.memory_space<hbm>>
      %dma_start3A_361 = tpu.memref_slice %arg8[%select_n3A_337, %add3A_340, %mul3A_358] : memref<3x8192x128xf32, #tpu.memory_space<hbm>> -> memref<1x128x32xf32, #tpu.memory_space<hbm>>
      %dma_start3A_362 = tpu.memref_squeeze %dma_start3A_361 : memref<1x128x32xf32, #tpu.memory_space<hbm>> -> memref<128x32xf32, #tpu.memory_space<hbm>>
      tpu.enqueue_dma source(%arg15 : memref<128x32xf32, #tpu.memory_space<vmem>>) target(%dma_start3A_362 : memref<128x32xf32, #tpu.memory_space<hbm>>) target_semaphore(%arg23 : memref<!tpu.dma_semaphore, #tpu.memory_space<semaphore_mem>>)
      %mul3A_363 = arith.constant 4 : i32
      %mul3A_364 = arith.muli %mul3A_363, %scan3A_147 : i32
      %add3A_365 = arith.constant 2 : i32
      %add3A_366 = arith.addi %mul3A_364, %add3A_365 : i32
      %add3A_367 = arith.constant 1 : i32
      %add3A_368 = arith.addi %add3A_366, %add3A_367 : i32
      %lt3A_369 = arith.constant 24 : i32
      %lt3A_370 = arith.cmpi slt, %add3A_368, %lt3A_369 : i32
      %ge3A_371 = arith.constant 4 : i32
      %ge3A_372 = arith.cmpi sge, %add3A_368, %ge3A_371 : i32
      %and3A_373 = arith.andi %lt3A_370, %ge3A_372 : i1
      %convert_element_type3A_374 = arith.extui %and3A_373 : i1 to i32
      %cond3A_375 = arith.constant 0 : i32
      %cond3A_376 = arith.cmpi ne, %convert_element_type3A_374, %cond3A_375 : i32
      scf.if %cond3A_376 {
        %dma_wait3A_591 = arith.constant 0 : i32
        %dma_wait3A_592 = arith.constant 0 : i32
        %dma_wait3A_593 = arith.constant 0 : i32
        %dma_wait3A_594 = tpu.memref_slice %arg8[%dma_wait3A_591, %dma_wait3A_592, %dma_wait3A_593] : memref<3x8192x128xf32, #tpu.memory_space<hbm>> -> memref<1x128x32xf32, #tpu.memory_space<hbm>>
        %dma_wait3A_595 = tpu.memref_squeeze %dma_wait3A_594 : memref<1x128x32xf32, #tpu.memory_space<hbm>> -> memref<128x32xf32, #tpu.memory_space<hbm>>
        %dma_wait3A_596 = arith.constant 0 : i32
        %dma_wait3A_597 = arith.constant 0 : i32
        %dma_wait3A_598 = tpu.memref_slice %arg8[%dma_wait3A_591, %dma_wait3A_596, %dma_wait3A_597] : memref<3x8192x128xf32, #tpu.memory_space<hbm>> -> memref<1x128x32xf32, #tpu.memory_space<hbm>>
        %dma_wait3A_599 = tpu.memref_squeeze %dma_wait3A_598 : memref<1x128x32xf32, #tpu.memory_space<hbm>> -> memref<128x32xf32, #tpu.memory_space<hbm>>
        tpu.wait_dma2 semaphore(%arg25 : memref<!tpu.dma_semaphore, #tpu.memory_space<semaphore_mem>>) src(%arg17 : memref<128x32xf32, #tpu.memory_space<vmem>>) dst(%dma_wait3A_599 : memref<128x32xf32, #tpu.memory_space<hbm>>)
      } else {
      }
      %lt3A_377 = arith.constant 24 : i32
      %lt3A_378 = arith.cmpi slt, %add3A_368, %lt3A_377 : i32
      %convert_element_type3A_379 = arith.extui %lt3A_378 : i1 to i32
      %cond3A_380 = arith.constant 0 : i32
      %cond3A_381 = arith.cmpi ne, %convert_element_type3A_379, %cond3A_380 : i32
      scf.if %cond3A_381 {
        %jit3A_591 = arith.constant 2 : i32
        %div3A_592 = arith.divsi %add3A_368, %jit3A_591 : i32
        %sign3A_593 = arith.constant 0 : i32
        %sign3A_594 = arith.cmpi sgt, %add3A_368, %sign3A_593 : i32
        %sign3A_595 = arith.extui %sign3A_594 : i1 to i32
        %sign3A_596 = arith.constant 0 : i32
        %sign3A_597 = arith.cmpi slt, %add3A_368, %sign3A_596 : i32
        %sign3A_598 = arith.extui %sign3A_597 : i1 to i32
        %sign3A_599 = arith.subi %sign3A_595, %sign3A_598 : i32
        %sign3A_600 = arith.constant 0 : i32
        %sign3A_601 = arith.cmpi sgt, %jit3A_591, %sign3A_600 : i32
        %sign3A_602 = arith.extui %sign3A_601 : i1 to i32
        %sign3A_603 = arith.constant 0 : i32
        %sign3A_604 = arith.cmpi slt, %jit3A_591, %sign3A_603 : i32
        %sign3A_605 = arith.extui %sign3A_604 : i1 to i32
        %sign3A_606 = arith.subi %sign3A_602, %sign3A_605 : i32
        %ne3A_607 = arith.cmpi ne, %sign3A_599, %sign3A_606 : i32
        %rem3A_608 = arith.remsi %add3A_368, %jit3A_591 : i32
        %ne3A_609 = arith.constant 0 : i32
        %ne3A_610 = arith.cmpi ne, %rem3A_608, %ne3A_609 : i32
        %and3A_611 = arith.andi %ne3A_607, %ne3A_610 : i1
        %sub3A_612 = arith.constant 1 : i32
        %sub3A_613 = arith.subi %div3A_592, %sub3A_612 : i32
        %select_n3A_614 = arith.select %and3A_611, %sub3A_613, %div3A_592 : i32
        %jit3A_615 = arith.constant 2 : i32
        %eq3A_616 = arith.constant 0 : i32
        %eq3A_617 = arith.cmpi eq, %jit3A_615, %eq3A_616 : i32
        %jit3A_618 = arith.constant 1 : i32
        %select_n3A_619 = arith.select %eq3A_617, %jit3A_618, %jit3A_615 : i32
        %rem3A_620 = arith.remsi %add3A_368, %select_n3A_619 : i32
        %ne3A_621 = arith.constant 0 : i32
        %ne3A_622 = arith.cmpi ne, %rem3A_620, %ne3A_621 : i32
        %lt3A_623 = arith.constant 0 : i32
        %lt3A_624 = arith.cmpi slt, %rem3A_620, %lt3A_623 : i32
        %lt3A_625 = arith.constant 0 : i32
        %lt3A_626 = arith.cmpi slt, %select_n3A_619, %lt3A_625 : i32
        %ne3A_627 = arith.xori %lt3A_624, %lt3A_626 : i1
        %and3A_628 = arith.andi %ne3A_627, %ne3A_622 : i1
        %add3A_629 = arith.addi %rem3A_620, %select_n3A_619 : i32
        %select_n3A_630 = arith.select %and3A_628, %add3A_629, %rem3A_620 : i32
        %add3A_631 = arith.constant 40 : i32
        %add3A_632 = arith.addi %add3A_631, %select_n3A_614 : i32
        %mul3A_633 = arith.constant 128 : i32
        %mul3A_634 = arith.muli %select_n3A_630, %mul3A_633 : i32
        %dma_start3A_635 = tpu.memref_slice %arg9[%add3A_632, %mul3A_634] : memref<52x256xi32, #tpu.memory_space<vmem>> -> memref<1x128xi32, #tpu.memory_space<vmem>>
        %dma_start3A_636 = tpu.memref_squeeze %dma_start3A_635 : memref<1x128xi32, #tpu.memory_space<vmem>> -> memref<128xi32, #tpu.memory_space<vmem>>
        %dma_start3A_637 = arith.constant 0 : i32
        %dma_start3A_638 = arith.constant 0 : i32
        %dma_start3A_639 = tpu.memref_slice %arg5[%dma_start3A_637, %dma_start3A_638] : memref<100000x32xf32, #tpu.memory_space<hbm>> -> memref<100000x32xf32, #tpu.memory_space<hbm>>
        tpu.enqueue_indirect_dma source(%dma_start3A_639 : memref<100000x32xf32, #tpu.memory_space<hbm>>) target(%arg17 : memref<128x32xf32, #tpu.memory_space<vmem>>) offsets(%dma_start3A_636 : memref<128xi32, #tpu.memory_space<vmem>>) semaphore(%arg21 : memref<!tpu.dma_semaphore, #tpu.memory_space<semaphore_mem>>)
      } else {
      }
      %dma_wait3A_382 = arith.constant 0 : i32
      %dma_wait3A_383 = arith.constant 0 : i32
      %dma_wait3A_384 = tpu.memref_slice %arg5[%dma_wait3A_382, %dma_wait3A_383] : memref<100000x32xf32, #tpu.memory_space<hbm>> -> memref<128x32xf32, #tpu.memory_space<hbm>>
      %dma_wait3A_385 = arith.constant 0 : i32
      %dma_wait3A_386 = arith.constant 0 : i32
      %dma_wait3A_387 = tpu.memref_slice %arg5[%dma_wait3A_385, %dma_wait3A_386] : memref<100000x32xf32, #tpu.memory_space<hbm>> -> memref<128x32xf32, #tpu.memory_space<hbm>>
      tpu.wait_dma2 semaphore(%arg20 : memref<!tpu.dma_semaphore, #tpu.memory_space<semaphore_mem>>) src(%dma_wait3A_387 : memref<128x32xf32, #tpu.memory_space<hbm>>) dst(%arg16 : memref<128x32xf32, #tpu.memory_space<vmem>>)
      %jit3A_388 = arith.constant 2 : i32
      %div3A_389 = arith.divsi %add3A_366, %jit3A_388 : i32
      %sign3A_390 = arith.constant 0 : i32
      %sign3A_391 = arith.cmpi sgt, %add3A_366, %sign3A_390 : i32
      %sign3A_392 = arith.extui %sign3A_391 : i1 to i32
      %sign3A_393 = arith.constant 0 : i32
      %sign3A_394 = arith.cmpi slt, %add3A_366, %sign3A_393 : i32
      %sign3A_395 = arith.extui %sign3A_394 : i1 to i32
      %sign3A_396 = arith.subi %sign3A_392, %sign3A_395 : i32
      %sign3A_397 = arith.constant 0 : i32
      %sign3A_398 = arith.cmpi sgt, %jit3A_388, %sign3A_397 : i32
      %sign3A_399 = arith.extui %sign3A_398 : i1 to i32
      %sign3A_400 = arith.constant 0 : i32
      %sign3A_401 = arith.cmpi slt, %jit3A_388, %sign3A_400 : i32
      %sign3A_402 = arith.extui %sign3A_401 : i1 to i32
      %sign3A_403 = arith.subi %sign3A_399, %sign3A_402 : i32
      %ne3A_404 = arith.cmpi ne, %sign3A_396, %sign3A_403 : i32
      %rem3A_405 = arith.remsi %add3A_366, %jit3A_388 : i32
      %ne3A_406 = arith.constant 0 : i32
      %ne3A_407 = arith.cmpi ne, %rem3A_405, %ne3A_406 : i32
      %and3A_408 = arith.andi %ne3A_404, %ne3A_407 : i1
      %sub3A_409 = arith.constant 1 : i32
      %sub3A_410 = arith.subi %div3A_389, %sub3A_409 : i32
      %select_n3A_411 = arith.select %and3A_408, %sub3A_410, %div3A_389 : i32
      %jit3A_412 = arith.constant 2 : i32
      %eq3A_413 = arith.constant 0 : i32
      %eq3A_414 = arith.cmpi eq, %jit3A_412, %eq3A_413 : i32
      %jit3A_415 = arith.constant 1 : i32
      %select_n3A_416 = arith.select %eq3A_414, %jit3A_415, %jit3A_412 : i32
      %rem3A_417 = arith.remsi %add3A_366, %select_n3A_416 : i32
      %ne3A_418 = arith.constant 0 : i32
      %ne3A_419 = arith.cmpi ne, %rem3A_417, %ne3A_418 : i32
      %lt3A_420 = arith.constant 0 : i32
      %lt3A_421 = arith.cmpi slt, %rem3A_417, %lt3A_420 : i32
      %lt3A_422 = arith.constant 0 : i32
      %lt3A_423 = arith.cmpi slt, %select_n3A_416, %lt3A_422 : i32
      %ne3A_424 = arith.xori %lt3A_421, %lt3A_423 : i1
      %and3A_425 = arith.andi %ne3A_424, %ne3A_419 : i1
      %add3A_426 = arith.addi %rem3A_417, %select_n3A_416 : i32
      %select_n3A_427 = arith.select %and3A_425, %add3A_426, %rem3A_417 : i32
      %jit3A_428 = arith.constant 4 : i32
      %div3A_429 = arith.divsi %select_n3A_411, %jit3A_428 : i32
      %sign3A_430 = arith.constant 0 : i32
      %sign3A_431 = arith.cmpi sgt, %select_n3A_411, %sign3A_430 : i32
      %sign3A_432 = arith.extui %sign3A_431 : i1 to i32
      %sign3A_433 = arith.constant 0 : i32
      %sign3A_434 = arith.cmpi slt, %select_n3A_411, %sign3A_433 : i32
      %sign3A_435 = arith.extui %sign3A_434 : i1 to i32
      %sign3A_436 = arith.subi %sign3A_432, %sign3A_435 : i32
      %sign3A_437 = arith.constant 0 : i32
      %sign3A_438 = arith.cmpi sgt, %jit3A_428, %sign3A_437 : i32
      %sign3A_439 = arith.extui %sign3A_438 : i1 to i32
      %sign3A_440 = arith.constant 0 : i32
      %sign3A_441 = arith.cmpi slt, %jit3A_428, %sign3A_440 : i32
      %sign3A_442 = arith.extui %sign3A_441 : i1 to i32
      %sign3A_443 = arith.subi %sign3A_439, %sign3A_442 : i32
      %ne3A_444 = arith.cmpi ne, %sign3A_436, %sign3A_443 : i32
      %rem3A_445 = arith.remsi %select_n3A_411, %jit3A_428 : i32
      %ne3A_446 = arith.constant 0 : i32
      %ne3A_447 = arith.cmpi ne, %rem3A_445, %ne3A_446 : i32
      %and3A_448 = arith.andi %ne3A_444, %ne3A_447 : i1
      %sub3A_449 = arith.constant 1 : i32
      %sub3A_450 = arith.subi %div3A_429, %sub3A_449 : i32
      %select_n3A_451 = arith.select %and3A_448, %sub3A_450, %div3A_429 : i32
      %mul3A_452 = arith.constant 128 : i32
      %mul3A_453 = arith.muli %select_n3A_427, %mul3A_452 : i32
      %add3A_454 = arith.addi %mul3A_2, %mul3A_453 : i32
      %jit3A_455 = arith.constant 4 : i32
      %eq3A_456 = arith.constant 0 : i32
      %eq3A_457 = arith.cmpi eq, %jit3A_455, %eq3A_456 : i32
      %jit3A_458 = arith.constant 1 : i32
      %select_n3A_459 = arith.select %eq3A_457, %jit3A_458, %jit3A_455 : i32
      %rem3A_460 = arith.remsi %select_n3A_411, %select_n3A_459 : i32
      %ne3A_461 = arith.constant 0 : i32
      %ne3A_462 = arith.cmpi ne, %rem3A_460, %ne3A_461 : i32
      %lt3A_463 = arith.constant 0 : i32
      %lt3A_464 = arith.cmpi slt, %rem3A_460, %lt3A_463 : i32
      %lt3A_465 = arith.constant 0 : i32
      %lt3A_466 = arith.cmpi slt, %select_n3A_459, %lt3A_465 : i32
      %ne3A_467 = arith.xori %lt3A_464, %lt3A_466 : i1
      %and3A_468 = arith.andi %ne3A_467, %ne3A_462 : i1
      %add3A_469 = arith.addi %rem3A_460, %select_n3A_459 : i32
      %select_n3A_470 = arith.select %and3A_468, %add3A_469, %rem3A_460 : i32
      %mul3A_471 = arith.constant 32 : i32
      %mul3A_472 = arith.muli %select_n3A_470, %mul3A_471 : i32
      %dma_start3A_473 = tpu.memref_slice %arg8[%select_n3A_451, %add3A_454, %mul3A_472] : memref<3x8192x128xf32, #tpu.memory_space<hbm>> -> memref<1x128x32xf32, #tpu.memory_space<hbm>>
      %dma_start3A_474 = tpu.memref_squeeze %dma_start3A_473 : memref<1x128x32xf32, #tpu.memory_space<hbm>> -> memref<128x32xf32, #tpu.memory_space<hbm>>
      %dma_start3A_475 = tpu.memref_slice %arg8[%select_n3A_451, %add3A_454, %mul3A_472] : memref<3x8192x128xf32, #tpu.memory_space<hbm>> -> memref<1x128x32xf32, #tpu.memory_space<hbm>>
      %dma_start3A_476 = tpu.memref_squeeze %dma_start3A_475 : memref<1x128x32xf32, #tpu.memory_space<hbm>> -> memref<128x32xf32, #tpu.memory_space<hbm>>
      tpu.enqueue_dma source(%arg16 : memref<128x32xf32, #tpu.memory_space<vmem>>) target(%dma_start3A_476 : memref<128x32xf32, #tpu.memory_space<hbm>>) target_semaphore(%arg24 : memref<!tpu.dma_semaphore, #tpu.memory_space<semaphore_mem>>)
      %mul3A_477 = arith.constant 4 : i32
      %mul3A_478 = arith.muli %mul3A_477, %scan3A_147 : i32
      %add3A_479 = arith.constant 3 : i32
      %add3A_480 = arith.addi %mul3A_478, %add3A_479 : i32
      %add3A_481 = arith.constant 1 : i32
      %add3A_482 = arith.addi %add3A_480, %add3A_481 : i32
      %lt3A_483 = arith.constant 24 : i32
      %lt3A_484 = arith.cmpi slt, %add3A_482, %lt3A_483 : i32
      %ge3A_485 = arith.constant 4 : i32
      %ge3A_486 = arith.cmpi sge, %add3A_482, %ge3A_485 : i32
      %and3A_487 = arith.andi %lt3A_484, %ge3A_486 : i1
      %convert_element_type3A_488 = arith.extui %and3A_487 : i1 to i32
      %cond3A_489 = arith.constant 0 : i32
      %cond3A_490 = arith.cmpi ne, %convert_element_type3A_488, %cond3A_489 : i32
      scf.if %cond3A_490 {
        %dma_wait3A_591 = arith.constant 0 : i32
        %dma_wait3A_592 = arith.constant 0 : i32
        %dma_wait3A_593 = arith.constant 0 : i32
        %dma_wait3A_594 = tpu.memref_slice %arg8[%dma_wait3A_591, %dma_wait3A_592, %dma_wait3A_593] : memref<3x8192x128xf32, #tpu.memory_space<hbm>> -> memref<1x128x32xf32, #tpu.memory_space<hbm>>
        %dma_wait3A_595 = tpu.memref_squeeze %dma_wait3A_594 : memref<1x128x32xf32, #tpu.memory_space<hbm>> -> memref<128x32xf32, #tpu.memory_space<hbm>>
        %dma_wait3A_596 = arith.constant 0 : i32
        %dma_wait3A_597 = arith.constant 0 : i32
        %dma_wait3A_598 = tpu.memref_slice %arg8[%dma_wait3A_591, %dma_wait3A_596, %dma_wait3A_597] : memref<3x8192x128xf32, #tpu.memory_space<hbm>> -> memref<1x128x32xf32, #tpu.memory_space<hbm>>
        %dma_wait3A_599 = tpu.memref_squeeze %dma_wait3A_598 : memref<1x128x32xf32, #tpu.memory_space<hbm>> -> memref<128x32xf32, #tpu.memory_space<hbm>>
        tpu.wait_dma2 semaphore(%arg22 : memref<!tpu.dma_semaphore, #tpu.memory_space<semaphore_mem>>) src(%arg14 : memref<128x32xf32, #tpu.memory_space<vmem>>) dst(%dma_wait3A_599 : memref<128x32xf32, #tpu.memory_space<hbm>>)
      } else {
      }
      %lt3A_491 = arith.constant 24 : i32
      %lt3A_492 = arith.cmpi slt, %add3A_482, %lt3A_491 : i32
      %convert_element_type3A_493 = arith.extui %lt3A_492 : i1 to i32
      %cond3A_494 = arith.constant 0 : i32
      %cond3A_495 = arith.cmpi ne, %convert_element_type3A_493, %cond3A_494 : i32
      scf.if %cond3A_495 {
        %jit3A_591 = arith.constant 2 : i32
        %div3A_592 = arith.divsi %add3A_482, %jit3A_591 : i32
        %sign3A_593 = arith.constant 0 : i32
        %sign3A_594 = arith.cmpi sgt, %add3A_482, %sign3A_593 : i32
        %sign3A_595 = arith.extui %sign3A_594 : i1 to i32
        %sign3A_596 = arith.constant 0 : i32
        %sign3A_597 = arith.cmpi slt, %add3A_482, %sign3A_596 : i32
        %sign3A_598 = arith.extui %sign3A_597 : i1 to i32
        %sign3A_599 = arith.subi %sign3A_595, %sign3A_598 : i32
        %sign3A_600 = arith.constant 0 : i32
        %sign3A_601 = arith.cmpi sgt, %jit3A_591, %sign3A_600 : i32
        %sign3A_602 = arith.extui %sign3A_601 : i1 to i32
        %sign3A_603 = arith.constant 0 : i32
        %sign3A_604 = arith.cmpi slt, %jit3A_591, %sign3A_603 : i32
        %sign3A_605 = arith.extui %sign3A_604 : i1 to i32
        %sign3A_606 = arith.subi %sign3A_602, %sign3A_605 : i32
        %ne3A_607 = arith.cmpi ne, %sign3A_599, %sign3A_606 : i32
        %rem3A_608 = arith.remsi %add3A_482, %jit3A_591 : i32
        %ne3A_609 = arith.constant 0 : i32
        %ne3A_610 = arith.cmpi ne, %rem3A_608, %ne3A_609 : i32
        %and3A_611 = arith.andi %ne3A_607, %ne3A_610 : i1
        %sub3A_612 = arith.constant 1 : i32
        %sub3A_613 = arith.subi %div3A_592, %sub3A_612 : i32
        %select_n3A_614 = arith.select %and3A_611, %sub3A_613, %div3A_592 : i32
        %jit3A_615 = arith.constant 2 : i32
        %eq3A_616 = arith.constant 0 : i32
        %eq3A_617 = arith.cmpi eq, %jit3A_615, %eq3A_616 : i32
        %jit3A_618 = arith.constant 1 : i32
        %select_n3A_619 = arith.select %eq3A_617, %jit3A_618, %jit3A_615 : i32
        %rem3A_620 = arith.remsi %add3A_482, %select_n3A_619 : i32
        %ne3A_621 = arith.constant 0 : i32
        %ne3A_622 = arith.cmpi ne, %rem3A_620, %ne3A_621 : i32
        %lt3A_623 = arith.constant 0 : i32
        %lt3A_624 = arith.cmpi slt, %rem3A_620, %lt3A_623 : i32
        %lt3A_625 = arith.constant 0 : i32
        %lt3A_626 = arith.cmpi slt, %select_n3A_619, %lt3A_625 : i32
        %ne3A_627 = arith.xori %lt3A_624, %lt3A_626 : i1
        %and3A_628 = arith.andi %ne3A_627, %ne3A_622 : i1
        %add3A_629 = arith.addi %rem3A_620, %select_n3A_619 : i32
        %select_n3A_630 = arith.select %and3A_628, %add3A_629, %rem3A_620 : i32
        %add3A_631 = arith.constant 40 : i32
        %add3A_632 = arith.addi %add3A_631, %select_n3A_614 : i32
        %mul3A_633 = arith.constant 128 : i32
        %mul3A_634 = arith.muli %select_n3A_630, %mul3A_633 : i32
        %dma_start3A_635 = tpu.memref_slice %arg9[%add3A_632, %mul3A_634] : memref<52x256xi32, #tpu.memory_space<vmem>> -> memref<1x128xi32, #tpu.memory_space<vmem>>
        %dma_start3A_636 = tpu.memref_squeeze %dma_start3A_635 : memref<1x128xi32, #tpu.memory_space<vmem>> -> memref<128xi32, #tpu.memory_space<vmem>>
        %dma_start3A_637 = arith.constant 0 : i32
        %dma_start3A_638 = arith.constant 0 : i32
        %dma_start3A_639 = tpu.memref_slice %arg5[%dma_start3A_637, %dma_start3A_638] : memref<100000x32xf32, #tpu.memory_space<hbm>> -> memref<100000x32xf32, #tpu.memory_space<hbm>>
        tpu.enqueue_indirect_dma source(%dma_start3A_639 : memref<100000x32xf32, #tpu.memory_space<hbm>>) target(%arg14 : memref<128x32xf32, #tpu.memory_space<vmem>>) offsets(%dma_start3A_636 : memref<128xi32, #tpu.memory_space<vmem>>) semaphore(%arg18 : memref<!tpu.dma_semaphore, #tpu.memory_space<semaphore_mem>>)
      } else {
      }
      %dma_wait3A_496 = arith.constant 0 : i32
      %dma_wait3A_497 = arith.constant 0 : i32
      %dma_wait3A_498 = tpu.memref_slice %arg5[%dma_wait3A_496, %dma_wait3A_497] : memref<100000x32xf32, #tpu.memory_space<hbm>> -> memref<128x32xf32, #tpu.memory_space<hbm>>
      %dma_wait3A_499 = arith.constant 0 : i32
      %dma_wait3A_500 = arith.constant 0 : i32
      %dma_wait3A_501 = tpu.memref_slice %arg5[%dma_wait3A_499, %dma_wait3A_500] : memref<100000x32xf32, #tpu.memory_space<hbm>> -> memref<128x32xf32, #tpu.memory_space<hbm>>
      tpu.wait_dma2 semaphore(%arg21 : memref<!tpu.dma_semaphore, #tpu.memory_space<semaphore_mem>>) src(%dma_wait3A_501 : memref<128x32xf32, #tpu.memory_space<hbm>>) dst(%arg17 : memref<128x32xf32, #tpu.memory_space<vmem>>)
      %jit3A_502 = arith.constant 2 : i32
      %div3A_503 = arith.divsi %add3A_480, %jit3A_502 : i32
      %sign3A_504 = arith.constant 0 : i32
      %sign3A_505 = arith.cmpi sgt, %add3A_480, %sign3A_504 : i32
      %sign3A_506 = arith.extui %sign3A_505 : i1 to i32
      %sign3A_507 = arith.constant 0 : i32
      %sign3A_508 = arith.cmpi slt, %add3A_480, %sign3A_507 : i32
      %sign3A_509 = arith.extui %sign3A_508 : i1 to i32
      %sign3A_510 = arith.subi %sign3A_506, %sign3A_509 : i32
      %sign3A_511 = arith.constant 0 : i32
      %sign3A_512 = arith.cmpi sgt, %jit3A_502, %sign3A_511 : i32
      %sign3A_513 = arith.extui %sign3A_512 : i1 to i32
      %sign3A_514 = arith.constant 0 : i32
      %sign3A_515 = arith.cmpi slt, %jit3A_502, %sign3A_514 : i32
      %sign3A_516 = arith.extui %sign3A_515 : i1 to i32
      %sign3A_517 = arith.subi %sign3A_513, %sign3A_516 : i32
      %ne3A_518 = arith.cmpi ne, %sign3A_510, %sign3A_517 : i32
      %rem3A_519 = arith.remsi %add3A_480, %jit3A_502 : i32
      %ne3A_520 = arith.constant 0 : i32
      %ne3A_521 = arith.cmpi ne, %rem3A_519, %ne3A_520 : i32
      %and3A_522 = arith.andi %ne3A_518, %ne3A_521 : i1
      %sub3A_523 = arith.constant 1 : i32
      %sub3A_524 = arith.subi %div3A_503, %sub3A_523 : i32
      %select_n3A_525 = arith.select %and3A_522, %sub3A_524, %div3A_503 : i32
      %jit3A_526 = arith.constant 2 : i32
      %eq3A_527 = arith.constant 0 : i32
      %eq3A_528 = arith.cmpi eq, %jit3A_526, %eq3A_527 : i32
      %jit3A_529 = arith.constant 1 : i32
      %select_n3A_530 = arith.select %eq3A_528, %jit3A_529, %jit3A_526 : i32
      %rem3A_531 = arith.remsi %add3A_480, %select_n3A_530 : i32
      %ne3A_532 = arith.constant 0 : i32
      %ne3A_533 = arith.cmpi ne, %rem3A_531, %ne3A_532 : i32
      %lt3A_534 = arith.constant 0 : i32
      %lt3A_535 = arith.cmpi slt, %rem3A_531, %lt3A_534 : i32
      %lt3A_536 = arith.constant 0 : i32
      %lt3A_537 = arith.cmpi slt, %select_n3A_530, %lt3A_536 : i32
      %ne3A_538 = arith.xori %lt3A_535, %lt3A_537 : i1
      %and3A_539 = arith.andi %ne3A_538, %ne3A_533 : i1
      %add3A_540 = arith.addi %rem3A_531, %select_n3A_530 : i32
      %select_n3A_541 = arith.select %and3A_539, %add3A_540, %rem3A_531 : i32
      %jit3A_542 = arith.constant 4 : i32
      %div3A_543 = arith.divsi %select_n3A_525, %jit3A_542 : i32
      %sign3A_544 = arith.constant 0 : i32
      %sign3A_545 = arith.cmpi sgt, %select_n3A_525, %sign3A_544 : i32
      %sign3A_546 = arith.extui %sign3A_545 : i1 to i32
      %sign3A_547 = arith.constant 0 : i32
      %sign3A_548 = arith.cmpi slt, %select_n3A_525, %sign3A_547 : i32
      %sign3A_549 = arith.extui %sign3A_548 : i1 to i32
      %sign3A_550 = arith.subi %sign3A_546, %sign3A_549 : i32
      %sign3A_551 = arith.constant 0 : i32
      %sign3A_552 = arith.cmpi sgt, %jit3A_542, %sign3A_551 : i32
      %sign3A_553 = arith.extui %sign3A_552 : i1 to i32
      %sign3A_554 = arith.constant 0 : i32
      %sign3A_555 = arith.cmpi slt, %jit3A_542, %sign3A_554 : i32
      %sign3A_556 = arith.extui %sign3A_555 : i1 to i32
      %sign3A_557 = arith.subi %sign3A_553, %sign3A_556 : i32
      %ne3A_558 = arith.cmpi ne, %sign3A_550, %sign3A_557 : i32
      %rem3A_559 = arith.remsi %select_n3A_525, %jit3A_542 : i32
      %ne3A_560 = arith.constant 0 : i32
      %ne3A_561 = arith.cmpi ne, %rem3A_559, %ne3A_560 : i32
      %and3A_562 = arith.andi %ne3A_558, %ne3A_561 : i1
      %sub3A_563 = arith.constant 1 : i32
      %sub3A_564 = arith.subi %div3A_543, %sub3A_563 : i32
      %select_n3A_565 = arith.select %and3A_562, %sub3A_564, %div3A_543 : i32
      %mul3A_566 = arith.constant 128 : i32
      %mul3A_567 = arith.muli %select_n3A_541, %mul3A_566 : i32
      %add3A_568 = arith.addi %mul3A_2, %mul3A_567 : i32
      %jit3A_569 = arith.constant 4 : i32
      %eq3A_570 = arith.constant 0 : i32
      %eq3A_571 = arith.cmpi eq, %jit3A_569, %eq3A_570 : i32
      %jit3A_572 = arith.constant 1 : i32
      %select_n3A_573 = arith.select %eq3A_571, %jit3A_572, %jit3A_569 : i32
      %rem3A_574 = arith.remsi %select_n3A_525, %select_n3A_573 : i32
      %ne3A_575 = arith.constant 0 : i32
      %ne3A_576 = arith.cmpi ne, %rem3A_574, %ne3A_575 : i32
      %lt3A_577 = arith.constant 0 : i32
      %lt3A_578 = arith.cmpi slt, %rem3A_574, %lt3A_577 : i32
      %lt3A_579 = arith.constant 0 : i32
      %lt3A_580 = arith.cmpi slt, %select_n3A_573, %lt3A_579 : i32
      %ne3A_581 = arith.xori %lt3A_578, %lt3A_580 : i1
      %and3A_582 = arith.andi %ne3A_581, %ne3A_576 : i1
      %add3A_583 = arith.addi %rem3A_574, %select_n3A_573 : i32
      %select_n3A_584 = arith.select %and3A_582, %add3A_583, %rem3A_574 : i32
      %mul3A_585 = arith.constant 32 : i32
      %mul3A_586 = arith.muli %select_n3A_584, %mul3A_585 : i32
      %dma_start3A_587 = tpu.memref_slice %arg8[%select_n3A_565, %add3A_568, %mul3A_586] : memref<3x8192x128xf32, #tpu.memory_space<hbm>> -> memref<1x128x32xf32, #tpu.memory_space<hbm>>
      %dma_start3A_588 = tpu.memref_squeeze %dma_start3A_587 : memref<1x128x32xf32, #tpu.memory_space<hbm>> -> memref<128x32xf32, #tpu.memory_space<hbm>>
      %dma_start3A_589 = tpu.memref_slice %arg8[%select_n3A_565, %add3A_568, %mul3A_586] : memref<3x8192x128xf32, #tpu.memory_space<hbm>> -> memref<1x128x32xf32, #tpu.memory_space<hbm>>
      %dma_start3A_590 = tpu.memref_squeeze %dma_start3A_589 : memref<1x128x32xf32, #tpu.memory_space<hbm>> -> memref<128x32xf32, #tpu.memory_space<hbm>>
      tpu.enqueue_dma source(%arg17 : memref<128x32xf32, #tpu.memory_space<vmem>>) target(%dma_start3A_590 : memref<128x32xf32, #tpu.memory_space<hbm>>) target_semaphore(%arg25 : memref<!tpu.dma_semaphore, #tpu.memory_space<semaphore_mem>>)
    }
    %scan3A_110 = arith.constant 6 : i32
    %dma_wait3A_111 = arith.constant 0 : i32
    %dma_wait3A_112 = arith.constant 0 : i32
    %dma_wait3A_113 = arith.constant 0 : i32
    %dma_wait3A_114 = tpu.memref_slice %arg8[%dma_wait3A_111, %dma_wait3A_112, %dma_wait3A_113] : memref<3x8192x128xf32, #tpu.memory_space<hbm>> -> memref<1x128x32xf32, #tpu.memory_space<hbm>>
    %dma_wait3A_115 = tpu.memref_squeeze %dma_wait3A_114 : memref<1x128x32xf32, #tpu.memory_space<hbm>> -> memref<128x32xf32, #tpu.memory_space<hbm>>
    %dma_wait3A_116 = arith.constant 0 : i32
    %dma_wait3A_117 = arith.constant 0 : i32
    %dma_wait3A_118 = tpu.memref_slice %arg8[%dma_wait3A_111, %dma_wait3A_116, %dma_wait3A_117] : memref<3x8192x128xf32, #tpu.memory_space<hbm>> -> memref<1x128x32xf32, #tpu.memory_space<hbm>>
    %dma_wait3A_119 = tpu.memref_squeeze %dma_wait3A_118 : memref<1x128x32xf32, #tpu.memory_space<hbm>> -> memref<128x32xf32, #tpu.memory_space<hbm>>
    tpu.wait_dma2 semaphore(%arg22 : memref<!tpu.dma_semaphore, #tpu.memory_space<semaphore_mem>>) src(%arg14 : memref<128x32xf32, #tpu.memory_space<vmem>>) dst(%dma_wait3A_119 : memref<128x32xf32, #tpu.memory_space<hbm>>)
    %dma_wait3A_120 = arith.constant 0 : i32
    %dma_wait3A_121 = arith.constant 0 : i32
    %dma_wait3A_122 = arith.constant 0 : i32
    %dma_wait3A_123 = tpu.memref_slice %arg8[%dma_wait3A_120, %dma_wait3A_121, %dma_wait3A_122] : memref<3x8192x128xf32, #tpu.memory_space<hbm>> -> memref<1x128x32xf32, #tpu.memory_space<hbm>>
    %dma_wait3A_124 = tpu.memref_squeeze %dma_wait3A_123 : memref<1x128x32xf32, #tpu.memory_space<hbm>> -> memref<128x32xf32, #tpu.memory_space<hbm>>
    %dma_wait3A_125 = arith.constant 0 : i32
    %dma_wait3A_126 = arith.constant 0 : i32
    %dma_wait3A_127 = tpu.memref_slice %arg8[%dma_wait3A_120, %dma_wait3A_125, %dma_wait3A_126] : memref<3x8192x128xf32, #tpu.memory_space<hbm>> -> memref<1x128x32xf32, #tpu.memory_space<hbm>>
    %dma_wait3A_128 = tpu.memref_squeeze %dma_wait3A_127 : memref<1x128x32xf32, #tpu.memory_space<hbm>> -> memref<128x32xf32, #tpu.memory_space<hbm>>
    tpu.wait_dma2 semaphore(%arg23 : memref<!tpu.dma_semaphore, #tpu.memory_space<semaphore_mem>>) src(%arg15 : memref<128x32xf32, #tpu.memory_space<vmem>>) dst(%dma_wait3A_128 : memref<128x32xf32, #tpu.memory_space<hbm>>)
    %dma_wait3A_129 = arith.constant 0 : i32
    %dma_wait3A_130 = arith.constant 0 : i32
    %dma_wait3A_131 = arith.constant 0 : i32
    %dma_wait3A_132 = tpu.memref_slice %arg8[%dma_wait3A_129, %dma_wait3A_130, %dma_wait3A_131] : memref<3x8192x128xf32, #tpu.memory_space<hbm>> -> memref<1x128x32xf32, #tpu.memory_space<hbm>>
    %dma_wait3A_133 = tpu.memref_squeeze %dma_wait3A_132 : memref<1x128x32xf32, #tpu.memory_space<hbm>> -> memref<128x32xf32, #tpu.memory_space<hbm>>
    %dma_wait3A_134 = arith.constant 0 : i32
    %dma_wait3A_135 = arith.constant 0 : i32
    %dma_wait3A_136 = tpu.memref_slice %arg8[%dma_wait3A_129, %dma_wait3A_134, %dma_wait3A_135] : memref<3x8192x128xf32, #tpu.memory_space<hbm>> -> memref<1x128x32xf32, #tpu.memory_space<hbm>>
    %dma_wait3A_137 = tpu.memref_squeeze %dma_wait3A_136 : memref<1x128x32xf32, #tpu.memory_space<hbm>> -> memref<128x32xf32, #tpu.memory_space<hbm>>
    tpu.wait_dma2 semaphore(%arg24 : memref<!tpu.dma_semaphore, #tpu.memory_space<semaphore_mem>>) src(%arg16 : memref<128x32xf32, #tpu.memory_space<vmem>>) dst(%dma_wait3A_137 : memref<128x32xf32, #tpu.memory_space<hbm>>)
    %dma_wait3A_138 = arith.constant 0 : i32
    %dma_wait3A_139 = arith.constant 0 : i32
    %dma_wait3A_140 = arith.constant 0 : i32
    %dma_wait3A_141 = tpu.memref_slice %arg8[%dma_wait3A_138, %dma_wait3A_139, %dma_wait3A_140] : memref<3x8192x128xf32, #tpu.memory_space<hbm>> -> memref<1x128x32xf32, #tpu.memory_space<hbm>>
    %dma_wait3A_142 = tpu.memref_squeeze %dma_wait3A_141 : memref<1x128x32xf32, #tpu.memory_space<hbm>> -> memref<128x32xf32, #tpu.memory_space<hbm>>
    %dma_wait3A_143 = arith.constant 0 : i32
    %dma_wait3A_144 = arith.constant 0 : i32
    %dma_wait3A_145 = tpu.memref_slice %arg8[%dma_wait3A_138, %dma_wait3A_143, %dma_wait3A_144] : memref<3x8192x128xf32, #tpu.memory_space<hbm>> -> memref<1x128x32xf32, #tpu.memory_space<hbm>>
    %dma_wait3A_146 = tpu.memref_squeeze %dma_wait3A_145 : memref<1x128x32xf32, #tpu.memory_space<hbm>> -> memref<128x32xf32, #tpu.memory_space<hbm>>
    tpu.wait_dma2 semaphore(%arg25 : memref<!tpu.dma_semaphore, #tpu.memory_space<semaphore_mem>>) src(%arg17 : memref<128x32xf32, #tpu.memory_space<vmem>>) dst(%dma_wait3A_146 : memref<128x32xf32, #tpu.memory_space<hbm>>)
    return
  }
}

#map = affine_map<(d0, d1) -> (0, 0)>
#map1 = affine_map<(d0, d1) -> (0, 0, 0)>
module attributes {stable_mosaic.version = 14 : i64} {
  func.func @k(%arg0: i32, %arg1: i32, %arg2: memref<52x8192xi32, #tpu.memory_space<hbm>>, %arg3: memref<100000x64xf32, #tpu.memory_space<hbm>>, %arg4: memref<100000x32xf32, #tpu.memory_space<hbm>>, %arg5: memref<100000x32xf32, #tpu.memory_space<hbm>>, %arg6: memref<10x8192x128xf32, #tpu.memory_space<hbm>>, %arg7: memref<5x8192x128xf32, #tpu.memory_space<hbm>>, %arg8: memref<3x8192x128xf32, #tpu.memory_space<hbm>>, %arg9: memref<52x256xi32, #tpu.memory_space<vmem>>, %arg10: memref<128x64xf32, #tpu.memory_space<vmem>>, %arg11: memref<128x64xf32, #tpu.memory_space<vmem>>, %arg12: memref<128x64xf32, #tpu.memory_space<vmem>>, %arg13: memref<128x64xf32, #tpu.memory_space<vmem>>, %arg14: memref<128x32xf32, #tpu.memory_space<vmem>>, %arg15: memref<128x32xf32, #tpu.memory_space<vmem>>, %arg16: memref<128x32xf32, #tpu.memory_space<vmem>>, %arg17: memref<128x32xf32, #tpu.memory_space<vmem>>, %arg18: memref<!tpu.dma_semaphore, #tpu.memory_space<semaphore_mem>>, %arg19: memref<!tpu.dma_semaphore, #tpu.memory_space<semaphore_mem>>, %arg20: memref<!tpu.dma_semaphore, #tpu.memory_space<semaphore_mem>>, %arg21: memref<!tpu.dma_semaphore, #tpu.memory_space<semaphore_mem>>, %arg22: memref<!tpu.dma_semaphore, #tpu.memory_space<semaphore_mem>>, %arg23: memref<!tpu.dma_semaphore, #tpu.memory_space<semaphore_mem>>, %arg24: memref<!tpu.dma_semaphore, #tpu.memory_space<semaphore_mem>>, %arg25: memref<!tpu.dma_semaphore, #tpu.memory_space<semaphore_mem>>) attributes {dimension_semantics = [#tpu.dimension_semantics<core_parallel>, #tpu.dimension_semantics<subcore_parallel>], iteration_bounds = array<i64: 2, 16>, scalar_prefetch = 0 : i64, scratch_operands = 17 : i64, tpu.core_type = #tpu.core_type<sc_vector_subcore>, window_params = [{transform_indices = #map}, {transform_indices = #map}, {transform_indices = #map}, {transform_indices = #map}, {transform_indices = #map1}, {transform_indices = #map1}, {transform_indices = #map1}]} {
    %mul3A = arith.constant 2 : i32
    %mul3A_0 = arith.muli %arg1, %mul3A : i32
    %add3A = arith.addi %mul3A_0, %arg0 : i32
    %mul3A_1 = arith.constant 256 : i32
    %mul3A_2 = arith.muli %add3A, %mul3A_1 : i32
    "tpu.region"() ({
      %run_scoped3A = tpu.sem_alloc : memref<!tpu.dma_semaphore, #tpu.memory_space<semaphore_mem>>
      %dma_start3A_147 = arith.constant 0 : i32
      %dma_start3A_148 = tpu.memref_slice %arg2[%dma_start3A_147, %mul3A_2] : memref<52x8192xi32, #tpu.memory_space<hbm>> -> memref<52x256xi32, #tpu.memory_space<hbm>>
      %dma_start3A_149 = arith.constant 0 : i32
      %dma_start3A_150 = tpu.memref_slice %arg2[%dma_start3A_149, %mul3A_2] : memref<52x8192xi32, #tpu.memory_space<hbm>> -> memref<52x256xi32, #tpu.memory_space<hbm>>
      tpu.enqueue_dma source(%dma_start3A_150 : memref<52x256xi32, #tpu.memory_space<hbm>>) target(%arg9 : memref<52x256xi32, #tpu.memory_space<vmem>>) target_semaphore(%run_scoped3A : memref<!tpu.dma_semaphore, #tpu.memory_space<semaphore_mem>>)
      %dma_wait3A_151 = arith.constant 0 : i32
      %dma_wait3A_152 = tpu.memref_slice %arg2[%dma_wait3A_151, %mul3A_2] : memref<52x8192xi32, #tpu.memory_space<hbm>> -> memref<52x256xi32, #tpu.memory_space<hbm>>
      %dma_wait3A_153 = arith.constant 0 : i32
      %dma_wait3A_154 = tpu.memref_slice %arg2[%dma_wait3A_153, %mul3A_2] : memref<52x8192xi32, #tpu.memory_space<hbm>> -> memref<52x256xi32, #tpu.memory_space<hbm>>
      tpu.wait_dma2 semaphore(%run_scoped3A : memref<!tpu.dma_semaphore, #tpu.memory_space<semaphore_mem>>) src(%dma_wait3A_154 : memref<52x256xi32, #tpu.memory_space<hbm>>) dst(%arg9 : memref<52x256xi32, #tpu.memory_space<vmem>>)
      tpu.yield
    }) : () -> ()
    %dma_start3A = arith.constant 0 : i32
    %dma_start3A_3 = arith.constant 0 : i32
    %dma_start3A_4 = tpu.memref_slice %arg9[%dma_start3A, %dma_start3A_3] : memref<52x256xi32, #tpu.memory_space<vmem>> -> memref<1x128xi32, #tpu.memory_space<vmem>>
    %dma_start3A_5 = tpu.memref_squeeze %dma_start3A_4 : memref<1x128xi32, #tpu.memory_space<vmem>> -> memref<128xi32, #tpu.memory_space<vmem>>
    %dma_start3A_6 = arith.constant 0 : i32
    %dma_start3A_7 = arith.constant 0 : i32
    %dma_start3A_8 = tpu.memref_slice %arg3[%dma_start3A_6, %dma_start3A_7] : memref<100000x64xf32, #tpu.memory_space<hbm>> -> memref<100000x64xf32, #tpu.memory_space<hbm>>
    tpu.enqueue_indirect_dma source(%dma_start3A_8 : memref<100000x64xf32, #tpu.memory_space<hbm>>) target(%arg10 : memref<128x64xf32, #tpu.memory_space<vmem>>) offsets(%dma_start3A_5 : memref<128xi32, #tpu.memory_space<vmem>>) semaphore(%arg18 : memref<!tpu.dma_semaphore, #tpu.memory_space<semaphore_mem>>)
    %scan3A = arith.constant 0 : i32
    %scan3A_9 = arith.constant 0 : i32
    %scan3A_10 = arith.constant 10 : i32
    %scan3A_11 = arith.addi %scan3A_9, %scan3A_10 : i32
    %scan3A_12 = arith.constant 1 : i32
    scf.for %scan3A_147 = %scan3A_9 to %scan3A_11 step %scan3A_12  : i32 {
      %mul3A_148 = arith.constant 4 : i32
      %mul3A_149 = arith.muli %mul3A_148, %scan3A_147 : i32
      %add3A_150 = arith.constant 0 : i32
      %add3A_151 = arith.addi %mul3A_149, %add3A_150 : i32
      %add3A_152 = arith.constant 1 : i32
      %add3A_153 = arith.addi %add3A_151, %add3A_152 : i32
      %lt3A = arith.constant 40 : i32
      %lt3A_154 = arith.cmpi slt, %add3A_153, %lt3A : i32
      %ge3A = arith.constant 4 : i32
      %ge3A_155 = arith.cmpi sge, %add3A_153, %ge3A : i32
      %and3A = arith.andi %lt3A_154, %ge3A_155 : i1
      %convert_element_type3A = arith.extui %and3A : i1 to i32
      %cond3A = arith.constant 0 : i32
      %cond3A_156 = arith.cmpi ne, %convert_element_type3A, %cond3A : i32
      scf.if %cond3A_156 {
        %dma_wait3A_591 = arith.constant 0 : i32
        %dma_wait3A_592 = arith.constant 0 : i32
        %dma_wait3A_593 = arith.constant 0 : i32
        %dma_wait3A_594 = tpu.memref_slice %arg6[%dma_wait3A_591, %dma_wait3A_592, %dma_wait3A_593] : memref<10x8192x128xf32, #tpu.memory_space<hbm>> -> memref<1x128x64xf32, #tpu.memory_space<hbm>>
        %dma_wait3A_595 = tpu.memref_squeeze %dma_wait3A_594 : memref<1x128x64xf32, #tpu.memory_space<hbm>> -> memref<128x64xf32, #tpu.memory_space<hbm>>
        %dma_wait3A_596 = arith.constant 0 : i32
        %dma_wait3A_597 = arith.constant 0 : i32
        %dma_wait3A_598 = tpu.memref_slice %arg6[%dma_wait3A_591, %dma_wait3A_596, %dma_wait3A_597] : memref<10x8192x128xf32, #tpu.memory_space<hbm>> -> memref<1x128x64xf32, #tpu.memory_space<hbm>>
        %dma_wait3A_599 = tpu.memref_squeeze %dma_wait3A_598 : memref<1x128x64xf32, #tpu.memory_space<hbm>> -> memref<128x64xf32, #tpu.memory_space<hbm>>
        tpu.wait_dma2 semaphore(%arg23 : memref<!tpu.dma_semaphore, #tpu.memory_space<semaphore_mem>>) src(%arg11 : memref<128x64xf32, #tpu.memory_space<vmem>>) dst(%dma_wait3A_599 : memref<128x64xf32, #tpu.memory_space<hbm>>)
      } else {
      }
      %lt3A_157 = arith.constant 40 : i32
      %lt3A_158 = arith.cmpi slt, %add3A_153, %lt3A_157 : i32
      %convert_element_type3A_159 = arith.extui %lt3A_158 : i1 to i32
      %cond3A_160 = arith.constant 0 : i32
      %cond3A_161 = arith.cmpi ne, %convert_element_type3A_159, %cond3A_160 : i32
      scf.if %cond3A_161 {
        %jit3A_591 = arith.constant 2 : i32
        %div3A_592 = arith.divsi %add3A_153, %jit3A_591 : i32
        %sign3A_593 = arith.constant 0 : i32
        %sign3A_594 = arith.cmpi sgt, %add3A_153, %sign3A_593 : i32
        %sign3A_595 = arith.extui %sign3A_594 : i1 to i32
        %sign3A_596 = arith.constant 0 : i32
        %sign3A_597 = arith.cmpi slt, %add3A_153, %sign3A_596 : i32
        %sign3A_598 = arith.extui %sign3A_597 : i1 to i32
        %sign3A_599 = arith.subi %sign3A_595, %sign3A_598 : i32
        %sign3A_600 = arith.constant 0 : i32
        %sign3A_601 = arith.cmpi sgt, %jit3A_591, %sign3A_600 : i32
        %sign3A_602 = arith.extui %sign3A_601 : i1 to i32
        %sign3A_603 = arith.constant 0 : i32
        %sign3A_604 = arith.cmpi slt, %jit3A_591, %sign3A_603 : i32
        %sign3A_605 = arith.extui %sign3A_604 : i1 to i32
        %sign3A_606 = arith.subi %sign3A_602, %sign3A_605 : i32
        %ne3A_607 = arith.cmpi ne, %sign3A_599, %sign3A_606 : i32
        %rem3A_608 = arith.remsi %add3A_153, %jit3A_591 : i32
        %ne3A_609 = arith.constant 0 : i32
        %ne3A_610 = arith.cmpi ne, %rem3A_608, %ne3A_609 : i32
        %and3A_611 = arith.andi %ne3A_607, %ne3A_610 : i1
        %sub3A_612 = arith.constant 1 : i32
        %sub3A_613 = arith.subi %div3A_592, %sub3A_612 : i32
        %select_n3A_614 = arith.select %and3A_611, %sub3A_613, %div3A_592 : i32
        %jit3A_615 = arith.constant 2 : i32
        %eq3A_616 = arith.constant 0 : i32
        %eq3A_617 = arith.cmpi eq, %jit3A_615, %eq3A_616 : i32
        %jit3A_618 = arith.constant 1 : i32
        %select_n3A_619 = arith.select %eq3A_617, %jit3A_618, %jit3A_615 : i32
        %rem3A_620 = arith.remsi %add3A_153, %select_n3A_619 : i32
        %ne3A_621 = arith.constant 0 : i32
        %ne3A_622 = arith.cmpi ne, %rem3A_620, %ne3A_621 : i32
        %lt3A_623 = arith.constant 0 : i32
        %lt3A_624 = arith.cmpi slt, %rem3A_620, %lt3A_623 : i32
        %lt3A_625 = arith.constant 0 : i32
        %lt3A_626 = arith.cmpi slt, %select_n3A_619, %lt3A_625 : i32
        %ne3A_627 = arith.xori %lt3A_624, %lt3A_626 : i1
        %and3A_628 = arith.andi %ne3A_627, %ne3A_622 : i1
        %add3A_629 = arith.addi %rem3A_620, %select_n3A_619 : i32
        %select_n3A_630 = arith.select %and3A_628, %add3A_629, %rem3A_620 : i32
        %add3A_631 = arith.constant 0 : i32
        %add3A_632 = arith.addi %add3A_631, %select_n3A_614 : i32
        %mul3A_633 = arith.constant 128 : i32
        %mul3A_634 = arith.muli %select_n3A_630, %mul3A_633 : i32
        %dma_start3A_635 = tpu.memref_slice %arg9[%add3A_632, %mul3A_634] : memref<52x256xi32, #tpu.memory_space<vmem>> -> memref<1x128xi32, #tpu.memory_space<vmem>>
        %dma_start3A_636 = tpu.memref_squeeze %dma_start3A_635 : memref<1x128xi32, #tpu.memory_space<vmem>> -> memref<128xi32, #tpu.memory_space<vmem>>
        %dma_start3A_637 = arith.constant 0 : i32
        %dma_start3A_638 = arith.constant 0 : i32
        %dma_start3A_639 = tpu.memref_slice %arg3[%dma_start3A_637, %dma_start3A_638] : memref<100000x64xf32, #tpu.memory_space<hbm>> -> memref<100000x64xf32, #tpu.memory_space<hbm>>
        tpu.enqueue_indirect_dma source(%dma_start3A_639 : memref<100000x64xf32, #tpu.memory_space<hbm>>) target(%arg11 : memref<128x64xf32, #tpu.memory_space<vmem>>) offsets(%dma_start3A_636 : memref<128xi32, #tpu.memory_space<vmem>>) semaphore(%arg19 : memref<!tpu.dma_semaphore, #tpu.memory_space<semaphore_mem>>)
      } else {
      }
      %dma_wait3A_162 = arith.constant 0 : i32
      %dma_wait3A_163 = arith.constant 0 : i32
      %dma_wait3A_164 = tpu.memref_slice %arg3[%dma_wait3A_162, %dma_wait3A_163] : memref<100000x64xf32, #tpu.memory_space<hbm>> -> memref<128x64xf32, #tpu.memory_space<hbm>>
      %dma_wait3A_165 = arith.constant 0 : i32
      %dma_wait3A_166 = arith.constant 0 : i32
      %dma_wait3A_167 = tpu.memref_slice %arg3[%dma_wait3A_165, %dma_wait3A_166] : memref<100000x64xf32, #tpu.memory_space<hbm>> -> memref<128x64xf32, #tpu.memory_space<hbm>>
      tpu.wait_dma2 semaphore(%arg18 : memref<!tpu.dma_semaphore, #tpu.memory_space<semaphore_mem>>) src(%dma_wait3A_167 : memref<128x64xf32, #tpu.memory_space<hbm>>) dst(%arg10 : memref<128x64xf32, #tpu.memory_space<vmem>>)
      %jit3A = arith.constant 2 : i32
      %div3A = arith.divsi %add3A_151, %jit3A : i32
      %sign3A = arith.constant 0 : i32
      %sign3A_168 = arith.cmpi sgt, %add3A_151, %sign3A : i32
      %sign3A_169 = arith.extui %sign3A_168 : i1 to i32
      %sign3A_170 = arith.constant 0 : i32
      %sign3A_171 = arith.cmpi slt, %add3A_151, %sign3A_170 : i32
      %sign3A_172 = arith.extui %sign3A_171 : i1 to i32
      %sign3A_173 = arith.subi %sign3A_169, %sign3A_172 : i32
      %sign3A_174 = arith.constant 0 : i32
      %sign3A_175 = arith.cmpi sgt, %jit3A, %sign3A_174 : i32
      %sign3A_176 = arith.extui %sign3A_175 : i1 to i32
      %sign3A_177 = arith.constant 0 : i32
      %sign3A_178 = arith.cmpi slt, %jit3A, %sign3A_177 : i32
      %sign3A_179 = arith.extui %sign3A_178 : i1 to i32
      %sign3A_180 = arith.subi %sign3A_176, %sign3A_179 : i32
      %ne3A = arith.cmpi ne, %sign3A_173, %sign3A_180 : i32
      %rem3A = arith.remsi %add3A_151, %jit3A : i32
      %ne3A_181 = arith.constant 0 : i32
      %ne3A_182 = arith.cmpi ne, %rem3A, %ne3A_181 : i32
      %and3A_183 = arith.andi %ne3A, %ne3A_182 : i1
      %sub3A = arith.constant 1 : i32
      %sub3A_184 = arith.subi %div3A, %sub3A : i32
      %select_n3A = arith.select %and3A_183, %sub3A_184, %div3A : i32
      %jit3A_185 = arith.constant 2 : i32
      %eq3A = arith.constant 0 : i32
      %eq3A_186 = arith.cmpi eq, %jit3A_185, %eq3A : i32
      %jit3A_187 = arith.constant 1 : i32
      %select_n3A_188 = arith.select %eq3A_186, %jit3A_187, %jit3A_185 : i32
      %rem3A_189 = arith.remsi %add3A_151, %select_n3A_188 : i32
      %ne3A_190 = arith.constant 0 : i32
      %ne3A_191 = arith.cmpi ne, %rem3A_189, %ne3A_190 : i32
      %lt3A_192 = arith.constant 0 : i32
      %lt3A_193 = arith.cmpi slt, %rem3A_189, %lt3A_192 : i32
      %lt3A_194 = arith.constant 0 : i32
      %lt3A_195 = arith.cmpi slt, %select_n3A_188, %lt3A_194 : i32
      %ne3A_196 = arith.xori %lt3A_193, %lt3A_195 : i1
      %and3A_197 = arith.andi %ne3A_196, %ne3A_191 : i1
      %add3A_198 = arith.addi %rem3A_189, %select_n3A_188 : i32
      %select_n3A_199 = arith.select %and3A_197, %add3A_198, %rem3A_189 : i32
      %jit3A_200 = arith.constant 2 : i32
      %div3A_201 = arith.divsi %select_n3A, %jit3A_200 : i32
      %sign3A_202 = arith.constant 0 : i32
      %sign3A_203 = arith.cmpi sgt, %select_n3A, %sign3A_202 : i32
      %sign3A_204 = arith.extui %sign3A_203 : i1 to i32
      %sign3A_205 = arith.constant 0 : i32
      %sign3A_206 = arith.cmpi slt, %select_n3A, %sign3A_205 : i32
      %sign3A_207 = arith.extui %sign3A_206 : i1 to i32
      %sign3A_208 = arith.subi %sign3A_204, %sign3A_207 : i32
      %sign3A_209 = arith.constant 0 : i32
      %sign3A_210 = arith.cmpi sgt, %jit3A_200, %sign3A_209 : i32
      %sign3A_211 = arith.extui %sign3A_210 : i1 to i32
      %sign3A_212 = arith.constant 0 : i32
      %sign3A_213 = arith.cmpi slt, %jit3A_200, %sign3A_212 : i32
      %sign3A_214 = arith.extui %sign3A_213 : i1 to i32
      %sign3A_215 = arith.subi %sign3A_211, %sign3A_214 : i32
      %ne3A_216 = arith.cmpi ne, %sign3A_208, %sign3A_215 : i32
      %rem3A_217 = arith.remsi %select_n3A, %jit3A_200 : i32
      %ne3A_218 = arith.constant 0 : i32
      %ne3A_219 = arith.cmpi ne, %rem3A_217, %ne3A_218 : i32
      %and3A_220 = arith.andi %ne3A_216, %ne3A_219 : i1
      %sub3A_221 = arith.constant 1 : i32
      %sub3A_222 = arith.subi %div3A_201, %sub3A_221 : i32
      %select_n3A_223 = arith.select %and3A_220, %sub3A_222, %div3A_201 : i32
      %mul3A_224 = arith.constant 128 : i32
      %mul3A_225 = arith.muli %select_n3A_199, %mul3A_224 : i32
      %add3A_226 = arith.addi %mul3A_2, %mul3A_225 : i32
      %jit3A_227 = arith.constant 2 : i32
      %eq3A_228 = arith.constant 0 : i32
      %eq3A_229 = arith.cmpi eq, %jit3A_227, %eq3A_228 : i32
      %jit3A_230 = arith.constant 1 : i32
      %select_n3A_231 = arith.select %eq3A_229, %jit3A_230, %jit3A_227 : i32
      %rem3A_232 = arith.remsi %select_n3A, %select_n3A_231 : i32
      %ne3A_233 = arith.constant 0 : i32
      %ne3A_234 = arith.cmpi ne, %rem3A_232, %ne3A_233 : i32
      %lt3A_235 = arith.constant 0 : i32
      %lt3A_236 = arith.cmpi slt, %rem3A_232, %lt3A_235 : i32
      %lt3A_237 = arith.constant 0 : i32
      %lt3A_238 = arith.cmpi slt, %select_n3A_231, %lt3A_237 : i32
      %ne3A_239 = arith.xori %lt3A_236, %lt3A_238 : i1
      %and3A_240 = arith.andi %ne3A_239, %ne3A_234 : i1
      %add3A_241 = arith.addi %rem3A_232, %select_n3A_231 : i32
      %select_n3A_242 = arith.select %and3A_240, %add3A_241, %rem3A_232 : i32
      %mul3A_243 = arith.constant 64 : i32
      %mul3A_244 = arith.muli %select_n3A_242, %mul3A_243 : i32
      %dma_start3A_245 = tpu.memref_slice %arg6[%select_n3A_223, %add3A_226, %mul3A_244] : memref<10x8192x128xf32, #tpu.memory_space<hbm>> -> memref<1x128x64xf32, #tpu.memory_space<hbm>>
      %dma_start3A_246 = tpu.memref_squeeze %dma_start3A_245 : memref<1x128x64xf32, #tpu.memory_space<hbm>> -> memref<128x64xf32, #tpu.memory_space<hbm>>
      %dma_start3A_247 = tpu.memref_slice %arg6[%select_n3A_223, %add3A_226, %mul3A_244] : memref<10x8192x128xf32, #tpu.memory_space<hbm>> -> memref<1x128x64xf32, #tpu.memory_space<hbm>>
      %dma_start3A_248 = tpu.memref_squeeze %dma_start3A_247 : memref<1x128x64xf32, #tpu.memory_space<hbm>> -> memref<128x64xf32, #tpu.memory_space<hbm>>
      tpu.enqueue_dma source(%arg10 : memref<128x64xf32, #tpu.memory_space<vmem>>) target(%dma_start3A_248 : memref<128x64xf32, #tpu.memory_space<hbm>>) target_semaphore(%arg22 : memref<!tpu.dma_semaphore, #tpu.memory_space<semaphore_mem>>)
      %mul3A_249 = arith.constant 4 : i32
      %mul3A_250 = arith.muli %mul3A_249, %scan3A_147 : i32
      %add3A_251 = arith.constant 1 : i32
      %add3A_252 = arith.addi %mul3A_250, %add3A_251 : i32
      %add3A_253 = arith.constant 1 : i32
      %add3A_254 = arith.addi %add3A_252, %add3A_253 : i32
      %lt3A_255 = arith.constant 40 : i32
      %lt3A_256 = arith.cmpi slt, %add3A_254, %lt3A_255 : i32
      %ge3A_257 = arith.constant 4 : i32
      %ge3A_258 = arith.cmpi sge, %add3A_254, %ge3A_257 : i32
      %and3A_259 = arith.andi %lt3A_256, %ge3A_258 : i1
      %convert_element_type3A_260 = arith.extui %and3A_259 : i1 to i32
      %cond3A_261 = arith.constant 0 : i32
      %cond3A_262 = arith.cmpi ne, %convert_element_type3A_260, %cond3A_261 : i32
      scf.if %cond3A_262 {
        %dma_wait3A_591 = arith.constant 0 : i32
        %dma_wait3A_592 = arith.constant 0 : i32
        %dma_wait3A_593 = arith.constant 0 : i32
        %dma_wait3A_594 = tpu.memref_slice %arg6[%dma_wait3A_591, %dma_wait3A_592, %dma_wait3A_593] : memref<10x8192x128xf32, #tpu.memory_space<hbm>> -> memref<1x128x64xf32, #tpu.memory_space<hbm>>
        %dma_wait3A_595 = tpu.memref_squeeze %dma_wait3A_594 : memref<1x128x64xf32, #tpu.memory_space<hbm>> -> memref<128x64xf32, #tpu.memory_space<hbm>>
        %dma_wait3A_596 = arith.constant 0 : i32
        %dma_wait3A_597 = arith.constant 0 : i32
        %dma_wait3A_598 = tpu.memref_slice %arg6[%dma_wait3A_591, %dma_wait3A_596, %dma_wait3A_597] : memref<10x8192x128xf32, #tpu.memory_space<hbm>> -> memref<1x128x64xf32, #tpu.memory_space<hbm>>
        %dma_wait3A_599 = tpu.memref_squeeze %dma_wait3A_598 : memref<1x128x64xf32, #tpu.memory_space<hbm>> -> memref<128x64xf32, #tpu.memory_space<hbm>>
        tpu.wait_dma2 semaphore(%arg24 : memref<!tpu.dma_semaphore, #tpu.memory_space<semaphore_mem>>) src(%arg12 : memref<128x64xf32, #tpu.memory_space<vmem>>) dst(%dma_wait3A_599 : memref<128x64xf32, #tpu.memory_space<hbm>>)
      } else {
      }
      %lt3A_263 = arith.constant 40 : i32
      %lt3A_264 = arith.cmpi slt, %add3A_254, %lt3A_263 : i32
      %convert_element_type3A_265 = arith.extui %lt3A_264 : i1 to i32
      %cond3A_266 = arith.constant 0 : i32
      %cond3A_267 = arith.cmpi ne, %convert_element_type3A_265, %cond3A_266 : i32
      scf.if %cond3A_267 {
        %jit3A_591 = arith.constant 2 : i32
        %div3A_592 = arith.divsi %add3A_254, %jit3A_591 : i32
        %sign3A_593 = arith.constant 0 : i32
        %sign3A_594 = arith.cmpi sgt, %add3A_254, %sign3A_593 : i32
        %sign3A_595 = arith.extui %sign3A_594 : i1 to i32
        %sign3A_596 = arith.constant 0 : i32
        %sign3A_597 = arith.cmpi slt, %add3A_254, %sign3A_596 : i32
        %sign3A_598 = arith.extui %sign3A_597 : i1 to i32
        %sign3A_599 = arith.subi %sign3A_595, %sign3A_598 : i32
        %sign3A_600 = arith.constant 0 : i32
        %sign3A_601 = arith.cmpi sgt, %jit3A_591, %sign3A_600 : i32
        %sign3A_602 = arith.extui %sign3A_601 : i1 to i32
        %sign3A_603 = arith.constant 0 : i32
        %sign3A_604 = arith.cmpi slt, %jit3A_591, %sign3A_603 : i32
        %sign3A_605 = arith.extui %sign3A_604 : i1 to i32
        %sign3A_606 = arith.subi %sign3A_602, %sign3A_605 : i32
        %ne3A_607 = arith.cmpi ne, %sign3A_599, %sign3A_606 : i32
        %rem3A_608 = arith.remsi %add3A_254, %jit3A_591 : i32
        %ne3A_609 = arith.constant 0 : i32
        %ne3A_610 = arith.cmpi ne, %rem3A_608, %ne3A_609 : i32
        %and3A_611 = arith.andi %ne3A_607, %ne3A_610 : i1
        %sub3A_612 = arith.constant 1 : i32
        %sub3A_613 = arith.subi %div3A_592, %sub3A_612 : i32
        %select_n3A_614 = arith.select %and3A_611, %sub3A_613, %div3A_592 : i32
        %jit3A_615 = arith.constant 2 : i32
        %eq3A_616 = arith.constant 0 : i32
        %eq3A_617 = arith.cmpi eq, %jit3A_615, %eq3A_616 : i32
        %jit3A_618 = arith.constant 1 : i32
        %select_n3A_619 = arith.select %eq3A_617, %jit3A_618, %jit3A_615 : i32
        %rem3A_620 = arith.remsi %add3A_254, %select_n3A_619 : i32
        %ne3A_621 = arith.constant 0 : i32
        %ne3A_622 = arith.cmpi ne, %rem3A_620, %ne3A_621 : i32
        %lt3A_623 = arith.constant 0 : i32
        %lt3A_624 = arith.cmpi slt, %rem3A_620, %lt3A_623 : i32
        %lt3A_625 = arith.constant 0 : i32
        %lt3A_626 = arith.cmpi slt, %select_n3A_619, %lt3A_625 : i32
        %ne3A_627 = arith.xori %lt3A_624, %lt3A_626 : i1
        %and3A_628 = arith.andi %ne3A_627, %ne3A_622 : i1
        %add3A_629 = arith.addi %rem3A_620, %select_n3A_619 : i32
        %select_n3A_630 = arith.select %and3A_628, %add3A_629, %rem3A_620 : i32
        %add3A_631 = arith.constant 0 : i32
        %add3A_632 = arith.addi %add3A_631, %select_n3A_614 : i32
        %mul3A_633 = arith.constant 128 : i32
        %mul3A_634 = arith.muli %select_n3A_630, %mul3A_633 : i32
        %dma_start3A_635 = tpu.memref_slice %arg9[%add3A_632, %mul3A_634] : memref<52x256xi32, #tpu.memory_space<vmem>> -> memref<1x128xi32, #tpu.memory_space<vmem>>
        %dma_start3A_636 = tpu.memref_squeeze %dma_start3A_635 : memref<1x128xi32, #tpu.memory_space<vmem>> -> memref<128xi32, #tpu.memory_space<vmem>>
        %dma_start3A_637 = arith.constant 0 : i32
        %dma_start3A_638 = arith.constant 0 : i32
        %dma_start3A_639 = tpu.memref_slice %arg3[%dma_start3A_637, %dma_start3A_638] : memref<100000x64xf32, #tpu.memory_space<hbm>> -> memref<100000x64xf32, #tpu.memory_space<hbm>>
        tpu.enqueue_indirect_dma source(%dma_start3A_639 : memref<100000x64xf32, #tpu.memory_space<hbm>>) target(%arg12 : memref<128x64xf32, #tpu.memory_space<vmem>>) offsets(%dma_start3A_636 : memref<128xi32, #tpu.memory_space<vmem>>) semaphore(%arg20 : memref<!tpu.dma_semaphore, #tpu.memory_space<semaphore_mem>>)
      } else {
      }
      %dma_wait3A_268 = arith.constant 0 : i32
      %dma_wait3A_269 = arith.constant 0 : i32
      %dma_wait3A_270 = tpu.memref_slice %arg3[%dma_wait3A_268, %dma_wait3A_269] : memref<100000x64xf32, #tpu.memory_space<hbm>> -> memref<128x64xf32, #tpu.memory_space<hbm>>
      %dma_wait3A_271 = arith.constant 0 : i32
      %dma_wait3A_272 = arith.constant 0 : i32
      %dma_wait3A_273 = tpu.memref_slice %arg3[%dma_wait3A_271, %dma_wait3A_272] : memref<100000x64xf32, #tpu.memory_space<hbm>> -> memref<128x64xf32, #tpu.memory_space<hbm>>
      tpu.wait_dma2 semaphore(%arg19 : memref<!tpu.dma_semaphore, #tpu.memory_space<semaphore_mem>>) src(%dma_wait3A_273 : memref<128x64xf32, #tpu.memory_space<hbm>>) dst(%arg11 : memref<128x64xf32, #tpu.memory_space<vmem>>)
      %jit3A_274 = arith.constant 2 : i32
      %div3A_275 = arith.divsi %add3A_252, %jit3A_274 : i32
      %sign3A_276 = arith.constant 0 : i32
      %sign3A_277 = arith.cmpi sgt, %add3A_252, %sign3A_276 : i32
      %sign3A_278 = arith.extui %sign3A_277 : i1 to i32
      %sign3A_279 = arith.constant 0 : i32
      %sign3A_280 = arith.cmpi slt, %add3A_252, %sign3A_279 : i32
      %sign3A_281 = arith.extui %sign3A_280 : i1 to i32
      %sign3A_282 = arith.subi %sign3A_278, %sign3A_281 : i32
      %sign3A_283 = arith.constant 0 : i32
      %sign3A_284 = arith.cmpi sgt, %jit3A_274, %sign3A_283 : i32
      %sign3A_285 = arith.extui %sign3A_284 : i1 to i32
      %sign3A_286 = arith.constant 0 : i32
      %sign3A_287 = arith.cmpi slt, %jit3A_274, %sign3A_286 : i32
      %sign3A_288 = arith.extui %sign3A_287 : i1 to i32
      %sign3A_289 = arith.subi %sign3A_285, %sign3A_288 : i32
      %ne3A_290 = arith.cmpi ne, %sign3A_282, %sign3A_289 : i32
      %rem3A_291 = arith.remsi %add3A_252, %jit3A_274 : i32
      %ne3A_292 = arith.constant 0 : i32
      %ne3A_293 = arith.cmpi ne, %rem3A_291, %ne3A_292 : i32
      %and3A_294 = arith.andi %ne3A_290, %ne3A_293 : i1
      %sub3A_295 = arith.constant 1 : i32
      %sub3A_296 = arith.subi %div3A_275, %sub3A_295 : i32
      %select_n3A_297 = arith.select %and3A_294, %sub3A_296, %div3A_275 : i32
      %jit3A_298 = arith.constant 2 : i32
      %eq3A_299 = arith.constant 0 : i32
      %eq3A_300 = arith.cmpi eq, %jit3A_298, %eq3A_299 : i32
      %jit3A_301 = arith.constant 1 : i32
      %select_n3A_302 = arith.select %eq3A_300, %jit3A_301, %jit3A_298 : i32
      %rem3A_303 = arith.remsi %add3A_252, %select_n3A_302 : i32
      %ne3A_304 = arith.constant 0 : i32
      %ne3A_305 = arith.cmpi ne, %rem3A_303, %ne3A_304 : i32
      %lt3A_306 = arith.constant 0 : i32
      %lt3A_307 = arith.cmpi slt, %rem3A_303, %lt3A_306 : i32
      %lt3A_308 = arith.constant 0 : i32
      %lt3A_309 = arith.cmpi slt, %select_n3A_302, %lt3A_308 : i32
      %ne3A_310 = arith.xori %lt3A_307, %lt3A_309 : i1
      %and3A_311 = arith.andi %ne3A_310, %ne3A_305 : i1
      %add3A_312 = arith.addi %rem3A_303, %select_n3A_302 : i32
      %select_n3A_313 = arith.select %and3A_311, %add3A_312, %rem3A_303 : i32
      %jit3A_314 = arith.constant 2 : i32
      %div3A_315 = arith.divsi %select_n3A_297, %jit3A_314 : i32
      %sign3A_316 = arith.constant 0 : i32
      %sign3A_317 = arith.cmpi sgt, %select_n3A_297, %sign3A_316 : i32
      %sign3A_318 = arith.extui %sign3A_317 : i1 to i32
      %sign3A_319 = arith.constant 0 : i32
      %sign3A_320 = arith.cmpi slt, %select_n3A_297, %sign3A_319 : i32
      %sign3A_321 = arith.extui %sign3A_320 : i1 to i32
      %sign3A_322 = arith.subi %sign3A_318, %sign3A_321 : i32
      %sign3A_323 = arith.constant 0 : i32
      %sign3A_324 = arith.cmpi sgt, %jit3A_314, %sign3A_323 : i32
      %sign3A_325 = arith.extui %sign3A_324 : i1 to i32
      %sign3A_326 = arith.constant 0 : i32
      %sign3A_327 = arith.cmpi slt, %jit3A_314, %sign3A_326 : i32
      %sign3A_328 = arith.extui %sign3A_327 : i1 to i32
      %sign3A_329 = arith.subi %sign3A_325, %sign3A_328 : i32
      %ne3A_330 = arith.cmpi ne, %sign3A_322, %sign3A_329 : i32
      %rem3A_331 = arith.remsi %select_n3A_297, %jit3A_314 : i32
      %ne3A_332 = arith.constant 0 : i32
      %ne3A_333 = arith.cmpi ne, %rem3A_331, %ne3A_332 : i32
      %and3A_334 = arith.andi %ne3A_330, %ne3A_333 : i1
      %sub3A_335 = arith.constant 1 : i32
      %sub3A_336 = arith.subi %div3A_315, %sub3A_335 : i32
      %select_n3A_337 = arith.select %and3A_334, %sub3A_336, %div3A_315 : i32
      %mul3A_338 = arith.constant 128 : i32
      %mul3A_339 = arith.muli %select_n3A_313, %mul3A_338 : i32
      %add3A_340 = arith.addi %mul3A_2, %mul3A_339 : i32
      %jit3A_341 = arith.constant 2 : i32
      %eq3A_342 = arith.constant 0 : i32
      %eq3A_343 = arith.cmpi eq, %jit3A_341, %eq3A_342 : i32
      %jit3A_344 = arith.constant 1 : i32
      %select_n3A_345 = arith.select %eq3A_343, %jit3A_344, %jit3A_341 : i32
      %rem3A_346 = arith.remsi %select_n3A_297, %select_n3A_345 : i32
      %ne3A_347 = arith.constant 0 : i32
      %ne3A_348 = arith.cmpi ne, %rem3A_346, %ne3A_347 : i32
      %lt3A_349 = arith.constant 0 : i32
      %lt3A_350 = arith.cmpi slt, %rem3A_346, %lt3A_349 : i32
      %lt3A_351 = arith.constant 0 : i32
      %lt3A_352 = arith.cmpi slt, %select_n3A_345, %lt3A_351 : i32
      %ne3A_353 = arith.xori %lt3A_350, %lt3A_352 : i1
      %and3A_354 = arith.andi %ne3A_353, %ne3A_348 : i1
      %add3A_355 = arith.addi %rem3A_346, %select_n3A_345 : i32
      %select_n3A_356 = arith.select %and3A_354, %add3A_355, %rem3A_346 : i32
      %mul3A_357 = arith.constant 64 : i32
      %mul3A_358 = arith.muli %select_n3A_356, %mul3A_357 : i32
      %dma_start3A_359 = tpu.memref_slice %arg6[%select_n3A_337, %add3A_340, %mul3A_358] : memref<10x8192x128xf32, #tpu.memory_space<hbm>> -> memref<1x128x64xf32, #tpu.memory_space<hbm>>
      %dma_start3A_360 = tpu.memref_squeeze %dma_start3A_359 : memref<1x128x64xf32, #tpu.memory_space<hbm>> -> memref<128x64xf32, #tpu.memory_space<hbm>>
      %dma_start3A_361 = tpu.memref_slice %arg6[%select_n3A_337, %add3A_340, %mul3A_358] : memref<10x8192x128xf32, #tpu.memory_space<hbm>> -> memref<1x128x64xf32, #tpu.memory_space<hbm>>
      %dma_start3A_362 = tpu.memref_squeeze %dma_start3A_361 : memref<1x128x64xf32, #tpu.memory_space<hbm>> -> memref<128x64xf32, #tpu.memory_space<hbm>>
      tpu.enqueue_dma source(%arg11 : memref<128x64xf32, #tpu.memory_space<vmem>>) target(%dma_start3A_362 : memref<128x64xf32, #tpu.memory_space<hbm>>) target_semaphore(%arg23 : memref<!tpu.dma_semaphore, #tpu.memory_space<semaphore_mem>>)
      %mul3A_363 = arith.constant 4 : i32
      %mul3A_364 = arith.muli %mul3A_363, %scan3A_147 : i32
      %add3A_365 = arith.constant 2 : i32
      %add3A_366 = arith.addi %mul3A_364, %add3A_365 : i32
      %add3A_367 = arith.constant 1 : i32
      %add3A_368 = arith.addi %add3A_366, %add3A_367 : i32
      %lt3A_369 = arith.constant 40 : i32
      %lt3A_370 = arith.cmpi slt, %add3A_368, %lt3A_369 : i32
      %ge3A_371 = arith.constant 4 : i32
      %ge3A_372 = arith.cmpi sge, %add3A_368, %ge3A_371 : i32
      %and3A_373 = arith.andi %lt3A_370, %ge3A_372 : i1
      %convert_element_type3A_374 = arith.extui %and3A_373 : i1 to i32
      %cond3A_375 = arith.constant 0 : i32
      %cond3A_376 = arith.cmpi ne, %convert_element_type3A_374, %cond3A_375 : i32
      scf.if %cond3A_376 {
        %dma_wait3A_591 = arith.constant 0 : i32
        %dma_wait3A_592 = arith.constant 0 : i32
        %dma_wait3A_593 = arith.constant 0 : i32
        %dma_wait3A_594 = tpu.memref_slice %arg6[%dma_wait3A_591, %dma_wait3A_592, %dma_wait3A_593] : memref<10x8192x128xf32, #tpu.memory_space<hbm>> -> memref<1x128x64xf32, #tpu.memory_space<hbm>>
        %dma_wait3A_595 = tpu.memref_squeeze %dma_wait3A_594 : memref<1x128x64xf32, #tpu.memory_space<hbm>> -> memref<128x64xf32, #tpu.memory_space<hbm>>
        %dma_wait3A_596 = arith.constant 0 : i32
        %dma_wait3A_597 = arith.constant 0 : i32
        %dma_wait3A_598 = tpu.memref_slice %arg6[%dma_wait3A_591, %dma_wait3A_596, %dma_wait3A_597] : memref<10x8192x128xf32, #tpu.memory_space<hbm>> -> memref<1x128x64xf32, #tpu.memory_space<hbm>>
        %dma_wait3A_599 = tpu.memref_squeeze %dma_wait3A_598 : memref<1x128x64xf32, #tpu.memory_space<hbm>> -> memref<128x64xf32, #tpu.memory_space<hbm>>
        tpu.wait_dma2 semaphore(%arg25 : memref<!tpu.dma_semaphore, #tpu.memory_space<semaphore_mem>>) src(%arg13 : memref<128x64xf32, #tpu.memory_space<vmem>>) dst(%dma_wait3A_599 : memref<128x64xf32, #tpu.memory_space<hbm>>)
      } else {
      }
      %lt3A_377 = arith.constant 40 : i32
      %lt3A_378 = arith.cmpi slt, %add3A_368, %lt3A_377 : i32
      %convert_element_type3A_379 = arith.extui %lt3A_378 : i1 to i32
      %cond3A_380 = arith.constant 0 : i32
      %cond3A_381 = arith.cmpi ne, %convert_element_type3A_379, %cond3A_380 : i32
      scf.if %cond3A_381 {
        %jit3A_591 = arith.constant 2 : i32
        %div3A_592 = arith.divsi %add3A_368, %jit3A_591 : i32
        %sign3A_593 = arith.constant 0 : i32
        %sign3A_594 = arith.cmpi sgt, %add3A_368, %sign3A_593 : i32
        %sign3A_595 = arith.extui %sign3A_594 : i1 to i32
        %sign3A_596 = arith.constant 0 : i32
        %sign3A_597 = arith.cmpi slt, %add3A_368, %sign3A_596 : i32
        %sign3A_598 = arith.extui %sign3A_597 : i1 to i32
        %sign3A_599 = arith.subi %sign3A_595, %sign3A_598 : i32
        %sign3A_600 = arith.constant 0 : i32
        %sign3A_601 = arith.cmpi sgt, %jit3A_591, %sign3A_600 : i32
        %sign3A_602 = arith.extui %sign3A_601 : i1 to i32
        %sign3A_603 = arith.constant 0 : i32
        %sign3A_604 = arith.cmpi slt, %jit3A_591, %sign3A_603 : i32
        %sign3A_605 = arith.extui %sign3A_604 : i1 to i32
        %sign3A_606 = arith.subi %sign3A_602, %sign3A_605 : i32
        %ne3A_607 = arith.cmpi ne, %sign3A_599, %sign3A_606 : i32
        %rem3A_608 = arith.remsi %add3A_368, %jit3A_591 : i32
        %ne3A_609 = arith.constant 0 : i32
        %ne3A_610 = arith.cmpi ne, %rem3A_608, %ne3A_609 : i32
        %and3A_611 = arith.andi %ne3A_607, %ne3A_610 : i1
        %sub3A_612 = arith.constant 1 : i32
        %sub3A_613 = arith.subi %div3A_592, %sub3A_612 : i32
        %select_n3A_614 = arith.select %and3A_611, %sub3A_613, %div3A_592 : i32
        %jit3A_615 = arith.constant 2 : i32
        %eq3A_616 = arith.constant 0 : i32
        %eq3A_617 = arith.cmpi eq, %jit3A_615, %eq3A_616 : i32
        %jit3A_618 = arith.constant 1 : i32
        %select_n3A_619 = arith.select %eq3A_617, %jit3A_618, %jit3A_615 : i32
        %rem3A_620 = arith.remsi %add3A_368, %select_n3A_619 : i32
        %ne3A_621 = arith.constant 0 : i32
        %ne3A_622 = arith.cmpi ne, %rem3A_620, %ne3A_621 : i32
        %lt3A_623 = arith.constant 0 : i32
        %lt3A_624 = arith.cmpi slt, %rem3A_620, %lt3A_623 : i32
        %lt3A_625 = arith.constant 0 : i32
        %lt3A_626 = arith.cmpi slt, %select_n3A_619, %lt3A_625 : i32
        %ne3A_627 = arith.xori %lt3A_624, %lt3A_626 : i1
        %and3A_628 = arith.andi %ne3A_627, %ne3A_622 : i1
        %add3A_629 = arith.addi %rem3A_620, %select_n3A_619 : i32
        %select_n3A_630 = arith.select %and3A_628, %add3A_629, %rem3A_620 : i32
        %add3A_631 = arith.constant 0 : i32
        %add3A_632 = arith.addi %add3A_631, %select_n3A_614 : i32
        %mul3A_633 = arith.constant 128 : i32
        %mul3A_634 = arith.muli %select_n3A_630, %mul3A_633 : i32
        %dma_start3A_635 = tpu.memref_slice %arg9[%add3A_632, %mul3A_634] : memref<52x256xi32, #tpu.memory_space<vmem>> -> memref<1x128xi32, #tpu.memory_space<vmem>>
        %dma_start3A_636 = tpu.memref_squeeze %dma_start3A_635 : memref<1x128xi32, #tpu.memory_space<vmem>> -> memref<128xi32, #tpu.memory_space<vmem>>
        %dma_start3A_637 = arith.constant 0 : i32
        %dma_start3A_638 = arith.constant 0 : i32
        %dma_start3A_639 = tpu.memref_slice %arg3[%dma_start3A_637, %dma_start3A_638] : memref<100000x64xf32, #tpu.memory_space<hbm>> -> memref<100000x64xf32, #tpu.memory_space<hbm>>
        tpu.enqueue_indirect_dma source(%dma_start3A_639 : memref<100000x64xf32, #tpu.memory_space<hbm>>) target(%arg13 : memref<128x64xf32, #tpu.memory_space<vmem>>) offsets(%dma_start3A_636 : memref<128xi32, #tpu.memory_space<vmem>>) semaphore(%arg21 : memref<!tpu.dma_semaphore, #tpu.memory_space<semaphore_mem>>)
      } else {
      }
      %dma_wait3A_382 = arith.constant 0 : i32
      %dma_wait3A_383 = arith.constant 0 : i32
      %dma_wait3A_384 = tpu.memref_slice %arg3[%dma_wait3A_382, %dma_wait3A_383] : memref<100000x64xf32, #tpu.memory_space<hbm>> -> memref<128x64xf32, #tpu.memory_space<hbm>>
      %dma_wait3A_385 = arith.constant 0 : i32
      %dma_wait3A_386 = arith.constant 0 : i32
      %dma_wait3A_387 = tpu.memref_slice %arg3[%dma_wait3A_385, %dma_wait3A_386] : memref<100000x64xf32, #tpu.memory_space<hbm>> -> memref<128x64xf32, #tpu.memory_space<hbm>>
      tpu.wait_dma2 semaphore(%arg20 : memref<!tpu.dma_semaphore, #tpu.memory_space<semaphore_mem>>) src(%dma_wait3A_387 : memref<128x64xf32, #tpu.memory_space<hbm>>) dst(%arg12 : memref<128x64xf32, #tpu.memory_space<vmem>>)
      %jit3A_388 = arith.constant 2 : i32
      %div3A_389 = arith.divsi %add3A_366, %jit3A_388 : i32
      %sign3A_390 = arith.constant 0 : i32
      %sign3A_391 = arith.cmpi sgt, %add3A_366, %sign3A_390 : i32
      %sign3A_392 = arith.extui %sign3A_391 : i1 to i32
      %sign3A_393 = arith.constant 0 : i32
      %sign3A_394 = arith.cmpi slt, %add3A_366, %sign3A_393 : i32
      %sign3A_395 = arith.extui %sign3A_394 : i1 to i32
      %sign3A_396 = arith.subi %sign3A_392, %sign3A_395 : i32
      %sign3A_397 = arith.constant 0 : i32
      %sign3A_398 = arith.cmpi sgt, %jit3A_388, %sign3A_397 : i32
      %sign3A_399 = arith.extui %sign3A_398 : i1 to i32
      %sign3A_400 = arith.constant 0 : i32
      %sign3A_401 = arith.cmpi slt, %jit3A_388, %sign3A_400 : i32
      %sign3A_402 = arith.extui %sign3A_401 : i1 to i32
      %sign3A_403 = arith.subi %sign3A_399, %sign3A_402 : i32
      %ne3A_404 = arith.cmpi ne, %sign3A_396, %sign3A_403 : i32
      %rem3A_405 = arith.remsi %add3A_366, %jit3A_388 : i32
      %ne3A_406 = arith.constant 0 : i32
      %ne3A_407 = arith.cmpi ne, %rem3A_405, %ne3A_406 : i32
      %and3A_408 = arith.andi %ne3A_404, %ne3A_407 : i1
      %sub3A_409 = arith.constant 1 : i32
      %sub3A_410 = arith.subi %div3A_389, %sub3A_409 : i32
      %select_n3A_411 = arith.select %and3A_408, %sub3A_410, %div3A_389 : i32
      %jit3A_412 = arith.constant 2 : i32
      %eq3A_413 = arith.constant 0 : i32
      %eq3A_414 = arith.cmpi eq, %jit3A_412, %eq3A_413 : i32
      %jit3A_415 = arith.constant 1 : i32
      %select_n3A_416 = arith.select %eq3A_414, %jit3A_415, %jit3A_412 : i32
      %rem3A_417 = arith.remsi %add3A_366, %select_n3A_416 : i32
      %ne3A_418 = arith.constant 0 : i32
      %ne3A_419 = arith.cmpi ne, %rem3A_417, %ne3A_418 : i32
      %lt3A_420 = arith.constant 0 : i32
      %lt3A_421 = arith.cmpi slt, %rem3A_417, %lt3A_420 : i32
      %lt3A_422 = arith.constant 0 : i32
      %lt3A_423 = arith.cmpi slt, %select_n3A_416, %lt3A_422 : i32
      %ne3A_424 = arith.xori %lt3A_421, %lt3A_423 : i1
      %and3A_425 = arith.andi %ne3A_424, %ne3A_419 : i1
      %add3A_426 = arith.addi %rem3A_417, %select_n3A_416 : i32
      %select_n3A_427 = arith.select %and3A_425, %add3A_426, %rem3A_417 : i32
      %jit3A_428 = arith.constant 2 : i32
      %div3A_429 = arith.divsi %select_n3A_411, %jit3A_428 : i32
      %sign3A_430 = arith.constant 0 : i32
      %sign3A_431 = arith.cmpi sgt, %select_n3A_411, %sign3A_430 : i32
      %sign3A_432 = arith.extui %sign3A_431 : i1 to i32
      %sign3A_433 = arith.constant 0 : i32
      %sign3A_434 = arith.cmpi slt, %select_n3A_411, %sign3A_433 : i32
      %sign3A_435 = arith.extui %sign3A_434 : i1 to i32
      %sign3A_436 = arith.subi %sign3A_432, %sign3A_435 : i32
      %sign3A_437 = arith.constant 0 : i32
      %sign3A_438 = arith.cmpi sgt, %jit3A_428, %sign3A_437 : i32
      %sign3A_439 = arith.extui %sign3A_438 : i1 to i32
      %sign3A_440 = arith.constant 0 : i32
      %sign3A_441 = arith.cmpi slt, %jit3A_428, %sign3A_440 : i32
      %sign3A_442 = arith.extui %sign3A_441 : i1 to i32
      %sign3A_443 = arith.subi %sign3A_439, %sign3A_442 : i32
      %ne3A_444 = arith.cmpi ne, %sign3A_436, %sign3A_443 : i32
      %rem3A_445 = arith.remsi %select_n3A_411, %jit3A_428 : i32
      %ne3A_446 = arith.constant 0 : i32
      %ne3A_447 = arith.cmpi ne, %rem3A_445, %ne3A_446 : i32
      %and3A_448 = arith.andi %ne3A_444, %ne3A_447 : i1
      %sub3A_449 = arith.constant 1 : i32
      %sub3A_450 = arith.subi %div3A_429, %sub3A_449 : i32
      %select_n3A_451 = arith.select %and3A_448, %sub3A_450, %div3A_429 : i32
      %mul3A_452 = arith.constant 128 : i32
      %mul3A_453 = arith.muli %select_n3A_427, %mul3A_452 : i32
      %add3A_454 = arith.addi %mul3A_2, %mul3A_453 : i32
      %jit3A_455 = arith.constant 2 : i32
      %eq3A_456 = arith.constant 0 : i32
      %eq3A_457 = arith.cmpi eq, %jit3A_455, %eq3A_456 : i32
      %jit3A_458 = arith.constant 1 : i32
      %select_n3A_459 = arith.select %eq3A_457, %jit3A_458, %jit3A_455 : i32
      %rem3A_460 = arith.remsi %select_n3A_411, %select_n3A_459 : i32
      %ne3A_461 = arith.constant 0 : i32
      %ne3A_462 = arith.cmpi ne, %rem3A_460, %ne3A_461 : i32
      %lt3A_463 = arith.constant 0 : i32
      %lt3A_464 = arith.cmpi slt, %rem3A_460, %lt3A_463 : i32
      %lt3A_465 = arith.constant 0 : i32
      %lt3A_466 = arith.cmpi slt, %select_n3A_459, %lt3A_465 : i32
      %ne3A_467 = arith.xori %lt3A_464, %lt3A_466 : i1
      %and3A_468 = arith.andi %ne3A_467, %ne3A_462 : i1
      %add3A_469 = arith.addi %rem3A_460, %select_n3A_459 : i32
      %select_n3A_470 = arith.select %and3A_468, %add3A_469, %rem3A_460 : i32
      %mul3A_471 = arith.constant 64 : i32
      %mul3A_472 = arith.muli %select_n3A_470, %mul3A_471 : i32
      %dma_start3A_473 = tpu.memref_slice %arg6[%select_n3A_451, %add3A_454, %mul3A_472] : memref<10x8192x128xf32, #tpu.memory_space<hbm>> -> memref<1x128x64xf32, #tpu.memory_space<hbm>>
      %dma_start3A_474 = tpu.memref_squeeze %dma_start3A_473 : memref<1x128x64xf32, #tpu.memory_space<hbm>> -> memref<128x64xf32, #tpu.memory_space<hbm>>
      %dma_start3A_475 = tpu.memref_slice %arg6[%select_n3A_451, %add3A_454, %mul3A_472] : memref<10x8192x128xf32, #tpu.memory_space<hbm>> -> memref<1x128x64xf32, #tpu.memory_space<hbm>>
      %dma_start3A_476 = tpu.memref_squeeze %dma_start3A_475 : memref<1x128x64xf32, #tpu.memory_space<hbm>> -> memref<128x64xf32, #tpu.memory_space<hbm>>
      tpu.enqueue_dma source(%arg12 : memref<128x64xf32, #tpu.memory_space<vmem>>) target(%dma_start3A_476 : memref<128x64xf32, #tpu.memory_space<hbm>>) target_semaphore(%arg24 : memref<!tpu.dma_semaphore, #tpu.memory_space<semaphore_mem>>)
      %mul3A_477 = arith.constant 4 : i32
      %mul3A_478 = arith.muli %mul3A_477, %scan3A_147 : i32
      %add3A_479 = arith.constant 3 : i32
      %add3A_480 = arith.addi %mul3A_478, %add3A_479 : i32
      %add3A_481 = arith.constant 1 : i32
      %add3A_482 = arith.addi %add3A_480, %add3A_481 : i32
      %lt3A_483 = arith.constant 40 : i32
      %lt3A_484 = arith.cmpi slt, %add3A_482, %lt3A_483 : i32
      %ge3A_485 = arith.constant 4 : i32
      %ge3A_486 = arith.cmpi sge, %add3A_482, %ge3A_485 : i32
      %and3A_487 = arith.andi %lt3A_484, %ge3A_486 : i1
      %convert_element_type3A_488 = arith.extui %and3A_487 : i1 to i32
      %cond3A_489 = arith.constant 0 : i32
      %cond3A_490 = arith.cmpi ne, %convert_element_type3A_488, %cond3A_489 : i32
      scf.if %cond3A_490 {
        %dma_wait3A_591 = arith.constant 0 : i32
        %dma_wait3A_592 = arith.constant 0 : i32
        %dma_wait3A_593 = arith.constant 0 : i32
        %dma_wait3A_594 = tpu.memref_slice %arg6[%dma_wait3A_591, %dma_wait3A_592, %dma_wait3A_593] : memref<10x8192x128xf32, #tpu.memory_space<hbm>> -> memref<1x128x64xf32, #tpu.memory_space<hbm>>
        %dma_wait3A_595 = tpu.memref_squeeze %dma_wait3A_594 : memref<1x128x64xf32, #tpu.memory_space<hbm>> -> memref<128x64xf32, #tpu.memory_space<hbm>>
        %dma_wait3A_596 = arith.constant 0 : i32
        %dma_wait3A_597 = arith.constant 0 : i32
        %dma_wait3A_598 = tpu.memref_slice %arg6[%dma_wait3A_591, %dma_wait3A_596, %dma_wait3A_597] : memref<10x8192x128xf32, #tpu.memory_space<hbm>> -> memref<1x128x64xf32, #tpu.memory_space<hbm>>
        %dma_wait3A_599 = tpu.memref_squeeze %dma_wait3A_598 : memref<1x128x64xf32, #tpu.memory_space<hbm>> -> memref<128x64xf32, #tpu.memory_space<hbm>>
        tpu.wait_dma2 semaphore(%arg22 : memref<!tpu.dma_semaphore, #tpu.memory_space<semaphore_mem>>) src(%arg10 : memref<128x64xf32, #tpu.memory_space<vmem>>) dst(%dma_wait3A_599 : memref<128x64xf32, #tpu.memory_space<hbm>>)
      } else {
      }
      %lt3A_491 = arith.constant 40 : i32
      %lt3A_492 = arith.cmpi slt, %add3A_482, %lt3A_491 : i32
      %convert_element_type3A_493 = arith.extui %lt3A_492 : i1 to i32
      %cond3A_494 = arith.constant 0 : i32
      %cond3A_495 = arith.cmpi ne, %convert_element_type3A_493, %cond3A_494 : i32
      scf.if %cond3A_495 {
        %jit3A_591 = arith.constant 2 : i32
        %div3A_592 = arith.divsi %add3A_482, %jit3A_591 : i32
        %sign3A_593 = arith.constant 0 : i32
        %sign3A_594 = arith.cmpi sgt, %add3A_482, %sign3A_593 : i32
        %sign3A_595 = arith.extui %sign3A_594 : i1 to i32
        %sign3A_596 = arith.constant 0 : i32
        %sign3A_597 = arith.cmpi slt, %add3A_482, %sign3A_596 : i32
        %sign3A_598 = arith.extui %sign3A_597 : i1 to i32
        %sign3A_599 = arith.subi %sign3A_595, %sign3A_598 : i32
        %sign3A_600 = arith.constant 0 : i32
        %sign3A_601 = arith.cmpi sgt, %jit3A_591, %sign3A_600 : i32
        %sign3A_602 = arith.extui %sign3A_601 : i1 to i32
        %sign3A_603 = arith.constant 0 : i32
        %sign3A_604 = arith.cmpi slt, %jit3A_591, %sign3A_603 : i32
        %sign3A_605 = arith.extui %sign3A_604 : i1 to i32
        %sign3A_606 = arith.subi %sign3A_602, %sign3A_605 : i32
        %ne3A_607 = arith.cmpi ne, %sign3A_599, %sign3A_606 : i32
        %rem3A_608 = arith.remsi %add3A_482, %jit3A_591 : i32
        %ne3A_609 = arith.constant 0 : i32
        %ne3A_610 = arith.cmpi ne, %rem3A_608, %ne3A_609 : i32
        %and3A_611 = arith.andi %ne3A_607, %ne3A_610 : i1
        %sub3A_612 = arith.constant 1 : i32
        %sub3A_613 = arith.subi %div3A_592, %sub3A_612 : i32
        %select_n3A_614 = arith.select %and3A_611, %sub3A_613, %div3A_592 : i32
        %jit3A_615 = arith.constant 2 : i32
        %eq3A_616 = arith.constant 0 : i32
        %eq3A_617 = arith.cmpi eq, %jit3A_615, %eq3A_616 : i32
        %jit3A_618 = arith.constant 1 : i32
        %select_n3A_619 = arith.select %eq3A_617, %jit3A_618, %jit3A_615 : i32
        %rem3A_620 = arith.remsi %add3A_482, %select_n3A_619 : i32
        %ne3A_621 = arith.constant 0 : i32
        %ne3A_622 = arith.cmpi ne, %rem3A_620, %ne3A_621 : i32
        %lt3A_623 = arith.constant 0 : i32
        %lt3A_624 = arith.cmpi slt, %rem3A_620, %lt3A_623 : i32
        %lt3A_625 = arith.constant 0 : i32
        %lt3A_626 = arith.cmpi slt, %select_n3A_619, %lt3A_625 : i32
        %ne3A_627 = arith.xori %lt3A_624, %lt3A_626 : i1
        %and3A_628 = arith.andi %ne3A_627, %ne3A_622 : i1
        %add3A_629 = arith.addi %rem3A_620, %select_n3A_619 : i32
        %select_n3A_630 = arith.select %and3A_628, %add3A_629, %rem3A_620 : i32
        %add3A_631 = arith.constant 0 : i32
        %add3A_632 = arith.addi %add3A_631, %select_n3A_614 : i32
        %mul3A_633 = arith.constant 128 : i32
        %mul3A_634 = arith.muli %select_n3A_630, %mul3A_633 : i32
        %dma_start3A_635 = tpu.memref_slice %arg9[%add3A_632, %mul3A_634] : memref<52x256xi32, #tpu.memory_space<vmem>> -> memref<1x128xi32, #tpu.memory_space<vmem>>
        %dma_start3A_636 = tpu.memref_squeeze %dma_start3A_635 : memref<1x128xi32, #tpu.memory_space<vmem>> -> memref<128xi32, #tpu.memory_space<vmem>>
        %dma_start3A_637 = arith.constant 0 : i32
        %dma_start3A_638 = arith.constant 0 : i32
        %dma_start3A_639 = tpu.memref_slice %arg3[%dma_start3A_637, %dma_start3A_638] : memref<100000x64xf32, #tpu.memory_space<hbm>> -> memref<100000x64xf32, #tpu.memory_space<hbm>>
        tpu.enqueue_indirect_dma source(%dma_start3A_639 : memref<100000x64xf32, #tpu.memory_space<hbm>>) target(%arg10 : memref<128x64xf32, #tpu.memory_space<vmem>>) offsets(%dma_start3A_636 : memref<128xi32, #tpu.memory_space<vmem>>) semaphore(%arg18 : memref<!tpu.dma_semaphore, #tpu.memory_space<semaphore_mem>>)
      } else {
      }
      %dma_wait3A_496 = arith.constant 0 : i32
      %dma_wait3A_497 = arith.constant 0 : i32
      %dma_wait3A_498 = tpu.memref_slice %arg3[%dma_wait3A_496, %dma_wait3A_497] : memref<100000x64xf32, #tpu.memory_space<hbm>> -> memref<128x64xf32, #tpu.memory_space<hbm>>
      %dma_wait3A_499 = arith.constant 0 : i32
      %dma_wait3A_500 = arith.constant 0 : i32
      %dma_wait3A_501 = tpu.memref_slice %arg3[%dma_wait3A_499, %dma_wait3A_500] : memref<100000x64xf32, #tpu.memory_space<hbm>> -> memref<128x64xf32, #tpu.memory_space<hbm>>
      tpu.wait_dma2 semaphore(%arg21 : memref<!tpu.dma_semaphore, #tpu.memory_space<semaphore_mem>>) src(%dma_wait3A_501 : memref<128x64xf32, #tpu.memory_space<hbm>>) dst(%arg13 : memref<128x64xf32, #tpu.memory_space<vmem>>)
      %jit3A_502 = arith.constant 2 : i32
      %div3A_503 = arith.divsi %add3A_480, %jit3A_502 : i32
      %sign3A_504 = arith.constant 0 : i32
      %sign3A_505 = arith.cmpi sgt, %add3A_480, %sign3A_504 : i32
      %sign3A_506 = arith.extui %sign3A_505 : i1 to i32
      %sign3A_507 = arith.constant 0 : i32
      %sign3A_508 = arith.cmpi slt, %add3A_480, %sign3A_507 : i32
      %sign3A_509 = arith.extui %sign3A_508 : i1 to i32
      %sign3A_510 = arith.subi %sign3A_506, %sign3A_509 : i32
      %sign3A_511 = arith.constant 0 : i32
      %sign3A_512 = arith.cmpi sgt, %jit3A_502, %sign3A_511 : i32
      %sign3A_513 = arith.extui %sign3A_512 : i1 to i32
      %sign3A_514 = arith.constant 0 : i32
      %sign3A_515 = arith.cmpi slt, %jit3A_502, %sign3A_514 : i32
      %sign3A_516 = arith.extui %sign3A_515 : i1 to i32
      %sign3A_517 = arith.subi %sign3A_513, %sign3A_516 : i32
      %ne3A_518 = arith.cmpi ne, %sign3A_510, %sign3A_517 : i32
      %rem3A_519 = arith.remsi %add3A_480, %jit3A_502 : i32
      %ne3A_520 = arith.constant 0 : i32
      %ne3A_521 = arith.cmpi ne, %rem3A_519, %ne3A_520 : i32
      %and3A_522 = arith.andi %ne3A_518, %ne3A_521 : i1
      %sub3A_523 = arith.constant 1 : i32
      %sub3A_524 = arith.subi %div3A_503, %sub3A_523 : i32
      %select_n3A_525 = arith.select %and3A_522, %sub3A_524, %div3A_503 : i32
      %jit3A_526 = arith.constant 2 : i32
      %eq3A_527 = arith.constant 0 : i32
      %eq3A_528 = arith.cmpi eq, %jit3A_526, %eq3A_527 : i32
      %jit3A_529 = arith.constant 1 : i32
      %select_n3A_530 = arith.select %eq3A_528, %jit3A_529, %jit3A_526 : i32
      %rem3A_531 = arith.remsi %add3A_480, %select_n3A_530 : i32
      %ne3A_532 = arith.constant 0 : i32
      %ne3A_533 = arith.cmpi ne, %rem3A_531, %ne3A_532 : i32
      %lt3A_534 = arith.constant 0 : i32
      %lt3A_535 = arith.cmpi slt, %rem3A_531, %lt3A_534 : i32
      %lt3A_536 = arith.constant 0 : i32
      %lt3A_537 = arith.cmpi slt, %select_n3A_530, %lt3A_536 : i32
      %ne3A_538 = arith.xori %lt3A_535, %lt3A_537 : i1
      %and3A_539 = arith.andi %ne3A_538, %ne3A_533 : i1
      %add3A_540 = arith.addi %rem3A_531, %select_n3A_530 : i32
      %select_n3A_541 = arith.select %and3A_539, %add3A_540, %rem3A_531 : i32
      %jit3A_542 = arith.constant 2 : i32
      %div3A_543 = arith.divsi %select_n3A_525, %jit3A_542 : i32
      %sign3A_544 = arith.constant 0 : i32
      %sign3A_545 = arith.cmpi sgt, %select_n3A_525, %sign3A_544 : i32
      %sign3A_546 = arith.extui %sign3A_545 : i1 to i32
      %sign3A_547 = arith.constant 0 : i32
      %sign3A_548 = arith.cmpi slt, %select_n3A_525, %sign3A_547 : i32
      %sign3A_549 = arith.extui %sign3A_548 : i1 to i32
      %sign3A_550 = arith.subi %sign3A_546, %sign3A_549 : i32
      %sign3A_551 = arith.constant 0 : i32
      %sign3A_552 = arith.cmpi sgt, %jit3A_542, %sign3A_551 : i32
      %sign3A_553 = arith.extui %sign3A_552 : i1 to i32
      %sign3A_554 = arith.constant 0 : i32
      %sign3A_555 = arith.cmpi slt, %jit3A_542, %sign3A_554 : i32
      %sign3A_556 = arith.extui %sign3A_555 : i1 to i32
      %sign3A_557 = arith.subi %sign3A_553, %sign3A_556 : i32
      %ne3A_558 = arith.cmpi ne, %sign3A_550, %sign3A_557 : i32
      %rem3A_559 = arith.remsi %select_n3A_525, %jit3A_542 : i32
      %ne3A_560 = arith.constant 0 : i32
      %ne3A_561 = arith.cmpi ne, %rem3A_559, %ne3A_560 : i32
      %and3A_562 = arith.andi %ne3A_558, %ne3A_561 : i1
      %sub3A_563 = arith.constant 1 : i32
      %sub3A_564 = arith.subi %div3A_543, %sub3A_563 : i32
      %select_n3A_565 = arith.select %and3A_562, %sub3A_564, %div3A_543 : i32
      %mul3A_566 = arith.constant 128 : i32
      %mul3A_567 = arith.muli %select_n3A_541, %mul3A_566 : i32
      %add3A_568 = arith.addi %mul3A_2, %mul3A_567 : i32
      %jit3A_569 = arith.constant 2 : i32
      %eq3A_570 = arith.constant 0 : i32
      %eq3A_571 = arith.cmpi eq, %jit3A_569, %eq3A_570 : i32
      %jit3A_572 = arith.constant 1 : i32
      %select_n3A_573 = arith.select %eq3A_571, %jit3A_572, %jit3A_569 : i32
      %rem3A_574 = arith.remsi %select_n3A_525, %select_n3A_573 : i32
      %ne3A_575 = arith.constant 0 : i32
      %ne3A_576 = arith.cmpi ne, %rem3A_574, %ne3A_575 : i32
      %lt3A_577 = arith.constant 0 : i32
      %lt3A_578 = arith.cmpi slt, %rem3A_574, %lt3A_577 : i32
      %lt3A_579 = arith.constant 0 : i32
      %lt3A_580 = arith.cmpi slt, %select_n3A_573, %lt3A_579 : i32
      %ne3A_581 = arith.xori %lt3A_578, %lt3A_580 : i1
      %and3A_582 = arith.andi %ne3A_581, %ne3A_576 : i1
      %add3A_583 = arith.addi %rem3A_574, %select_n3A_573 : i32
      %select_n3A_584 = arith.select %and3A_582, %add3A_583, %rem3A_574 : i32
      %mul3A_585 = arith.constant 64 : i32
      %mul3A_586 = arith.muli %select_n3A_584, %mul3A_585 : i32
      %dma_start3A_587 = tpu.memref_slice %arg6[%select_n3A_565, %add3A_568, %mul3A_586] : memref<10x8192x128xf32, #tpu.memory_space<hbm>> -> memref<1x128x64xf32, #tpu.memory_space<hbm>>
      %dma_start3A_588 = tpu.memref_squeeze %dma_start3A_587 : memref<1x128x64xf32, #tpu.memory_space<hbm>> -> memref<128x64xf32, #tpu.memory_space<hbm>>
      %dma_start3A_589 = tpu.memref_slice %arg6[%select_n3A_565, %add3A_568, %mul3A_586] : memref<10x8192x128xf32, #tpu.memory_space<hbm>> -> memref<1x128x64xf32, #tpu.memory_space<hbm>>
      %dma_start3A_590 = tpu.memref_squeeze %dma_start3A_589 : memref<1x128x64xf32, #tpu.memory_space<hbm>> -> memref<128x64xf32, #tpu.memory_space<hbm>>
      tpu.enqueue_dma source(%arg13 : memref<128x64xf32, #tpu.memory_space<vmem>>) target(%dma_start3A_590 : memref<128x64xf32, #tpu.memory_space<hbm>>) target_semaphore(%arg25 : memref<!tpu.dma_semaphore, #tpu.memory_space<semaphore_mem>>)
    }
    %scan3A_13 = arith.constant 10 : i32
    %dma_wait3A = arith.constant 0 : i32
    %dma_wait3A_14 = arith.constant 0 : i32
    %dma_wait3A_15 = arith.constant 0 : i32
    %dma_wait3A_16 = tpu.memref_slice %arg6[%dma_wait3A, %dma_wait3A_14, %dma_wait3A_15] : memref<10x8192x128xf32, #tpu.memory_space<hbm>> -> memref<1x128x64xf32, #tpu.memory_space<hbm>>
    %dma_wait3A_17 = tpu.memref_squeeze %dma_wait3A_16 : memref<1x128x64xf32, #tpu.memory_space<hbm>> -> memref<128x64xf32, #tpu.memory_space<hbm>>
    %dma_wait3A_18 = arith.constant 0 : i32
    %dma_wait3A_19 = arith.constant 0 : i32
    %dma_wait3A_20 = tpu.memref_slice %arg6[%dma_wait3A, %dma_wait3A_18, %dma_wait3A_19] : memref<10x8192x128xf32, #tpu.memory_space<hbm>> -> memref<1x128x64xf32, #tpu.memory_space<hbm>>
    %dma_wait3A_21 = tpu.memref_squeeze %dma_wait3A_20 : memref<1x128x64xf32, #tpu.memory_space<hbm>> -> memref<128x64xf32, #tpu.memory_space<hbm>>
    tpu.wait_dma2 semaphore(%arg22 : memref<!tpu.dma_semaphore, #tpu.memory_space<semaphore_mem>>) src(%arg10 : memref<128x64xf32, #tpu.memory_space<vmem>>) dst(%dma_wait3A_21 : memref<128x64xf32, #tpu.memory_space<hbm>>)
    %dma_wait3A_22 = arith.constant 0 : i32
    %dma_wait3A_23 = arith.constant 0 : i32
    %dma_wait3A_24 = arith.constant 0 : i32
    %dma_wait3A_25 = tpu.memref_slice %arg6[%dma_wait3A_22, %dma_wait3A_23, %dma_wait3A_24] : memref<10x8192x128xf32, #tpu.memory_space<hbm>> -> memref<1x128x64xf32, #tpu.memory_space<hbm>>
    %dma_wait3A_26 = tpu.memref_squeeze %dma_wait3A_25 : memref<1x128x64xf32, #tpu.memory_space<hbm>> -> memref<128x64xf32, #tpu.memory_space<hbm>>
    %dma_wait3A_27 = arith.constant 0 : i32
    %dma_wait3A_28 = arith.constant 0 : i32
    %dma_wait3A_29 = tpu.memref_slice %arg6[%dma_wait3A_22, %dma_wait3A_27, %dma_wait3A_28] : memref<10x8192x128xf32, #tpu.memory_space<hbm>> -> memref<1x128x64xf32, #tpu.memory_space<hbm>>
    %dma_wait3A_30 = tpu.memref_squeeze %dma_wait3A_29 : memref<1x128x64xf32, #tpu.memory_space<hbm>> -> memref<128x64xf32, #tpu.memory_space<hbm>>
    tpu.wait_dma2 semaphore(%arg23 : memref<!tpu.dma_semaphore, #tpu.memory_space<semaphore_mem>>) src(%arg11 : memref<128x64xf32, #tpu.memory_space<vmem>>) dst(%dma_wait3A_30 : memref<128x64xf32, #tpu.memory_space<hbm>>)
    %dma_wait3A_31 = arith.constant 0 : i32
    %dma_wait3A_32 = arith.constant 0 : i32
    %dma_wait3A_33 = arith.constant 0 : i32
    %dma_wait3A_34 = tpu.memref_slice %arg6[%dma_wait3A_31, %dma_wait3A_32, %dma_wait3A_33] : memref<10x8192x128xf32, #tpu.memory_space<hbm>> -> memref<1x128x64xf32, #tpu.memory_space<hbm>>
    %dma_wait3A_35 = tpu.memref_squeeze %dma_wait3A_34 : memref<1x128x64xf32, #tpu.memory_space<hbm>> -> memref<128x64xf32, #tpu.memory_space<hbm>>
    %dma_wait3A_36 = arith.constant 0 : i32
    %dma_wait3A_37 = arith.constant 0 : i32
    %dma_wait3A_38 = tpu.memref_slice %arg6[%dma_wait3A_31, %dma_wait3A_36, %dma_wait3A_37] : memref<10x8192x128xf32, #tpu.memory_space<hbm>> -> memref<1x128x64xf32, #tpu.memory_space<hbm>>
    %dma_wait3A_39 = tpu.memref_squeeze %dma_wait3A_38 : memref<1x128x64xf32, #tpu.memory_space<hbm>> -> memref<128x64xf32, #tpu.memory_space<hbm>>
    tpu.wait_dma2 semaphore(%arg24 : memref<!tpu.dma_semaphore, #tpu.memory_space<semaphore_mem>>) src(%arg12 : memref<128x64xf32, #tpu.memory_space<vmem>>) dst(%dma_wait3A_39 : memref<128x64xf32, #tpu.memory_space<hbm>>)
    %dma_wait3A_40 = arith.constant 0 : i32
    %dma_wait3A_41 = arith.constant 0 : i32
    %dma_wait3A_42 = arith.constant 0 : i32
    %dma_wait3A_43 = tpu.memref_slice %arg6[%dma_wait3A_40, %dma_wait3A_41, %dma_wait3A_42] : memref<10x8192x128xf32, #tpu.memory_space<hbm>> -> memref<1x128x64xf32, #tpu.memory_space<hbm>>
    %dma_wait3A_44 = tpu.memref_squeeze %dma_wait3A_43 : memref<1x128x64xf32, #tpu.memory_space<hbm>> -> memref<128x64xf32, #tpu.memory_space<hbm>>
    %dma_wait3A_45 = arith.constant 0 : i32
    %dma_wait3A_46 = arith.constant 0 : i32
    %dma_wait3A_47 = tpu.memref_slice %arg6[%dma_wait3A_40, %dma_wait3A_45, %dma_wait3A_46] : memref<10x8192x128xf32, #tpu.memory_space<hbm>> -> memref<1x128x64xf32, #tpu.memory_space<hbm>>
    %dma_wait3A_48 = tpu.memref_squeeze %dma_wait3A_47 : memref<1x128x64xf32, #tpu.memory_space<hbm>> -> memref<128x64xf32, #tpu.memory_space<hbm>>
    tpu.wait_dma2 semaphore(%arg25 : memref<!tpu.dma_semaphore, #tpu.memory_space<semaphore_mem>>) src(%arg13 : memref<128x64xf32, #tpu.memory_space<vmem>>) dst(%dma_wait3A_48 : memref<128x64xf32, #tpu.memory_space<hbm>>)
    %dma_start3A_49 = arith.constant 20 : i32
    %dma_start3A_50 = arith.constant 0 : i32
    %dma_start3A_51 = tpu.memref_slice %arg9[%dma_start3A_49, %dma_start3A_50] : memref<52x256xi32, #tpu.memory_space<vmem>> -> memref<1x128xi32, #tpu.memory_space<vmem>>
    %dma_start3A_52 = tpu.memref_squeeze %dma_start3A_51 : memref<1x128xi32, #tpu.memory_space<vmem>> -> memref<128xi32, #tpu.memory_space<vmem>>
    %dma_start3A_53 = arith.constant 0 : i32
    %dma_start3A_54 = arith.constant 0 : i32
    %dma_start3A_55 = tpu.memref_slice %arg4[%dma_start3A_53, %dma_start3A_54] : memref<100000x32xf32, #tpu.memory_space<hbm>> -> memref<100000x32xf32, #tpu.memory_space<hbm>>
    tpu.enqueue_indirect_dma source(%dma_start3A_55 : memref<100000x32xf32, #tpu.memory_space<hbm>>) target(%arg14 : memref<128x32xf32, #tpu.memory_space<vmem>>) offsets(%dma_start3A_52 : memref<128xi32, #tpu.memory_space<vmem>>) semaphore(%arg18 : memref<!tpu.dma_semaphore, #tpu.memory_space<semaphore_mem>>)
    %scan3A_56 = arith.constant 0 : i32
    %scan3A_57 = arith.constant 0 : i32
    %scan3A_58 = arith.constant 10 : i32
    %scan3A_59 = arith.addi %scan3A_57, %scan3A_58 : i32
    %scan3A_60 = arith.constant 1 : i32
    scf.for %scan3A_147 = %scan3A_57 to %scan3A_59 step %scan3A_60  : i32 {
      %mul3A_148 = arith.constant 4 : i32
      %mul3A_149 = arith.muli %mul3A_148, %scan3A_147 : i32
      %add3A_150 = arith.constant 0 : i32
      %add3A_151 = arith.addi %mul3A_149, %add3A_150 : i32
      %add3A_152 = arith.constant 1 : i32
      %add3A_153 = arith.addi %add3A_151, %add3A_152 : i32
      %lt3A = arith.constant 40 : i32
      %lt3A_154 = arith.cmpi slt, %add3A_153, %lt3A : i32
      %ge3A = arith.constant 4 : i32
      %ge3A_155 = arith.cmpi sge, %add3A_153, %ge3A : i32
      %and3A = arith.andi %lt3A_154, %ge3A_155 : i1
      %convert_element_type3A = arith.extui %and3A : i1 to i32
      %cond3A = arith.constant 0 : i32
      %cond3A_156 = arith.cmpi ne, %convert_element_type3A, %cond3A : i32
      scf.if %cond3A_156 {
        %dma_wait3A_591 = arith.constant 0 : i32
        %dma_wait3A_592 = arith.constant 0 : i32
        %dma_wait3A_593 = arith.constant 0 : i32
        %dma_wait3A_594 = tpu.memref_slice %arg7[%dma_wait3A_591, %dma_wait3A_592, %dma_wait3A_593] : memref<5x8192x128xf32, #tpu.memory_space<hbm>> -> memref<1x128x32xf32, #tpu.memory_space<hbm>>
        %dma_wait3A_595 = tpu.memref_squeeze %dma_wait3A_594 : memref<1x128x32xf32, #tpu.memory_space<hbm>> -> memref<128x32xf32, #tpu.memory_space<hbm>>
        %dma_wait3A_596 = arith.constant 0 : i32
        %dma_wait3A_597 = arith.constant 0 : i32
        %dma_wait3A_598 = tpu.memref_slice %arg7[%dma_wait3A_591, %dma_wait3A_596, %dma_wait3A_597] : memref<5x8192x128xf32, #tpu.memory_space<hbm>> -> memref<1x128x32xf32, #tpu.memory_space<hbm>>
        %dma_wait3A_599 = tpu.memref_squeeze %dma_wait3A_598 : memref<1x128x32xf32, #tpu.memory_space<hbm>> -> memref<128x32xf32, #tpu.memory_space<hbm>>
        tpu.wait_dma2 semaphore(%arg23 : memref<!tpu.dma_semaphore, #tpu.memory_space<semaphore_mem>>) src(%arg15 : memref<128x32xf32, #tpu.memory_space<vmem>>) dst(%dma_wait3A_599 : memref<128x32xf32, #tpu.memory_space<hbm>>)
      } else {
      }
      %lt3A_157 = arith.constant 40 : i32
      %lt3A_158 = arith.cmpi slt, %add3A_153, %lt3A_157 : i32
      %convert_element_type3A_159 = arith.extui %lt3A_158 : i1 to i32
      %cond3A_160 = arith.constant 0 : i32
      %cond3A_161 = arith.cmpi ne, %convert_element_type3A_159, %cond3A_160 : i32
      scf.if %cond3A_161 {
        %jit3A_591 = arith.constant 2 : i32
        %div3A_592 = arith.divsi %add3A_153, %jit3A_591 : i32
        %sign3A_593 = arith.constant 0 : i32
        %sign3A_594 = arith.cmpi sgt, %add3A_153, %sign3A_593 : i32
        %sign3A_595 = arith.extui %sign3A_594 : i1 to i32
        %sign3A_596 = arith.constant 0 : i32
        %sign3A_597 = arith.cmpi slt, %add3A_153, %sign3A_596 : i32
        %sign3A_598 = arith.extui %sign3A_597 : i1 to i32
        %sign3A_599 = arith.subi %sign3A_595, %sign3A_598 : i32
        %sign3A_600 = arith.constant 0 : i32
        %sign3A_601 = arith.cmpi sgt, %jit3A_591, %sign3A_600 : i32
        %sign3A_602 = arith.extui %sign3A_601 : i1 to i32
        %sign3A_603 = arith.constant 0 : i32
        %sign3A_604 = arith.cmpi slt, %jit3A_591, %sign3A_603 : i32
        %sign3A_605 = arith.extui %sign3A_604 : i1 to i32
        %sign3A_606 = arith.subi %sign3A_602, %sign3A_605 : i32
        %ne3A_607 = arith.cmpi ne, %sign3A_599, %sign3A_606 : i32
        %rem3A_608 = arith.remsi %add3A_153, %jit3A_591 : i32
        %ne3A_609 = arith.constant 0 : i32
        %ne3A_610 = arith.cmpi ne, %rem3A_608, %ne3A_609 : i32
        %and3A_611 = arith.andi %ne3A_607, %ne3A_610 : i1
        %sub3A_612 = arith.constant 1 : i32
        %sub3A_613 = arith.subi %div3A_592, %sub3A_612 : i32
        %select_n3A_614 = arith.select %and3A_611, %sub3A_613, %div3A_592 : i32
        %jit3A_615 = arith.constant 2 : i32
        %eq3A_616 = arith.constant 0 : i32
        %eq3A_617 = arith.cmpi eq, %jit3A_615, %eq3A_616 : i32
        %jit3A_618 = arith.constant 1 : i32
        %select_n3A_619 = arith.select %eq3A_617, %jit3A_618, %jit3A_615 : i32
        %rem3A_620 = arith.remsi %add3A_153, %select_n3A_619 : i32
        %ne3A_621 = arith.constant 0 : i32
        %ne3A_622 = arith.cmpi ne, %rem3A_620, %ne3A_621 : i32
        %lt3A_623 = arith.constant 0 : i32
        %lt3A_624 = arith.cmpi slt, %rem3A_620, %lt3A_623 : i32
        %lt3A_625 = arith.constant 0 : i32
        %lt3A_626 = arith.cmpi slt, %select_n3A_619, %lt3A_625 : i32
        %ne3A_627 = arith.xori %lt3A_624, %lt3A_626 : i1
        %and3A_628 = arith.andi %ne3A_627, %ne3A_622 : i1
        %add3A_629 = arith.addi %rem3A_620, %select_n3A_619 : i32
        %select_n3A_630 = arith.select %and3A_628, %add3A_629, %rem3A_620 : i32
        %add3A_631 = arith.constant 20 : i32
        %add3A_632 = arith.addi %add3A_631, %select_n3A_614 : i32
        %mul3A_633 = arith.constant 128 : i32
        %mul3A_634 = arith.muli %select_n3A_630, %mul3A_633 : i32
        %dma_start3A_635 = tpu.memref_slice %arg9[%add3A_632, %mul3A_634] : memref<52x256xi32, #tpu.memory_space<vmem>> -> memref<1x128xi32, #tpu.memory_space<vmem>>
        %dma_start3A_636 = tpu.memref_squeeze %dma_start3A_635 : memref<1x128xi32, #tpu.memory_space<vmem>> -> memref<128xi32, #tpu.memory_space<vmem>>
        %dma_start3A_637 = arith.constant 0 : i32
        %dma_start3A_638 = arith.constant 0 : i32
        %dma_start3A_639 = tpu.memref_slice %arg4[%dma_start3A_637, %dma_start3A_638] : memref<100000x32xf32, #tpu.memory_space<hbm>> -> memref<100000x32xf32, #tpu.memory_space<hbm>>
        tpu.enqueue_indirect_dma source(%dma_start3A_639 : memref<100000x32xf32, #tpu.memory_space<hbm>>) target(%arg15 : memref<128x32xf32, #tpu.memory_space<vmem>>) offsets(%dma_start3A_636 : memref<128xi32, #tpu.memory_space<vmem>>) semaphore(%arg19 : memref<!tpu.dma_semaphore, #tpu.memory_space<semaphore_mem>>)
      } else {
      }
      %dma_wait3A_162 = arith.constant 0 : i32
      %dma_wait3A_163 = arith.constant 0 : i32
      %dma_wait3A_164 = tpu.memref_slice %arg4[%dma_wait3A_162, %dma_wait3A_163] : memref<100000x32xf32, #tpu.memory_space<hbm>> -> memref<128x32xf32, #tpu.memory_space<hbm>>
      %dma_wait3A_165 = arith.constant 0 : i32
      %dma_wait3A_166 = arith.constant 0 : i32
      %dma_wait3A_167 = tpu.memref_slice %arg4[%dma_wait3A_165, %dma_wait3A_166] : memref<100000x32xf32, #tpu.memory_space<hbm>> -> memref<128x32xf32, #tpu.memory_space<hbm>>
      tpu.wait_dma2 semaphore(%arg18 : memref<!tpu.dma_semaphore, #tpu.memory_space<semaphore_mem>>) src(%dma_wait3A_167 : memref<128x32xf32, #tpu.memory_space<hbm>>) dst(%arg14 : memref<128x32xf32, #tpu.memory_space<vmem>>)
      %jit3A = arith.constant 2 : i32
      %div3A = arith.divsi %add3A_151, %jit3A : i32
      %sign3A = arith.constant 0 : i32
      %sign3A_168 = arith.cmpi sgt, %add3A_151, %sign3A : i32
      %sign3A_169 = arith.extui %sign3A_168 : i1 to i32
      %sign3A_170 = arith.constant 0 : i32
      %sign3A_171 = arith.cmpi slt, %add3A_151, %sign3A_170 : i32
      %sign3A_172 = arith.extui %sign3A_171 : i1 to i32
      %sign3A_173 = arith.subi %sign3A_169, %sign3A_172 : i32
      %sign3A_174 = arith.constant 0 : i32
      %sign3A_175 = arith.cmpi sgt, %jit3A, %sign3A_174 : i32
      %sign3A_176 = arith.extui %sign3A_175 : i1 to i32
      %sign3A_177 = arith.constant 0 : i32
      %sign3A_178 = arith.cmpi slt, %jit3A, %sign3A_177 : i32
      %sign3A_179 = arith.extui %sign3A_178 : i1 to i32
      %sign3A_180 = arith.subi %sign3A_176, %sign3A_179 : i32
      %ne3A = arith.cmpi ne, %sign3A_173, %sign3A_180 : i32
      %rem3A = arith.remsi %add3A_151, %jit3A : i32
      %ne3A_181 = arith.constant 0 : i32
      %ne3A_182 = arith.cmpi ne, %rem3A, %ne3A_181 : i32
      %and3A_183 = arith.andi %ne3A, %ne3A_182 : i1
      %sub3A = arith.constant 1 : i32
      %sub3A_184 = arith.subi %div3A, %sub3A : i32
      %select_n3A = arith.select %and3A_183, %sub3A_184, %div3A : i32
      %jit3A_185 = arith.constant 2 : i32
      %eq3A = arith.constant 0 : i32
      %eq3A_186 = arith.cmpi eq, %jit3A_185, %eq3A : i32
      %jit3A_187 = arith.constant 1 : i32
      %select_n3A_188 = arith.select %eq3A_186, %jit3A_187, %jit3A_185 : i32
      %rem3A_189 = arith.remsi %add3A_151, %select_n3A_188 : i32
      %ne3A_190 = arith.constant 0 : i32
      %ne3A_191 = arith.cmpi ne, %rem3A_189, %ne3A_190 : i32
      %lt3A_192 = arith.constant 0 : i32
      %lt3A_193 = arith.cmpi slt, %rem3A_189, %lt3A_192 : i32
      %lt3A_194 = arith.constant 0 : i32
      %lt3A_195 = arith.cmpi slt, %select_n3A_188, %lt3A_194 : i32
      %ne3A_196 = arith.xori %lt3A_193, %lt3A_195 : i1
      %and3A_197 = arith.andi %ne3A_196, %ne3A_191 : i1
      %add3A_198 = arith.addi %rem3A_189, %select_n3A_188 : i32
      %select_n3A_199 = arith.select %and3A_197, %add3A_198, %rem3A_189 : i32
      %jit3A_200 = arith.constant 4 : i32
      %div3A_201 = arith.divsi %select_n3A, %jit3A_200 : i32
      %sign3A_202 = arith.constant 0 : i32
      %sign3A_203 = arith.cmpi sgt, %select_n3A, %sign3A_202 : i32
      %sign3A_204 = arith.extui %sign3A_203 : i1 to i32
      %sign3A_205 = arith.constant 0 : i32
      %sign3A_206 = arith.cmpi slt, %select_n3A, %sign3A_205 : i32
      %sign3A_207 = arith.extui %sign3A_206 : i1 to i32
      %sign3A_208 = arith.subi %sign3A_204, %sign3A_207 : i32
      %sign3A_209 = arith.constant 0 : i32
      %sign3A_210 = arith.cmpi sgt, %jit3A_200, %sign3A_209 : i32
      %sign3A_211 = arith.extui %sign3A_210 : i1 to i32
      %sign3A_212 = arith.constant 0 : i32
      %sign3A_213 = arith.cmpi slt, %jit3A_200, %sign3A_212 : i32
      %sign3A_214 = arith.extui %sign3A_213 : i1 to i32
      %sign3A_215 = arith.subi %sign3A_211, %sign3A_214 : i32
      %ne3A_216 = arith.cmpi ne, %sign3A_208, %sign3A_215 : i32
      %rem3A_217 = arith.remsi %select_n3A, %jit3A_200 : i32
      %ne3A_218 = arith.constant 0 : i32
      %ne3A_219 = arith.cmpi ne, %rem3A_217, %ne3A_218 : i32
      %and3A_220 = arith.andi %ne3A_216, %ne3A_219 : i1
      %sub3A_221 = arith.constant 1 : i32
      %sub3A_222 = arith.subi %div3A_201, %sub3A_221 : i32
      %select_n3A_223 = arith.select %and3A_220, %sub3A_222, %div3A_201 : i32
      %mul3A_224 = arith.constant 128 : i32
      %mul3A_225 = arith.muli %select_n3A_199, %mul3A_224 : i32
      %add3A_226 = arith.addi %mul3A_2, %mul3A_225 : i32
      %jit3A_227 = arith.constant 4 : i32
      %eq3A_228 = arith.constant 0 : i32
      %eq3A_229 = arith.cmpi eq, %jit3A_227, %eq3A_228 : i32
      %jit3A_230 = arith.constant 1 : i32
      %select_n3A_231 = arith.select %eq3A_229, %jit3A_230, %jit3A_227 : i32
      %rem3A_232 = arith.remsi %select_n3A, %select_n3A_231 : i32
      %ne3A_233 = arith.constant 0 : i32
      %ne3A_234 = arith.cmpi ne, %rem3A_232, %ne3A_233 : i32
      %lt3A_235 = arith.constant 0 : i32
      %lt3A_236 = arith.cmpi slt, %rem3A_232, %lt3A_235 : i32
      %lt3A_237 = arith.constant 0 : i32
      %lt3A_238 = arith.cmpi slt, %select_n3A_231, %lt3A_237 : i32
      %ne3A_239 = arith.xori %lt3A_236, %lt3A_238 : i1
      %and3A_240 = arith.andi %ne3A_239, %ne3A_234 : i1
      %add3A_241 = arith.addi %rem3A_232, %select_n3A_231 : i32
      %select_n3A_242 = arith.select %and3A_240, %add3A_241, %rem3A_232 : i32
      %mul3A_243 = arith.constant 32 : i32
      %mul3A_244 = arith.muli %select_n3A_242, %mul3A_243 : i32
      %dma_start3A_245 = tpu.memref_slice %arg7[%select_n3A_223, %add3A_226, %mul3A_244] : memref<5x8192x128xf32, #tpu.memory_space<hbm>> -> memref<1x128x32xf32, #tpu.memory_space<hbm>>
      %dma_start3A_246 = tpu.memref_squeeze %dma_start3A_245 : memref<1x128x32xf32, #tpu.memory_space<hbm>> -> memref<128x32xf32, #tpu.memory_space<hbm>>
      %dma_start3A_247 = tpu.memref_slice %arg7[%select_n3A_223, %add3A_226, %mul3A_244] : memref<5x8192x128xf32, #tpu.memory_space<hbm>> -> memref<1x128x32xf32, #tpu.memory_space<hbm>>
      %dma_start3A_248 = tpu.memref_squeeze %dma_start3A_247 : memref<1x128x32xf32, #tpu.memory_space<hbm>> -> memref<128x32xf32, #tpu.memory_space<hbm>>
      tpu.enqueue_dma source(%arg14 : memref<128x32xf32, #tpu.memory_space<vmem>>) target(%dma_start3A_248 : memref<128x32xf32, #tpu.memory_space<hbm>>) target_semaphore(%arg22 : memref<!tpu.dma_semaphore, #tpu.memory_space<semaphore_mem>>)
      %mul3A_249 = arith.constant 4 : i32
      %mul3A_250 = arith.muli %mul3A_249, %scan3A_147 : i32
      %add3A_251 = arith.constant 1 : i32
      %add3A_252 = arith.addi %mul3A_250, %add3A_251 : i32
      %add3A_253 = arith.constant 1 : i32
      %add3A_254 = arith.addi %add3A_252, %add3A_253 : i32
      %lt3A_255 = arith.constant 40 : i32
      %lt3A_256 = arith.cmpi slt, %add3A_254, %lt3A_255 : i32
      %ge3A_257 = arith.constant 4 : i32
      %ge3A_258 = arith.cmpi sge, %add3A_254, %ge3A_257 : i32
      %and3A_259 = arith.andi %lt3A_256, %ge3A_258 : i1
      %convert_element_type3A_260 = arith.extui %and3A_259 : i1 to i32
      %cond3A_261 = arith.constant 0 : i32
      %cond3A_262 = arith.cmpi ne, %convert_element_type3A_260, %cond3A_261 : i32
      scf.if %cond3A_262 {
        %dma_wait3A_591 = arith.constant 0 : i32
        %dma_wait3A_592 = arith.constant 0 : i32
        %dma_wait3A_593 = arith.constant 0 : i32
        %dma_wait3A_594 = tpu.memref_slice %arg7[%dma_wait3A_591, %dma_wait3A_592, %dma_wait3A_593] : memref<5x8192x128xf32, #tpu.memory_space<hbm>> -> memref<1x128x32xf32, #tpu.memory_space<hbm>>
        %dma_wait3A_595 = tpu.memref_squeeze %dma_wait3A_594 : memref<1x128x32xf32, #tpu.memory_space<hbm>> -> memref<128x32xf32, #tpu.memory_space<hbm>>
        %dma_wait3A_596 = arith.constant 0 : i32
        %dma_wait3A_597 = arith.constant 0 : i32
        %dma_wait3A_598 = tpu.memref_slice %arg7[%dma_wait3A_591, %dma_wait3A_596, %dma_wait3A_597] : memref<5x8192x128xf32, #tpu.memory_space<hbm>> -> memref<1x128x32xf32, #tpu.memory_space<hbm>>
        %dma_wait3A_599 = tpu.memref_squeeze %dma_wait3A_598 : memref<1x128x32xf32, #tpu.memory_space<hbm>> -> memref<128x32xf32, #tpu.memory_space<hbm>>
        tpu.wait_dma2 semaphore(%arg24 : memref<!tpu.dma_semaphore, #tpu.memory_space<semaphore_mem>>) src(%arg16 : memref<128x32xf32, #tpu.memory_space<vmem>>) dst(%dma_wait3A_599 : memref<128x32xf32, #tpu.memory_space<hbm>>)
      } else {
      }
      %lt3A_263 = arith.constant 40 : i32
      %lt3A_264 = arith.cmpi slt, %add3A_254, %lt3A_263 : i32
      %convert_element_type3A_265 = arith.extui %lt3A_264 : i1 to i32
      %cond3A_266 = arith.constant 0 : i32
      %cond3A_267 = arith.cmpi ne, %convert_element_type3A_265, %cond3A_266 : i32
      scf.if %cond3A_267 {
        %jit3A_591 = arith.constant 2 : i32
        %div3A_592 = arith.divsi %add3A_254, %jit3A_591 : i32
        %sign3A_593 = arith.constant 0 : i32
        %sign3A_594 = arith.cmpi sgt, %add3A_254, %sign3A_593 : i32
        %sign3A_595 = arith.extui %sign3A_594 : i1 to i32
        %sign3A_596 = arith.constant 0 : i32
        %sign3A_597 = arith.cmpi slt, %add3A_254, %sign3A_596 : i32
        %sign3A_598 = arith.extui %sign3A_597 : i1 to i32
        %sign3A_599 = arith.subi %sign3A_595, %sign3A_598 : i32
        %sign3A_600 = arith.constant 0 : i32
        %sign3A_601 = arith.cmpi sgt, %jit3A_591, %sign3A_600 : i32
        %sign3A_602 = arith.extui %sign3A_601 : i1 to i32
        %sign3A_603 = arith.constant 0 : i32
        %sign3A_604 = arith.cmpi slt, %jit3A_591, %sign3A_603 : i32
        %sign3A_605 = arith.extui %sign3A_604 : i1 to i32
        %sign3A_606 = arith.subi %sign3A_602, %sign3A_605 : i32
        %ne3A_607 = arith.cmpi ne, %sign3A_599, %sign3A_606 : i32
        %rem3A_608 = arith.remsi %add3A_254, %jit3A_591 : i32
        %ne3A_609 = arith.constant 0 : i32
        %ne3A_610 = arith.cmpi ne, %rem3A_608, %ne3A_609 : i32
        %and3A_611 = arith.andi %ne3A_607, %ne3A_610 : i1
        %sub3A_612 = arith.constant 1 : i32
        %sub3A_613 = arith.subi %div3A_592, %sub3A_612 : i32
        %select_n3A_614 = arith.select %and3A_611, %sub3A_613, %div3A_592 : i32
        %jit3A_615 = arith.constant 2 : i32
        %eq3A_616 = arith.constant 0 : i32
        %eq3A_617 = arith.cmpi eq, %jit3A_615, %eq3A_616 : i32
        %jit3A_618 = arith.constant 1 : i32
        %select_n3A_619 = arith.select %eq3A_617, %jit3A_618, %jit3A_615 : i32
        %rem3A_620 = arith.remsi %add3A_254, %select_n3A_619 : i32
        %ne3A_621 = arith.constant 0 : i32
        %ne3A_622 = arith.cmpi ne, %rem3A_620, %ne3A_621 : i32
        %lt3A_623 = arith.constant 0 : i32
        %lt3A_624 = arith.cmpi slt, %rem3A_620, %lt3A_623 : i32
        %lt3A_625 = arith.constant 0 : i32
        %lt3A_626 = arith.cmpi slt, %select_n3A_619, %lt3A_625 : i32
        %ne3A_627 = arith.xori %lt3A_624, %lt3A_626 : i1
        %and3A_628 = arith.andi %ne3A_627, %ne3A_622 : i1
        %add3A_629 = arith.addi %rem3A_620, %select_n3A_619 : i32
        %select_n3A_630 = arith.select %and3A_628, %add3A_629, %rem3A_620 : i32
        %add3A_631 = arith.constant 20 : i32
        %add3A_632 = arith.addi %add3A_631, %select_n3A_614 : i32
        %mul3A_633 = arith.constant 128 : i32
        %mul3A_634 = arith.muli %select_n3A_630, %mul3A_633 : i32
        %dma_start3A_635 = tpu.memref_slice %arg9[%add3A_632, %mul3A_634] : memref<52x256xi32, #tpu.memory_space<vmem>> -> memref<1x128xi32, #tpu.memory_space<vmem>>
        %dma_start3A_636 = tpu.memref_squeeze %dma_start3A_635 : memref<1x128xi32, #tpu.memory_space<vmem>> -> memref<128xi32, #tpu.memory_space<vmem>>
        %dma_start3A_637 = arith.constant 0 : i32
        %dma_start3A_638 = arith.constant 0 : i32
        %dma_start3A_639 = tpu.memref_slice %arg4[%dma_start3A_637, %dma_start3A_638] : memref<100000x32xf32, #tpu.memory_space<hbm>> -> memref<100000x32xf32, #tpu.memory_space<hbm>>
        tpu.enqueue_indirect_dma source(%dma_start3A_639 : memref<100000x32xf32, #tpu.memory_space<hbm>>) target(%arg16 : memref<128x32xf32, #tpu.memory_space<vmem>>) offsets(%dma_start3A_636 : memref<128xi32, #tpu.memory_space<vmem>>) semaphore(%arg20 : memref<!tpu.dma_semaphore, #tpu.memory_space<semaphore_mem>>)
      } else {
      }
      %dma_wait3A_268 = arith.constant 0 : i32
      %dma_wait3A_269 = arith.constant 0 : i32
      %dma_wait3A_270 = tpu.memref_slice %arg4[%dma_wait3A_268, %dma_wait3A_269] : memref<100000x32xf32, #tpu.memory_space<hbm>> -> memref<128x32xf32, #tpu.memory_space<hbm>>
      %dma_wait3A_271 = arith.constant 0 : i32
      %dma_wait3A_272 = arith.constant 0 : i32
      %dma_wait3A_273 = tpu.memref_slice %arg4[%dma_wait3A_271, %dma_wait3A_272] : memref<100000x32xf32, #tpu.memory_space<hbm>> -> memref<128x32xf32, #tpu.memory_space<hbm>>
      tpu.wait_dma2 semaphore(%arg19 : memref<!tpu.dma_semaphore, #tpu.memory_space<semaphore_mem>>) src(%dma_wait3A_273 : memref<128x32xf32, #tpu.memory_space<hbm>>) dst(%arg15 : memref<128x32xf32, #tpu.memory_space<vmem>>)
      %jit3A_274 = arith.constant 2 : i32
      %div3A_275 = arith.divsi %add3A_252, %jit3A_274 : i32
      %sign3A_276 = arith.constant 0 : i32
      %sign3A_277 = arith.cmpi sgt, %add3A_252, %sign3A_276 : i32
      %sign3A_278 = arith.extui %sign3A_277 : i1 to i32
      %sign3A_279 = arith.constant 0 : i32
      %sign3A_280 = arith.cmpi slt, %add3A_252, %sign3A_279 : i32
      %sign3A_281 = arith.extui %sign3A_280 : i1 to i32
      %sign3A_282 = arith.subi %sign3A_278, %sign3A_281 : i32
      %sign3A_283 = arith.constant 0 : i32
      %sign3A_284 = arith.cmpi sgt, %jit3A_274, %sign3A_283 : i32
      %sign3A_285 = arith.extui %sign3A_284 : i1 to i32
      %sign3A_286 = arith.constant 0 : i32
      %sign3A_287 = arith.cmpi slt, %jit3A_274, %sign3A_286 : i32
      %sign3A_288 = arith.extui %sign3A_287 : i1 to i32
      %sign3A_289 = arith.subi %sign3A_285, %sign3A_288 : i32
      %ne3A_290 = arith.cmpi ne, %sign3A_282, %sign3A_289 : i32
      %rem3A_291 = arith.remsi %add3A_252, %jit3A_274 : i32
      %ne3A_292 = arith.constant 0 : i32
      %ne3A_293 = arith.cmpi ne, %rem3A_291, %ne3A_292 : i32
      %and3A_294 = arith.andi %ne3A_290, %ne3A_293 : i1
      %sub3A_295 = arith.constant 1 : i32
      %sub3A_296 = arith.subi %div3A_275, %sub3A_295 : i32
      %select_n3A_297 = arith.select %and3A_294, %sub3A_296, %div3A_275 : i32
      %jit3A_298 = arith.constant 2 : i32
      %eq3A_299 = arith.constant 0 : i32
      %eq3A_300 = arith.cmpi eq, %jit3A_298, %eq3A_299 : i32
      %jit3A_301 = arith.constant 1 : i32
      %select_n3A_302 = arith.select %eq3A_300, %jit3A_301, %jit3A_298 : i32
      %rem3A_303 = arith.remsi %add3A_252, %select_n3A_302 : i32
      %ne3A_304 = arith.constant 0 : i32
      %ne3A_305 = arith.cmpi ne, %rem3A_303, %ne3A_304 : i32
      %lt3A_306 = arith.constant 0 : i32
      %lt3A_307 = arith.cmpi slt, %rem3A_303, %lt3A_306 : i32
      %lt3A_308 = arith.constant 0 : i32
      %lt3A_309 = arith.cmpi slt, %select_n3A_302, %lt3A_308 : i32
      %ne3A_310 = arith.xori %lt3A_307, %lt3A_309 : i1
      %and3A_311 = arith.andi %ne3A_310, %ne3A_305 : i1
      %add3A_312 = arith.addi %rem3A_303, %select_n3A_302 : i32
      %select_n3A_313 = arith.select %and3A_311, %add3A_312, %rem3A_303 : i32
      %jit3A_314 = arith.constant 4 : i32
      %div3A_315 = arith.divsi %select_n3A_297, %jit3A_314 : i32
      %sign3A_316 = arith.constant 0 : i32
      %sign3A_317 = arith.cmpi sgt, %select_n3A_297, %sign3A_316 : i32
      %sign3A_318 = arith.extui %sign3A_317 : i1 to i32
      %sign3A_319 = arith.constant 0 : i32
      %sign3A_320 = arith.cmpi slt, %select_n3A_297, %sign3A_319 : i32
      %sign3A_321 = arith.extui %sign3A_320 : i1 to i32
      %sign3A_322 = arith.subi %sign3A_318, %sign3A_321 : i32
      %sign3A_323 = arith.constant 0 : i32
      %sign3A_324 = arith.cmpi sgt, %jit3A_314, %sign3A_323 : i32
      %sign3A_325 = arith.extui %sign3A_324 : i1 to i32
      %sign3A_326 = arith.constant 0 : i32
      %sign3A_327 = arith.cmpi slt, %jit3A_314, %sign3A_326 : i32
      %sign3A_328 = arith.extui %sign3A_327 : i1 to i32
      %sign3A_329 = arith.subi %sign3A_325, %sign3A_328 : i32
      %ne3A_330 = arith.cmpi ne, %sign3A_322, %sign3A_329 : i32
      %rem3A_331 = arith.remsi %select_n3A_297, %jit3A_314 : i32
      %ne3A_332 = arith.constant 0 : i32
      %ne3A_333 = arith.cmpi ne, %rem3A_331, %ne3A_332 : i32
      %and3A_334 = arith.andi %ne3A_330, %ne3A_333 : i1
      %sub3A_335 = arith.constant 1 : i32
      %sub3A_336 = arith.subi %div3A_315, %sub3A_335 : i32
      %select_n3A_337 = arith.select %and3A_334, %sub3A_336, %div3A_315 : i32
      %mul3A_338 = arith.constant 128 : i32
      %mul3A_339 = arith.muli %select_n3A_313, %mul3A_338 : i32
      %add3A_340 = arith.addi %mul3A_2, %mul3A_339 : i32
      %jit3A_341 = arith.constant 4 : i32
      %eq3A_342 = arith.constant 0 : i32
      %eq3A_343 = arith.cmpi eq, %jit3A_341, %eq3A_342 : i32
      %jit3A_344 = arith.constant 1 : i32
      %select_n3A_345 = arith.select %eq3A_343, %jit3A_344, %jit3A_341 : i32
      %rem3A_346 = arith.remsi %select_n3A_297, %select_n3A_345 : i32
      %ne3A_347 = arith.constant 0 : i32
      %ne3A_348 = arith.cmpi ne, %rem3A_346, %ne3A_347 : i32
      %lt3A_349 = arith.constant 0 : i32
      %lt3A_350 = arith.cmpi slt, %rem3A_346, %lt3A_349 : i32
      %lt3A_351 = arith.constant 0 : i32
      %lt3A_352 = arith.cmpi slt, %select_n3A_345, %lt3A_351 : i32
      %ne3A_353 = arith.xori %lt3A_350, %lt3A_352 : i1
      %and3A_354 = arith.andi %ne3A_353, %ne3A_348 : i1
      %add3A_355 = arith.addi %rem3A_346, %select_n3A_345 : i32
      %select_n3A_356 = arith.select %and3A_354, %add3A_355, %rem3A_346 : i32
      %mul3A_357 = arith.constant 32 : i32
      %mul3A_358 = arith.muli %select_n3A_356, %mul3A_357 : i32
      %dma_start3A_359 = tpu.memref_slice %arg7[%select_n3A_337, %add3A_340, %mul3A_358] : memref<5x8192x128xf32, #tpu.memory_space<hbm>> -> memref<1x128x32xf32, #tpu.memory_space<hbm>>
      %dma_start3A_360 = tpu.memref_squeeze %dma_start3A_359 : memref<1x128x32xf32, #tpu.memory_space<hbm>> -> memref<128x32xf32, #tpu.memory_space<hbm>>
      %dma_start3A_361 = tpu.memref_slice %arg7[%select_n3A_337, %add3A_340, %mul3A_358] : memref<5x8192x128xf32, #tpu.memory_space<hbm>> -> memref<1x128x32xf32, #tpu.memory_space<hbm>>
      %dma_start3A_362 = tpu.memref_squeeze %dma_start3A_361 : memref<1x128x32xf32, #tpu.memory_space<hbm>> -> memref<128x32xf32, #tpu.memory_space<hbm>>
      tpu.enqueue_dma source(%arg15 : memref<128x32xf32, #tpu.memory_space<vmem>>) target(%dma_start3A_362 : memref<128x32xf32, #tpu.memory_space<hbm>>) target_semaphore(%arg23 : memref<!tpu.dma_semaphore, #tpu.memory_space<semaphore_mem>>)
      %mul3A_363 = arith.constant 4 : i32
      %mul3A_364 = arith.muli %mul3A_363, %scan3A_147 : i32
      %add3A_365 = arith.constant 2 : i32
      %add3A_366 = arith.addi %mul3A_364, %add3A_365 : i32
      %add3A_367 = arith.constant 1 : i32
      %add3A_368 = arith.addi %add3A_366, %add3A_367 : i32
      %lt3A_369 = arith.constant 40 : i32
      %lt3A_370 = arith.cmpi slt, %add3A_368, %lt3A_369 : i32
      %ge3A_371 = arith.constant 4 : i32
      %ge3A_372 = arith.cmpi sge, %add3A_368, %ge3A_371 : i32
      %and3A_373 = arith.andi %lt3A_370, %ge3A_372 : i1
      %convert_element_type3A_374 = arith.extui %and3A_373 : i1 to i32
      %cond3A_375 = arith.constant 0 : i32
      %cond3A_376 = arith.cmpi ne, %convert_element_type3A_374, %cond3A_375 : i32
      scf.if %cond3A_376 {
        %dma_wait3A_591 = arith.constant 0 : i32
        %dma_wait3A_592 = arith.constant 0 : i32
        %dma_wait3A_593 = arith.constant 0 : i32
        %dma_wait3A_594 = tpu.memref_slice %arg7[%dma_wait3A_591, %dma_wait3A_592, %dma_wait3A_593] : memref<5x8192x128xf32, #tpu.memory_space<hbm>> -> memref<1x128x32xf32, #tpu.memory_space<hbm>>
        %dma_wait3A_595 = tpu.memref_squeeze %dma_wait3A_594 : memref<1x128x32xf32, #tpu.memory_space<hbm>> -> memref<128x32xf32, #tpu.memory_space<hbm>>
        %dma_wait3A_596 = arith.constant 0 : i32
        %dma_wait3A_597 = arith.constant 0 : i32
        %dma_wait3A_598 = tpu.memref_slice %arg7[%dma_wait3A_591, %dma_wait3A_596, %dma_wait3A_597] : memref<5x8192x128xf32, #tpu.memory_space<hbm>> -> memref<1x128x32xf32, #tpu.memory_space<hbm>>
        %dma_wait3A_599 = tpu.memref_squeeze %dma_wait3A_598 : memref<1x128x32xf32, #tpu.memory_space<hbm>> -> memref<128x32xf32, #tpu.memory_space<hbm>>
        tpu.wait_dma2 semaphore(%arg25 : memref<!tpu.dma_semaphore, #tpu.memory_space<semaphore_mem>>) src(%arg17 : memref<128x32xf32, #tpu.memory_space<vmem>>) dst(%dma_wait3A_599 : memref<128x32xf32, #tpu.memory_space<hbm>>)
      } else {
      }
      %lt3A_377 = arith.constant 40 : i32
      %lt3A_378 = arith.cmpi slt, %add3A_368, %lt3A_377 : i32
      %convert_element_type3A_379 = arith.extui %lt3A_378 : i1 to i32
      %cond3A_380 = arith.constant 0 : i32
      %cond3A_381 = arith.cmpi ne, %convert_element_type3A_379, %cond3A_380 : i32
      scf.if %cond3A_381 {
        %jit3A_591 = arith.constant 2 : i32
        %div3A_592 = arith.divsi %add3A_368, %jit3A_591 : i32
        %sign3A_593 = arith.constant 0 : i32
        %sign3A_594 = arith.cmpi sgt, %add3A_368, %sign3A_593 : i32
        %sign3A_595 = arith.extui %sign3A_594 : i1 to i32
        %sign3A_596 = arith.constant 0 : i32
        %sign3A_597 = arith.cmpi slt, %add3A_368, %sign3A_596 : i32
        %sign3A_598 = arith.extui %sign3A_597 : i1 to i32
        %sign3A_599 = arith.subi %sign3A_595, %sign3A_598 : i32
        %sign3A_600 = arith.constant 0 : i32
        %sign3A_601 = arith.cmpi sgt, %jit3A_591, %sign3A_600 : i32
        %sign3A_602 = arith.extui %sign3A_601 : i1 to i32
        %sign3A_603 = arith.constant 0 : i32
        %sign3A_604 = arith.cmpi slt, %jit3A_591, %sign3A_603 : i32
        %sign3A_605 = arith.extui %sign3A_604 : i1 to i32
        %sign3A_606 = arith.subi %sign3A_602, %sign3A_605 : i32
        %ne3A_607 = arith.cmpi ne, %sign3A_599, %sign3A_606 : i32
        %rem3A_608 = arith.remsi %add3A_368, %jit3A_591 : i32
        %ne3A_609 = arith.constant 0 : i32
        %ne3A_610 = arith.cmpi ne, %rem3A_608, %ne3A_609 : i32
        %and3A_611 = arith.andi %ne3A_607, %ne3A_610 : i1
        %sub3A_612 = arith.constant 1 : i32
        %sub3A_613 = arith.subi %div3A_592, %sub3A_612 : i32
        %select_n3A_614 = arith.select %and3A_611, %sub3A_613, %div3A_592 : i32
        %jit3A_615 = arith.constant 2 : i32
        %eq3A_616 = arith.constant 0 : i32
        %eq3A_617 = arith.cmpi eq, %jit3A_615, %eq3A_616 : i32
        %jit3A_618 = arith.constant 1 : i32
        %select_n3A_619 = arith.select %eq3A_617, %jit3A_618, %jit3A_615 : i32
        %rem3A_620 = arith.remsi %add3A_368, %select_n3A_619 : i32
        %ne3A_621 = arith.constant 0 : i32
        %ne3A_622 = arith.cmpi ne, %rem3A_620, %ne3A_621 : i32
        %lt3A_623 = arith.constant 0 : i32
        %lt3A_624 = arith.cmpi slt, %rem3A_620, %lt3A_623 : i32
        %lt3A_625 = arith.constant 0 : i32
        %lt3A_626 = arith.cmpi slt, %select_n3A_619, %lt3A_625 : i32
        %ne3A_627 = arith.xori %lt3A_624, %lt3A_626 : i1
        %and3A_628 = arith.andi %ne3A_627, %ne3A_622 : i1
        %add3A_629 = arith.addi %rem3A_620, %select_n3A_619 : i32
        %select_n3A_630 = arith.select %and3A_628, %add3A_629, %rem3A_620 : i32
        %add3A_631 = arith.constant 20 : i32
        %add3A_632 = arith.addi %add3A_631, %select_n3A_614 : i32
        %mul3A_633 = arith.constant 128 : i32
        %mul3A_634 = arith.muli %select_n3A_630, %mul3A_633 : i32
        %dma_start3A_635 = tpu.memref_slice %arg9[%add3A_632, %mul3A_634] : memref<52x256xi32, #tpu.memory_space<vmem>> -> memref<1x128xi32, #tpu.memory_space<vmem>>
        %dma_start3A_636 = tpu.memref_squeeze %dma_start3A_635 : memref<1x128xi32, #tpu.memory_space<vmem>> -> memref<128xi32, #tpu.memory_space<vmem>>
        %dma_start3A_637 = arith.constant 0 : i32
        %dma_start3A_638 = arith.constant 0 : i32
        %dma_start3A_639 = tpu.memref_slice %arg4[%dma_start3A_637, %dma_start3A_638] : memref<100000x32xf32, #tpu.memory_space<hbm>> -> memref<100000x32xf32, #tpu.memory_space<hbm>>
        tpu.enqueue_indirect_dma source(%dma_start3A_639 : memref<100000x32xf32, #tpu.memory_space<hbm>>) target(%arg17 : memref<128x32xf32, #tpu.memory_space<vmem>>) offsets(%dma_start3A_636 : memref<128xi32, #tpu.memory_space<vmem>>) semaphore(%arg21 : memref<!tpu.dma_semaphore, #tpu.memory_space<semaphore_mem>>)
      } else {
      }
      %dma_wait3A_382 = arith.constant 0 : i32
      %dma_wait3A_383 = arith.constant 0 : i32
      %dma_wait3A_384 = tpu.memref_slice %arg4[%dma_wait3A_382, %dma_wait3A_383] : memref<100000x32xf32, #tpu.memory_space<hbm>> -> memref<128x32xf32, #tpu.memory_space<hbm>>
      %dma_wait3A_385 = arith.constant 0 : i32
      %dma_wait3A_386 = arith.constant 0 : i32
      %dma_wait3A_387 = tpu.memref_slice %arg4[%dma_wait3A_385, %dma_wait3A_386] : memref<100000x32xf32, #tpu.memory_space<hbm>> -> memref<128x32xf32, #tpu.memory_space<hbm>>
      tpu.wait_dma2 semaphore(%arg20 : memref<!tpu.dma_semaphore, #tpu.memory_space<semaphore_mem>>) src(%dma_wait3A_387 : memref<128x32xf32, #tpu.memory_space<hbm>>) dst(%arg16 : memref<128x32xf32, #tpu.memory_space<vmem>>)
      %jit3A_388 = arith.constant 2 : i32
      %div3A_389 = arith.divsi %add3A_366, %jit3A_388 : i32
      %sign3A_390 = arith.constant 0 : i32
      %sign3A_391 = arith.cmpi sgt, %add3A_366, %sign3A_390 : i32
      %sign3A_392 = arith.extui %sign3A_391 : i1 to i32
      %sign3A_393 = arith.constant 0 : i32
      %sign3A_394 = arith.cmpi slt, %add3A_366, %sign3A_393 : i32
      %sign3A_395 = arith.extui %sign3A_394 : i1 to i32
      %sign3A_396 = arith.subi %sign3A_392, %sign3A_395 : i32
      %sign3A_397 = arith.constant 0 : i32
      %sign3A_398 = arith.cmpi sgt, %jit3A_388, %sign3A_397 : i32
      %sign3A_399 = arith.extui %sign3A_398 : i1 to i32
      %sign3A_400 = arith.constant 0 : i32
      %sign3A_401 = arith.cmpi slt, %jit3A_388, %sign3A_400 : i32
      %sign3A_402 = arith.extui %sign3A_401 : i1 to i32
      %sign3A_403 = arith.subi %sign3A_399, %sign3A_402 : i32
      %ne3A_404 = arith.cmpi ne, %sign3A_396, %sign3A_403 : i32
      %rem3A_405 = arith.remsi %add3A_366, %jit3A_388 : i32
      %ne3A_406 = arith.constant 0 : i32
      %ne3A_407 = arith.cmpi ne, %rem3A_405, %ne3A_406 : i32
      %and3A_408 = arith.andi %ne3A_404, %ne3A_407 : i1
      %sub3A_409 = arith.constant 1 : i32
      %sub3A_410 = arith.subi %div3A_389, %sub3A_409 : i32
      %select_n3A_411 = arith.select %and3A_408, %sub3A_410, %div3A_389 : i32
      %jit3A_412 = arith.constant 2 : i32
      %eq3A_413 = arith.constant 0 : i32
      %eq3A_414 = arith.cmpi eq, %jit3A_412, %eq3A_413 : i32
      %jit3A_415 = arith.constant 1 : i32
      %select_n3A_416 = arith.select %eq3A_414, %jit3A_415, %jit3A_412 : i32
      %rem3A_417 = arith.remsi %add3A_366, %select_n3A_416 : i32
      %ne3A_418 = arith.constant 0 : i32
      %ne3A_419 = arith.cmpi ne, %rem3A_417, %ne3A_418 : i32
      %lt3A_420 = arith.constant 0 : i32
      %lt3A_421 = arith.cmpi slt, %rem3A_417, %lt3A_420 : i32
      %lt3A_422 = arith.constant 0 : i32
      %lt3A_423 = arith.cmpi slt, %select_n3A_416, %lt3A_422 : i32
      %ne3A_424 = arith.xori %lt3A_421, %lt3A_423 : i1
      %and3A_425 = arith.andi %ne3A_424, %ne3A_419 : i1
      %add3A_426 = arith.addi %rem3A_417, %select_n3A_416 : i32
      %select_n3A_427 = arith.select %and3A_425, %add3A_426, %rem3A_417 : i32
      %jit3A_428 = arith.constant 4 : i32
      %div3A_429 = arith.divsi %select_n3A_411, %jit3A_428 : i32
      %sign3A_430 = arith.constant 0 : i32
      %sign3A_431 = arith.cmpi sgt, %select_n3A_411, %sign3A_430 : i32
      %sign3A_432 = arith.extui %sign3A_431 : i1 to i32
      %sign3A_433 = arith.constant 0 : i32
      %sign3A_434 = arith.cmpi slt, %select_n3A_411, %sign3A_433 : i32
      %sign3A_435 = arith.extui %sign3A_434 : i1 to i32
      %sign3A_436 = arith.subi %sign3A_432, %sign3A_435 : i32
      %sign3A_437 = arith.constant 0 : i32
      %sign3A_438 = arith.cmpi sgt, %jit3A_428, %sign3A_437 : i32
      %sign3A_439 = arith.extui %sign3A_438 : i1 to i32
      %sign3A_440 = arith.constant 0 : i32
      %sign3A_441 = arith.cmpi slt, %jit3A_428, %sign3A_440 : i32
      %sign3A_442 = arith.extui %sign3A_441 : i1 to i32
      %sign3A_443 = arith.subi %sign3A_439, %sign3A_442 : i32
      %ne3A_444 = arith.cmpi ne, %sign3A_436, %sign3A_443 : i32
      %rem3A_445 = arith.remsi %select_n3A_411, %jit3A_428 : i32
      %ne3A_446 = arith.constant 0 : i32
      %ne3A_447 = arith.cmpi ne, %rem3A_445, %ne3A_446 : i32
      %and3A_448 = arith.andi %ne3A_444, %ne3A_447 : i1
      %sub3A_449 = arith.constant 1 : i32
      %sub3A_450 = arith.subi %div3A_429, %sub3A_449 : i32
      %select_n3A_451 = arith.select %and3A_448, %sub3A_450, %div3A_429 : i32
      %mul3A_452 = arith.constant 128 : i32
      %mul3A_453 = arith.muli %select_n3A_427, %mul3A_452 : i32
      %add3A_454 = arith.addi %mul3A_2, %mul3A_453 : i32
      %jit3A_455 = arith.constant 4 : i32
      %eq3A_456 = arith.constant 0 : i32
      %eq3A_457 = arith.cmpi eq, %jit3A_455, %eq3A_456 : i32
      %jit3A_458 = arith.constant 1 : i32
      %select_n3A_459 = arith.select %eq3A_457, %jit3A_458, %jit3A_455 : i32
      %rem3A_460 = arith.remsi %select_n3A_411, %select_n3A_459 : i32
      %ne3A_461 = arith.constant 0 : i32
      %ne3A_462 = arith.cmpi ne, %rem3A_460, %ne3A_461 : i32
      %lt3A_463 = arith.constant 0 : i32
      %lt3A_464 = arith.cmpi slt, %rem3A_460, %lt3A_463 : i32
      %lt3A_465 = arith.constant 0 : i32
      %lt3A_466 = arith.cmpi slt, %select_n3A_459, %lt3A_465 : i32
      %ne3A_467 = arith.xori %lt3A_464, %lt3A_466 : i1
      %and3A_468 = arith.andi %ne3A_467, %ne3A_462 : i1
      %add3A_469 = arith.addi %rem3A_460, %select_n3A_459 : i32
      %select_n3A_470 = arith.select %and3A_468, %add3A_469, %rem3A_460 : i32
      %mul3A_471 = arith.constant 32 : i32
      %mul3A_472 = arith.muli %select_n3A_470, %mul3A_471 : i32
      %dma_start3A_473 = tpu.memref_slice %arg7[%select_n3A_451, %add3A_454, %mul3A_472] : memref<5x8192x128xf32, #tpu.memory_space<hbm>> -> memref<1x128x32xf32, #tpu.memory_space<hbm>>
      %dma_start3A_474 = tpu.memref_squeeze %dma_start3A_473 : memref<1x128x32xf32, #tpu.memory_space<hbm>> -> memref<128x32xf32, #tpu.memory_space<hbm>>
      %dma_start3A_475 = tpu.memref_slice %arg7[%select_n3A_451, %add3A_454, %mul3A_472] : memref<5x8192x128xf32, #tpu.memory_space<hbm>> -> memref<1x128x32xf32, #tpu.memory_space<hbm>>
      %dma_start3A_476 = tpu.memref_squeeze %dma_start3A_475 : memref<1x128x32xf32, #tpu.memory_space<hbm>> -> memref<128x32xf32, #tpu.memory_space<hbm>>
      tpu.enqueue_dma source(%arg16 : memref<128x32xf32, #tpu.memory_space<vmem>>) target(%dma_start3A_476 : memref<128x32xf32, #tpu.memory_space<hbm>>) target_semaphore(%arg24 : memref<!tpu.dma_semaphore, #tpu.memory_space<semaphore_mem>>)
      %mul3A_477 = arith.constant 4 : i32
      %mul3A_478 = arith.muli %mul3A_477, %scan3A_147 : i32
      %add3A_479 = arith.constant 3 : i32
      %add3A_480 = arith.addi %mul3A_478, %add3A_479 : i32
      %add3A_481 = arith.constant 1 : i32
      %add3A_482 = arith.addi %add3A_480, %add3A_481 : i32
      %lt3A_483 = arith.constant 40 : i32
      %lt3A_484 = arith.cmpi slt, %add3A_482, %lt3A_483 : i32
      %ge3A_485 = arith.constant 4 : i32
      %ge3A_486 = arith.cmpi sge, %add3A_482, %ge3A_485 : i32
      %and3A_487 = arith.andi %lt3A_484, %ge3A_486 : i1
      %convert_element_type3A_488 = arith.extui %and3A_487 : i1 to i32
      %cond3A_489 = arith.constant 0 : i32
      %cond3A_490 = arith.cmpi ne, %convert_element_type3A_488, %cond3A_489 : i32
      scf.if %cond3A_490 {
        %dma_wait3A_591 = arith.constant 0 : i32
        %dma_wait3A_592 = arith.constant 0 : i32
        %dma_wait3A_593 = arith.constant 0 : i32
        %dma_wait3A_594 = tpu.memref_slice %arg7[%dma_wait3A_591, %dma_wait3A_592, %dma_wait3A_593] : memref<5x8192x128xf32, #tpu.memory_space<hbm>> -> memref<1x128x32xf32, #tpu.memory_space<hbm>>
        %dma_wait3A_595 = tpu.memref_squeeze %dma_wait3A_594 : memref<1x128x32xf32, #tpu.memory_space<hbm>> -> memref<128x32xf32, #tpu.memory_space<hbm>>
        %dma_wait3A_596 = arith.constant 0 : i32
        %dma_wait3A_597 = arith.constant 0 : i32
        %dma_wait3A_598 = tpu.memref_slice %arg7[%dma_wait3A_591, %dma_wait3A_596, %dma_wait3A_597] : memref<5x8192x128xf32, #tpu.memory_space<hbm>> -> memref<1x128x32xf32, #tpu.memory_space<hbm>>
        %dma_wait3A_599 = tpu.memref_squeeze %dma_wait3A_598 : memref<1x128x32xf32, #tpu.memory_space<hbm>> -> memref<128x32xf32, #tpu.memory_space<hbm>>
        tpu.wait_dma2 semaphore(%arg22 : memref<!tpu.dma_semaphore, #tpu.memory_space<semaphore_mem>>) src(%arg14 : memref<128x32xf32, #tpu.memory_space<vmem>>) dst(%dma_wait3A_599 : memref<128x32xf32, #tpu.memory_space<hbm>>)
      } else {
      }
      %lt3A_491 = arith.constant 40 : i32
      %lt3A_492 = arith.cmpi slt, %add3A_482, %lt3A_491 : i32
      %convert_element_type3A_493 = arith.extui %lt3A_492 : i1 to i32
      %cond3A_494 = arith.constant 0 : i32
      %cond3A_495 = arith.cmpi ne, %convert_element_type3A_493, %cond3A_494 : i32
      scf.if %cond3A_495 {
        %jit3A_591 = arith.constant 2 : i32
        %div3A_592 = arith.divsi %add3A_482, %jit3A_591 : i32
        %sign3A_593 = arith.constant 0 : i32
        %sign3A_594 = arith.cmpi sgt, %add3A_482, %sign3A_593 : i32
        %sign3A_595 = arith.extui %sign3A_594 : i1 to i32
        %sign3A_596 = arith.constant 0 : i32
        %sign3A_597 = arith.cmpi slt, %add3A_482, %sign3A_596 : i32
        %sign3A_598 = arith.extui %sign3A_597 : i1 to i32
        %sign3A_599 = arith.subi %sign3A_595, %sign3A_598 : i32
        %sign3A_600 = arith.constant 0 : i32
        %sign3A_601 = arith.cmpi sgt, %jit3A_591, %sign3A_600 : i32
        %sign3A_602 = arith.extui %sign3A_601 : i1 to i32
        %sign3A_603 = arith.constant 0 : i32
        %sign3A_604 = arith.cmpi slt, %jit3A_591, %sign3A_603 : i32
        %sign3A_605 = arith.extui %sign3A_604 : i1 to i32
        %sign3A_606 = arith.subi %sign3A_602, %sign3A_605 : i32
        %ne3A_607 = arith.cmpi ne, %sign3A_599, %sign3A_606 : i32
        %rem3A_608 = arith.remsi %add3A_482, %jit3A_591 : i32
        %ne3A_609 = arith.constant 0 : i32
        %ne3A_610 = arith.cmpi ne, %rem3A_608, %ne3A_609 : i32
        %and3A_611 = arith.andi %ne3A_607, %ne3A_610 : i1
        %sub3A_612 = arith.constant 1 : i32
        %sub3A_613 = arith.subi %div3A_592, %sub3A_612 : i32
        %select_n3A_614 = arith.select %and3A_611, %sub3A_613, %div3A_592 : i32
        %jit3A_615 = arith.constant 2 : i32
        %eq3A_616 = arith.constant 0 : i32
        %eq3A_617 = arith.cmpi eq, %jit3A_615, %eq3A_616 : i32
        %jit3A_618 = arith.constant 1 : i32
        %select_n3A_619 = arith.select %eq3A_617, %jit3A_618, %jit3A_615 : i32
        %rem3A_620 = arith.remsi %add3A_482, %select_n3A_619 : i32
        %ne3A_621 = arith.constant 0 : i32
        %ne3A_622 = arith.cmpi ne, %rem3A_620, %ne3A_621 : i32
        %lt3A_623 = arith.constant 0 : i32
        %lt3A_624 = arith.cmpi slt, %rem3A_620, %lt3A_623 : i32
        %lt3A_625 = arith.constant 0 : i32
        %lt3A_626 = arith.cmpi slt, %select_n3A_619, %lt3A_625 : i32
        %ne3A_627 = arith.xori %lt3A_624, %lt3A_626 : i1
        %and3A_628 = arith.andi %ne3A_627, %ne3A_622 : i1
        %add3A_629 = arith.addi %rem3A_620, %select_n3A_619 : i32
        %select_n3A_630 = arith.select %and3A_628, %add3A_629, %rem3A_620 : i32
        %add3A_631 = arith.constant 20 : i32
        %add3A_632 = arith.addi %add3A_631, %select_n3A_614 : i32
        %mul3A_633 = arith.constant 128 : i32
        %mul3A_634 = arith.muli %select_n3A_630, %mul3A_633 : i32
        %dma_start3A_635 = tpu.memref_slice %arg9[%add3A_632, %mul3A_634] : memref<52x256xi32, #tpu.memory_space<vmem>> -> memref<1x128xi32, #tpu.memory_space<vmem>>
        %dma_start3A_636 = tpu.memref_squeeze %dma_start3A_635 : memref<1x128xi32, #tpu.memory_space<vmem>> -> memref<128xi32, #tpu.memory_space<vmem>>
        %dma_start3A_637 = arith.constant 0 : i32
        %dma_start3A_638 = arith.constant 0 : i32
        %dma_start3A_639 = tpu.memref_slice %arg4[%dma_start3A_637, %dma_start3A_638] : memref<100000x32xf32, #tpu.memory_space<hbm>> -> memref<100000x32xf32, #tpu.memory_space<hbm>>
        tpu.enqueue_indirect_dma source(%dma_start3A_639 : memref<100000x32xf32, #tpu.memory_space<hbm>>) target(%arg14 : memref<128x32xf32, #tpu.memory_space<vmem>>) offsets(%dma_start3A_636 : memref<128xi32, #tpu.memory_space<vmem>>) semaphore(%arg18 : memref<!tpu.dma_semaphore, #tpu.memory_space<semaphore_mem>>)
      } else {
      }
      %dma_wait3A_496 = arith.constant 0 : i32
      %dma_wait3A_497 = arith.constant 0 : i32
      %dma_wait3A_498 = tpu.memref_slice %arg4[%dma_wait3A_496, %dma_wait3A_497] : memref<100000x32xf32, #tpu.memory_space<hbm>> -> memref<128x32xf32, #tpu.memory_space<hbm>>
      %dma_wait3A_499 = arith.constant 0 : i32
      %dma_wait3A_500 = arith.constant 0 : i32
      %dma_wait3A_501 = tpu.memref_slice %arg4[%dma_wait3A_499, %dma_wait3A_500] : memref<100000x32xf32, #tpu.memory_space<hbm>> -> memref<128x32xf32, #tpu.memory_space<hbm>>
      tpu.wait_dma2 semaphore(%arg21 : memref<!tpu.dma_semaphore, #tpu.memory_space<semaphore_mem>>) src(%dma_wait3A_501 : memref<128x32xf32, #tpu.memory_space<hbm>>) dst(%arg17 : memref<128x32xf32, #tpu.memory_space<vmem>>)
      %jit3A_502 = arith.constant 2 : i32
      %div3A_503 = arith.divsi %add3A_480, %jit3A_502 : i32
      %sign3A_504 = arith.constant 0 : i32
      %sign3A_505 = arith.cmpi sgt, %add3A_480, %sign3A_504 : i32
      %sign3A_506 = arith.extui %sign3A_505 : i1 to i32
      %sign3A_507 = arith.constant 0 : i32
      %sign3A_508 = arith.cmpi slt, %add3A_480, %sign3A_507 : i32
      %sign3A_509 = arith.extui %sign3A_508 : i1 to i32
      %sign3A_510 = arith.subi %sign3A_506, %sign3A_509 : i32
      %sign3A_511 = arith.constant 0 : i32
      %sign3A_512 = arith.cmpi sgt, %jit3A_502, %sign3A_511 : i32
      %sign3A_513 = arith.extui %sign3A_512 : i1 to i32
      %sign3A_514 = arith.constant 0 : i32
      %sign3A_515 = arith.cmpi slt, %jit3A_502, %sign3A_514 : i32
      %sign3A_516 = arith.extui %sign3A_515 : i1 to i32
      %sign3A_517 = arith.subi %sign3A_513, %sign3A_516 : i32
      %ne3A_518 = arith.cmpi ne, %sign3A_510, %sign3A_517 : i32
      %rem3A_519 = arith.remsi %add3A_480, %jit3A_502 : i32
      %ne3A_520 = arith.constant 0 : i32
      %ne3A_521 = arith.cmpi ne, %rem3A_519, %ne3A_520 : i32
      %and3A_522 = arith.andi %ne3A_518, %ne3A_521 : i1
      %sub3A_523 = arith.constant 1 : i32
      %sub3A_524 = arith.subi %div3A_503, %sub3A_523 : i32
      %select_n3A_525 = arith.select %and3A_522, %sub3A_524, %div3A_503 : i32
      %jit3A_526 = arith.constant 2 : i32
      %eq3A_527 = arith.constant 0 : i32
      %eq3A_528 = arith.cmpi eq, %jit3A_526, %eq3A_527 : i32
      %jit3A_529 = arith.constant 1 : i32
      %select_n3A_530 = arith.select %eq3A_528, %jit3A_529, %jit3A_526 : i32
      %rem3A_531 = arith.remsi %add3A_480, %select_n3A_530 : i32
      %ne3A_532 = arith.constant 0 : i32
      %ne3A_533 = arith.cmpi ne, %rem3A_531, %ne3A_532 : i32
      %lt3A_534 = arith.constant 0 : i32
      %lt3A_535 = arith.cmpi slt, %rem3A_531, %lt3A_534 : i32
      %lt3A_536 = arith.constant 0 : i32
      %lt3A_537 = arith.cmpi slt, %select_n3A_530, %lt3A_536 : i32
      %ne3A_538 = arith.xori %lt3A_535, %lt3A_537 : i1
      %and3A_539 = arith.andi %ne3A_538, %ne3A_533 : i1
      %add3A_540 = arith.addi %rem3A_531, %select_n3A_530 : i32
      %select_n3A_541 = arith.select %and3A_539, %add3A_540, %rem3A_531 : i32
      %jit3A_542 = arith.constant 4 : i32
      %div3A_543 = arith.divsi %select_n3A_525, %jit3A_542 : i32
      %sign3A_544 = arith.constant 0 : i32
      %sign3A_545 = arith.cmpi sgt, %select_n3A_525, %sign3A_544 : i32
      %sign3A_546 = arith.extui %sign3A_545 : i1 to i32
      %sign3A_547 = arith.constant 0 : i32
      %sign3A_548 = arith.cmpi slt, %select_n3A_525, %sign3A_547 : i32
      %sign3A_549 = arith.extui %sign3A_548 : i1 to i32
      %sign3A_550 = arith.subi %sign3A_546, %sign3A_549 : i32
      %sign3A_551 = arith.constant 0 : i32
      %sign3A_552 = arith.cmpi sgt, %jit3A_542, %sign3A_551 : i32
      %sign3A_553 = arith.extui %sign3A_552 : i1 to i32
      %sign3A_554 = arith.constant 0 : i32
      %sign3A_555 = arith.cmpi slt, %jit3A_542, %sign3A_554 : i32
      %sign3A_556 = arith.extui %sign3A_555 : i1 to i32
      %sign3A_557 = arith.subi %sign3A_553, %sign3A_556 : i32
      %ne3A_558 = arith.cmpi ne, %sign3A_550, %sign3A_557 : i32
      %rem3A_559 = arith.remsi %select_n3A_525, %jit3A_542 : i32
      %ne3A_560 = arith.constant 0 : i32
      %ne3A_561 = arith.cmpi ne, %rem3A_559, %ne3A_560 : i32
      %and3A_562 = arith.andi %ne3A_558, %ne3A_561 : i1
      %sub3A_563 = arith.constant 1 : i32
      %sub3A_564 = arith.subi %div3A_543, %sub3A_563 : i32
      %select_n3A_565 = arith.select %and3A_562, %sub3A_564, %div3A_543 : i32
      %mul3A_566 = arith.constant 128 : i32
      %mul3A_567 = arith.muli %select_n3A_541, %mul3A_566 : i32
      %add3A_568 = arith.addi %mul3A_2, %mul3A_567 : i32
      %jit3A_569 = arith.constant 4 : i32
      %eq3A_570 = arith.constant 0 : i32
      %eq3A_571 = arith.cmpi eq, %jit3A_569, %eq3A_570 : i32
      %jit3A_572 = arith.constant 1 : i32
      %select_n3A_573 = arith.select %eq3A_571, %jit3A_572, %jit3A_569 : i32
      %rem3A_574 = arith.remsi %select_n3A_525, %select_n3A_573 : i32
      %ne3A_575 = arith.constant 0 : i32
      %ne3A_576 = arith.cmpi ne, %rem3A_574, %ne3A_575 : i32
      %lt3A_577 = arith.constant 0 : i32
      %lt3A_578 = arith.cmpi slt, %rem3A_574, %lt3A_577 : i32
      %lt3A_579 = arith.constant 0 : i32
      %lt3A_580 = arith.cmpi slt, %select_n3A_573, %lt3A_579 : i32
      %ne3A_581 = arith.xori %lt3A_578, %lt3A_580 : i1
      %and3A_582 = arith.andi %ne3A_581, %ne3A_576 : i1
      %add3A_583 = arith.addi %rem3A_574, %select_n3A_573 : i32
      %select_n3A_584 = arith.select %and3A_582, %add3A_583, %rem3A_574 : i32
      %mul3A_585 = arith.constant 32 : i32
      %mul3A_586 = arith.muli %select_n3A_584, %mul3A_585 : i32
      %dma_start3A_587 = tpu.memref_slice %arg7[%select_n3A_565, %add3A_568, %mul3A_586] : memref<5x8192x128xf32, #tpu.memory_space<hbm>> -> memref<1x128x32xf32, #tpu.memory_space<hbm>>
      %dma_start3A_588 = tpu.memref_squeeze %dma_start3A_587 : memref<1x128x32xf32, #tpu.memory_space<hbm>> -> memref<128x32xf32, #tpu.memory_space<hbm>>
      %dma_start3A_589 = tpu.memref_slice %arg7[%select_n3A_565, %add3A_568, %mul3A_586] : memref<5x8192x128xf32, #tpu.memory_space<hbm>> -> memref<1x128x32xf32, #tpu.memory_space<hbm>>
      %dma_start3A_590 = tpu.memref_squeeze %dma_start3A_589 : memref<1x128x32xf32, #tpu.memory_space<hbm>> -> memref<128x32xf32, #tpu.memory_space<hbm>>
      tpu.enqueue_dma source(%arg17 : memref<128x32xf32, #tpu.memory_space<vmem>>) target(%dma_start3A_590 : memref<128x32xf32, #tpu.memory_space<hbm>>) target_semaphore(%arg25 : memref<!tpu.dma_semaphore, #tpu.memory_space<semaphore_mem>>)
    }
    %scan3A_61 = arith.constant 10 : i32
    %dma_wait3A_62 = arith.constant 0 : i32
    %dma_wait3A_63 = arith.constant 0 : i32
    %dma_wait3A_64 = arith.constant 0 : i32
    %dma_wait3A_65 = tpu.memref_slice %arg7[%dma_wait3A_62, %dma_wait3A_63, %dma_wait3A_64] : memref<5x8192x128xf32, #tpu.memory_space<hbm>> -> memref<1x128x32xf32, #tpu.memory_space<hbm>>
    %dma_wait3A_66 = tpu.memref_squeeze %dma_wait3A_65 : memref<1x128x32xf32, #tpu.memory_space<hbm>> -> memref<128x32xf32, #tpu.memory_space<hbm>>
    %dma_wait3A_67 = arith.constant 0 : i32
    %dma_wait3A_68 = arith.constant 0 : i32
    %dma_wait3A_69 = tpu.memref_slice %arg7[%dma_wait3A_62, %dma_wait3A_67, %dma_wait3A_68] : memref<5x8192x128xf32, #tpu.memory_space<hbm>> -> memref<1x128x32xf32, #tpu.memory_space<hbm>>
    %dma_wait3A_70 = tpu.memref_squeeze %dma_wait3A_69 : memref<1x128x32xf32, #tpu.memory_space<hbm>> -> memref<128x32xf32, #tpu.memory_space<hbm>>
    tpu.wait_dma2 semaphore(%arg22 : memref<!tpu.dma_semaphore, #tpu.memory_space<semaphore_mem>>) src(%arg14 : memref<128x32xf32, #tpu.memory_space<vmem>>) dst(%dma_wait3A_70 : memref<128x32xf32, #tpu.memory_space<hbm>>)
    %dma_wait3A_71 = arith.constant 0 : i32
    %dma_wait3A_72 = arith.constant 0 : i32
    %dma_wait3A_73 = arith.constant 0 : i32
    %dma_wait3A_74 = tpu.memref_slice %arg7[%dma_wait3A_71, %dma_wait3A_72, %dma_wait3A_73] : memref<5x8192x128xf32, #tpu.memory_space<hbm>> -> memref<1x128x32xf32, #tpu.memory_space<hbm>>
    %dma_wait3A_75 = tpu.memref_squeeze %dma_wait3A_74 : memref<1x128x32xf32, #tpu.memory_space<hbm>> -> memref<128x32xf32, #tpu.memory_space<hbm>>
    %dma_wait3A_76 = arith.constant 0 : i32
    %dma_wait3A_77 = arith.constant 0 : i32
    %dma_wait3A_78 = tpu.memref_slice %arg7[%dma_wait3A_71, %dma_wait3A_76, %dma_wait3A_77] : memref<5x8192x128xf32, #tpu.memory_space<hbm>> -> memref<1x128x32xf32, #tpu.memory_space<hbm>>
    %dma_wait3A_79 = tpu.memref_squeeze %dma_wait3A_78 : memref<1x128x32xf32, #tpu.memory_space<hbm>> -> memref<128x32xf32, #tpu.memory_space<hbm>>
    tpu.wait_dma2 semaphore(%arg23 : memref<!tpu.dma_semaphore, #tpu.memory_space<semaphore_mem>>) src(%arg15 : memref<128x32xf32, #tpu.memory_space<vmem>>) dst(%dma_wait3A_79 : memref<128x32xf32, #tpu.memory_space<hbm>>)
    %dma_wait3A_80 = arith.constant 0 : i32
    %dma_wait3A_81 = arith.constant 0 : i32
    %dma_wait3A_82 = arith.constant 0 : i32
    %dma_wait3A_83 = tpu.memref_slice %arg7[%dma_wait3A_80, %dma_wait3A_81, %dma_wait3A_82] : memref<5x8192x128xf32, #tpu.memory_space<hbm>> -> memref<1x128x32xf32, #tpu.memory_space<hbm>>
    %dma_wait3A_84 = tpu.memref_squeeze %dma_wait3A_83 : memref<1x128x32xf32, #tpu.memory_space<hbm>> -> memref<128x32xf32, #tpu.memory_space<hbm>>
    %dma_wait3A_85 = arith.constant 0 : i32
    %dma_wait3A_86 = arith.constant 0 : i32
    %dma_wait3A_87 = tpu.memref_slice %arg7[%dma_wait3A_80, %dma_wait3A_85, %dma_wait3A_86] : memref<5x8192x128xf32, #tpu.memory_space<hbm>> -> memref<1x128x32xf32, #tpu.memory_space<hbm>>
    %dma_wait3A_88 = tpu.memref_squeeze %dma_wait3A_87 : memref<1x128x32xf32, #tpu.memory_space<hbm>> -> memref<128x32xf32, #tpu.memory_space<hbm>>
    tpu.wait_dma2 semaphore(%arg24 : memref<!tpu.dma_semaphore, #tpu.memory_space<semaphore_mem>>) src(%arg16 : memref<128x32xf32, #tpu.memory_space<vmem>>) dst(%dma_wait3A_88 : memref<128x32xf32, #tpu.memory_space<hbm>>)
    %dma_wait3A_89 = arith.constant 0 : i32
    %dma_wait3A_90 = arith.constant 0 : i32
    %dma_wait3A_91 = arith.constant 0 : i32
    %dma_wait3A_92 = tpu.memref_slice %arg7[%dma_wait3A_89, %dma_wait3A_90, %dma_wait3A_91] : memref<5x8192x128xf32, #tpu.memory_space<hbm>> -> memref<1x128x32xf32, #tpu.memory_space<hbm>>
    %dma_wait3A_93 = tpu.memref_squeeze %dma_wait3A_92 : memref<1x128x32xf32, #tpu.memory_space<hbm>> -> memref<128x32xf32, #tpu.memory_space<hbm>>
    %dma_wait3A_94 = arith.constant 0 : i32
    %dma_wait3A_95 = arith.constant 0 : i32
    %dma_wait3A_96 = tpu.memref_slice %arg7[%dma_wait3A_89, %dma_wait3A_94, %dma_wait3A_95] : memref<5x8192x128xf32, #tpu.memory_space<hbm>> -> memref<1x128x32xf32, #tpu.memory_space<hbm>>
    %dma_wait3A_97 = tpu.memref_squeeze %dma_wait3A_96 : memref<1x128x32xf32, #tpu.memory_space<hbm>> -> memref<128x32xf32, #tpu.memory_space<hbm>>
    tpu.wait_dma2 semaphore(%arg25 : memref<!tpu.dma_semaphore, #tpu.memory_space<semaphore_mem>>) src(%arg17 : memref<128x32xf32, #tpu.memory_space<vmem>>) dst(%dma_wait3A_97 : memref<128x32xf32, #tpu.memory_space<hbm>>)
    %dma_start3A_98 = arith.constant 40 : i32
    %dma_start3A_99 = arith.constant 0 : i32
    %dma_start3A_100 = tpu.memref_slice %arg9[%dma_start3A_98, %dma_start3A_99] : memref<52x256xi32, #tpu.memory_space<vmem>> -> memref<1x128xi32, #tpu.memory_space<vmem>>
    %dma_start3A_101 = tpu.memref_squeeze %dma_start3A_100 : memref<1x128xi32, #tpu.memory_space<vmem>> -> memref<128xi32, #tpu.memory_space<vmem>>
    %dma_start3A_102 = arith.constant 0 : i32
    %dma_start3A_103 = arith.constant 0 : i32
    %dma_start3A_104 = tpu.memref_slice %arg5[%dma_start3A_102, %dma_start3A_103] : memref<100000x32xf32, #tpu.memory_space<hbm>> -> memref<100000x32xf32, #tpu.memory_space<hbm>>
    tpu.enqueue_indirect_dma source(%dma_start3A_104 : memref<100000x32xf32, #tpu.memory_space<hbm>>) target(%arg14 : memref<128x32xf32, #tpu.memory_space<vmem>>) offsets(%dma_start3A_101 : memref<128xi32, #tpu.memory_space<vmem>>) semaphore(%arg18 : memref<!tpu.dma_semaphore, #tpu.memory_space<semaphore_mem>>)
    %scan3A_105 = arith.constant 0 : i32
    %scan3A_106 = arith.constant 0 : i32
    %scan3A_107 = arith.constant 6 : i32
    %scan3A_108 = arith.addi %scan3A_106, %scan3A_107 : i32
    %scan3A_109 = arith.constant 1 : i32
    scf.for %scan3A_147 = %scan3A_106 to %scan3A_108 step %scan3A_109  : i32 {
      %mul3A_148 = arith.constant 4 : i32
      %mul3A_149 = arith.muli %mul3A_148, %scan3A_147 : i32
      %add3A_150 = arith.constant 0 : i32
      %add3A_151 = arith.addi %mul3A_149, %add3A_150 : i32
      %add3A_152 = arith.constant 1 : i32
      %add3A_153 = arith.addi %add3A_151, %add3A_152 : i32
      %lt3A = arith.constant 24 : i32
      %lt3A_154 = arith.cmpi slt, %add3A_153, %lt3A : i32
      %ge3A = arith.constant 4 : i32
      %ge3A_155 = arith.cmpi sge, %add3A_153, %ge3A : i32
      %and3A = arith.andi %lt3A_154, %ge3A_155 : i1
      %convert_element_type3A = arith.extui %and3A : i1 to i32
      %cond3A = arith.constant 0 : i32
      %cond3A_156 = arith.cmpi ne, %convert_element_type3A, %cond3A : i32
      scf.if %cond3A_156 {
        %dma_wait3A_591 = arith.constant 0 : i32
        %dma_wait3A_592 = arith.constant 0 : i32
        %dma_wait3A_593 = arith.constant 0 : i32
        %dma_wait3A_594 = tpu.memref_slice %arg8[%dma_wait3A_591, %dma_wait3A_592, %dma_wait3A_593] : memref<3x8192x128xf32, #tpu.memory_space<hbm>> -> memref<1x128x32xf32, #tpu.memory_space<hbm>>
        %dma_wait3A_595 = tpu.memref_squeeze %dma_wait3A_594 : memref<1x128x32xf32, #tpu.memory_space<hbm>> -> memref<128x32xf32, #tpu.memory_space<hbm>>
        %dma_wait3A_596 = arith.constant 0 : i32
        %dma_wait3A_597 = arith.constant 0 : i32
        %dma_wait3A_598 = tpu.memref_slice %arg8[%dma_wait3A_591, %dma_wait3A_596, %dma_wait3A_597] : memref<3x8192x128xf32, #tpu.memory_space<hbm>> -> memref<1x128x32xf32, #tpu.memory_space<hbm>>
        %dma_wait3A_599 = tpu.memref_squeeze %dma_wait3A_598 : memref<1x128x32xf32, #tpu.memory_space<hbm>> -> memref<128x32xf32, #tpu.memory_space<hbm>>
        tpu.wait_dma2 semaphore(%arg23 : memref<!tpu.dma_semaphore, #tpu.memory_space<semaphore_mem>>) src(%arg15 : memref<128x32xf32, #tpu.memory_space<vmem>>) dst(%dma_wait3A_599 : memref<128x32xf32, #tpu.memory_space<hbm>>)
      } else {
      }
      %lt3A_157 = arith.constant 24 : i32
      %lt3A_158 = arith.cmpi slt, %add3A_153, %lt3A_157 : i32
      %convert_element_type3A_159 = arith.extui %lt3A_158 : i1 to i32
      %cond3A_160 = arith.constant 0 : i32
      %cond3A_161 = arith.cmpi ne, %convert_element_type3A_159, %cond3A_160 : i32
      scf.if %cond3A_161 {
        %jit3A_591 = arith.constant 2 : i32
        %div3A_592 = arith.divsi %add3A_153, %jit3A_591 : i32
        %sign3A_593 = arith.constant 0 : i32
        %sign3A_594 = arith.cmpi sgt, %add3A_153, %sign3A_593 : i32
        %sign3A_595 = arith.extui %sign3A_594 : i1 to i32
        %sign3A_596 = arith.constant 0 : i32
        %sign3A_597 = arith.cmpi slt, %add3A_153, %sign3A_596 : i32
        %sign3A_598 = arith.extui %sign3A_597 : i1 to i32
        %sign3A_599 = arith.subi %sign3A_595, %sign3A_598 : i32
        %sign3A_600 = arith.constant 0 : i32
        %sign3A_601 = arith.cmpi sgt, %jit3A_591, %sign3A_600 : i32
        %sign3A_602 = arith.extui %sign3A_601 : i1 to i32
        %sign3A_603 = arith.constant 0 : i32
        %sign3A_604 = arith.cmpi slt, %jit3A_591, %sign3A_603 : i32
        %sign3A_605 = arith.extui %sign3A_604 : i1 to i32
        %sign3A_606 = arith.subi %sign3A_602, %sign3A_605 : i32
        %ne3A_607 = arith.cmpi ne, %sign3A_599, %sign3A_606 : i32
        %rem3A_608 = arith.remsi %add3A_153, %jit3A_591 : i32
        %ne3A_609 = arith.constant 0 : i32
        %ne3A_610 = arith.cmpi ne, %rem3A_608, %ne3A_609 : i32
        %and3A_611 = arith.andi %ne3A_607, %ne3A_610 : i1
        %sub3A_612 = arith.constant 1 : i32
        %sub3A_613 = arith.subi %div3A_592, %sub3A_612 : i32
        %select_n3A_614 = arith.select %and3A_611, %sub3A_613, %div3A_592 : i32
        %jit3A_615 = arith.constant 2 : i32
        %eq3A_616 = arith.constant 0 : i32
        %eq3A_617 = arith.cmpi eq, %jit3A_615, %eq3A_616 : i32
        %jit3A_618 = arith.constant 1 : i32
        %select_n3A_619 = arith.select %eq3A_617, %jit3A_618, %jit3A_615 : i32
        %rem3A_620 = arith.remsi %add3A_153, %select_n3A_619 : i32
        %ne3A_621 = arith.constant 0 : i32
        %ne3A_622 = arith.cmpi ne, %rem3A_620, %ne3A_621 : i32
        %lt3A_623 = arith.constant 0 : i32
        %lt3A_624 = arith.cmpi slt, %rem3A_620, %lt3A_623 : i32
        %lt3A_625 = arith.constant 0 : i32
        %lt3A_626 = arith.cmpi slt, %select_n3A_619, %lt3A_625 : i32
        %ne3A_627 = arith.xori %lt3A_624, %lt3A_626 : i1
        %and3A_628 = arith.andi %ne3A_627, %ne3A_622 : i1
        %add3A_629 = arith.addi %rem3A_620, %select_n3A_619 : i32
        %select_n3A_630 = arith.select %and3A_628, %add3A_629, %rem3A_620 : i32
        %add3A_631 = arith.constant 40 : i32
        %add3A_632 = arith.addi %add3A_631, %select_n3A_614 : i32
        %mul3A_633 = arith.constant 128 : i32
        %mul3A_634 = arith.muli %select_n3A_630, %mul3A_633 : i32
        %dma_start3A_635 = tpu.memref_slice %arg9[%add3A_632, %mul3A_634] : memref<52x256xi32, #tpu.memory_space<vmem>> -> memref<1x128xi32, #tpu.memory_space<vmem>>
        %dma_start3A_636 = tpu.memref_squeeze %dma_start3A_635 : memref<1x128xi32, #tpu.memory_space<vmem>> -> memref<128xi32, #tpu.memory_space<vmem>>
        %dma_start3A_637 = arith.constant 0 : i32
        %dma_start3A_638 = arith.constant 0 : i32
        %dma_start3A_639 = tpu.memref_slice %arg5[%dma_start3A_637, %dma_start3A_638] : memref<100000x32xf32, #tpu.memory_space<hbm>> -> memref<100000x32xf32, #tpu.memory_space<hbm>>
        tpu.enqueue_indirect_dma source(%dma_start3A_639 : memref<100000x32xf32, #tpu.memory_space<hbm>>) target(%arg15 : memref<128x32xf32, #tpu.memory_space<vmem>>) offsets(%dma_start3A_636 : memref<128xi32, #tpu.memory_space<vmem>>) semaphore(%arg19 : memref<!tpu.dma_semaphore, #tpu.memory_space<semaphore_mem>>)
      } else {
      }
      %dma_wait3A_162 = arith.constant 0 : i32
      %dma_wait3A_163 = arith.constant 0 : i32
      %dma_wait3A_164 = tpu.memref_slice %arg5[%dma_wait3A_162, %dma_wait3A_163] : memref<100000x32xf32, #tpu.memory_space<hbm>> -> memref<128x32xf32, #tpu.memory_space<hbm>>
      %dma_wait3A_165 = arith.constant 0 : i32
      %dma_wait3A_166 = arith.constant 0 : i32
      %dma_wait3A_167 = tpu.memref_slice %arg5[%dma_wait3A_165, %dma_wait3A_166] : memref<100000x32xf32, #tpu.memory_space<hbm>> -> memref<128x32xf32, #tpu.memory_space<hbm>>
      tpu.wait_dma2 semaphore(%arg18 : memref<!tpu.dma_semaphore, #tpu.memory_space<semaphore_mem>>) src(%dma_wait3A_167 : memref<128x32xf32, #tpu.memory_space<hbm>>) dst(%arg14 : memref<128x32xf32, #tpu.memory_space<vmem>>)
      %jit3A = arith.constant 2 : i32
      %div3A = arith.divsi %add3A_151, %jit3A : i32
      %sign3A = arith.constant 0 : i32
      %sign3A_168 = arith.cmpi sgt, %add3A_151, %sign3A : i32
      %sign3A_169 = arith.extui %sign3A_168 : i1 to i32
      %sign3A_170 = arith.constant 0 : i32
      %sign3A_171 = arith.cmpi slt, %add3A_151, %sign3A_170 : i32
      %sign3A_172 = arith.extui %sign3A_171 : i1 to i32
      %sign3A_173 = arith.subi %sign3A_169, %sign3A_172 : i32
      %sign3A_174 = arith.constant 0 : i32
      %sign3A_175 = arith.cmpi sgt, %jit3A, %sign3A_174 : i32
      %sign3A_176 = arith.extui %sign3A_175 : i1 to i32
      %sign3A_177 = arith.constant 0 : i32
      %sign3A_178 = arith.cmpi slt, %jit3A, %sign3A_177 : i32
      %sign3A_179 = arith.extui %sign3A_178 : i1 to i32
      %sign3A_180 = arith.subi %sign3A_176, %sign3A_179 : i32
      %ne3A = arith.cmpi ne, %sign3A_173, %sign3A_180 : i32
      %rem3A = arith.remsi %add3A_151, %jit3A : i32
      %ne3A_181 = arith.constant 0 : i32
      %ne3A_182 = arith.cmpi ne, %rem3A, %ne3A_181 : i32
      %and3A_183 = arith.andi %ne3A, %ne3A_182 : i1
      %sub3A = arith.constant 1 : i32
      %sub3A_184 = arith.subi %div3A, %sub3A : i32
      %select_n3A = arith.select %and3A_183, %sub3A_184, %div3A : i32
      %jit3A_185 = arith.constant 2 : i32
      %eq3A = arith.constant 0 : i32
      %eq3A_186 = arith.cmpi eq, %jit3A_185, %eq3A : i32
      %jit3A_187 = arith.constant 1 : i32
      %select_n3A_188 = arith.select %eq3A_186, %jit3A_187, %jit3A_185 : i32
      %rem3A_189 = arith.remsi %add3A_151, %select_n3A_188 : i32
      %ne3A_190 = arith.constant 0 : i32
      %ne3A_191 = arith.cmpi ne, %rem3A_189, %ne3A_190 : i32
      %lt3A_192 = arith.constant 0 : i32
      %lt3A_193 = arith.cmpi slt, %rem3A_189, %lt3A_192 : i32
      %lt3A_194 = arith.constant 0 : i32
      %lt3A_195 = arith.cmpi slt, %select_n3A_188, %lt3A_194 : i32
      %ne3A_196 = arith.xori %lt3A_193, %lt3A_195 : i1
      %and3A_197 = arith.andi %ne3A_196, %ne3A_191 : i1
      %add3A_198 = arith.addi %rem3A_189, %select_n3A_188 : i32
      %select_n3A_199 = arith.select %and3A_197, %add3A_198, %rem3A_189 : i32
      %jit3A_200 = arith.constant 4 : i32
      %div3A_201 = arith.divsi %select_n3A, %jit3A_200 : i32
      %sign3A_202 = arith.constant 0 : i32
      %sign3A_203 = arith.cmpi sgt, %select_n3A, %sign3A_202 : i32
      %sign3A_204 = arith.extui %sign3A_203 : i1 to i32
      %sign3A_205 = arith.constant 0 : i32
      %sign3A_206 = arith.cmpi slt, %select_n3A, %sign3A_205 : i32
      %sign3A_207 = arith.extui %sign3A_206 : i1 to i32
      %sign3A_208 = arith.subi %sign3A_204, %sign3A_207 : i32
      %sign3A_209 = arith.constant 0 : i32
      %sign3A_210 = arith.cmpi sgt, %jit3A_200, %sign3A_209 : i32
      %sign3A_211 = arith.extui %sign3A_210 : i1 to i32
      %sign3A_212 = arith.constant 0 : i32
      %sign3A_213 = arith.cmpi slt, %jit3A_200, %sign3A_212 : i32
      %sign3A_214 = arith.extui %sign3A_213 : i1 to i32
      %sign3A_215 = arith.subi %sign3A_211, %sign3A_214 : i32
      %ne3A_216 = arith.cmpi ne, %sign3A_208, %sign3A_215 : i32
      %rem3A_217 = arith.remsi %select_n3A, %jit3A_200 : i32
      %ne3A_218 = arith.constant 0 : i32
      %ne3A_219 = arith.cmpi ne, %rem3A_217, %ne3A_218 : i32
      %and3A_220 = arith.andi %ne3A_216, %ne3A_219 : i1
      %sub3A_221 = arith.constant 1 : i32
      %sub3A_222 = arith.subi %div3A_201, %sub3A_221 : i32
      %select_n3A_223 = arith.select %and3A_220, %sub3A_222, %div3A_201 : i32
      %mul3A_224 = arith.constant 128 : i32
      %mul3A_225 = arith.muli %select_n3A_199, %mul3A_224 : i32
      %add3A_226 = arith.addi %mul3A_2, %mul3A_225 : i32
      %jit3A_227 = arith.constant 4 : i32
      %eq3A_228 = arith.constant 0 : i32
      %eq3A_229 = arith.cmpi eq, %jit3A_227, %eq3A_228 : i32
      %jit3A_230 = arith.constant 1 : i32
      %select_n3A_231 = arith.select %eq3A_229, %jit3A_230, %jit3A_227 : i32
      %rem3A_232 = arith.remsi %select_n3A, %select_n3A_231 : i32
      %ne3A_233 = arith.constant 0 : i32
      %ne3A_234 = arith.cmpi ne, %rem3A_232, %ne3A_233 : i32
      %lt3A_235 = arith.constant 0 : i32
      %lt3A_236 = arith.cmpi slt, %rem3A_232, %lt3A_235 : i32
      %lt3A_237 = arith.constant 0 : i32
      %lt3A_238 = arith.cmpi slt, %select_n3A_231, %lt3A_237 : i32
      %ne3A_239 = arith.xori %lt3A_236, %lt3A_238 : i1
      %and3A_240 = arith.andi %ne3A_239, %ne3A_234 : i1
      %add3A_241 = arith.addi %rem3A_232, %select_n3A_231 : i32
      %select_n3A_242 = arith.select %and3A_240, %add3A_241, %rem3A_232 : i32
      %mul3A_243 = arith.constant 32 : i32
      %mul3A_244 = arith.muli %select_n3A_242, %mul3A_243 : i32
      %dma_start3A_245 = tpu.memref_slice %arg8[%select_n3A_223, %add3A_226, %mul3A_244] : memref<3x8192x128xf32, #tpu.memory_space<hbm>> -> memref<1x128x32xf32, #tpu.memory_space<hbm>>
      %dma_start3A_246 = tpu.memref_squeeze %dma_start3A_245 : memref<1x128x32xf32, #tpu.memory_space<hbm>> -> memref<128x32xf32, #tpu.memory_space<hbm>>
      %dma_start3A_247 = tpu.memref_slice %arg8[%select_n3A_223, %add3A_226, %mul3A_244] : memref<3x8192x128xf32, #tpu.memory_space<hbm>> -> memref<1x128x32xf32, #tpu.memory_space<hbm>>
      %dma_start3A_248 = tpu.memref_squeeze %dma_start3A_247 : memref<1x128x32xf32, #tpu.memory_space<hbm>> -> memref<128x32xf32, #tpu.memory_space<hbm>>
      tpu.enqueue_dma source(%arg14 : memref<128x32xf32, #tpu.memory_space<vmem>>) target(%dma_start3A_248 : memref<128x32xf32, #tpu.memory_space<hbm>>) target_semaphore(%arg22 : memref<!tpu.dma_semaphore, #tpu.memory_space<semaphore_mem>>)
      %mul3A_249 = arith.constant 4 : i32
      %mul3A_250 = arith.muli %mul3A_249, %scan3A_147 : i32
      %add3A_251 = arith.constant 1 : i32
      %add3A_252 = arith.addi %mul3A_250, %add3A_251 : i32
      %add3A_253 = arith.constant 1 : i32
      %add3A_254 = arith.addi %add3A_252, %add3A_253 : i32
      %lt3A_255 = arith.constant 24 : i32
      %lt3A_256 = arith.cmpi slt, %add3A_254, %lt3A_255 : i32
      %ge3A_257 = arith.constant 4 : i32
      %ge3A_258 = arith.cmpi sge, %add3A_254, %ge3A_257 : i32
      %and3A_259 = arith.andi %lt3A_256, %ge3A_258 : i1
      %convert_element_type3A_260 = arith.extui %and3A_259 : i1 to i32
      %cond3A_261 = arith.constant 0 : i32
      %cond3A_262 = arith.cmpi ne, %convert_element_type3A_260, %cond3A_261 : i32
      scf.if %cond3A_262 {
        %dma_wait3A_591 = arith.constant 0 : i32
        %dma_wait3A_592 = arith.constant 0 : i32
        %dma_wait3A_593 = arith.constant 0 : i32
        %dma_wait3A_594 = tpu.memref_slice %arg8[%dma_wait3A_591, %dma_wait3A_592, %dma_wait3A_593] : memref<3x8192x128xf32, #tpu.memory_space<hbm>> -> memref<1x128x32xf32, #tpu.memory_space<hbm>>
        %dma_wait3A_595 = tpu.memref_squeeze %dma_wait3A_594 : memref<1x128x32xf32, #tpu.memory_space<hbm>> -> memref<128x32xf32, #tpu.memory_space<hbm>>
        %dma_wait3A_596 = arith.constant 0 : i32
        %dma_wait3A_597 = arith.constant 0 : i32
        %dma_wait3A_598 = tpu.memref_slice %arg8[%dma_wait3A_591, %dma_wait3A_596, %dma_wait3A_597] : memref<3x8192x128xf32, #tpu.memory_space<hbm>> -> memref<1x128x32xf32, #tpu.memory_space<hbm>>
        %dma_wait3A_599 = tpu.memref_squeeze %dma_wait3A_598 : memref<1x128x32xf32, #tpu.memory_space<hbm>> -> memref<128x32xf32, #tpu.memory_space<hbm>>
        tpu.wait_dma2 semaphore(%arg24 : memref<!tpu.dma_semaphore, #tpu.memory_space<semaphore_mem>>) src(%arg16 : memref<128x32xf32, #tpu.memory_space<vmem>>) dst(%dma_wait3A_599 : memref<128x32xf32, #tpu.memory_space<hbm>>)
      } else {
      }
      %lt3A_263 = arith.constant 24 : i32
      %lt3A_264 = arith.cmpi slt, %add3A_254, %lt3A_263 : i32
      %convert_element_type3A_265 = arith.extui %lt3A_264 : i1 to i32
      %cond3A_266 = arith.constant 0 : i32
      %cond3A_267 = arith.cmpi ne, %convert_element_type3A_265, %cond3A_266 : i32
      scf.if %cond3A_267 {
        %jit3A_591 = arith.constant 2 : i32
        %div3A_592 = arith.divsi %add3A_254, %jit3A_591 : i32
        %sign3A_593 = arith.constant 0 : i32
        %sign3A_594 = arith.cmpi sgt, %add3A_254, %sign3A_593 : i32
        %sign3A_595 = arith.extui %sign3A_594 : i1 to i32
        %sign3A_596 = arith.constant 0 : i32
        %sign3A_597 = arith.cmpi slt, %add3A_254, %sign3A_596 : i32
        %sign3A_598 = arith.extui %sign3A_597 : i1 to i32
        %sign3A_599 = arith.subi %sign3A_595, %sign3A_598 : i32
        %sign3A_600 = arith.constant 0 : i32
        %sign3A_601 = arith.cmpi sgt, %jit3A_591, %sign3A_600 : i32
        %sign3A_602 = arith.extui %sign3A_601 : i1 to i32
        %sign3A_603 = arith.constant 0 : i32
        %sign3A_604 = arith.cmpi slt, %jit3A_591, %sign3A_603 : i32
        %sign3A_605 = arith.extui %sign3A_604 : i1 to i32
        %sign3A_606 = arith.subi %sign3A_602, %sign3A_605 : i32
        %ne3A_607 = arith.cmpi ne, %sign3A_599, %sign3A_606 : i32
        %rem3A_608 = arith.remsi %add3A_254, %jit3A_591 : i32
        %ne3A_609 = arith.constant 0 : i32
        %ne3A_610 = arith.cmpi ne, %rem3A_608, %ne3A_609 : i32
        %and3A_611 = arith.andi %ne3A_607, %ne3A_610 : i1
        %sub3A_612 = arith.constant 1 : i32
        %sub3A_613 = arith.subi %div3A_592, %sub3A_612 : i32
        %select_n3A_614 = arith.select %and3A_611, %sub3A_613, %div3A_592 : i32
        %jit3A_615 = arith.constant 2 : i32
        %eq3A_616 = arith.constant 0 : i32
        %eq3A_617 = arith.cmpi eq, %jit3A_615, %eq3A_616 : i32
        %jit3A_618 = arith.constant 1 : i32
        %select_n3A_619 = arith.select %eq3A_617, %jit3A_618, %jit3A_615 : i32
        %rem3A_620 = arith.remsi %add3A_254, %select_n3A_619 : i32
        %ne3A_621 = arith.constant 0 : i32
        %ne3A_622 = arith.cmpi ne, %rem3A_620, %ne3A_621 : i32
        %lt3A_623 = arith.constant 0 : i32
        %lt3A_624 = arith.cmpi slt, %rem3A_620, %lt3A_623 : i32
        %lt3A_625 = arith.constant 0 : i32
        %lt3A_626 = arith.cmpi slt, %select_n3A_619, %lt3A_625 : i32
        %ne3A_627 = arith.xori %lt3A_624, %lt3A_626 : i1
        %and3A_628 = arith.andi %ne3A_627, %ne3A_622 : i1
        %add3A_629 = arith.addi %rem3A_620, %select_n3A_619 : i32
        %select_n3A_630 = arith.select %and3A_628, %add3A_629, %rem3A_620 : i32
        %add3A_631 = arith.constant 40 : i32
        %add3A_632 = arith.addi %add3A_631, %select_n3A_614 : i32
        %mul3A_633 = arith.constant 128 : i32
        %mul3A_634 = arith.muli %select_n3A_630, %mul3A_633 : i32
        %dma_start3A_635 = tpu.memref_slice %arg9[%add3A_632, %mul3A_634] : memref<52x256xi32, #tpu.memory_space<vmem>> -> memref<1x128xi32, #tpu.memory_space<vmem>>
        %dma_start3A_636 = tpu.memref_squeeze %dma_start3A_635 : memref<1x128xi32, #tpu.memory_space<vmem>> -> memref<128xi32, #tpu.memory_space<vmem>>
        %dma_start3A_637 = arith.constant 0 : i32
        %dma_start3A_638 = arith.constant 0 : i32
        %dma_start3A_639 = tpu.memref_slice %arg5[%dma_start3A_637, %dma_start3A_638] : memref<100000x32xf32, #tpu.memory_space<hbm>> -> memref<100000x32xf32, #tpu.memory_space<hbm>>
        tpu.enqueue_indirect_dma source(%dma_start3A_639 : memref<100000x32xf32, #tpu.memory_space<hbm>>) target(%arg16 : memref<128x32xf32, #tpu.memory_space<vmem>>) offsets(%dma_start3A_636 : memref<128xi32, #tpu.memory_space<vmem>>) semaphore(%arg20 : memref<!tpu.dma_semaphore, #tpu.memory_space<semaphore_mem>>)
      } else {
      }
      %dma_wait3A_268 = arith.constant 0 : i32
      %dma_wait3A_269 = arith.constant 0 : i32
      %dma_wait3A_270 = tpu.memref_slice %arg5[%dma_wait3A_268, %dma_wait3A_269] : memref<100000x32xf32, #tpu.memory_space<hbm>> -> memref<128x32xf32, #tpu.memory_space<hbm>>
      %dma_wait3A_271 = arith.constant 0 : i32
      %dma_wait3A_272 = arith.constant 0 : i32
      %dma_wait3A_273 = tpu.memref_slice %arg5[%dma_wait3A_271, %dma_wait3A_272] : memref<100000x32xf32, #tpu.memory_space<hbm>> -> memref<128x32xf32, #tpu.memory_space<hbm>>
      tpu.wait_dma2 semaphore(%arg19 : memref<!tpu.dma_semaphore, #tpu.memory_space<semaphore_mem>>) src(%dma_wait3A_273 : memref<128x32xf32, #tpu.memory_space<hbm>>) dst(%arg15 : memref<128x32xf32, #tpu.memory_space<vmem>>)
      %jit3A_274 = arith.constant 2 : i32
      %div3A_275 = arith.divsi %add3A_252, %jit3A_274 : i32
      %sign3A_276 = arith.constant 0 : i32
      %sign3A_277 = arith.cmpi sgt, %add3A_252, %sign3A_276 : i32
      %sign3A_278 = arith.extui %sign3A_277 : i1 to i32
      %sign3A_279 = arith.constant 0 : i32
      %sign3A_280 = arith.cmpi slt, %add3A_252, %sign3A_279 : i32
      %sign3A_281 = arith.extui %sign3A_280 : i1 to i32
      %sign3A_282 = arith.subi %sign3A_278, %sign3A_281 : i32
      %sign3A_283 = arith.constant 0 : i32
      %sign3A_284 = arith.cmpi sgt, %jit3A_274, %sign3A_283 : i32
      %sign3A_285 = arith.extui %sign3A_284 : i1 to i32
      %sign3A_286 = arith.constant 0 : i32
      %sign3A_287 = arith.cmpi slt, %jit3A_274, %sign3A_286 : i32
      %sign3A_288 = arith.extui %sign3A_287 : i1 to i32
      %sign3A_289 = arith.subi %sign3A_285, %sign3A_288 : i32
      %ne3A_290 = arith.cmpi ne, %sign3A_282, %sign3A_289 : i32
      %rem3A_291 = arith.remsi %add3A_252, %jit3A_274 : i32
      %ne3A_292 = arith.constant 0 : i32
      %ne3A_293 = arith.cmpi ne, %rem3A_291, %ne3A_292 : i32
      %and3A_294 = arith.andi %ne3A_290, %ne3A_293 : i1
      %sub3A_295 = arith.constant 1 : i32
      %sub3A_296 = arith.subi %div3A_275, %sub3A_295 : i32
      %select_n3A_297 = arith.select %and3A_294, %sub3A_296, %div3A_275 : i32
      %jit3A_298 = arith.constant 2 : i32
      %eq3A_299 = arith.constant 0 : i32
      %eq3A_300 = arith.cmpi eq, %jit3A_298, %eq3A_299 : i32
      %jit3A_301 = arith.constant 1 : i32
      %select_n3A_302 = arith.select %eq3A_300, %jit3A_301, %jit3A_298 : i32
      %rem3A_303 = arith.remsi %add3A_252, %select_n3A_302 : i32
      %ne3A_304 = arith.constant 0 : i32
      %ne3A_305 = arith.cmpi ne, %rem3A_303, %ne3A_304 : i32
      %lt3A_306 = arith.constant 0 : i32
      %lt3A_307 = arith.cmpi slt, %rem3A_303, %lt3A_306 : i32
      %lt3A_308 = arith.constant 0 : i32
      %lt3A_309 = arith.cmpi slt, %select_n3A_302, %lt3A_308 : i32
      %ne3A_310 = arith.xori %lt3A_307, %lt3A_309 : i1
      %and3A_311 = arith.andi %ne3A_310, %ne3A_305 : i1
      %add3A_312 = arith.addi %rem3A_303, %select_n3A_302 : i32
      %select_n3A_313 = arith.select %and3A_311, %add3A_312, %rem3A_303 : i32
      %jit3A_314 = arith.constant 4 : i32
      %div3A_315 = arith.divsi %select_n3A_297, %jit3A_314 : i32
      %sign3A_316 = arith.constant 0 : i32
      %sign3A_317 = arith.cmpi sgt, %select_n3A_297, %sign3A_316 : i32
      %sign3A_318 = arith.extui %sign3A_317 : i1 to i32
      %sign3A_319 = arith.constant 0 : i32
      %sign3A_320 = arith.cmpi slt, %select_n3A_297, %sign3A_319 : i32
      %sign3A_321 = arith.extui %sign3A_320 : i1 to i32
      %sign3A_322 = arith.subi %sign3A_318, %sign3A_321 : i32
      %sign3A_323 = arith.constant 0 : i32
      %sign3A_324 = arith.cmpi sgt, %jit3A_314, %sign3A_323 : i32
      %sign3A_325 = arith.extui %sign3A_324 : i1 to i32
      %sign3A_326 = arith.constant 0 : i32
      %sign3A_327 = arith.cmpi slt, %jit3A_314, %sign3A_326 : i32
      %sign3A_328 = arith.extui %sign3A_327 : i1 to i32
      %sign3A_329 = arith.subi %sign3A_325, %sign3A_328 : i32
      %ne3A_330 = arith.cmpi ne, %sign3A_322, %sign3A_329 : i32
      %rem3A_331 = arith.remsi %select_n3A_297, %jit3A_314 : i32
      %ne3A_332 = arith.constant 0 : i32
      %ne3A_333 = arith.cmpi ne, %rem3A_331, %ne3A_332 : i32
      %and3A_334 = arith.andi %ne3A_330, %ne3A_333 : i1
      %sub3A_335 = arith.constant 1 : i32
      %sub3A_336 = arith.subi %div3A_315, %sub3A_335 : i32
      %select_n3A_337 = arith.select %and3A_334, %sub3A_336, %div3A_315 : i32
      %mul3A_338 = arith.constant 128 : i32
      %mul3A_339 = arith.muli %select_n3A_313, %mul3A_338 : i32
      %add3A_340 = arith.addi %mul3A_2, %mul3A_339 : i32
      %jit3A_341 = arith.constant 4 : i32
      %eq3A_342 = arith.constant 0 : i32
      %eq3A_343 = arith.cmpi eq, %jit3A_341, %eq3A_342 : i32
      %jit3A_344 = arith.constant 1 : i32
      %select_n3A_345 = arith.select %eq3A_343, %jit3A_344, %jit3A_341 : i32
      %rem3A_346 = arith.remsi %select_n3A_297, %select_n3A_345 : i32
      %ne3A_347 = arith.constant 0 : i32
      %ne3A_348 = arith.cmpi ne, %rem3A_346, %ne3A_347 : i32
      %lt3A_349 = arith.constant 0 : i32
      %lt3A_350 = arith.cmpi slt, %rem3A_346, %lt3A_349 : i32
      %lt3A_351 = arith.constant 0 : i32
      %lt3A_352 = arith.cmpi slt, %select_n3A_345, %lt3A_351 : i32
      %ne3A_353 = arith.xori %lt3A_350, %lt3A_352 : i1
      %and3A_354 = arith.andi %ne3A_353, %ne3A_348 : i1
      %add3A_355 = arith.addi %rem3A_346, %select_n3A_345 : i32
      %select_n3A_356 = arith.select %and3A_354, %add3A_355, %rem3A_346 : i32
      %mul3A_357 = arith.constant 32 : i32
      %mul3A_358 = arith.muli %select_n3A_356, %mul3A_357 : i32
      %dma_start3A_359 = tpu.memref_slice %arg8[%select_n3A_337, %add3A_340, %mul3A_358] : memref<3x8192x128xf32, #tpu.memory_space<hbm>> -> memref<1x128x32xf32, #tpu.memory_space<hbm>>
      %dma_start3A_360 = tpu.memref_squeeze %dma_start3A_359 : memref<1x128x32xf32, #tpu.memory_space<hbm>> -> memref<128x32xf32, #tpu.memory_space<hbm>>
      %dma_start3A_361 = tpu.memref_slice %arg8[%select_n3A_337, %add3A_340, %mul3A_358] : memref<3x8192x128xf32, #tpu.memory_space<hbm>> -> memref<1x128x32xf32, #tpu.memory_space<hbm>>
      %dma_start3A_362 = tpu.memref_squeeze %dma_start3A_361 : memref<1x128x32xf32, #tpu.memory_space<hbm>> -> memref<128x32xf32, #tpu.memory_space<hbm>>
      tpu.enqueue_dma source(%arg15 : memref<128x32xf32, #tpu.memory_space<vmem>>) target(%dma_start3A_362 : memref<128x32xf32, #tpu.memory_space<hbm>>) target_semaphore(%arg23 : memref<!tpu.dma_semaphore, #tpu.memory_space<semaphore_mem>>)
      %mul3A_363 = arith.constant 4 : i32
      %mul3A_364 = arith.muli %mul3A_363, %scan3A_147 : i32
      %add3A_365 = arith.constant 2 : i32
      %add3A_366 = arith.addi %mul3A_364, %add3A_365 : i32
      %add3A_367 = arith.constant 1 : i32
      %add3A_368 = arith.addi %add3A_366, %add3A_367 : i32
      %lt3A_369 = arith.constant 24 : i32
      %lt3A_370 = arith.cmpi slt, %add3A_368, %lt3A_369 : i32
      %ge3A_371 = arith.constant 4 : i32
      %ge3A_372 = arith.cmpi sge, %add3A_368, %ge3A_371 : i32
      %and3A_373 = arith.andi %lt3A_370, %ge3A_372 : i1
      %convert_element_type3A_374 = arith.extui %and3A_373 : i1 to i32
      %cond3A_375 = arith.constant 0 : i32
      %cond3A_376 = arith.cmpi ne, %convert_element_type3A_374, %cond3A_375 : i32
      scf.if %cond3A_376 {
        %dma_wait3A_591 = arith.constant 0 : i32
        %dma_wait3A_592 = arith.constant 0 : i32
        %dma_wait3A_593 = arith.constant 0 : i32
        %dma_wait3A_594 = tpu.memref_slice %arg8[%dma_wait3A_591, %dma_wait3A_592, %dma_wait3A_593] : memref<3x8192x128xf32, #tpu.memory_space<hbm>> -> memref<1x128x32xf32, #tpu.memory_space<hbm>>
        %dma_wait3A_595 = tpu.memref_squeeze %dma_wait3A_594 : memref<1x128x32xf32, #tpu.memory_space<hbm>> -> memref<128x32xf32, #tpu.memory_space<hbm>>
        %dma_wait3A_596 = arith.constant 0 : i32
        %dma_wait3A_597 = arith.constant 0 : i32
        %dma_wait3A_598 = tpu.memref_slice %arg8[%dma_wait3A_591, %dma_wait3A_596, %dma_wait3A_597] : memref<3x8192x128xf32, #tpu.memory_space<hbm>> -> memref<1x128x32xf32, #tpu.memory_space<hbm>>
        %dma_wait3A_599 = tpu.memref_squeeze %dma_wait3A_598 : memref<1x128x32xf32, #tpu.memory_space<hbm>> -> memref<128x32xf32, #tpu.memory_space<hbm>>
        tpu.wait_dma2 semaphore(%arg25 : memref<!tpu.dma_semaphore, #tpu.memory_space<semaphore_mem>>) src(%arg17 : memref<128x32xf32, #tpu.memory_space<vmem>>) dst(%dma_wait3A_599 : memref<128x32xf32, #tpu.memory_space<hbm>>)
      } else {
      }
      %lt3A_377 = arith.constant 24 : i32
      %lt3A_378 = arith.cmpi slt, %add3A_368, %lt3A_377 : i32
      %convert_element_type3A_379 = arith.extui %lt3A_378 : i1 to i32
      %cond3A_380 = arith.constant 0 : i32
      %cond3A_381 = arith.cmpi ne, %convert_element_type3A_379, %cond3A_380 : i32
      scf.if %cond3A_381 {
        %jit3A_591 = arith.constant 2 : i32
        %div3A_592 = arith.divsi %add3A_368, %jit3A_591 : i32
        %sign3A_593 = arith.constant 0 : i32
        %sign3A_594 = arith.cmpi sgt, %add3A_368, %sign3A_593 : i32
        %sign3A_595 = arith.extui %sign3A_594 : i1 to i32
        %sign3A_596 = arith.constant 0 : i32
        %sign3A_597 = arith.cmpi slt, %add3A_368, %sign3A_596 : i32
        %sign3A_598 = arith.extui %sign3A_597 : i1 to i32
        %sign3A_599 = arith.subi %sign3A_595, %sign3A_598 : i32
        %sign3A_600 = arith.constant 0 : i32
        %sign3A_601 = arith.cmpi sgt, %jit3A_591, %sign3A_600 : i32
        %sign3A_602 = arith.extui %sign3A_601 : i1 to i32
        %sign3A_603 = arith.constant 0 : i32
        %sign3A_604 = arith.cmpi slt, %jit3A_591, %sign3A_603 : i32
        %sign3A_605 = arith.extui %sign3A_604 : i1 to i32
        %sign3A_606 = arith.subi %sign3A_602, %sign3A_605 : i32
        %ne3A_607 = arith.cmpi ne, %sign3A_599, %sign3A_606 : i32
        %rem3A_608 = arith.remsi %add3A_368, %jit3A_591 : i32
        %ne3A_609 = arith.constant 0 : i32
        %ne3A_610 = arith.cmpi ne, %rem3A_608, %ne3A_609 : i32
        %and3A_611 = arith.andi %ne3A_607, %ne3A_610 : i1
        %sub3A_612 = arith.constant 1 : i32
        %sub3A_613 = arith.subi %div3A_592, %sub3A_612 : i32
        %select_n3A_614 = arith.select %and3A_611, %sub3A_613, %div3A_592 : i32
        %jit3A_615 = arith.constant 2 : i32
        %eq3A_616 = arith.constant 0 : i32
        %eq3A_617 = arith.cmpi eq, %jit3A_615, %eq3A_616 : i32
        %jit3A_618 = arith.constant 1 : i32
        %select_n3A_619 = arith.select %eq3A_617, %jit3A_618, %jit3A_615 : i32
        %rem3A_620 = arith.remsi %add3A_368, %select_n3A_619 : i32
        %ne3A_621 = arith.constant 0 : i32
        %ne3A_622 = arith.cmpi ne, %rem3A_620, %ne3A_621 : i32
        %lt3A_623 = arith.constant 0 : i32
        %lt3A_624 = arith.cmpi slt, %rem3A_620, %lt3A_623 : i32
        %lt3A_625 = arith.constant 0 : i32
        %lt3A_626 = arith.cmpi slt, %select_n3A_619, %lt3A_625 : i32
        %ne3A_627 = arith.xori %lt3A_624, %lt3A_626 : i1
        %and3A_628 = arith.andi %ne3A_627, %ne3A_622 : i1
        %add3A_629 = arith.addi %rem3A_620, %select_n3A_619 : i32
        %select_n3A_630 = arith.select %and3A_628, %add3A_629, %rem3A_620 : i32
        %add3A_631 = arith.constant 40 : i32
        %add3A_632 = arith.addi %add3A_631, %select_n3A_614 : i32
        %mul3A_633 = arith.constant 128 : i32
        %mul3A_634 = arith.muli %select_n3A_630, %mul3A_633 : i32
        %dma_start3A_635 = tpu.memref_slice %arg9[%add3A_632, %mul3A_634] : memref<52x256xi32, #tpu.memory_space<vmem>> -> memref<1x128xi32, #tpu.memory_space<vmem>>
        %dma_start3A_636 = tpu.memref_squeeze %dma_start3A_635 : memref<1x128xi32, #tpu.memory_space<vmem>> -> memref<128xi32, #tpu.memory_space<vmem>>
        %dma_start3A_637 = arith.constant 0 : i32
        %dma_start3A_638 = arith.constant 0 : i32
        %dma_start3A_639 = tpu.memref_slice %arg5[%dma_start3A_637, %dma_start3A_638] : memref<100000x32xf32, #tpu.memory_space<hbm>> -> memref<100000x32xf32, #tpu.memory_space<hbm>>
        tpu.enqueue_indirect_dma source(%dma_start3A_639 : memref<100000x32xf32, #tpu.memory_space<hbm>>) target(%arg17 : memref<128x32xf32, #tpu.memory_space<vmem>>) offsets(%dma_start3A_636 : memref<128xi32, #tpu.memory_space<vmem>>) semaphore(%arg21 : memref<!tpu.dma_semaphore, #tpu.memory_space<semaphore_mem>>)
      } else {
      }
      %dma_wait3A_382 = arith.constant 0 : i32
      %dma_wait3A_383 = arith.constant 0 : i32
      %dma_wait3A_384 = tpu.memref_slice %arg5[%dma_wait3A_382, %dma_wait3A_383] : memref<100000x32xf32, #tpu.memory_space<hbm>> -> memref<128x32xf32, #tpu.memory_space<hbm>>
      %dma_wait3A_385 = arith.constant 0 : i32
      %dma_wait3A_386 = arith.constant 0 : i32
      %dma_wait3A_387 = tpu.memref_slice %arg5[%dma_wait3A_385, %dma_wait3A_386] : memref<100000x32xf32, #tpu.memory_space<hbm>> -> memref<128x32xf32, #tpu.memory_space<hbm>>
      tpu.wait_dma2 semaphore(%arg20 : memref<!tpu.dma_semaphore, #tpu.memory_space<semaphore_mem>>) src(%dma_wait3A_387 : memref<128x32xf32, #tpu.memory_space<hbm>>) dst(%arg16 : memref<128x32xf32, #tpu.memory_space<vmem>>)
      %jit3A_388 = arith.constant 2 : i32
      %div3A_389 = arith.divsi %add3A_366, %jit3A_388 : i32
      %sign3A_390 = arith.constant 0 : i32
      %sign3A_391 = arith.cmpi sgt, %add3A_366, %sign3A_390 : i32
      %sign3A_392 = arith.extui %sign3A_391 : i1 to i32
      %sign3A_393 = arith.constant 0 : i32
      %sign3A_394 = arith.cmpi slt, %add3A_366, %sign3A_393 : i32
      %sign3A_395 = arith.extui %sign3A_394 : i1 to i32
      %sign3A_396 = arith.subi %sign3A_392, %sign3A_395 : i32
      %sign3A_397 = arith.constant 0 : i32
      %sign3A_398 = arith.cmpi sgt, %jit3A_388, %sign3A_397 : i32
      %sign3A_399 = arith.extui %sign3A_398 : i1 to i32
      %sign3A_400 = arith.constant 0 : i32
      %sign3A_401 = arith.cmpi slt, %jit3A_388, %sign3A_400 : i32
      %sign3A_402 = arith.extui %sign3A_401 : i1 to i32
      %sign3A_403 = arith.subi %sign3A_399, %sign3A_402 : i32
      %ne3A_404 = arith.cmpi ne, %sign3A_396, %sign3A_403 : i32
      %rem3A_405 = arith.remsi %add3A_366, %jit3A_388 : i32
      %ne3A_406 = arith.constant 0 : i32
      %ne3A_407 = arith.cmpi ne, %rem3A_405, %ne3A_406 : i32
      %and3A_408 = arith.andi %ne3A_404, %ne3A_407 : i1
      %sub3A_409 = arith.constant 1 : i32
      %sub3A_410 = arith.subi %div3A_389, %sub3A_409 : i32
      %select_n3A_411 = arith.select %and3A_408, %sub3A_410, %div3A_389 : i32
      %jit3A_412 = arith.constant 2 : i32
      %eq3A_413 = arith.constant 0 : i32
      %eq3A_414 = arith.cmpi eq, %jit3A_412, %eq3A_413 : i32
      %jit3A_415 = arith.constant 1 : i32
      %select_n3A_416 = arith.select %eq3A_414, %jit3A_415, %jit3A_412 : i32
      %rem3A_417 = arith.remsi %add3A_366, %select_n3A_416 : i32
      %ne3A_418 = arith.constant 0 : i32
      %ne3A_419 = arith.cmpi ne, %rem3A_417, %ne3A_418 : i32
      %lt3A_420 = arith.constant 0 : i32
      %lt3A_421 = arith.cmpi slt, %rem3A_417, %lt3A_420 : i32
      %lt3A_422 = arith.constant 0 : i32
      %lt3A_423 = arith.cmpi slt, %select_n3A_416, %lt3A_422 : i32
      %ne3A_424 = arith.xori %lt3A_421, %lt3A_423 : i1
      %and3A_425 = arith.andi %ne3A_424, %ne3A_419 : i1
      %add3A_426 = arith.addi %rem3A_417, %select_n3A_416 : i32
      %select_n3A_427 = arith.select %and3A_425, %add3A_426, %rem3A_417 : i32
      %jit3A_428 = arith.constant 4 : i32
      %div3A_429 = arith.divsi %select_n3A_411, %jit3A_428 : i32
      %sign3A_430 = arith.constant 0 : i32
      %sign3A_431 = arith.cmpi sgt, %select_n3A_411, %sign3A_430 : i32
      %sign3A_432 = arith.extui %sign3A_431 : i1 to i32
      %sign3A_433 = arith.constant 0 : i32
      %sign3A_434 = arith.cmpi slt, %select_n3A_411, %sign3A_433 : i32
      %sign3A_435 = arith.extui %sign3A_434 : i1 to i32
      %sign3A_436 = arith.subi %sign3A_432, %sign3A_435 : i32
      %sign3A_437 = arith.constant 0 : i32
      %sign3A_438 = arith.cmpi sgt, %jit3A_428, %sign3A_437 : i32
      %sign3A_439 = arith.extui %sign3A_438 : i1 to i32
      %sign3A_440 = arith.constant 0 : i32
      %sign3A_441 = arith.cmpi slt, %jit3A_428, %sign3A_440 : i32
      %sign3A_442 = arith.extui %sign3A_441 : i1 to i32
      %sign3A_443 = arith.subi %sign3A_439, %sign3A_442 : i32
      %ne3A_444 = arith.cmpi ne, %sign3A_436, %sign3A_443 : i32
      %rem3A_445 = arith.remsi %select_n3A_411, %jit3A_428 : i32
      %ne3A_446 = arith.constant 0 : i32
      %ne3A_447 = arith.cmpi ne, %rem3A_445, %ne3A_446 : i32
      %and3A_448 = arith.andi %ne3A_444, %ne3A_447 : i1
      %sub3A_449 = arith.constant 1 : i32
      %sub3A_450 = arith.subi %div3A_429, %sub3A_449 : i32
      %select_n3A_451 = arith.select %and3A_448, %sub3A_450, %div3A_429 : i32
      %mul3A_452 = arith.constant 128 : i32
      %mul3A_453 = arith.muli %select_n3A_427, %mul3A_452 : i32
      %add3A_454 = arith.addi %mul3A_2, %mul3A_453 : i32
      %jit3A_455 = arith.constant 4 : i32
      %eq3A_456 = arith.constant 0 : i32
      %eq3A_457 = arith.cmpi eq, %jit3A_455, %eq3A_456 : i32
      %jit3A_458 = arith.constant 1 : i32
      %select_n3A_459 = arith.select %eq3A_457, %jit3A_458, %jit3A_455 : i32
      %rem3A_460 = arith.remsi %select_n3A_411, %select_n3A_459 : i32
      %ne3A_461 = arith.constant 0 : i32
      %ne3A_462 = arith.cmpi ne, %rem3A_460, %ne3A_461 : i32
      %lt3A_463 = arith.constant 0 : i32
      %lt3A_464 = arith.cmpi slt, %rem3A_460, %lt3A_463 : i32
      %lt3A_465 = arith.constant 0 : i32
      %lt3A_466 = arith.cmpi slt, %select_n3A_459, %lt3A_465 : i32
      %ne3A_467 = arith.xori %lt3A_464, %lt3A_466 : i1
      %and3A_468 = arith.andi %ne3A_467, %ne3A_462 : i1
      %add3A_469 = arith.addi %rem3A_460, %select_n3A_459 : i32
      %select_n3A_470 = arith.select %and3A_468, %add3A_469, %rem3A_460 : i32
      %mul3A_471 = arith.constant 32 : i32
      %mul3A_472 = arith.muli %select_n3A_470, %mul3A_471 : i32
      %dma_start3A_473 = tpu.memref_slice %arg8[%select_n3A_451, %add3A_454, %mul3A_472] : memref<3x8192x128xf32, #tpu.memory_space<hbm>> -> memref<1x128x32xf32, #tpu.memory_space<hbm>>
      %dma_start3A_474 = tpu.memref_squeeze %dma_start3A_473 : memref<1x128x32xf32, #tpu.memory_space<hbm>> -> memref<128x32xf32, #tpu.memory_space<hbm>>
      %dma_start3A_475 = tpu.memref_slice %arg8[%select_n3A_451, %add3A_454, %mul3A_472] : memref<3x8192x128xf32, #tpu.memory_space<hbm>> -> memref<1x128x32xf32, #tpu.memory_space<hbm>>
      %dma_start3A_476 = tpu.memref_squeeze %dma_start3A_475 : memref<1x128x32xf32, #tpu.memory_space<hbm>> -> memref<128x32xf32, #tpu.memory_space<hbm>>
      tpu.enqueue_dma source(%arg16 : memref<128x32xf32, #tpu.memory_space<vmem>>) target(%dma_start3A_476 : memref<128x32xf32, #tpu.memory_space<hbm>>) target_semaphore(%arg24 : memref<!tpu.dma_semaphore, #tpu.memory_space<semaphore_mem>>)
      %mul3A_477 = arith.constant 4 : i32
      %mul3A_478 = arith.muli %mul3A_477, %scan3A_147 : i32
      %add3A_479 = arith.constant 3 : i32
      %add3A_480 = arith.addi %mul3A_478, %add3A_479 : i32
      %add3A_481 = arith.constant 1 : i32
      %add3A_482 = arith.addi %add3A_480, %add3A_481 : i32
      %lt3A_483 = arith.constant 24 : i32
      %lt3A_484 = arith.cmpi slt, %add3A_482, %lt3A_483 : i32
      %ge3A_485 = arith.constant 4 : i32
      %ge3A_486 = arith.cmpi sge, %add3A_482, %ge3A_485 : i32
      %and3A_487 = arith.andi %lt3A_484, %ge3A_486 : i1
      %convert_element_type3A_488 = arith.extui %and3A_487 : i1 to i32
      %cond3A_489 = arith.constant 0 : i32
      %cond3A_490 = arith.cmpi ne, %convert_element_type3A_488, %cond3A_489 : i32
      scf.if %cond3A_490 {
        %dma_wait3A_591 = arith.constant 0 : i32
        %dma_wait3A_592 = arith.constant 0 : i32
        %dma_wait3A_593 = arith.constant 0 : i32
        %dma_wait3A_594 = tpu.memref_slice %arg8[%dma_wait3A_591, %dma_wait3A_592, %dma_wait3A_593] : memref<3x8192x128xf32, #tpu.memory_space<hbm>> -> memref<1x128x32xf32, #tpu.memory_space<hbm>>
        %dma_wait3A_595 = tpu.memref_squeeze %dma_wait3A_594 : memref<1x128x32xf32, #tpu.memory_space<hbm>> -> memref<128x32xf32, #tpu.memory_space<hbm>>
        %dma_wait3A_596 = arith.constant 0 : i32
        %dma_wait3A_597 = arith.constant 0 : i32
        %dma_wait3A_598 = tpu.memref_slice %arg8[%dma_wait3A_591, %dma_wait3A_596, %dma_wait3A_597] : memref<3x8192x128xf32, #tpu.memory_space<hbm>> -> memref<1x128x32xf32, #tpu.memory_space<hbm>>
        %dma_wait3A_599 = tpu.memref_squeeze %dma_wait3A_598 : memref<1x128x32xf32, #tpu.memory_space<hbm>> -> memref<128x32xf32, #tpu.memory_space<hbm>>
        tpu.wait_dma2 semaphore(%arg22 : memref<!tpu.dma_semaphore, #tpu.memory_space<semaphore_mem>>) src(%arg14 : memref<128x32xf32, #tpu.memory_space<vmem>>) dst(%dma_wait3A_599 : memref<128x32xf32, #tpu.memory_space<hbm>>)
      } else {
      }
      %lt3A_491 = arith.constant 24 : i32
      %lt3A_492 = arith.cmpi slt, %add3A_482, %lt3A_491 : i32
      %convert_element_type3A_493 = arith.extui %lt3A_492 : i1 to i32
      %cond3A_494 = arith.constant 0 : i32
      %cond3A_495 = arith.cmpi ne, %convert_element_type3A_493, %cond3A_494 : i32
      scf.if %cond3A_495 {
        %jit3A_591 = arith.constant 2 : i32
        %div3A_592 = arith.divsi %add3A_482, %jit3A_591 : i32
        %sign3A_593 = arith.constant 0 : i32
        %sign3A_594 = arith.cmpi sgt, %add3A_482, %sign3A_593 : i32
        %sign3A_595 = arith.extui %sign3A_594 : i1 to i32
        %sign3A_596 = arith.constant 0 : i32
        %sign3A_597 = arith.cmpi slt, %add3A_482, %sign3A_596 : i32
        %sign3A_598 = arith.extui %sign3A_597 : i1 to i32
        %sign3A_599 = arith.subi %sign3A_595, %sign3A_598 : i32
        %sign3A_600 = arith.constant 0 : i32
        %sign3A_601 = arith.cmpi sgt, %jit3A_591, %sign3A_600 : i32
        %sign3A_602 = arith.extui %sign3A_601 : i1 to i32
        %sign3A_603 = arith.constant 0 : i32
        %sign3A_604 = arith.cmpi slt, %jit3A_591, %sign3A_603 : i32
        %sign3A_605 = arith.extui %sign3A_604 : i1 to i32
        %sign3A_606 = arith.subi %sign3A_602, %sign3A_605 : i32
        %ne3A_607 = arith.cmpi ne, %sign3A_599, %sign3A_606 : i32
        %rem3A_608 = arith.remsi %add3A_482, %jit3A_591 : i32
        %ne3A_609 = arith.constant 0 : i32
        %ne3A_610 = arith.cmpi ne, %rem3A_608, %ne3A_609 : i32
        %and3A_611 = arith.andi %ne3A_607, %ne3A_610 : i1
        %sub3A_612 = arith.constant 1 : i32
        %sub3A_613 = arith.subi %div3A_592, %sub3A_612 : i32
        %select_n3A_614 = arith.select %and3A_611, %sub3A_613, %div3A_592 : i32
        %jit3A_615 = arith.constant 2 : i32
        %eq3A_616 = arith.constant 0 : i32
        %eq3A_617 = arith.cmpi eq, %jit3A_615, %eq3A_616 : i32
        %jit3A_618 = arith.constant 1 : i32
        %select_n3A_619 = arith.select %eq3A_617, %jit3A_618, %jit3A_615 : i32
        %rem3A_620 = arith.remsi %add3A_482, %select_n3A_619 : i32
        %ne3A_621 = arith.constant 0 : i32
        %ne3A_622 = arith.cmpi ne, %rem3A_620, %ne3A_621 : i32
        %lt3A_623 = arith.constant 0 : i32
        %lt3A_624 = arith.cmpi slt, %rem3A_620, %lt3A_623 : i32
        %lt3A_625 = arith.constant 0 : i32
        %lt3A_626 = arith.cmpi slt, %select_n3A_619, %lt3A_625 : i32
        %ne3A_627 = arith.xori %lt3A_624, %lt3A_626 : i1
        %and3A_628 = arith.andi %ne3A_627, %ne3A_622 : i1
        %add3A_629 = arith.addi %rem3A_620, %select_n3A_619 : i32
        %select_n3A_630 = arith.select %and3A_628, %add3A_629, %rem3A_620 : i32
        %add3A_631 = arith.constant 40 : i32
        %add3A_632 = arith.addi %add3A_631, %select_n3A_614 : i32
        %mul3A_633 = arith.constant 128 : i32
        %mul3A_634 = arith.muli %select_n3A_630, %mul3A_633 : i32
        %dma_start3A_635 = tpu.memref_slice %arg9[%add3A_632, %mul3A_634] : memref<52x256xi32, #tpu.memory_space<vmem>> -> memref<1x128xi32, #tpu.memory_space<vmem>>
        %dma_start3A_636 = tpu.memref_squeeze %dma_start3A_635 : memref<1x128xi32, #tpu.memory_space<vmem>> -> memref<128xi32, #tpu.memory_space<vmem>>
        %dma_start3A_637 = arith.constant 0 : i32
        %dma_start3A_638 = arith.constant 0 : i32
        %dma_start3A_639 = tpu.memref_slice %arg5[%dma_start3A_637, %dma_start3A_638] : memref<100000x32xf32, #tpu.memory_space<hbm>> -> memref<100000x32xf32, #tpu.memory_space<hbm>>
        tpu.enqueue_indirect_dma source(%dma_start3A_639 : memref<100000x32xf32, #tpu.memory_space<hbm>>) target(%arg14 : memref<128x32xf32, #tpu.memory_space<vmem>>) offsets(%dma_start3A_636 : memref<128xi32, #tpu.memory_space<vmem>>) semaphore(%arg18 : memref<!tpu.dma_semaphore, #tpu.memory_space<semaphore_mem>>)
      } else {
      }
      %dma_wait3A_496 = arith.constant 0 : i32
      %dma_wait3A_497 = arith.constant 0 : i32
      %dma_wait3A_498 = tpu.memref_slice %arg5[%dma_wait3A_496, %dma_wait3A_497] : memref<100000x32xf32, #tpu.memory_space<hbm>> -> memref<128x32xf32, #tpu.memory_space<hbm>>
      %dma_wait3A_499 = arith.constant 0 : i32
      %dma_wait3A_500 = arith.constant 0 : i32
      %dma_wait3A_501 = tpu.memref_slice %arg5[%dma_wait3A_499, %dma_wait3A_500] : memref<100000x32xf32, #tpu.memory_space<hbm>> -> memref<128x32xf32, #tpu.memory_space<hbm>>
      tpu.wait_dma2 semaphore(%arg21 : memref<!tpu.dma_semaphore, #tpu.memory_space<semaphore_mem>>) src(%dma_wait3A_501 : memref<128x32xf32, #tpu.memory_space<hbm>>) dst(%arg17 : memref<128x32xf32, #tpu.memory_space<vmem>>)
      %jit3A_502 = arith.constant 2 : i32
      %div3A_503 = arith.divsi %add3A_480, %jit3A_502 : i32
      %sign3A_504 = arith.constant 0 : i32
      %sign3A_505 = arith.cmpi sgt, %add3A_480, %sign3A_504 : i32
      %sign3A_506 = arith.extui %sign3A_505 : i1 to i32
      %sign3A_507 = arith.constant 0 : i32
      %sign3A_508 = arith.cmpi slt, %add3A_480, %sign3A_507 : i32
      %sign3A_509 = arith.extui %sign3A_508 : i1 to i32
      %sign3A_510 = arith.subi %sign3A_506, %sign3A_509 : i32
      %sign3A_511 = arith.constant 0 : i32
      %sign3A_512 = arith.cmpi sgt, %jit3A_502, %sign3A_511 : i32
      %sign3A_513 = arith.extui %sign3A_512 : i1 to i32
      %sign3A_514 = arith.constant 0 : i32
      %sign3A_515 = arith.cmpi slt, %jit3A_502, %sign3A_514 : i32
      %sign3A_516 = arith.extui %sign3A_515 : i1 to i32
      %sign3A_517 = arith.subi %sign3A_513, %sign3A_516 : i32
      %ne3A_518 = arith.cmpi ne, %sign3A_510, %sign3A_517 : i32
      %rem3A_519 = arith.remsi %add3A_480, %jit3A_502 : i32
      %ne3A_520 = arith.constant 0 : i32
      %ne3A_521 = arith.cmpi ne, %rem3A_519, %ne3A_520 : i32
      %and3A_522 = arith.andi %ne3A_518, %ne3A_521 : i1
      %sub3A_523 = arith.constant 1 : i32
      %sub3A_524 = arith.subi %div3A_503, %sub3A_523 : i32
      %select_n3A_525 = arith.select %and3A_522, %sub3A_524, %div3A_503 : i32
      %jit3A_526 = arith.constant 2 : i32
      %eq3A_527 = arith.constant 0 : i32
      %eq3A_528 = arith.cmpi eq, %jit3A_526, %eq3A_527 : i32
      %jit3A_529 = arith.constant 1 : i32
      %select_n3A_530 = arith.select %eq3A_528, %jit3A_529, %jit3A_526 : i32
      %rem3A_531 = arith.remsi %add3A_480, %select_n3A_530 : i32
      %ne3A_532 = arith.constant 0 : i32
      %ne3A_533 = arith.cmpi ne, %rem3A_531, %ne3A_532 : i32
      %lt3A_534 = arith.constant 0 : i32
      %lt3A_535 = arith.cmpi slt, %rem3A_531, %lt3A_534 : i32
      %lt3A_536 = arith.constant 0 : i32
      %lt3A_537 = arith.cmpi slt, %select_n3A_530, %lt3A_536 : i32
      %ne3A_538 = arith.xori %lt3A_535, %lt3A_537 : i1
      %and3A_539 = arith.andi %ne3A_538, %ne3A_533 : i1
      %add3A_540 = arith.addi %rem3A_531, %select_n3A_530 : i32
      %select_n3A_541 = arith.select %and3A_539, %add3A_540, %rem3A_531 : i32
      %jit3A_542 = arith.constant 4 : i32
      %div3A_543 = arith.divsi %select_n3A_525, %jit3A_542 : i32
      %sign3A_544 = arith.constant 0 : i32
      %sign3A_545 = arith.cmpi sgt, %select_n3A_525, %sign3A_544 : i32
      %sign3A_546 = arith.extui %sign3A_545 : i1 to i32
      %sign3A_547 = arith.constant 0 : i32
      %sign3A_548 = arith.cmpi slt, %select_n3A_525, %sign3A_547 : i32
      %sign3A_549 = arith.extui %sign3A_548 : i1 to i32
      %sign3A_550 = arith.subi %sign3A_546, %sign3A_549 : i32
      %sign3A_551 = arith.constant 0 : i32
      %sign3A_552 = arith.cmpi sgt, %jit3A_542, %sign3A_551 : i32
      %sign3A_553 = arith.extui %sign3A_552 : i1 to i32
      %sign3A_554 = arith.constant 0 : i32
      %sign3A_555 = arith.cmpi slt, %jit3A_542, %sign3A_554 : i32
      %sign3A_556 = arith.extui %sign3A_555 : i1 to i32
      %sign3A_557 = arith.subi %sign3A_553, %sign3A_556 : i32
      %ne3A_558 = arith.cmpi ne, %sign3A_550, %sign3A_557 : i32
      %rem3A_559 = arith.remsi %select_n3A_525, %jit3A_542 : i32
      %ne3A_560 = arith.constant 0 : i32
      %ne3A_561 = arith.cmpi ne, %rem3A_559, %ne3A_560 : i32
      %and3A_562 = arith.andi %ne3A_558, %ne3A_561 : i1
      %sub3A_563 = arith.constant 1 : i32
      %sub3A_564 = arith.subi %div3A_543, %sub3A_563 : i32
      %select_n3A_565 = arith.select %and3A_562, %sub3A_564, %div3A_543 : i32
      %mul3A_566 = arith.constant 128 : i32
      %mul3A_567 = arith.muli %select_n3A_541, %mul3A_566 : i32
      %add3A_568 = arith.addi %mul3A_2, %mul3A_567 : i32
      %jit3A_569 = arith.constant 4 : i32
      %eq3A_570 = arith.constant 0 : i32
      %eq3A_571 = arith.cmpi eq, %jit3A_569, %eq3A_570 : i32
      %jit3A_572 = arith.constant 1 : i32
      %select_n3A_573 = arith.select %eq3A_571, %jit3A_572, %jit3A_569 : i32
      %rem3A_574 = arith.remsi %select_n3A_525, %select_n3A_573 : i32
      %ne3A_575 = arith.constant 0 : i32
      %ne3A_576 = arith.cmpi ne, %rem3A_574, %ne3A_575 : i32
      %lt3A_577 = arith.constant 0 : i32
      %lt3A_578 = arith.cmpi slt, %rem3A_574, %lt3A_577 : i32
      %lt3A_579 = arith.constant 0 : i32
      %lt3A_580 = arith.cmpi slt, %select_n3A_573, %lt3A_579 : i32
      %ne3A_581 = arith.xori %lt3A_578, %lt3A_580 : i1
      %and3A_582 = arith.andi %ne3A_581, %ne3A_576 : i1
      %add3A_583 = arith.addi %rem3A_574, %select_n3A_573 : i32
      %select_n3A_584 = arith.select %and3A_582, %add3A_583, %rem3A_574 : i32
      %mul3A_585 = arith.constant 32 : i32
      %mul3A_586 = arith.muli %select_n3A_584, %mul3A_585 : i32
      %dma_start3A_587 = tpu.memref_slice %arg8[%select_n3A_565, %add3A_568, %mul3A_586] : memref<3x8192x128xf32, #tpu.memory_space<hbm>> -> memref<1x128x32xf32, #tpu.memory_space<hbm>>
      %dma_start3A_588 = tpu.memref_squeeze %dma_start3A_587 : memref<1x128x32xf32, #tpu.memory_space<hbm>> -> memref<128x32xf32, #tpu.memory_space<hbm>>
      %dma_start3A_589 = tpu.memref_slice %arg8[%select_n3A_565, %add3A_568, %mul3A_586] : memref<3x8192x128xf32, #tpu.memory_space<hbm>> -> memref<1x128x32xf32, #tpu.memory_space<hbm>>
      %dma_start3A_590 = tpu.memref_squeeze %dma_start3A_589 : memref<1x128x32xf32, #tpu.memory_space<hbm>> -> memref<128x32xf32, #tpu.memory_space<hbm>>
      tpu.enqueue_dma source(%arg17 : memref<128x32xf32, #tpu.memory_space<vmem>>) target(%dma_start3A_590 : memref<128x32xf32, #tpu.memory_space<hbm>>) target_semaphore(%arg25 : memref<!tpu.dma_semaphore, #tpu.memory_space<semaphore_mem>>)
    }
    %scan3A_110 = arith.constant 6 : i32
    %dma_wait3A_111 = arith.constant 0 : i32
    %dma_wait3A_112 = arith.constant 0 : i32
    %dma_wait3A_113 = arith.constant 0 : i32
    %dma_wait3A_114 = tpu.memref_slice %arg8[%dma_wait3A_111, %dma_wait3A_112, %dma_wait3A_113] : memref<3x8192x128xf32, #tpu.memory_space<hbm>> -> memref<1x128x32xf32, #tpu.memory_space<hbm>>
    %dma_wait3A_115 = tpu.memref_squeeze %dma_wait3A_114 : memref<1x128x32xf32, #tpu.memory_space<hbm>> -> memref<128x32xf32, #tpu.memory_space<hbm>>
    %dma_wait3A_116 = arith.constant 0 : i32
    %dma_wait3A_117 = arith.constant 0 : i32
    %dma_wait3A_118 = tpu.memref_slice %arg8[%dma_wait3A_111, %dma_wait3A_116, %dma_wait3A_117] : memref<3x8192x128xf32, #tpu.memory_space<hbm>> -> memref<1x128x32xf32, #tpu.memory_space<hbm>>
    %dma_wait3A_119 = tpu.memref_squeeze %dma_wait3A_118 : memref<1x128x32xf32, #tpu.memory_space<hbm>> -> memref<128x32xf32, #tpu.memory_space<hbm>>
    tpu.wait_dma2 semaphore(%arg22 : memref<!tpu.dma_semaphore, #tpu.memory_space<semaphore_mem>>) src(%arg14 : memref<128x32xf32, #tpu.memory_space<vmem>>) dst(%dma_wait3A_119 : memref<128x32xf32, #tpu.memory_space<hbm>>)
    %dma_wait3A_120 = arith.constant 0 : i32
    %dma_wait3A_121 = arith.constant 0 : i32
    %dma_wait3A_122 = arith.constant 0 : i32
    %dma_wait3A_123 = tpu.memref_slice %arg8[%dma_wait3A_120, %dma_wait3A_121, %dma_wait3A_122] : memref<3x8192x128xf32, #tpu.memory_space<hbm>> -> memref<1x128x32xf32, #tpu.memory_space<hbm>>
    %dma_wait3A_124 = tpu.memref_squeeze %dma_wait3A_123 : memref<1x128x32xf32, #tpu.memory_space<hbm>> -> memref<128x32xf32, #tpu.memory_space<hbm>>
    %dma_wait3A_125 = arith.constant 0 : i32
    %dma_wait3A_126 = arith.constant 0 : i32
    %dma_wait3A_127 = tpu.memref_slice %arg8[%dma_wait3A_120, %dma_wait3A_125, %dma_wait3A_126] : memref<3x8192x128xf32, #tpu.memory_space<hbm>> -> memref<1x128x32xf32, #tpu.memory_space<hbm>>
    %dma_wait3A_128 = tpu.memref_squeeze %dma_wait3A_127 : memref<1x128x32xf32, #tpu.memory_space<hbm>> -> memref<128x32xf32, #tpu.memory_space<hbm>>
    tpu.wait_dma2 semaphore(%arg23 : memref<!tpu.dma_semaphore, #tpu.memory_space<semaphore_mem>>) src(%arg15 : memref<128x32xf32, #tpu.memory_space<vmem>>) dst(%dma_wait3A_128 : memref<128x32xf32, #tpu.memory_space<hbm>>)
    %dma_wait3A_129 = arith.constant 0 : i32
    %dma_wait3A_130 = arith.constant 0 : i32
    %dma_wait3A_131 = arith.constant 0 : i32
    %dma_wait3A_132 = tpu.memref_slice %arg8[%dma_wait3A_129, %dma_wait3A_130, %dma_wait3A_131] : memref<3x8192x128xf32, #tpu.memory_space<hbm>> -> memref<1x128x32xf32, #tpu.memory_space<hbm>>
    %dma_wait3A_133 = tpu.memref_squeeze %dma_wait3A_132 : memref<1x128x32xf32, #tpu.memory_space<hbm>> -> memref<128x32xf32, #tpu.memory_space<hbm>>
    %dma_wait3A_134 = arith.constant 0 : i32
    %dma_wait3A_135 = arith.constant 0 : i32
    %dma_wait3A_136 = tpu.memref_slice %arg8[%dma_wait3A_129, %dma_wait3A_134, %dma_wait3A_135] : memref<3x8192x128xf32, #tpu.memory_space<hbm>> -> memref<1x128x32xf32, #tpu.memory_space<hbm>>
    %dma_wait3A_137 = tpu.memref_squeeze %dma_wait3A_136 : memref<1x128x32xf32, #tpu.memory_space<hbm>> -> memref<128x32xf32, #tpu.memory_space<hbm>>
    tpu.wait_dma2 semaphore(%arg24 : memref<!tpu.dma_semaphore, #tpu.memory_space<semaphore_mem>>) src(%arg16 : memref<128x32xf32, #tpu.memory_space<vmem>>) dst(%dma_wait3A_137 : memref<128x32xf32, #tpu.memory_space<hbm>>)
    %dma_wait3A_138 = arith.constant 0 : i32
    %dma_wait3A_139 = arith.constant 0 : i32
    %dma_wait3A_140 = arith.constant 0 : i32
    %dma_wait3A_141 = tpu.memref_slice %arg8[%dma_wait3A_138, %dma_wait3A_139, %dma_wait3A_140] : memref<3x8192x128xf32, #tpu.memory_space<hbm>> -> memref<1x128x32xf32, #tpu.memory_space<hbm>>
    %dma_wait3A_142 = tpu.memref_squeeze %dma_wait3A_141 : memref<1x128x32xf32, #tpu.memory_space<hbm>> -> memref<128x32xf32, #tpu.memory_space<hbm>>
    %dma_wait3A_143 = arith.constant 0 : i32
    %dma_wait3A_144 = arith.constant 0 : i32
    %dma_wait3A_145 = tpu.memref_slice %arg8[%dma_wait3A_138, %dma_wait3A_143, %dma_wait3A_144] : memref<3x8192x128xf32, #tpu.memory_space<hbm>> -> memref<1x128x32xf32, #tpu.memory_space<hbm>>
    %dma_wait3A_146 = tpu.memref_squeeze %dma_wait3A_145 : memref<1x128x32xf32, #tpu.memory_space<hbm>> -> memref<128x32xf32, #tpu.memory_space<hbm>>
    tpu.wait_dma2 semaphore(%arg25 : memref<!tpu.dma_semaphore, #tpu.memory_space<semaphore_mem>>) src(%arg17 : memref<128x32xf32, #tpu.memory_space<vmem>>) dst(%dma_wait3A_146 : memref<128x32xf32, #tpu.memory_space<hbm>>)
    return
  }
}

module attributes {stable_mosaic.version = 14 : i64} {
  func.func @_mlp_body(%arg0: i32, %arg1: memref<10x512x128xf32, #tpu.memory_space<vmem>>, %arg2: memref<5x512x128xf32, #tpu.memory_space<vmem>>, %arg3: memref<3x512x128xf32, #tpu.memory_space<vmem>>, %arg4: memref<2304x512xf32, #tpu.memory_space<vmem>>, %arg5: memref<1x512xf32, #tpu.memory_space<vmem>>, %arg6: memref<512x256xf32, #tpu.memory_space<vmem>>, %arg7: memref<1x256xf32, #tpu.memory_space<vmem>>, %arg8: memref<256x128xf32, #tpu.memory_space<vmem>>, %arg9: memref<1x128xf32, #tpu.memory_space<vmem>>, %arg10: memref<512x128xf32, #tpu.memory_space<vmem>>, %arg11: memref<512x2304xf32, #tpu.memory_space<vmem>>) attributes {dimension_semantics = [#tpu.dimension_semantics<arbitrary>], iteration_bounds = array<i64: 16>, scalar_prefetch = 0 : i64, scratch_operands = 1 : i64, tpu.core_type = #tpu.core_type<tc>, window_params = [{transform_indices = @transform_0, window_bounds = array<i64: 10, 512, 128>}, {transform_indices = @transform_1, window_bounds = array<i64: 5, 512, 128>}, {transform_indices = @transform_2, window_bounds = array<i64: 3, 512, 128>}, {pipeline_mode = #tpu.pipeline_mode<synchronous>, transform_indices = @transform_3, window_bounds = array<i64: 2304, 512>}, {pipeline_mode = #tpu.pipeline_mode<synchronous>, transform_indices = @transform_4, window_bounds = array<i64: 1, 512>}, {pipeline_mode = #tpu.pipeline_mode<synchronous>, transform_indices = @transform_5, window_bounds = array<i64: 512, 256>}, {pipeline_mode = #tpu.pipeline_mode<synchronous>, transform_indices = @transform_6, window_bounds = array<i64: 1, 256>}, {pipeline_mode = #tpu.pipeline_mode<synchronous>, transform_indices = @transform_7, window_bounds = array<i64: 256, 128>}, {pipeline_mode = #tpu.pipeline_mode<synchronous>, transform_indices = @transform_8, window_bounds = array<i64: 1, 128>}, {transform_indices = @transform_9, window_bounds = array<i64: 512, 128>}]} {
    %get3A = arith.constant 0 : index
    %get3A_0 = arith.constant 0 : index
    %get3A_1 = arith.constant 0 : index
    %get3A_2 = vector.load %arg1[%get3A, %get3A_0, %get3A_1] : memref<10x512x128xf32, #tpu.memory_space<vmem>>, vector<1x512x128xf32>
    %get3A_3 = vector.shape_cast %get3A_2 : vector<1x512x128xf32> to vector<512x128xf32>
    %swap3A = arith.constant 0 : index
    %swap3A_4 = arith.constant 0 : index
    %swap3A_5 = vector.load %arg11[%swap3A, %swap3A_4] : memref<512x2304xf32, #tpu.memory_space<vmem>>, vector<512x128xf32>
    tpu.vector_store %arg11[%swap3A, %swap3A_4], %get3A_3 {strides = array<i32>} : memref<512x2304xf32, #tpu.memory_space<vmem>>, vector<512x128xf32>,
    %get3A_6 = arith.constant 1 : index
    %get3A_7 = arith.constant 0 : index
    %get3A_8 = arith.constant 0 : index
    %get3A_9 = vector.load %arg1[%get3A_6, %get3A_7, %get3A_8] : memref<10x512x128xf32, #tpu.memory_space<vmem>>, vector<1x512x128xf32>
    %get3A_10 = vector.shape_cast %get3A_9 : vector<1x512x128xf32> to vector<512x128xf32>
    %swap3A_11 = arith.constant 0 : index
    %swap3A_12 = arith.constant 128 : index
    %swap3A_13 = vector.load %arg11[%swap3A_11, %swap3A_12] : memref<512x2304xf32, #tpu.memory_space<vmem>>, vector<512x128xf32>
    tpu.vector_store %arg11[%swap3A_11, %swap3A_12], %get3A_10 {strides = array<i32>} : memref<512x2304xf32, #tpu.memory_space<vmem>>, vector<512x128xf32>,
    %get3A_14 = arith.constant 2 : index
    %get3A_15 = arith.constant 0 : index
    %get3A_16 = arith.constant 0 : index
    %get3A_17 = vector.load %arg1[%get3A_14, %get3A_15, %get3A_16] : memref<10x512x128xf32, #tpu.memory_space<vmem>>, vector<1x512x128xf32>
    %get3A_18 = vector.shape_cast %get3A_17 : vector<1x512x128xf32> to vector<512x128xf32>
    %swap3A_19 = arith.constant 0 : index
    %swap3A_20 = arith.constant 256 : index
    %swap3A_21 = vector.load %arg11[%swap3A_19, %swap3A_20] : memref<512x2304xf32, #tpu.memory_space<vmem>>, vector<512x128xf32>
    tpu.vector_store %arg11[%swap3A_19, %swap3A_20], %get3A_18 {strides = array<i32>} : memref<512x2304xf32, #tpu.memory_space<vmem>>, vector<512x128xf32>,
    %get3A_22 = arith.constant 3 : index
    %get3A_23 = arith.constant 0 : index
    %get3A_24 = arith.constant 0 : index
    %get3A_25 = vector.load %arg1[%get3A_22, %get3A_23, %get3A_24] : memref<10x512x128xf32, #tpu.memory_space<vmem>>, vector<1x512x128xf32>
    %get3A_26 = vector.shape_cast %get3A_25 : vector<1x512x128xf32> to vector<512x128xf32>
    %swap3A_27 = arith.constant 0 : index
    %swap3A_28 = arith.constant 384 : index
    %swap3A_29 = vector.load %arg11[%swap3A_27, %swap3A_28] : memref<512x2304xf32, #tpu.memory_space<vmem>>, vector<512x128xf32>
    tpu.vector_store %arg11[%swap3A_27, %swap3A_28], %get3A_26 {strides = array<i32>} : memref<512x2304xf32, #tpu.memory_space<vmem>>, vector<512x128xf32>,
    %get3A_30 = arith.constant 4 : index
    %get3A_31 = arith.constant 0 : index
    %get3A_32 = arith.constant 0 : index
    %get3A_33 = vector.load %arg1[%get3A_30, %get3A_31, %get3A_32] : memref<10x512x128xf32, #tpu.memory_space<vmem>>, vector<1x512x128xf32>
    %get3A_34 = vector.shape_cast %get3A_33 : vector<1x512x128xf32> to vector<512x128xf32>
    %swap3A_35 = arith.constant 0 : index
    %swap3A_36 = arith.constant 512 : index
    %swap3A_37 = vector.load %arg11[%swap3A_35, %swap3A_36] : memref<512x2304xf32, #tpu.memory_space<vmem>>, vector<512x128xf32>
    tpu.vector_store %arg11[%swap3A_35, %swap3A_36], %get3A_34 {strides = array<i32>} : memref<512x2304xf32, #tpu.memory_space<vmem>>, vector<512x128xf32>,
    %get3A_38 = arith.constant 5 : index
    %get3A_39 = arith.constant 0 : index
    %get3A_40 = arith.constant 0 : index
    %get3A_41 = vector.load %arg1[%get3A_38, %get3A_39, %get3A_40] : memref<10x512x128xf32, #tpu.memory_space<vmem>>, vector<1x512x128xf32>
    %get3A_42 = vector.shape_cast %get3A_41 : vector<1x512x128xf32> to vector<512x128xf32>
    %swap3A_43 = arith.constant 0 : index
    %swap3A_44 = arith.constant 640 : index
    %swap3A_45 = vector.load %arg11[%swap3A_43, %swap3A_44] : memref<512x2304xf32, #tpu.memory_space<vmem>>, vector<512x128xf32>
    tpu.vector_store %arg11[%swap3A_43, %swap3A_44], %get3A_42 {strides = array<i32>} : memref<512x2304xf32, #tpu.memory_space<vmem>>, vector<512x128xf32>,
    %get3A_46 = arith.constant 6 : index
    %get3A_47 = arith.constant 0 : index
    %get3A_48 = arith.constant 0 : index
    %get3A_49 = vector.load %arg1[%get3A_46, %get3A_47, %get3A_48] : memref<10x512x128xf32, #tpu.memory_space<vmem>>, vector<1x512x128xf32>
    %get3A_50 = vector.shape_cast %get3A_49 : vector<1x512x128xf32> to vector<512x128xf32>
    %swap3A_51 = arith.constant 0 : index
    %swap3A_52 = arith.constant 768 : index
    %swap3A_53 = vector.load %arg11[%swap3A_51, %swap3A_52] : memref<512x2304xf32, #tpu.memory_space<vmem>>, vector<512x128xf32>
    tpu.vector_store %arg11[%swap3A_51, %swap3A_52], %get3A_50 {strides = array<i32>} : memref<512x2304xf32, #tpu.memory_space<vmem>>, vector<512x128xf32>,
    %get3A_54 = arith.constant 7 : index
    %get3A_55 = arith.constant 0 : index
    %get3A_56 = arith.constant 0 : index
    %get3A_57 = vector.load %arg1[%get3A_54, %get3A_55, %get3A_56] : memref<10x512x128xf32, #tpu.memory_space<vmem>>, vector<1x512x128xf32>
    %get3A_58 = vector.shape_cast %get3A_57 : vector<1x512x128xf32> to vector<512x128xf32>
    %swap3A_59 = arith.constant 0 : index
    %swap3A_60 = arith.constant 896 : index
    %swap3A_61 = vector.load %arg11[%swap3A_59, %swap3A_60] : memref<512x2304xf32, #tpu.memory_space<vmem>>, vector<512x128xf32>
    tpu.vector_store %arg11[%swap3A_59, %swap3A_60], %get3A_58 {strides = array<i32>} : memref<512x2304xf32, #tpu.memory_space<vmem>>, vector<512x128xf32>,
    %get3A_62 = arith.constant 8 : index
    %get3A_63 = arith.constant 0 : index
    %get3A_64 = arith.constant 0 : index
    %get3A_65 = vector.load %arg1[%get3A_62, %get3A_63, %get3A_64] : memref<10x512x128xf32, #tpu.memory_space<vmem>>, vector<1x512x128xf32>
    %get3A_66 = vector.shape_cast %get3A_65 : vector<1x512x128xf32> to vector<512x128xf32>
    %swap3A_67 = arith.constant 0 : index
    %swap3A_68 = arith.constant 1024 : index
    %swap3A_69 = vector.load %arg11[%swap3A_67, %swap3A_68] : memref<512x2304xf32, #tpu.memory_space<vmem>>, vector<512x128xf32>
    tpu.vector_store %arg11[%swap3A_67, %swap3A_68], %get3A_66 {strides = array<i32>} : memref<512x2304xf32, #tpu.memory_space<vmem>>, vector<512x128xf32>,
    %get3A_70 = arith.constant 9 : index
    %get3A_71 = arith.constant 0 : index
    %get3A_72 = arith.constant 0 : index
    %get3A_73 = vector.load %arg1[%get3A_70, %get3A_71, %get3A_72] : memref<10x512x128xf32, #tpu.memory_space<vmem>>, vector<1x512x128xf32>
    %get3A_74 = vector.shape_cast %get3A_73 : vector<1x512x128xf32> to vector<512x128xf32>
    %swap3A_75 = arith.constant 0 : index
    %swap3A_76 = arith.constant 1152 : index
    %swap3A_77 = vector.load %arg11[%swap3A_75, %swap3A_76] : memref<512x2304xf32, #tpu.memory_space<vmem>>, vector<512x128xf32>
    tpu.vector_store %arg11[%swap3A_75, %swap3A_76], %get3A_74 {strides = array<i32>} : memref<512x2304xf32, #tpu.memory_space<vmem>>, vector<512x128xf32>,
    %get3A_78 = arith.constant 0 : index
    %get3A_79 = arith.constant 0 : index
    %get3A_80 = arith.constant 0 : index
    %get3A_81 = vector.load %arg2[%get3A_78, %get3A_79, %get3A_80] : memref<5x512x128xf32, #tpu.memory_space<vmem>>, vector<1x512x128xf32>
    %get3A_82 = vector.shape_cast %get3A_81 : vector<1x512x128xf32> to vector<512x128xf32>
    %swap3A_83 = arith.constant 0 : index
    %swap3A_84 = arith.constant 1280 : index
    %swap3A_85 = vector.load %arg11[%swap3A_83, %swap3A_84] : memref<512x2304xf32, #tpu.memory_space<vmem>>, vector<512x128xf32>
    tpu.vector_store %arg11[%swap3A_83, %swap3A_84], %get3A_82 {strides = array<i32>} : memref<512x2304xf32, #tpu.memory_space<vmem>>, vector<512x128xf32>,
    %get3A_86 = arith.constant 1 : index
    %get3A_87 = arith.constant 0 : index
    %get3A_88 = arith.constant 0 : index
    %get3A_89 = vector.load %arg2[%get3A_86, %get3A_87, %get3A_88] : memref<5x512x128xf32, #tpu.memory_space<vmem>>, vector<1x512x128xf32>
    %get3A_90 = vector.shape_cast %get3A_89 : vector<1x512x128xf32> to vector<512x128xf32>
    %swap3A_91 = arith.constant 0 : index
    %swap3A_92 = arith.constant 1408 : index
    %swap3A_93 = vector.load %arg11[%swap3A_91, %swap3A_92] : memref<512x2304xf32, #tpu.memory_space<vmem>>, vector<512x128xf32>
    tpu.vector_store %arg11[%swap3A_91, %swap3A_92], %get3A_90 {strides = array<i32>} : memref<512x2304xf32, #tpu.memory_space<vmem>>, vector<512x128xf32>,
    %get3A_94 = arith.constant 2 : index
    %get3A_95 = arith.constant 0 : index
    %get3A_96 = arith.constant 0 : index
    %get3A_97 = vector.load %arg2[%get3A_94, %get3A_95, %get3A_96] : memref<5x512x128xf32, #tpu.memory_space<vmem>>, vector<1x512x128xf32>
    %get3A_98 = vector.shape_cast %get3A_97 : vector<1x512x128xf32> to vector<512x128xf32>
    %swap3A_99 = arith.constant 0 : index
    %swap3A_100 = arith.constant 1536 : index
    %swap3A_101 = vector.load %arg11[%swap3A_99, %swap3A_100] : memref<512x2304xf32, #tpu.memory_space<vmem>>, vector<512x128xf32>
    tpu.vector_store %arg11[%swap3A_99, %swap3A_100], %get3A_98 {strides = array<i32>} : memref<512x2304xf32, #tpu.memory_space<vmem>>, vector<512x128xf32>,
    %get3A_102 = arith.constant 3 : index
    %get3A_103 = arith.constant 0 : index
    %get3A_104 = arith.constant 0 : index
    %get3A_105 = vector.load %arg2[%get3A_102, %get3A_103, %get3A_104] : memref<5x512x128xf32, #tpu.memory_space<vmem>>, vector<1x512x128xf32>
    %get3A_106 = vector.shape_cast %get3A_105 : vector<1x512x128xf32> to vector<512x128xf32>
    %swap3A_107 = arith.constant 0 : index
    %swap3A_108 = arith.constant 1664 : index
    %swap3A_109 = vector.load %arg11[%swap3A_107, %swap3A_108] : memref<512x2304xf32, #tpu.memory_space<vmem>>, vector<512x128xf32>
    tpu.vector_store %arg11[%swap3A_107, %swap3A_108], %get3A_106 {strides = array<i32>} : memref<512x2304xf32, #tpu.memory_space<vmem>>, vector<512x128xf32>,
    %get3A_110 = arith.constant 4 : index
    %get3A_111 = arith.constant 0 : index
    %get3A_112 = arith.constant 0 : index
    %get3A_113 = vector.load %arg2[%get3A_110, %get3A_111, %get3A_112] : memref<5x512x128xf32, #tpu.memory_space<vmem>>, vector<1x512x128xf32>
    %get3A_114 = vector.shape_cast %get3A_113 : vector<1x512x128xf32> to vector<512x128xf32>
    %swap3A_115 = arith.constant 0 : index
    %swap3A_116 = arith.constant 1792 : index
    %swap3A_117 = vector.load %arg11[%swap3A_115, %swap3A_116] : memref<512x2304xf32, #tpu.memory_space<vmem>>, vector<512x128xf32>
    tpu.vector_store %arg11[%swap3A_115, %swap3A_116], %get3A_114 {strides = array<i32>} : memref<512x2304xf32, #tpu.memory_space<vmem>>, vector<512x128xf32>,
    %get3A_118 = arith.constant 0 : index
    %get3A_119 = arith.constant 0 : index
    %get3A_120 = arith.constant 0 : index
    %get3A_121 = vector.load %arg3[%get3A_118, %get3A_119, %get3A_120] : memref<3x512x128xf32, #tpu.memory_space<vmem>>, vector<1x512x128xf32>
    %get3A_122 = vector.shape_cast %get3A_121 : vector<1x512x128xf32> to vector<512x128xf32>
    %swap3A_123 = arith.constant 0 : index
    %swap3A_124 = arith.constant 1920 : index
    %swap3A_125 = vector.load %arg11[%swap3A_123, %swap3A_124] : memref<512x2304xf32, #tpu.memory_space<vmem>>, vector<512x128xf32>
    tpu.vector_store %arg11[%swap3A_123, %swap3A_124], %get3A_122 {strides = array<i32>} : memref<512x2304xf32, #tpu.memory_space<vmem>>, vector<512x128xf32>,
    %get3A_126 = arith.constant 1 : index
    %get3A_127 = arith.constant 0 : index
    %get3A_128 = arith.constant 0 : index
    %get3A_129 = vector.load %arg3[%get3A_126, %get3A_127, %get3A_128] : memref<3x512x128xf32, #tpu.memory_space<vmem>>, vector<1x512x128xf32>
    %get3A_130 = vector.shape_cast %get3A_129 : vector<1x512x128xf32> to vector<512x128xf32>
    %swap3A_131 = arith.constant 0 : index
    %swap3A_132 = arith.constant 2048 : index
    %swap3A_133 = vector.load %arg11[%swap3A_131, %swap3A_132] : memref<512x2304xf32, #tpu.memory_space<vmem>>, vector<512x128xf32>
    tpu.vector_store %arg11[%swap3A_131, %swap3A_132], %get3A_130 {strides = array<i32>} : memref<512x2304xf32, #tpu.memory_space<vmem>>, vector<512x128xf32>,
    %get3A_134 = arith.constant 2 : index
    %get3A_135 = arith.constant 0 : index
    %get3A_136 = arith.constant 0 : index
    %get3A_137 = vector.load %arg3[%get3A_134, %get3A_135, %get3A_136] : memref<3x512x128xf32, #tpu.memory_space<vmem>>, vector<1x512x128xf32>
    %get3A_138 = vector.shape_cast %get3A_137 : vector<1x512x128xf32> to vector<512x128xf32>
    %swap3A_139 = arith.constant 0 : index
    %swap3A_140 = arith.constant 2176 : index
    %swap3A_141 = vector.load %arg11[%swap3A_139, %swap3A_140] : memref<512x2304xf32, #tpu.memory_space<vmem>>, vector<512x128xf32>
    tpu.vector_store %arg11[%swap3A_139, %swap3A_140], %get3A_138 {strides = array<i32>} : memref<512x2304xf32, #tpu.memory_space<vmem>>, vector<512x128xf32>,
    %get3A_142 = arith.constant 0 : index
    %get3A_143 = arith.constant 0 : index
    %get3A_144 = vector.load %arg11[%get3A_142, %get3A_143] : memref<512x2304xf32, #tpu.memory_space<vmem>>, vector<512x2304xf32>
    %get3A_145 = arith.constant 0 : index
    %get3A_146 = arith.constant 0 : index
    %get3A_147 = vector.load %arg4[%get3A_145, %get3A_146] : memref<2304x512xf32, #tpu.memory_space<vmem>>, vector<2304x512xf32>
    %dot_general3A = arith.constant dense<0.000000e+00> : vector<512x512xf32>
    %dot_general3A_148 = tpu.matmul %get3A_144, %get3A_147, %dot_general3A {dimension_numbers = #tpu.dot_dimension_numbers<[1], [0], [0], [1], [0, 0, 1, 1], [], []>, transpose_lhs_hint = false} : vector<512x2304xf32>, vector<2304x512xf32>, vector<512x512xf32> -> vector<512x512xf32>
    %get3A_149 = arith.constant 0 : index
    %get3A_150 = arith.constant 0 : index
    %get3A_151 = vector.load %arg5[%get3A_149, %get3A_150] : memref<1x512xf32, #tpu.memory_space<vmem>>, vector<1x512xf32>
    %add3A = vector.broadcast %get3A_151 : vector<1x512xf32> to vector<512x512xf32>
    %add3A_152 = arith.addf %dot_general3A_148, %add3A : vector<512x512xf32>
    %ge3A = arith.constant 0.000000e+00 : f32
    %ge3A_153 = vector.broadcast %ge3A : f32 to vector<512x512xf32>
    %ge3A_154 = arith.cmpf oge, %add3A_152, %ge3A_153 : vector<512x512xf32>
    %mul3A = arith.constant 2.000000e-01 : f32
    %mul3A_155 = vector.broadcast %mul3A : f32 to vector<512x512xf32>
    %mul3A_156 = arith.mulf %mul3A_155, %add3A_152 : vector<512x512xf32>
    %select_n3A = arith.select %ge3A_154, %add3A_152, %mul3A_156 : vector<512x512xi1>, vector<512x512xf32>
    %get3A_157 = arith.constant 0 : index
    %get3A_158 = arith.constant 0 : index
    %get3A_159 = vector.load %arg6[%get3A_157, %get3A_158] : memref<512x256xf32, #tpu.memory_space<vmem>>, vector<512x256xf32>
    %dot_general3A_160 = arith.constant dense<0.000000e+00> : vector<512x256xf32>
    %dot_general3A_161 = tpu.matmul %select_n3A, %get3A_159, %dot_general3A_160 {dimension_numbers = #tpu.dot_dimension_numbers<[1], [0], [0], [1], [0, 0, 1, 1], [], []>, transpose_lhs_hint = false} : vector<512x512xf32>, vector<512x256xf32>, vector<512x256xf32> -> vector<512x256xf32>
    %get3A_162 = arith.constant 0 : index
    %get3A_163 = arith.constant 0 : index
    %get3A_164 = vector.load %arg7[%get3A_162, %get3A_163] : memref<1x256xf32, #tpu.memory_space<vmem>>, vector<1x256xf32>
    %add3A_165 = vector.broadcast %get3A_164 : vector<1x256xf32> to vector<512x256xf32>
    %add3A_166 = arith.addf %dot_general3A_161, %add3A_165 : vector<512x256xf32>
    %ge3A_167 = arith.constant 0.000000e+00 : f32
    %ge3A_168 = vector.broadcast %ge3A_167 : f32 to vector<512x256xf32>
    %ge3A_169 = arith.cmpf oge, %add3A_166, %ge3A_168 : vector<512x256xf32>
    %mul3A_170 = arith.constant 2.000000e-01 : f32
    %mul3A_171 = vector.broadcast %mul3A_170 : f32 to vector<512x256xf32>
    %mul3A_172 = arith.mulf %mul3A_171, %add3A_166 : vector<512x256xf32>
    %select_n3A_173 = arith.select %ge3A_169, %add3A_166, %mul3A_172 : vector<512x256xi1>, vector<512x256xf32>
    %get3A_174 = arith.constant 0 : index
    %get3A_175 = arith.constant 0 : index
    %get3A_176 = vector.load %arg8[%get3A_174, %get3A_175] : memref<256x128xf32, #tpu.memory_space<vmem>>, vector<256x128xf32>
    %dot_general3A_177 = arith.constant dense<0.000000e+00> : vector<512x128xf32>
    %dot_general3A_178 = tpu.matmul %select_n3A_173, %get3A_176, %dot_general3A_177 {dimension_numbers = #tpu.dot_dimension_numbers<[1], [0], [0], [1], [0, 0, 1, 1], [], []>, transpose_lhs_hint = false} : vector<512x256xf32>, vector<256x128xf32>, vector<512x128xf32> -> vector<512x128xf32>
    %get3A_179 = arith.constant 0 : index
    %get3A_180 = arith.constant 0 : index
    %get3A_181 = vector.load %arg9[%get3A_179, %get3A_180] : memref<1x128xf32, #tpu.memory_space<vmem>>, vector<1x128xf32>
    %add3A_182 = vector.broadcast %get3A_181 : vector<1x128xf32> to vector<512x128xf32>
    %add3A_183 = arith.addf %dot_general3A_178, %add3A_182 : vector<512x128xf32>
    %swap3A_184 = arith.constant 0 : index
    %swap3A_185 = arith.constant 0 : index
    %swap3A_186 = vector.load %arg10[%swap3A_184, %swap3A_185] : memref<512x128xf32, #tpu.memory_space<vmem>>, vector<512x128xf32>
    tpu.vector_store %arg10[%swap3A_184, %swap3A_185], %add3A_183 {strides = array<i32>} : memref<512x128xf32, #tpu.memory_space<vmem>>, vector<512x128xf32>,
    return
  }
  func.func @transform_0(%arg0: i32) -> (i32, i32, i32) {
    %c0_i32 = arith.constant 0 : i32
    %c0_i32_0 = arith.constant 0 : i32
    %c0_i32_1 = arith.constant 0 : i32
    return %c0_i32, %arg0, %c0_i32_0 : i32, i32, i32
  }
  func.func @transform_1(%arg0: i32) -> (i32, i32, i32) {
    %c0_i32 = arith.constant 0 : i32
    %c0_i32_0 = arith.constant 0 : i32
    %c0_i32_1 = arith.constant 0 : i32
    return %c0_i32, %arg0, %c0_i32_0 : i32, i32, i32
  }
  func.func @transform_2(%arg0: i32) -> (i32, i32, i32) {
    %c0_i32 = arith.constant 0 : i32
    %c0_i32_0 = arith.constant 0 : i32
    %c0_i32_1 = arith.constant 0 : i32
    return %c0_i32, %arg0, %c0_i32_0 : i32, i32, i32
  }
  func.func @transform_3(%arg0: i32) -> (i32, i32) {
    %c0_i32 = arith.constant 0 : i32
    %c0_i32_0 = arith.constant 0 : i32
    %c0_i32_1 = arith.constant 0 : i32
    return %c0_i32, %c0_i32_0 : i32, i32
  }
  func.func @transform_4(%arg0: i32) -> (i32, i32) {
    %c0_i32 = arith.constant 0 : i32
    %c0_i32_0 = arith.constant 0 : i32
    %c0_i32_1 = arith.constant 0 : i32
    return %c0_i32, %c0_i32_0 : i32, i32
  }
  func.func @transform_5(%arg0: i32) -> (i32, i32) {
    %c0_i32 = arith.constant 0 : i32
    %c0_i32_0 = arith.constant 0 : i32
    %c0_i32_1 = arith.constant 0 : i32
    return %c0_i32, %c0_i32_0 : i32, i32
  }
  func.func @transform_6(%arg0: i32) -> (i32, i32) {
    %c0_i32 = arith.constant 0 : i32
    %c0_i32_0 = arith.constant 0 : i32
    %c0_i32_1 = arith.constant 0 : i32
    return %c0_i32, %c0_i32_0 : i32, i32
  }
  func.func @transform_7(%arg0: i32) -> (i32, i32) {
    %c0_i32 = arith.constant 0 : i32
    %c0_i32_0 = arith.constant 0 : i32
    %c0_i32_1 = arith.constant 0 : i32
    return %c0_i32, %c0_i32_0 : i32, i32
  }
  func.func @transform_8(%arg0: i32) -> (i32, i32) {
    %c0_i32 = arith.constant 0 : i32
    %c0_i32_0 = arith.constant 0 : i32
    %c0_i32_1 = arith.constant 0 : i32
    return %c0_i32, %c0_i32_0 : i32, i32
  }
  func.func @transform_9(%arg0: i32) -> (i32, i32) {
    %c0_i32 = arith.constant 0 : i32
    %c0_i32_0 = arith.constant 0 : i32
    return %arg0, %c0_i32 : i32, i32
  }
}

</mosaic_0001>

<sc_bundles>
// kernel: kernel.6.cloned.1.call-start
scs
__scs_entry_jumppad:
0x0: {  	(pc) =	sbr.rel $0x88, $3  }
0x1: {  	(tag) =	ssettag $0x0;
	lr =	simm.s32 $0x1  }
0x2: {  	[smem:$0x3F97] =	sst lr;
	_ =	strace $0xD0000000  }
0x3: {  	_ = 	snop  }
0x4: {  	_ = 	snop  }
0x5: {  	_ = 	snop  }
0x6: {  	_ = 	snop  }
0x7: {  	_ = 	snop  }
__scs_overlays_trampoline_lowered:
0x8: {  	[smem:$0x3FA6] =	sst s0  }
0x9: {  	[smem:$0x3FA7] =	sst s1  }
0xa: {  	[smem:$0x3FA8] =	sst s2  }
0xb: {  	[smem:$0x3FA9] =	sst s3  }
0xc: {  	[smem:$0x3FAA] =	sst s4  }
0xd: {  	[smem:$0x3FAB] =	sst s5  }
0xe: {  	[smem:$0x3FAC] =	sst s6  }
0xf: {  	[smem:$0x3FAD] =	sst s7  }
0x10: {  	[smem:$0x3FAE] =	sst s8  }
0x11: {  	[smem:$0x3FAF] =	sst s9;
	s0 =	simm.s32 @!p0 $0x0  }
0x12: {  	s1 =	sld [smem:$0x3F95];
	s0 =	simm.s32 @p0 $0x1  }
0x13: {  	[smem:$0x3FB0] =	sst s0;
	s0 =	simm.s32 @!p1 $0x0  }
0x14: {  	s2 =	sld [smem:$0x3F94];
	s0 =	simm.s32 @p1 $0x1  }
0x15: {  	[smem:$0x3FB1] =	sst s0;
	s0 =	simm.s32 @!p2 $0x0  }
0x16: {  	s3 =	sld [smem:$0x3FDB];
	s0 =	simm.s32 @p2 $0x1  }
0x17: {  	s4 =	simm.s32 $0x1BF5;
	[smem:$0x3FB3] =	sst s0  }
0x18: {  	s0 =	sld [smem:$0x3F96];
	_ =	swait.ge [sflag:s4], $0x0  }
0x19: {  	s7 =	sld [smem:$0x3F97]  }
0x1a: {  	s8 =	sadd.s32 $0xFFFFE003, lr  }
0x1b: {  	s9 =	sadd.s32 $0xFFFFFEF7, lr;
	s5 =	simm.s32 $0xFFFFFFFF;
	p2 =	slt.u32 s8, $0xFFFFF086  }
0x1c: {  	p1 =	slt.u32 s9, $0xF7A;
	s5 =	simm.s32 @!p2 $0x0  }
0x1d: {  	s5 =	simm.s32 @p1 $0x1;
	p0 =	seq.s32 s7, s2  }
0x1e: {  	s7 =	smul.u32 @!p0 $0xF7A, s2;
	p2 =	seq.s32 @!p0 s5, $0x0  }
0x1f: {  	s9 =	smul.u32 $0xF7A, s1;
	s8 =	simm.s32 @!p0 $0x1BF5;
	p2 =	por !p2, p0  }
0x20: {  	[sflag:s8] =	ssyncset.s32 @!p0 $0xFFFFF086;
	s6 =	sadd.s32 @!p0 s3, s7;
	s7 =	simm.s32 @!p0 $0x108  }
0x21: {  	s3 =	sadd.s32 s3, s9;
	s6 =	sadd.s32 @!p0 $0x88, s6;
	s7 =	simm.s32 @p2 $0x1082  }
0x22: {  	[simem:s7], [sflag:s8] =	dma.local @!p0 [hbm:s6], $0xF7A  }
0x23: {  	s9 =	sor.u32 $0xD0000000, s2;
	s6 =	simm.s32 $0x108;
	_ =	swait.ge @!p0 [sflag:s8], $0x0  }
0x24: {  	s3 =	sadd.s32 $0x88, s3;
	s6 =	simm.s32 @!p1 $0x1082;
	[sflag:s4] =	ssyncset.s32 $0xFFFFF086  }
0x25: {  	[simem:s6], [sflag:s4] =	dma.local [hbm:s3], $0xF7A  }
0x26: {  	[smem:$0x3F97] =	sst s1;
	(tag) =	ssettag s2;
	_ =	strace s9  }
0x27: {  	s1 =	sld [smem:$0x3FA7]  }
0x28: {  	s2 =	sld [smem:$0x3FA8]  }
0x29: {  	s4 =	sld [smem:$0x3FAA]  }
0x2a: {  	p0 =	seq.s32 s5, $0x0;
	s5 =	sld [smem:$0x3FAB]  }
0x2b: {  	s6 =	sld [smem:$0x3FAC]  }
0x2c: {  	s7 =	sld [smem:$0x3FAD]  }
0x2d: {  	s3 =	simm.s32 $0x108;
	s8 =	sld [smem:$0x3FAE]  }
0x2e: {  	s3 =	simm.s32 @!p0 $0x1082;
	s9 =	sld [smem:$0x3FAF]  }
0x2f: {  	lr =	sadd.s32 s0, s3;
	s0 =	sld [smem:$0x3FA6]  }
0x30: {  	s3 =	sld [smem:$0x3FA9]  }
0x31: {  	[smem:$0x3FB2] =	sst s10  }
0x32: {  	s10 =	sld [smem:$0x3FB0];
	_ =	sdelay $0x3  }
0x33: {  	p0 =	seq.s32 s10, $0x1;
	s10 =	sld [smem:$0x3FB2];
	_ =	sdelay $0x3  }
0x34: {  	[smem:$0x3FB2] =	sst s10  }
0x35: {  	s10 =	sld [smem:$0x3FB1];
	_ =	sdelay $0x3  }
0x36: {  	p1 =	seq.s32 s10, $0x1;
	s10 =	sld [smem:$0x3FB2];
	_ =	sdelay $0x3  }
0x37: {  	[smem:$0x3FB2] =	sst s10  }
0x38: {  	s10 =	sld [smem:$0x3FB3]  }
0x39: {  	_ = 	snop;
	(pc) =	sbr.ind lr, $3  }
0x3a: {  	_ = 	snop  }
0x3b: {  	_ = 	snop  }
0x3c: {  	p2 =	seq.s32 s10, $0x1;
	s10 =	sld [smem:$0x3FB2]  }
0x3d: {  	_ =	shalt  }
0x3e: {  	_ =	shalt  }
0x3f: {  	_ =	shalt  }
0x40: {  	_ =	shalt  }
0x41: {  	_ =	shalt  }
0x42: {  	_ =	shalt  }
0x43: {  	_ =	shalt  }
0x44: {  	_ =	shalt  }
0x45: {  	_ =	shalt  }
0x46: {  	_ =	shalt  }
0x47: {  	_ =	shalt  }
0x48: {  	_ =	shalt  }
0x49: {  	_ =	shalt  }
0x4a: {  	_ =	shalt  }
0x4b: {  	_ =	shalt  }
0x4c: {  	_ =	shalt  }
0x4d: {  	_ =	shalt  }
0x4e: {  	_ =	shalt  }
0x4f: {  	_ =	shalt  }
0x50: {  	_ =	shalt  }
0x51: {  	_ =	shalt  }
0x52: {  	_ =	shalt  }
0x53: {  	_ =	shalt  }
0x54: {  	_ =	shalt  }
0x55: {  	_ =	shalt  }
0x56: {  	_ =	shalt  }
0x57: {  	_ =	shalt  }
0x58: {  	_ =	shalt  }
0x59: {  	_ =	shalt  }
0x5a: {  	_ =	shalt  }
0x5b: {  	_ =	shalt  }
0x5c: {  	_ =	shalt  }
0x5d: {  	_ =	shalt  }
0x5e: {  	_ =	shalt  }
0x5f: {  	_ =	shalt  }
0x60: {  	_ =	shalt  }
0x61: {  	_ =	shalt  }
0x62: {  	_ =	shalt  }
0x63: {  	_ =	shalt  }
0x64: {  	_ =	shalt  }
0x65: {  	_ =	shalt  }
0x66: {  	_ =	shalt  }
0x67: {  	_ =	shalt  }
0x68: {  	_ =	shalt  }
0x69: {  	_ =	shalt  }
0x6a: {  	_ =	shalt  }
0x6b: {  	_ =	shalt  }
0x6c: {  	_ =	shalt  }
0x6d: {  	_ =	shalt  }
0x6e: {  	_ =	shalt  }
0x6f: {  	_ =	shalt  }
0x70: {  	_ =	shalt  }
0x71: {  	_ =	shalt  }
0x72: {  	_ =	shalt  }
0x73: {  	_ =	shalt  }
0x74: {  	_ =	shalt  }
0x75: {  	_ =	shalt  }
0x76: {  	_ =	shalt  }
0x77: {  	_ =	shalt  }
0x78: {  	_ =	shalt  }
0x79: {  	_ =	shalt  }
0x7a: {  	_ =	shalt  }
0x7b: {  	_ =	shalt  }
0x7c: {  	_ =	shalt  }
0x7d: {  	_ =	shalt  }
0x7e: {  	_ =	shalt  }
0x7f: {  	_ =	shalt  }
0x80: {  	_ =	shalt  }
0x81: {  	_ =	shalt  }
0x82: {  	_ =	shalt  }
0x83: {  	_ =	shalt  }
0x84: {  	_ =	shalt  }
0x85: {  	_ =	shalt  }
0x86: {  	_ =	shalt  }
0x87: {  	_ =	shalt  }
.Lfunc_end0:
.L_simem_size_0:
called_computation_lowered:
.L_overlay_start_0:
0x88: {  	s2 =	sld [smem:$0x3FD9]  }
0x89: {  	s3 =	sld [smem:$0x3FFE];
	_ =	sdelay $0x1  }
0x8a: {  	s1 =	srdreg.scid  }
0x8b: {  	s0 =	sand.u32 $0x1, s1  }
0x8c: {  	s17 =	sshll.u32 s0, $0xA;
	s2 =	sadd.s32 s3, s2  }
0x8d: {  	s2 =	sadd.s32 s2, s17  }
0x8e: {  	[smem:$0x3FBE] =	sst s2  }
0x8f: {  	_ = 	snop  }
0x90: {  	s18 =	sld [smem:$0x3FD0];
	(tm) =	ssettm $0x1  }
0x91: {  	s19 =	sld [smem:$0x3FFB];
	_ =	sdelay $0x3  }
0x92: {  	_ =	strace s19  }
0x93: {  	s2 =	sld [smem:$0x3FFC];
	_ =	sdelay $0x3  }
0x94: {  	_ =	strace s2  }
0x95: {  	s2 =	sld [smem:$0x3FFD];
	_ =	sdelay $0x3  }
0x96: {  	_ =	strace s2  }
0x97: {  	_ =	strace $0x8FFFFFFF  }
0x98: {  	s20 =	sld [smem:$0x3FDB];
	_ =	sdelay $0x1  }
0x99: {  	s4 =	simm.s32 $_scs_section_size  }
0x9a: {  	s5 =	simm.s32 $_size__tile_overlayer_lowered;
	s6 =	simm.s32 $_tile_overlayer_lowered  }
0x9b: {  	s7 =	simm.s32 $0x1BFF;
	s21 =	sshll.u32 s6, $0x1;
	s4 =	sadd.s32 s4, s20  }
0x9c: {  	s22 =	simm.s32 $0x0;
	s5 =	sshll.u32 s5, $0x1;
	s6 =	sadd.s32 s21, s4  }
0x9d: {  	[timem:s22], [sflag:s7] =	dma.local [hbm:s6], s5  }
0x9e: {  	_ =	swait.ge [sflag:s7], s5  }
0x9f: {  	s5 =	ssub.s32 $0x0, s5;
	[sflag:s7] =	ssyncset.done $0x0  }
0xa0: {  	[sflag:s7] =	ssyncadd.s32 s5;
	_ =	sdelay $0x1  }
0xa1: {  	s23 =	simm.s32 $0x1B8B  }
0xa2: {  	_ =	swait.ge [sflag:s23], $0x1  }
0xa3: {  	[sflag:s23] =	ssyncset.done $0x0  }
0xa4: {  	[sflag:s23] =	ssyncadd.s32 $0xFFFFFFFF  }
0xa5: {  	s5 =	sld [smem:$0x0]  }
0xa6: {  	s6 =	sand.u32 $0xFFFFFFFE, s1  }
0xa7: {  	p0 =	sne.s32 s1, s6  }
0xa8: {  	s6 =	sshll.u32 @p0 s6, $0xE  }
0xa9: {  	s6 =	sadd.s32 @p0 $0x11B8D, s6;
	s7 =	sshll.u32 @p0 s5, $0x11  }
0xaa: {  	s6 =	sor.u32 @p0 s7, s6  }
0xab: {  	[sflag:s6] =	ssyncadd.remote.s32 @p0 $0x1;
	_ =	sdelay $0x1  }
0xac: {  	s6 =	simm.s32 @p0 $0x1B8D  }
0xad: {  	_ =	swait.eq @p0 [sflag:s6], $0x1  }
0xae: {  	[sflag:s6] =	ssyncadd.s32 @p0 $0xFFFFFFFF  }
0xaf: {  	s7 =	sshll.u32 @!p0 s1, $0xE  }
0xb0: {  	s7 =	sor.u32 @!p0 $0x4000, s7;
	s6 =	simm.s32 @!p0 $0x1B8D  }
0xb1: {  	s5 =	sshll.u32 @!p0 s5, $0x11;
	s7 =	sadd.s32 @!p0 $0x11B8D, s7;
	_ =	swait.eq @!p0 [sflag:s6], $0x1  }
0xb2: {  	s5 =	sor.u32 @!p0 s5, s7;
	[sflag:s6] =	ssyncadd.s32 @!p0 $0xFFFFFFFF  }
0xb3: {  	s25 =	simm.s32 $0x1B8E;
	s24 =	sld [smem:$0x3FFE];
	[sflag:s5] =	ssyncadd.remote.s32 @!p0 $0x1  }
0xb4: {  	s26 =	simm.s32 $execute0_lowered;
	[smem:$0x3FD2] =	sst s25  }
0xb5: {  	s6 =	sshll.u32 s26, $0x1;
	_ =	strace $0x80000049;
	[dreg:$0x1] =	wrdreg $0xFFFFFFFF  }
0xb6: {  	s28 =	simm.s32 $_size_execute0_lowered;
	s4 =	sadd.s32 s4, s6;
	[dreg:$0x0] =	wrdreg $0x0  }
0xb7: {  	s6 =	sshll.u32 s28, $0x1;
	[dreg:$0x2] =	wrdreg s4  }
0xb8: {  	[dreg:$0x3] =	wrdreg s6  }
0xb9: {  	[dreg:$0x4] =	wrdreg $0xC0  }
0xba: {  	_ =	task [dreg:s22], $0x5FFFF  }
0xbb: {  	[dreg:$0x1] =	wrdreg $0xFFFFFFFF  }
0xbc: {  	[dreg:$0x0] =	wrdreg $0x60  }
0xbd: {  	[dreg:$0x2] =	wrdreg s18  }
0xbe: {  	[dreg:$0x3] =	wrdreg s24  }
0xbf: {  	[dreg:$0x4] =	wrdreg $0x9  }
0xc0: {  	_ =	task.clear_ibuf [dreg:s22], $0x5FFFF;
	_ =	strace $0x90000049  }
0xc1: {  	s29 =	simm.s32 $0x9;
	_ =	strace $0x8000004B  }
0xc2: {  	_ =	swait.ge [sflag:s29], $0x1  }
0xc3: {  	[sflag:s29] =	ssyncadd.s32 $0xFFFFFFFF  }
0xc4: {  	_ =	strace $0x9000004B  }
0xc5: {  	_ =	sfence  }
0xc6: {  	s30 =	sld [smem:$0x0];
	_ =	sdelay $0x2  }
0xc7: {  	s31 =	sshll.u32 s1, $0xD;
	s1 =	sshrl.u32 s1, $0x2  }
0xc8: {  	s4 =	sand.u32 $0x4000, s31;
	s1 =	sadd.s32 s1, s30  }
0xc9: {  	s0 =	sor.u32 s4, s0;
	s1 =	sshll.u32 s1, $0x11  }
0xca: {  	s0 =	sor.u32 s1, s0  }
0xcb: {  	s0 =	sadd.s32 $0x8F2B, s0  }
0xcc: {  	[sflag:s0] =	ssyncadd.remote.s32 $0x1  }
0xcd: {  	_ =	sfence.sel $0xFFFF  }
0xce: {  	[dreg:$0x0] =	wrdreg $0xFFFFFFFF;
	(pc) =	sbr.abs _section_cstart, $3  }
0xcf: {  	[dreg:$0x1] =	wrdreg $0xFFFFFFFF  }
0xd0: {  	_ =	task.clear_ibuf [dreg:s22], $0x2FFFF;
	_ =	strace $0x9FFFFFFF  }
0xd1: {  	(tm) =	ssettm $0x7FFFFFFF  }
tec
execute0_lowered:
.L_overlay_start_1:
0x0: {  	(tag) =	ssettag $0x1  }
0x1: {  	s0 =	rddreg [dreg:$0x0]  }
0x2: {  	s1 =	rddreg [dreg:$0x1];
	s2 =	simm.s32 $0x0  }
0x3: {  	s7 =	srdreg.scid;
	s13 =	stileid.u32;
	s28 =	simm.s32 $0x1  }
0x4: {  	s29 =	simm.s32 $0x40;
	[smem:$0x7FF] =	sst s2;
	s2 =	sadd.s32 $0x197800, s1  }
0x5: {  	s31 =	simm.s32 $0x2;
	s3 =	sadd.s32 $0x25AE00, s1;
	s5 =	sadd.s32 $0x2BCA00, s1  }
0x6: {  	s30 =	simm.s32 $0x6;
	s4 =	sadd.s32 $0x45E600, s1;
	s6 =	sadd.s32 $0x59E600, s1  }
0x7: {  	s9 =	sand.u32 $0x1, s7;
	s10 =	sshll.u32 s13, $0x9;
	s7 =	sadd.s32 $0x110E00, s1  }
0x8: {  	s16 =	sadd.s32 $0x45E608, s1;
	s25 =	sshll.u32 s13, $0xD;
	s8 =	ssub.s32 $0x2, s9  }
0x9: {  	_ =	strace $0x8000004A;
	s11 =	sshll.u32 s9, $0x8;
	s12 =	sshrl.u32 s8, $0x1  }
0xa: {  	s9 =	sshll.u32 s9, $0xC;
	s10 =	sor.u32 s11, s10;
	s14 =	ssub.s32 s8, s12  }
0xb: {  	s15 =	sshrl.u32 s10, $0x3;
	s8 =	sshll.u32 s10, $0x4;
	s12 =	simm.s32 $0x8  }
0xc: {  	s0 =	sadd.s32 s0, s15;
	s10 =	sor.u32 $0x800, s8;
	s17 =	smax.u32 s14, $0x1  }
0xd: {  	s18 =	sadd.s32 s4, s8;
	s20 =	sadd.s32 s8, s16;
	[dreg:$0x3] =	wrdreg s0  }
0xe: {  	s22 =	sor.u32 $0x120000, s8;
	s24 =	sor.u32 $0x120800, s8;
	[dreg:$0x4] =	wrdreg s17  }
0xf: {  	s14 =	simm.s32 $0xC400;
	s15 =	simm.s32 $0xD400;
	[dreg:$0x5] =	wrdreg s18  }
0x10: {  	s19 =	sadd.s32 s4, s10;
	[dreg:$0x7] =	wrdreg s20;
	s21 =	sadd.s32 s10, s16  }
0x11: {  	s23 =	sadd.s32 s4, s22;
	s26 =	sadd.s32 s4, s24;
	[dreg:$0x6] =	wrdreg s19  }
0x12: {  	s4 =	sadd.s32 s25, s4;
	s1 =	sadd.s32 s22, s16;
	[dreg:$0x8] =	wrdreg s21  }
0x13: {  	s0 =	sadd.s32 s24, s16;
	s24 =	simm.s32 $0x80;
	[dreg:$0x9] =	wrdreg s23  }
0x14: {  	s20 =	simm.s32 $0x5400;
	s25 =	simm.s32 $0x9400;
	[dreg:$0xa] =	wrdreg s26  }
0x15: {  	s22 =	simm.s32 $0x3;
	s16 =	simm.s32 $0xE400;
	[dreg:$0xb] =	wrdreg s1  }
0x16: {  	[dreg:$0xc] =	wrdreg s0;
	s9 =	sadd.s32 s9, s4;
	s19 =	simm.s32 $0x3400  }
0x17: {  	s23 =	simm.s32 $0x7400;
	s26 =	simm.s32 $0x5;
	s1 =	simm.s32 $0x4  }
0x18: {  	s21 =	simm.s32 $0x20;
	s4 =	simm.s32 $0x0;
	[dreg:$0xd] =	wrdreg s9  }
.LBB2_1:
0x19: {  	[dreg:$0xe] =	wrdreg s4  }
0x1a: {  	s0 =	simm.s32 $0x0;
	s17 =	rddreg [dreg:$0x3]  }
0x1b: {  	s11 =	simm.s32 $0x100;
	s13 =	simm.s32 $0x2000;
	s18 =	simm.s32 $0x9  }
0x1c: {  	[tilespmem:s0], [sflag:$0x9] =	stream.strided.gather [hbm4b:s17+s11], $0x3400, s13, s11, $0x38;
	[tilespmem:$0xF400] =	vst v63  }
0x1d: {  	_ =	swait.ge [sflag:s18], $0x3400  }
0x1e: {  	[sflag:s18] =	ssyncset.done $0x0  }
0x1f: {  	[sflag:s18] =	ssyncadd.s32 $0xFFFFCC00  }
0x20: {  	[tilespmem:s19], [sflag:$0x1] =	stream.indirect.gather [hbm4b:s2+s24], $0x40, s0, s24, $0xb8;
	[tilespmem:$0xF400] =	vst v63  }
0x21: {  	_ = 	snop  }
0x22: {  	[tilespmem:s20], [sflag:$0x2] =	stream.indirect.gather [hbm4b:s2+s24], $0x40, s24, s24, $0xb8;
	[tilespmem:$0xF400] =	vst v63  }
0x23: {  	_ =	swait.ge [sflag:s28], $0x2000  }
0x24: {  	[sflag:s28] =	ssyncset.done $0x0  }
0x25: {  	s13 =	rddreg [dreg:$0x5];
	[sflag:s28] =	ssyncadd.s32 $0xFFFFE000  }
0x26: {  	[hbm4b:s13+s29] =	stream.strided.scatter [tilespmem:s19], [sflag:$0x5], $0x2000, s24, s29, $0x38;
	[tilespmem:$0xF400] =	vst v63  }
0x27: {  	_ = 	snop  }
0x28: {  	[tilespmem:s23], [sflag:$0x3] =	stream.indirect.gather [hbm4b:s2+s24], $0x40, s11, s24, $0xb8;
	[tilespmem:$0xF400] =	vst v63  }
0x29: {  	_ =	swait.ge [sflag:s31], $0x2000  }
0x2a: {  	[sflag:s31] =	ssyncset.done $0x0  }
0x2b: {  	s17 =	rddreg [dreg:$0x6];
	[sflag:s31] =	ssyncadd.s32 $0xFFFFE000  }
0x2c: {  	[hbm4b:s17+s29] =	stream.strided.scatter [tilespmem:s20], [sflag:$0x6], $0x2000, s24, s29, $0x38;
	[tilespmem:$0xF400] =	vst v63  }
0x2d: {  	s18 =	simm.s32 $0x180  }
0x2e: {  	[tilespmem:s25], [sflag:$0x4] =	stream.indirect.gather [hbm4b:s2+s24], $0x40, s18, s24, $0xb8;
	[tilespmem:$0xF400] =	vst v63  }
0x2f: {  	_ =	swait.ge [sflag:s22], $0x2000  }
0x30: {  	[sflag:s22] =	ssyncset.done $0x0  }
0x31: {  	s4 =	rddreg [dreg:$0x7];
	[sflag:s22] =	ssyncadd.s32 $0xFFFFE000  }
0x32: {  	[hbm4b:s4+s29] =	stream.strided.scatter [tilespmem:s23], [sflag:$0x7], $0x2000, s24, s29, $0x38;
	[tilespmem:$0xF400] =	vst v63  }
0x33: {  	_ =	swait.ge [sflag:s26], $0x2000  }
0x34: {  	[sflag:s26] =	ssyncset.done $0x0  }
0x35: {  	s13 =	simm.s32 $0x200;
	[sflag:s26] =	ssyncadd.s32 $0xFFFFE000  }
0x36: {  	[tilespmem:s19], [sflag:$0x1] =	stream.indirect.gather [hbm4b:s2+s24], $0x40, s13, s24, $0xb8;
	[tilespmem:$0xF400] =	vst v63  }
0x37: {  	_ =	swait.ge [sflag:s1], $0x2000  }
0x38: {  	[sflag:s1] =	ssyncset.done $0x0  }
0x39: {  	s17 =	rddreg [dreg:$0x8];
	[sflag:s1] =	ssyncadd.s32 $0xFFFFE000  }
0x3a: {  	[hbm4b:s17+s29] =	stream.strided.scatter [tilespmem:s25], [sflag:$0x8], $0x2000, s24, s29, $0x38;
	[tilespmem:$0xF400] =	vst v63  }
0x3b: {  	_ =	swait.ge [sflag:s30], $0x2000  }
0x3c: {  	[sflag:s30] =	ssyncset.done $0x0  }
0x3d: {  	s18 =	simm.s32 $0x280;
	[sflag:s30] =	ssyncadd.s32 $0xFFFFE000  }
0x3e: {  	[tilespmem:s20], [sflag:$0x2] =	stream.indirect.gather [hbm4b:s2+s24], $0x40, s18, s24, $0xb8;
	[tilespmem:$0xF400] =	vst v63  }
0x3f: {  	_ =	swait.ge [sflag:s28], $0x2000  }
0x40: {  	s4 =	sadd.s32 $0x0, s9;
	[sflag:s28] =	ssyncset.done $0x0  }
0x41: {  	s11 =	simm.s32 $0x7;
	s0 =	sadd.s32 $0x20000, s4;
	[sflag:s28] =	ssyncadd.s32 $0xFFFFE000  }
0x42: {  	[hbm4b:s0+s29] =	stream.strided.scatter [tilespmem:s19], [sflag:$0x5], $0x2000, s24, s29, $0x38;
	[tilespmem:$0xF400] =	vst v63  }
0x43: {  	_ =	swait.ge [sflag:s11], $0x2000  }
0x44: {  	[sflag:s11] =	ssyncset.done $0x0  }
0x45: {  	s17 =	simm.s32 $0x300;
	[sflag:s11] =	ssyncadd.s32 $0xFFFFE000  }
0x46: {  	[tilespmem:s23], [sflag:$0x3] =	stream.indirect.gather [hbm4b:s2+s24], $0x40, s17, s24, $0xb8;
	[tilespmem:$0xF400] =	vst v63  }
0x47: {  	_ =	swait.ge [sflag:s31], $0x2000  }
0x48: {  	[sflag:s31] =	ssyncset.done $0x0  }
0x49: {  	s18 =	sadd.s32 $0x20800, s4;
	[sflag:s31] =	ssyncadd.s32 $0xFFFFE000  }
0x4a: {  	[hbm4b:s18+s29] =	stream.strided.scatter [tilespmem:s20], [sflag:$0x6], $0x2000, s24, s29, $0x38;
	[tilespmem:$0xF400] =	vst v63  }
0x4b: {  	_ =	swait.ge [sflag:s12], $0x2000  }
0x4c: {  	[sflag:s12] =	ssyncset.done $0x0  }
0x4d: {  	s0 =	simm.s32 $0x380;
	[sflag:s12] =	ssyncadd.s32 $0xFFFFE000  }
0x4e: {  	[tilespmem:s25], [sflag:$0x4] =	stream.indirect.gather [hbm4b:s2+s24], $0x40, s0, s24, $0xb8;
	[tilespmem:$0xF400] =	vst v63  }
0x4f: {  	_ =	swait.ge [sflag:s22], $0x2000  }
0x50: {  	[sflag:s22] =	ssyncset.done $0x0  }
0x51: {  	s17 =	sadd.s32 $0x20008, s4;
	[sflag:s22] =	ssyncadd.s32 $0xFFFFE000  }
0x52: {  	[hbm4b:s17+s29] =	stream.strided.scatter [tilespmem:s23], [sflag:$0x7], $0x2000, s24, s29, $0x38;
	[tilespmem:$0xF400] =	vst v63  }
0x53: {  	_ =	swait.ge [sflag:s26], $0x2000  }
0x54: {  	[sflag:s26] =	ssyncset.done $0x0  }
0x55: {  	s18 =	simm.s32 $0x400;
	[sflag:s26] =	ssyncadd.s32 $0xFFFFE000  }
0x56: {  	[tilespmem:s19], [sflag:$0x1] =	stream.indirect.gather [hbm4b:s2+s24], $0x40, s18, s24, $0xb8;
	[tilespmem:$0xF400] =	vst v63  }
0x57: {  	_ =	swait.ge [sflag:s1], $0x2000  }
0x58: {  	s4 =	sadd.s32 $0x20808, s4;
	[sflag:s1] =	ssyncset.done $0x0  }
0x59: {  	s17 =	simm.s32 $0x20000;
	s18 =	simm.s32 $0x600;
	[sflag:s1] =	ssyncadd.s32 $0xFFFFE000  }
.LBB2_2:
0x5a: {  	[hbm4b:s4+s29] =	stream.strided.scatter [tilespmem:s25], [sflag:$0x8], $0x2000, s24, s29, $0x38;
	[tilespmem:$0xF400] =	vst v63  }
0x5b: {  	s4 =	smov.u32 s17  }
0x5c: {  	p0 =	sne.s32 s17, $0xE0000;
	s17 =	sadd.s32 $0x20000, s17;
	_ =	swait.ge [sflag:s30], $0x2000  }
0x5d: {  	[sflag:s30] =	ssyncset.done $0x0  }
0x5e: {  	s13 =	sadd.s32 $0xFFFFFE80, s18;
	[sflag:s30] =	ssyncadd.s32 $0xFFFFE000  }
0x5f: {  	[tilespmem:s20], [sflag:$0x2] =	stream.indirect.gather [hbm4b:s2+s24], $0x40, s13, s24, $0xb8;
	[tilespmem:$0xF400] =	vst v63  }
0x60: {  	_ =	swait.ge [sflag:s28], $0x2000  }
0x61: {  	s4 =	sadd.s32 s4, s9;
	[sflag:s28] =	ssyncset.done $0x0  }
0x62: {  	s13 =	sadd.s32 $0x20000, s4;
	[sflag:s28] =	ssyncadd.s32 $0xFFFFE000  }
0x63: {  	[hbm4b:s13+s29] =	stream.strided.scatter [tilespmem:s19], [sflag:$0x5], $0x2000, s24, s29, $0x38;
	[tilespmem:$0xF400] =	vst v63  }
0x64: {  	_ =	swait.ge [sflag:s11], $0x2000  }
0x65: {  	[sflag:s11] =	ssyncset.done $0x0  }
0x66: {  	s13 =	sadd.s32 $0xFFFFFF00, s18;
	[sflag:s11] =	ssyncadd.s32 $0xFFFFE000  }
0x67: {  	[tilespmem:s23], [sflag:$0x3] =	stream.indirect.gather [hbm4b:s2+s24], $0x40, s13, s24, $0xb8;
	[tilespmem:$0xF400] =	vst v63  }
0x68: {  	_ =	swait.ge [sflag:s31], $0x2000  }
0x69: {  	[sflag:s31] =	ssyncset.done $0x0  }
0x6a: {  	s13 =	sadd.s32 $0x20800, s4;
	[sflag:s31] =	ssyncadd.s32 $0xFFFFE000  }
0x6b: {  	[hbm4b:s13+s29] =	stream.strided.scatter [tilespmem:s20], [sflag:$0x6], $0x2000, s24, s29, $0x38;
	[tilespmem:$0xF400] =	vst v63  }
0x6c: {  	_ =	swait.ge [sflag:s12], $0x2000  }
0x6d: {  	[sflag:s12] =	ssyncset.done $0x0  }
0x6e: {  	s13 =	sadd.s32 $0xFFFFFF80, s18;
	[sflag:s12] =	ssyncadd.s32 $0xFFFFE000  }
0x6f: {  	[tilespmem:s25], [sflag:$0x4] =	stream.indirect.gather [hbm4b:s2+s24], $0x40, s13, s24, $0xb8;
	[tilespmem:$0xF400] =	vst v63  }
0x70: {  	_ =	swait.ge [sflag:s22], $0x2000  }
0x71: {  	[sflag:s22] =	ssyncset.done $0x0  }
0x72: {  	s13 =	sadd.s32 $0x20008, s4;
	[sflag:s22] =	ssyncadd.s32 $0xFFFFE000  }
0x73: {  	[hbm4b:s13+s29] =	stream.strided.scatter [tilespmem:s23], [sflag:$0x7], $0x2000, s24, s29, $0x38;
	[tilespmem:$0xF400] =	vst v63  }
0x74: {  	_ =	swait.ge [sflag:s26], $0x2000  }
0x75: {  	[sflag:s26] =	ssyncset.done $0x0  }
.Ltmp0:
0x76: {  	[sflag:s26] =	ssyncadd.s32 $0xFFFFE000;
	(pc) =	sbr.rel @p0 .LBB2_2-.Ltmp0, $4  }
0x77: {  	[tilespmem:s19], [sflag:$0x1] =	stream.indirect.gather [hbm4b:s2+s24], $0x40, s18, s24, $0xb8;
	[tilespmem:$0xF400] =	vst v63  }
0x78: {  	_ =	swait.ge [sflag:s1], $0x2000  }
0x79: {  	[sflag:s1] =	ssyncset.done $0x0  }
0x7a: {  	s4 =	sadd.s32 $0x20808, s4;
	s18 =	sadd.s32 $0x200, s18;
	[sflag:s1] =	ssyncadd.s32 $0xFFFFE000  }
0x7b: {  	[hbm4b:s4+s29] =	stream.strided.scatter [tilespmem:s25], [sflag:$0x8], $0x2000, s24, s29, $0x38;
	[tilespmem:$0xF400] =	vst v63  }
0x7c: {  	s9 =	simm.s32 $0x6  }
0x7d: {  	_ =	swait.ge [sflag:s9], $0x2000  }
0x7e: {  	[sflag:s9] =	ssyncset.done $0x0  }
0x7f: {  	s0 =	simm.s32 $0x1280;
	[sflag:s9] =	ssyncadd.s32 $0xFFFFE000  }
0x80: {  	[tilespmem:s20], [sflag:$0x2] =	stream.indirect.gather [hbm4b:s2+s24], $0x40, s0, s24, $0xb8;
	[tilespmem:$0xF400] =	vst v63  }
0x81: {  	_ =	swait.ge [sflag:s28], $0x2000  }
0x82: {  	[sflag:s28] =	ssyncset.done $0x0  }
0x83: {  	s4 =	rddreg [dreg:$0x9];
	[sflag:s28] =	ssyncadd.s32 $0xFFFFE000  }
0x84: {  	[hbm4b:s4+s29] =	stream.strided.scatter [tilespmem:s19], [sflag:$0x5], $0x2000, s24, s29, $0x38;
	[tilespmem:$0xF400] =	vst v63  }
0x85: {  	_ =	swait.ge [sflag:s11], $0x2000  }
0x86: {  	[sflag:s11] =	ssyncset.done $0x0  }
0x87: {  	s13 =	simm.s32 $0x1300;
	[sflag:s11] =	ssyncadd.s32 $0xFFFFE000  }
0x88: {  	[tilespmem:s23], [sflag:$0x3] =	stream.indirect.gather [hbm4b:s2+s24], $0x40, s13, s24, $0xb8;
	[tilespmem:$0xF400] =	vst v63  }
0x89: {  	_ =	swait.ge [sflag:s31], $0x2000  }
0x8a: {  	[sflag:s31] =	ssyncset.done $0x0  }
0x8b: {  	s17 =	rddreg [dreg:$0xa];
	[sflag:s31] =	ssyncadd.s32 $0xFFFFE000  }
0x8c: {  	[hbm4b:s17+s29] =	stream.strided.scatter [tilespmem:s20], [sflag:$0x6], $0x2000, s24, s29, $0x38;
	[tilespmem:$0xF400] =	vst v63  }
0x8d: {  	_ =	swait.ge [sflag:s12], $0x2000  }
0x8e: {  	[sflag:s12] =	ssyncset.done $0x0  }
0x8f: {  	s18 =	simm.s32 $0x1380;
	[sflag:s12] =	ssyncadd.s32 $0xFFFFE000  }
0x90: {  	[tilespmem:s25], [sflag:$0x4] =	stream.indirect.gather [hbm4b:s2+s24], $0x40, s18, s24, $0xb8;
	[tilespmem:$0xF400] =	vst v63  }
0x91: {  	_ =	swait.ge [sflag:s22], $0x2000  }
0x92: {  	[sflag:s22] =	ssyncset.done $0x0  }
0x93: {  	s19 =	rddreg [dreg:$0xb];
	[sflag:s22] =	ssyncadd.s32 $0xFFFFE000  }
0x94: {  	[hbm4b:s19+s29] =	stream.strided.scatter [tilespmem:s23], [sflag:$0x7], $0x2000, s24, s29, $0x38;
	[tilespmem:$0xF400] =	vst v63  }
0x95: {  	_ =	swait.ge [sflag:s1], $0x2000  }
0x96: {  	[sflag:s1] =	ssyncset.done $0x0  }
0x97: {  	s20 =	rddreg [dreg:$0xc];
	[sflag:s1] =	ssyncadd.s32 $0xFFFFE000  }
0x98: {  	[hbm4b:s20+s29] =	stream.strided.scatter [tilespmem:s25], [sflag:$0x8], $0x2000, s24, s29, $0x38;
	[tilespmem:$0xF400] =	vst v63  }
0x99: {  	_ =	swait.ge [sflag:s26], $0x2000  }
0x9a: {  	[sflag:s26] =	ssyncset.done $0x0  }
0x9b: {  	[sflag:s26] =	ssyncadd.s32 $0xFFFFE000  }
0x9c: {  	_ =	swait.ge [sflag:s9], $0x2000  }
0x9d: {  	[sflag:s9] =	ssyncset.done $0x0  }
0x9e: {  	[sflag:s9] =	ssyncadd.s32 $0xFFFFE000  }
0x9f: {  	_ =	swait.ge [sflag:s11], $0x2000  }
0xa0: {  	[sflag:s11] =	ssyncset.done $0x0  }
0xa1: {  	[sflag:s11] =	ssyncadd.s32 $0xFFFFE000  }
0xa2: {  	p0 =	por $0x1, $0x1;
	_ =	swait.ge [sflag:s12], $0x2000  }
0xa3: {  	s4 =	simm.s32 @!p0 $0x6;
	[sflag:s12] =	ssyncset.done $0x0  }
0xa4: {  	s23 =	simm.s32 $0x1400;
	[sflag:s12] =	ssyncadd.s32 $0xFFFFE000;
	s12 =	simm.s32 $0xB400  }
0xa5: {  	[tilespmem:s12], [sflag:$0x1] =	stream.indirect.gather [hbm4b:s3+s24], $0x20, s23, s24, $0xb8;
	[tilespmem:$0xF400] =	vst v63  }
0xa6: {  	_ =	swait.ge @!p0 [sflag:s4], $0x1000  }
0xa7: {  	p1 =	por $0x1, $0x1;
	s13 =	simm.s32 $0x0;
	[sflag:s4] =	ssyncset.done @!p0 $0x0  }
0xa8: {  	s17 =	simm.s32 $0x0;
	s25 =	simm.s32 $0x1480;
	[sflag:s4] =	ssyncadd.s32 @!p0 $0xFFFFF000  }
0xa9: {  	[tilespmem:s14], [sflag:$0x2] =	stream.indirect.gather [hbm4b:s3+s24], $0x20, s25, s24, $0xb8;
	[tilespmem:$0xF400] =	vst v63  }
0xaa: {  	s0 =	sand.u32 $0x8, s17;
	s26 =	sand.u32 $0xE0000, s13;
	_ =	swait.ge [sflag:s28], $0x1000  }
0xab: {  	s17 =	sadd.s32 s6, s0;
	s11 =	sor.u32 s8, s26;
	[sflag:s28] =	ssyncset.done $0x0  }
0xac: {  	s18 =	simm.s32 @!p1 $0x7;
	s17 =	sadd.s32 s11, s17;
	[sflag:s28] =	ssyncadd.s32 $0xFFFFF000  }
0xad: {  	[hbm4b:s17+s21] =	stream.strided.scatter [tilespmem:s12], [sflag:$0x5], $0x1000, s24, s21, $0x38;
	[tilespmem:$0xF400] =	vst v63  }
0xae: {  	_ =	swait.ge @!p1 [sflag:s18], $0x1000  }
0xaf: {  	[sflag:s18] =	ssyncset.done @!p1 $0x0  }
0xb0: {  	s20 =	simm.s32 $0x1500;
	[sflag:s18] =	ssyncadd.s32 @!p1 $0xFFFFF000  }
0xb1: {  	[tilespmem:s15], [sflag:$0x3] =	stream.indirect.gather [hbm4b:s3+s24], $0x20, s20, s24, $0xb8;
	[tilespmem:$0xF400] =	vst v63  }
0xb2: {  	s4 =	sor.u32 s10, s26;
	_ =	swait.ge [sflag:s31], $0x1000  }
0xb3: {  	p2 =	por $0x0, $0x0;
	s25 =	sadd.s32 s6, s4;
	[sflag:s31] =	ssyncset.done $0x0  }
0xb4: {  	s13 =	simm.s32 @!p0 $0x8;
	s4 =	sadd.s32 s0, s25;
	[sflag:s31] =	ssyncadd.s32 $0xFFFFF000  }
0xb5: {  	[hbm4b:s4+s21] =	stream.strided.scatter [tilespmem:s14], [sflag:$0x6], $0x1000, s24, s21, $0x38;
	[tilespmem:$0xF400] =	vst v63  }
0xb6: {  	s19 =	simm.s32 @!p2 $0x5;
	_ =	swait.ge @!p0 [sflag:s13], $0x1000  }
0xb7: {  	s23 =	simm.s32 $0x1580;
	s26 =	simm.s32 $0x4;
	[sflag:s13] =	ssyncset.done @!p0 $0x0  }
0xb8: {  	s0 =	sadd.s32 s6, s11;
	s11 =	sand.u32 $0xC, s9;
	[sflag:s13] =	ssyncadd.s32 @!p0 $0xFFFFF000  }
0xb9: {  	[tilespmem:s16], [sflag:$0x4] =	stream.indirect.gather [hbm4b:s3+s24], $0x20, s23, s24, $0xb8;
	[tilespmem:$0xF400] =	vst v63  }
0xba: {  	s30 =	sadd.s32 s11, s25;
	s17 =	simm.s32 $0x1000;
	_ =	swait.ge [sflag:s22], $0x1000  }
0xbb: {  	s18 =	simm.s32 $0x800;
	s4 =	sand.u32 $0xC, s26;
	[sflag:s22] =	ssyncset.done $0x0  }
0xbc: {  	s20 =	simm.s32 $0x0;
	s4 =	sadd.s32 s4, s0;
	[sflag:s22] =	ssyncadd.s32 $0xFFFFF000  }
0xbd: {  	[hbm4b:s4+s21] =	stream.strided.scatter [tilespmem:s15], [sflag:$0x7], $0x1000, s24, s21, $0x38;
	[tilespmem:$0xF400] =	vst v63  }
0xbe: {  	s26 =	simm.s32 @!p2 $0x1600;
	s13 =	simm.s32 @!p2 $0xB400;
	_ =	swait.ge @!p2 [sflag:s19], $0x1000  }
0xbf: {  	p0 =	por $0x0, $0x0;
	s23 =	simm.s32 $0x10000;
	[sflag:s19] =	ssyncset.done @!p2 $0x0  }
0xc0: {  	s4 =	simm.s32 @!p2 $0x80;
	[sflag:s19] =	ssyncadd.s32 @!p2 $0xFFFFF000;
	s19 =	simm.s32 $0xE  }
.LBB2_4:
0xc1: {  	[tilespmem:s13], [sflag:$0x1] =	stream.indirect.gather @!p2 [hbm4b:s3+s4], $0x20, s26, s4, $0xb8;
	[tilespmem:$0xF400] =	vst v63  }
0xc2: {  	s26 =	smov.u32 s18;
	s18 =	smov.u32 s17;
	s25 =	smov.u32 s19  }
0xc3: {  	s17 =	sadd.s32 $0x800, s17;
	_ =	swait.ge [sflag:s1], $0x1000  }
0xc4: {  	s4 =	simm.s32 @!p0 $0x6;
	p1 =	sne.s32 s17, $0x5000;
	[sflag:s1] =	ssyncset.done $0x0  }
0xc5: {  	p2 =	sgt.u32 s20, $0x23;
	s13 =	sshra.s32 s26, $0x2;
	[sflag:s1] =	ssyncadd.s32 $0xFFFFF000  }
0xc6: {  	[hbm4b:s30+s21] =	stream.strided.scatter [tilespmem:s16], [sflag:$0x8], $0x1000, s24, s21, $0x38;
	[tilespmem:$0xF400] =	vst v63  }
0xc7: {  	s30 =	sadd.s32 $0xFFFFFFFA, s19;
	_ =	swait.ge @!p0 [sflag:s4], $0x1000  }
0xc8: {  	s0 =	sand.u32 $0xE0000, s23;
	s30 =	sand.u32 $0x8, s30;
	[sflag:s4] =	ssyncset.done @!p0 $0x0  }
0xc9: {  	s9 =	sadd.s32 s6, s30;
	[sflag:s4] =	ssyncadd.s32 @!p0 $0xFFFFF000;
	s4 =	sadd.s32 $0x1480, s13  }
0xca: {  	[tilespmem:s14], [sflag:$0x2] =	stream.indirect.gather [hbm4b:s3+s24], $0x20, s4, s24, $0xb8;
	[tilespmem:$0xF400] =	vst v63  }
0xcb: {  	s4 =	sor.u32 s8, s0;
	_ =	swait.ge [sflag:s28], $0x1000  }
0xcc: {  	s9 =	sadd.s32 s4, s9;
	[sflag:s28] =	ssyncset.done $0x0  }
0xcd: {  	s11 =	simm.s32 @!p2 $0x7;
	[sflag:s28] =	ssyncadd.s32 $0xFFFFF000  }
0xce: {  	[hbm4b:s9+s21] =	stream.strided.scatter [tilespmem:s12], [sflag:$0x5], $0x1000, s24, s21, $0x38;
	[tilespmem:$0xF400] =	vst v63  }
0xcf: {  	_ =	swait.ge @!p2 [sflag:s11], $0x1000  }
0xd0: {  	s0 =	sor.u32 s10, s0;
	[sflag:s11] =	ssyncset.done @!p2 $0x0  }
0xd1: {  	s0 =	sadd.s32 s6, s0;
	s9 =	sadd.s32 $0x1500, s13;
	[sflag:s11] =	ssyncadd.s32 @!p2 $0xFFFFF000  }
0xd2: {  	[tilespmem:s15], [sflag:$0x3] =	stream.indirect.gather [hbm4b:s3+s24], $0x20, s9, s24, $0xb8;
	[tilespmem:$0xF400] =	vst v63  }
0xd3: {  	s9 =	sadd.s32 s30, s0;
	_ =	swait.ge [sflag:s31], $0x1000  }
0xd4: {  	[sflag:s31] =	ssyncset.done $0x0  }
0xd5: {  	s11 =	simm.s32 @!p0 $0x8;
	[sflag:s31] =	ssyncadd.s32 $0xFFFFF000  }
0xd6: {  	[hbm4b:s9+s21] =	stream.strided.scatter [tilespmem:s14], [sflag:$0x6], $0x1000, s24, s21, $0x38;
	[tilespmem:$0xF400] =	vst v63  }
0xd7: {  	s23 =	sadd.s32 $0x10000, s23;
	p2 =	seq.s32 s26, $0x4800;
	_ =	swait.ge @!p0 [sflag:s11], $0x1000  }
0xd8: {  	s4 =	sadd.s32 s6, s4;
	s9 =	sadd.s32 $0xFFFFFFFE, s19;
	[sflag:s11] =	ssyncset.done @!p0 $0x0  }
0xd9: {  	s9 =	sand.u32 $0xC, s9;
	[sflag:s11] =	ssyncadd.s32 @!p0 $0xFFFFF000;
	s11 =	sadd.s32 $0x1580, s13  }
0xda: {  	[tilespmem:s16], [sflag:$0x4] =	stream.indirect.gather [hbm4b:s3+s24], $0x20, s11, s24, $0xb8;
	[tilespmem:$0xF400] =	vst v63  }
0xdb: {  	s13 =	sshra.s32 @!p2 s26, $0x2;
	s11 =	simm.s32 @!p2 $0x5;
	_ =	swait.ge [sflag:s22], $0x1000  }
0xdc: {  	s20 =	sadd.s32 $0x4, s20;
	s4 =	sadd.s32 s9, s4;
	[sflag:s22] =	ssyncset.done $0x0  }
.Ltmp1:
0xdd: {  	s26 =	sadd.s32 @!p2 $0x1600, s13;
	[sflag:s22] =	ssyncadd.s32 $0xFFFFF000;
	(pc) =	sbr.rel @p1 .LBB2_4-.Ltmp1, $4  }
0xde: {  	[hbm4b:s4+s21] =	stream.strided.scatter [tilespmem:s15], [sflag:$0x7], $0x1000, s24, s21, $0x38;
	[tilespmem:$0xF400] =	vst v63  }
0xdf: {  	s19 =	sadd.s32 $0x8, s19;
	s4 =	simm.s32 @!p2 $0x80;
	_ =	swait.ge @!p2 [sflag:s11], $0x1000  }
0xe0: {  	s9 =	sand.u32 $0xC, s25;
	s13 =	simm.s32 @!p2 $0xB400;
	[sflag:s11] =	ssyncset.done @!p2 $0x0  }
0xe1: {  	p0 =	seq.s32 s18, $0x0;
	s30 =	sadd.s32 s9, s0;
	[sflag:s11] =	ssyncadd.s32 @!p2 $0xFFFFF000  }
0xe2: {  	[tilespmem:s13], [sflag:$0x1] =	stream.indirect.gather @!p2 [hbm4b:s3+s4], $0x20, s26, s4, $0xb8;
	[tilespmem:$0xF400] =	vst v63  }
0xe3: {  	_ =	swait.ge [sflag:s1], $0x1000  }
0xe4: {  	[sflag:s1] =	ssyncset.done $0x0  }
0xe5: {  	s0 =	simm.s32 @!p0 $0x6;
	[sflag:s1] =	ssyncadd.s32 $0xFFFFF000  }
0xe6: {  	[hbm4b:s30+s21] =	stream.strided.scatter [tilespmem:s16], [sflag:$0x8], $0x1000, s24, s21, $0x38;
	[tilespmem:$0xF400] =	vst v63  }
0xe7: {  	_ =	swait.ge @!p0 [sflag:s0], $0x1000  }
0xe8: {  	s13 =	sshra.s32 s18, $0x2;
	p1 =	sgt.u32 s20, $0x23;
	[sflag:s0] =	ssyncset.done @!p0 $0x0  }
0xe9: {  	s9 =	sadd.s32 $0xFFFFFFFA, s19;
	s20 =	sadd.s32 $0x1480, s13;
	[sflag:s0] =	ssyncadd.s32 @!p0 $0xFFFFF000  }
0xea: {  	[tilespmem:s14], [sflag:$0x2] =	stream.indirect.gather [hbm4b:s3+s24], $0x20, s20, s24, $0xb8;
	[tilespmem:$0xF400] =	vst v63  }
0xeb: {  	s25 =	sand.u32 $0xE0000, s23;
	s9 =	sand.u32 $0x8, s9;
	_ =	swait.ge [sflag:s28], $0x1000  }
0xec: {  	s26 =	sor.u32 s8, s25;
	s11 =	sadd.s32 s6, s9;
	[sflag:s28] =	ssyncset.done $0x0  }
0xed: {  	s17 =	simm.s32 @!p1 $0x7;
	s11 =	sadd.s32 s26, s11;
	[sflag:s28] =	ssyncadd.s32 $0xFFFFF000  }
0xee: {  	[hbm4b:s11+s21] =	stream.strided.scatter [tilespmem:s12], [sflag:$0x5], $0x1000, s24, s21, $0x38;
	[tilespmem:$0xF400] =	vst v63  }
0xef: {  	_ =	swait.ge @!p1 [sflag:s17], $0x1000  }
0xf0: {  	[sflag:s17] =	ssyncset.done @!p1 $0x0  }
0xf1: {  	s20 =	sadd.s32 $0x1500, s13;
	[sflag:s17] =	ssyncadd.s32 @!p1 $0xFFFFF000  }
0xf2: {  	[tilespmem:s15], [sflag:$0x3] =	stream.indirect.gather [hbm4b:s3+s24], $0x20, s20, s24, $0xb8;
	[tilespmem:$0xF400] =	vst v63  }
0xf3: {  	s0 =	sor.u32 s10, s25;
	_ =	swait.ge [sflag:s31], $0x1000  }
0xf4: {  	s0 =	sadd.s32 s6, s0;
	[sflag:s31] =	ssyncset.done $0x0  }
0xf5: {  	s9 =	sadd.s32 s9, s0;
	s11 =	simm.s32 @!p0 $0x8;
	[sflag:s31] =	ssyncadd.s32 $0xFFFFF000  }
0xf6: {  	[hbm4b:s9+s21] =	stream.strided.scatter [tilespmem:s14], [sflag:$0x6], $0x1000, s24, s21, $0x38;
	[tilespmem:$0xF400] =	vst v63  }
0xf7: {  	_ =	swait.ge @!p0 [sflag:s11], $0x1000  }
0xf8: {  	[sflag:s11] =	ssyncset.done @!p0 $0x0  }
0xf9: {  	s4 =	sadd.s32 $0x1580, s13;
	[sflag:s11] =	ssyncadd.s32 @!p0 $0xFFFFF000  }
0xfa: {  	[tilespmem:s16], [sflag:$0x4] =	stream.indirect.gather [hbm4b:s3+s24], $0x20, s4, s24, $0xb8;
	[tilespmem:$0xF400] =	vst v63  }
0xfb: {  	s23 =	sadd.s32 $0xFFFFFFFE, s19;
	s25 =	sadd.s32 s6, s26;
	_ =	swait.ge [sflag:s22], $0x1000  }
0xfc: {  	p0 =	seq.s32 s18, $0x4800;
	s4 =	sand.u32 $0xC, s23;
	[sflag:s22] =	ssyncset.done $0x0  }
0xfd: {  	s11 =	simm.s32 @!p0 $0x5;
	s4 =	sadd.s32 s4, s25;
	[sflag:s22] =	ssyncadd.s32 $0xFFFFF000  }
0xfe: {  	[hbm4b:s4+s21] =	stream.strided.scatter [tilespmem:s15], [sflag:$0x7], $0x1000, s24, s21, $0x38;
	[tilespmem:$0xF400] =	vst v63  }
0xff: {  	_ =	swait.ge @!p0 [sflag:s11], $0x1000  }
0x100: {  	s9 =	simm.s32 @!p0 $0x80;
	s4 =	sshra.s32 @!p0 s18, $0x2;
	[sflag:s11] =	ssyncset.done @!p0 $0x0  }
0x101: {  	s13 =	simm.s32 @!p0 $0xB400;
	s4 =	sadd.s32 @!p0 $0x1600, s4;
	[sflag:s11] =	ssyncadd.s32 @!p0 $0xFFFFF000  }
0x102: {  	[tilespmem:s13], [sflag:$0x1] =	stream.indirect.gather @!p0 [hbm4b:s3+s9], $0x20, s4, s9, $0xb8;
	[tilespmem:$0xF400] =	vst v63  }
0x103: {  	_ =	swait.ge [sflag:s1], $0x1000  }
0x104: {  	s26 =	sand.u32 $0xC, s19;
	[sflag:s1] =	ssyncset.done $0x0  }
0x105: {  	s0 =	sadd.s32 s26, s0;
	s4 =	simm.s32 $0x5;
	[sflag:s1] =	ssyncadd.s32 $0xFFFFF000  }
0x106: {  	[hbm4b:s0+s21] =	stream.strided.scatter [tilespmem:s16], [sflag:$0x8], $0x1000, s24, s21, $0x38;
	[tilespmem:$0xF400] =	vst v63  }
0x107: {  	_ =	swait.ge [sflag:s4], $0x1000  }
0x108: {  	[sflag:s4] =	ssyncset.done $0x0  }
0x109: {  	s25 =	simm.s32 $0x6;
	[sflag:s4] =	ssyncadd.s32 $0xFFFFF000  }
0x10a: {  	_ =	swait.ge [sflag:s25], $0x1000  }
0x10b: {  	[sflag:s25] =	ssyncset.done $0x0  }
0x10c: {  	s9 =	simm.s32 $0x7;
	[sflag:s25] =	ssyncadd.s32 $0xFFFFF000  }
0x10d: {  	_ =	swait.ge [sflag:s9], $0x1000  }
0x10e: {  	[sflag:s9] =	ssyncset.done $0x0  }
0x10f: {  	s11 =	simm.s32 $0x8;
	[sflag:s9] =	ssyncadd.s32 $0xFFFFF000  }
0x110: {  	_ =	swait.ge [sflag:s11], $0x1000  }
0x111: {  	p0 =	por $0x1, $0x1;
	[sflag:s11] =	ssyncset.done $0x0  }
0x112: {  	s13 =	simm.s32 $0x2800;
	s0 =	simm.s32 @!p0 $0x6;
	[sflag:s11] =	ssyncadd.s32 $0xFFFFF000  }
0x113: {  	[tilespmem:s12], [sflag:$0x1] =	stream.indirect.gather [hbm4b:s5+s24], $0x20, s13, s24, $0xb8;
	[tilespmem:$0xF400] =	vst v63  }
0x114: {  	_ =	swait.ge @!p0 [sflag:s0], $0x1000  }
0x115: {  	s19 =	simm.s32 $0x2880;
	s17 =	simm.s32 $0x0;
	[sflag:s0] =	ssyncset.done @!p0 $0x0  }
0x116: {  	p1 =	por $0x1, $0x1;
	s18 =	simm.s32 $0x0;
	[sflag:s0] =	ssyncadd.s32 @!p0 $0xFFFFF000  }
0x117: {  	[tilespmem:s14], [sflag:$0x2] =	stream.indirect.gather [hbm4b:s5+s24], $0x20, s19, s24, $0xb8;
	[tilespmem:$0xF400] =	vst v63  }
0x118: {  	s20 =	sand.u32 $0x60000, s17;
	s23 =	sand.u32 $0x8, s18;
	_ =	swait.ge [sflag:s28], $0x1000  }
0x119: {  	s26 =	sor.u32 s8, s20;
	s9 =	sadd.s32 s7, s23;
	[sflag:s28] =	ssyncset.done $0x0  }
0x11a: {  	s9 =	sadd.s32 s26, s9;
	s13 =	simm.s32 @!p1 $0x7;
	[sflag:s28] =	ssyncadd.s32 $0xFFFFF000  }
0x11b: {  	[hbm4b:s9+s21] =	stream.strided.scatter [tilespmem:s12], [sflag:$0x5], $0x1000, s24, s21, $0x38;
	[tilespmem:$0xF400] =	vst v63  }
0x11c: {  	_ =	swait.ge @!p1 [sflag:s13], $0x1000  }
0x11d: {  	[sflag:s13] =	ssyncset.done @!p1 $0x0  }
0x11e: {  	[sflag:s13] =	ssyncadd.s32 @!p1 $0xFFFFF000;
	s13 =	simm.s32 $0x2900  }
0x11f: {  	[tilespmem:s15], [sflag:$0x3] =	stream.indirect.gather [hbm4b:s5+s24], $0x20, s13, s24, $0xb8;
	[tilespmem:$0xF400] =	vst v63  }
0x120: {  	s0 =	sor.u32 s10, s20;
	_ =	swait.ge [sflag:s31], $0x1000  }
0x121: {  	s0 =	sadd.s32 s7, s0;
	[sflag:s31] =	ssyncset.done $0x0  }
0x122: {  	s4 =	sadd.s32 s23, s0;
	s9 =	simm.s32 @!p0 $0x8;
	[sflag:s31] =	ssyncadd.s32 $0xFFFFF000  }
0x123: {  	[hbm4b:s4+s21] =	stream.strided.scatter [tilespmem:s14], [sflag:$0x6], $0x1000, s24, s21, $0x38;
	[tilespmem:$0xF400] =	vst v63  }
0x124: {  	p2 =	por $0x0, $0x0;
	s17 =	simm.s32 $0x2980;
	_ =	swait.ge @!p0 [sflag:s9], $0x1000  }
0x125: {  	s18 =	simm.s32 $0x800;
	s25 =	sand.u32 $0xC, s25;
	[sflag:s9] =	ssyncset.done @!p0 $0x0  }
0x126: {  	s11 =	simm.s32 @!p2 $0x5;
	s20 =	simm.s32 $0x1000;
	[sflag:s9] =	ssyncadd.s32 @!p0 $0xFFFFF000  }
0x127: {  	[tilespmem:s16], [sflag:$0x4] =	stream.indirect.gather [hbm4b:s5+s24], $0x20, s17, s24, $0xb8;
	[tilespmem:$0xF400] =	vst v63  }
0x128: {  	s19 =	simm.s32 $0x4;
	s23 =	sadd.s32 s7, s26;
	_ =	swait.ge [sflag:s22], $0x1000  }
0x129: {  	s26 =	simm.s32 @!p2 $0x2A00;
	s4 =	sand.u32 $0xC, s19;
	[sflag:s22] =	ssyncset.done $0x0  }
0x12a: {  	s30 =	sadd.s32 s25, s0;
	s4 =	sadd.s32 s4, s23;
	[sflag:s22] =	ssyncadd.s32 $0xFFFFF000  }
0x12b: {  	[hbm4b:s4+s21] =	stream.strided.scatter [tilespmem:s15], [sflag:$0x7], $0x1000, s24, s21, $0x38;
	[tilespmem:$0xF400] =	vst v63  }
0x12c: {  	s13 =	simm.s32 @!p2 $0xB400;
	s19 =	simm.s32 $0xE;
	_ =	swait.ge @!p2 [sflag:s11], $0x1000  }
0x12d: {  	s23 =	simm.s32 $0x0;
	p0 =	por $0x0, $0x0;
	[sflag:s11] =	ssyncset.done @!p2 $0x0  }
0x12e: {  	s17 =	simm.s32 $0x10000;
	s4 =	simm.s32 @!p2 $0x80;
	[sflag:s11] =	ssyncadd.s32 @!p2 $0xFFFFF000  }
.LBB2_6:
0x12f: {  	[tilespmem:s13], [sflag:$0x1] =	stream.indirect.gather @!p2 [hbm4b:s5+s4], $0x20, s26, s4, $0xb8;
	[tilespmem:$0xF400] =	vst v63  }
0x130: {  	s26 =	smov.u32 s18;
	s18 =	smov.u32 s20;
	s25 =	smov.u32 s19  }
0x131: {  	s20 =	sadd.s32 $0x800, s20;
	_ =	swait.ge [sflag:s1], $0x1000  }
0x132: {  	s0 =	simm.s32 @!p0 $0x6;
	p1 =	sne.s32 s20, $0x3000;
	[sflag:s1] =	ssyncset.done $0x0  }
0x133: {  	p2 =	sgt.u32 s23, $0x13;
	s4 =	sshra.s32 s26, $0x2;
	[sflag:s1] =	ssyncadd.s32 $0xFFFFF000  }
0x134: {  	[hbm4b:s30+s21] =	stream.strided.scatter [tilespmem:s16], [sflag:$0x8], $0x1000, s24, s21, $0x38;
	[tilespmem:$0xF400] =	vst v63  }
0x135: {  	s9 =	sadd.s32 $0xFFFFFFFA, s19;
	_ =	swait.ge @!p0 [sflag:s0], $0x1000  }
0x136: {  	s11 =	sand.u32 $0x60000, s17;
	s9 =	sand.u32 $0x8, s9;
	[sflag:s0] =	ssyncset.done @!p0 $0x0  }
0x137: {  	s13 =	sadd.s32 s7, s9;
	[sflag:s0] =	ssyncadd.s32 @!p0 $0xFFFFF000;
	s0 =	sadd.s32 $0x2880, s4  }
0x138: {  	[tilespmem:s14], [sflag:$0x2] =	stream.indirect.gather [hbm4b:s5+s24], $0x20, s0, s24, $0xb8;
	[tilespmem:$0xF400] =	vst v63  }
0x139: {  	s0 =	sor.u32 s8, s11;
	_ =	swait.ge [sflag:s28], $0x1000  }
0x13a: {  	s13 =	sadd.s32 s0, s13;
	[sflag:s28] =	ssyncset.done $0x0  }
0x13b: {  	s30 =	simm.s32 @!p2 $0x7;
	[sflag:s28] =	ssyncadd.s32 $0xFFFFF000  }
0x13c: {  	[hbm4b:s13+s21] =	stream.strided.scatter [tilespmem:s12], [sflag:$0x5], $0x1000, s24, s21, $0x38;
	[tilespmem:$0xF400] =	vst v63  }
0x13d: {  	_ =	swait.ge @!p2 [sflag:s30], $0x1000  }
0x13e: {  	s11 =	sor.u32 s10, s11;
	[sflag:s30] =	ssyncset.done @!p2 $0x0  }
0x13f: {  	s11 =	sadd.s32 s7, s11;
	s13 =	sadd.s32 $0x2900, s4;
	[sflag:s30] =	ssyncadd.s32 @!p2 $0xFFFFF000  }
0x140: {  	[tilespmem:s15], [sflag:$0x3] =	stream.indirect.gather [hbm4b:s5+s24], $0x20, s13, s24, $0xb8;
	[tilespmem:$0xF400] =	vst v63  }
0x141: {  	s9 =	sadd.s32 s9, s11;
	_ =	swait.ge [sflag:s31], $0x1000  }
0x142: {  	[sflag:s31] =	ssyncset.done $0x0  }
0x143: {  	s13 =	simm.s32 @!p0 $0x8;
	[sflag:s31] =	ssyncadd.s32 $0xFFFFF000  }
0x144: {  	[hbm4b:s9+s21] =	stream.strided.scatter [tilespmem:s14], [sflag:$0x6], $0x1000, s24, s21, $0x38;
	[tilespmem:$0xF400] =	vst v63  }
0x145: {  	s17 =	sadd.s32 $0x10000, s17;
	p2 =	seq.s32 s26, $0x2800;
	_ =	swait.ge @!p0 [sflag:s13], $0x1000  }
0x146: {  	s0 =	sadd.s32 s7, s0;
	s9 =	sadd.s32 $0xFFFFFFFE, s19;
	[sflag:s13] =	ssyncset.done @!p0 $0x0  }
0x147: {  	s4 =	sadd.s32 $0x2980, s4;
	s9 =	sand.u32 $0xC, s9;
	[sflag:s13] =	ssyncadd.s32 @!p0 $0xFFFFF000  }
0x148: {  	[tilespmem:s16], [sflag:$0x4] =	stream.indirect.gather [hbm4b:s5+s24], $0x20, s4, s24, $0xb8;
	[tilespmem:$0xF400] =	vst v63  }
0x149: {  	s30 =	simm.s32 @!p2 $0x5;
	s4 =	sshra.s32 @!p2 s26, $0x2;
	_ =	swait.ge [sflag:s22], $0x1000  }
0x14a: {  	s23 =	sadd.s32 $0x4, s23;
	s0 =	sadd.s32 s9, s0;
	[sflag:s22] =	ssyncset.done $0x0  }
.Ltmp2:
0x14b: {  	s26 =	sadd.s32 @!p2 $0x2A00, s4;
	[sflag:s22] =	ssyncadd.s32 $0xFFFFF000;
	(pc) =	sbr.rel @p1 .LBB2_6-.Ltmp2, $4  }
0x14c: {  	[hbm4b:s0+s21] =	stream.strided.scatter [tilespmem:s15], [sflag:$0x7], $0x1000, s24, s21, $0x38;
	[tilespmem:$0xF400] =	vst v63  }
0x14d: {  	s19 =	sadd.s32 $0x8, s19;
	s4 =	simm.s32 @!p2 $0x80;
	_ =	swait.ge @!p2 [sflag:s30], $0x1000  }
0x14e: {  	s13 =	simm.s32 @!p2 $0xB400;
	s0 =	sand.u32 $0xC, s25;
	[sflag:s30] =	ssyncset.done @!p2 $0x0  }
0x14f: {  	p0 =	seq.s32 s18, $0x0;
	[sflag:s30] =	ssyncadd.s32 @!p2 $0xFFFFF000;
	s30 =	sadd.s32 s0, s11  }
0x150: {  	[tilespmem:s13], [sflag:$0x1] =	stream.indirect.gather @!p2 [hbm4b:s5+s4], $0x20, s26, s4, $0xb8;
	[tilespmem:$0xF400] =	vst v63  }
0x151: {  	_ =	swait.ge [sflag:s1], $0x1000  }
0x152: {  	[sflag:s1] =	ssyncset.done $0x0  }
0x153: {  	s0 =	simm.s32 @!p0 $0x6;
	[sflag:s1] =	ssyncadd.s32 $0xFFFFF000  }
0x154: {  	[hbm4b:s30+s21] =	stream.strided.scatter [tilespmem:s16], [sflag:$0x8], $0x1000, s24, s21, $0x38;
	[tilespmem:$0xF400] =	vst v63  }
0x155: {  	_ =	swait.ge @!p0 [sflag:s0], $0x1000  }
0x156: {  	s4 =	sshra.s32 s18, $0x2;
	[sflag:s0] =	ssyncset.done @!p0 $0x0  }
0x157: {  	s9 =	sadd.s32 $0xFFFFFFFA, s19;
	s13 =	sadd.s32 $0x2880, s4;
	[sflag:s0] =	ssyncadd.s32 @!p0 $0xFFFFF000  }
0x158: {  	[tilespmem:s14], [sflag:$0x2] =	stream.indirect.gather [hbm4b:s5+s24], $0x20, s13, s24, $0xb8;
	[tilespmem:$0xF400] =	vst v63  }
0x159: {  	s20 =	sand.u32 $0x60000, s17;
	s9 =	sand.u32 $0x8, s9;
	_ =	swait.ge [sflag:s28], $0x1000  }
0x15a: {  	s25 =	sor.u32 s8, s20;
	s11 =	sadd.s32 s7, s9;
	[sflag:s28] =	ssyncset.done $0x0  }
0x15b: {  	p1 =	sgt.u32 s23, $0x13;
	s11 =	sadd.s32 s25, s11;
	[sflag:s28] =	ssyncadd.s32 $0xFFFFF000  }
0x15c: {  	[hbm4b:s11+s21] =	stream.strided.scatter [tilespmem:s12], [sflag:$0x5], $0x1000, s24, s21, $0x38;
	[tilespmem:$0xF400] =	vst v63  }
0x15d: {  	s11 =	simm.s32 @!p1 $0x7  }
0x15e: {  	_ =	swait.ge @!p1 [sflag:s11], $0x1000  }
0x15f: {  	[sflag:s11] =	ssyncset.done @!p1 $0x0  }
0x160: {  	s26 =	sadd.s32 $0x2900, s4;
	[sflag:s11] =	ssyncadd.s32 @!p1 $0xFFFFF000  }
0x161: {  	[tilespmem:s15], [sflag:$0x3] =	stream.indirect.gather [hbm4b:s5+s24], $0x20, s26, s24, $0xb8;
	[tilespmem:$0xF400] =	vst v63  }
0x162: {  	s0 =	sor.u32 s10, s20;
	_ =	swait.ge [sflag:s31], $0x1000  }
0x163: {  	s0 =	sadd.s32 s7, s0;
	[sflag:s31] =	ssyncset.done $0x0  }
0x164: {  	s9 =	sadd.s32 s9, s0;
	[sflag:s31] =	ssyncadd.s32 $0xFFFFF000  }
0x165: {  	[hbm4b:s9+s21] =	stream.strided.scatter [tilespmem:s14], [sflag:$0x6], $0x1000, s24, s21, $0x38;
	[tilespmem:$0xF400] =	vst v63  }
0x166: {  	s9 =	simm.s32 @!p0 $0x8  }
0x167: {  	_ =	swait.ge @!p0 [sflag:s9], $0x1000  }
0x168: {  	[sflag:s9] =	ssyncset.done @!p0 $0x0  }
0x169: {  	s4 =	sadd.s32 $0x2980, s4;
	[sflag:s9] =	ssyncadd.s32 @!p0 $0xFFFFF000  }
0x16a: {  	[tilespmem:s16], [sflag:$0x4] =	stream.indirect.gather [hbm4b:s5+s24], $0x20, s4, s24, $0xb8;
	[tilespmem:$0xF400] =	vst v63  }
0x16b: {  	s17 =	sadd.s32 s7, s25;
	s12 =	sadd.s32 $0xFFFFFFFE, s19;
	_ =	swait.ge [sflag:s22], $0x1000  }
0x16c: {  	p0 =	seq.s32 s18, $0x2800;
	s4 =	sand.u32 $0xC, s12;
	[sflag:s22] =	ssyncset.done $0x0  }
0x16d: {  	s9 =	simm.s32 @!p0 $0x5;
	s4 =	sadd.s32 s4, s17;
	[sflag:s22] =	ssyncadd.s32 $0xFFFFF000  }
0x16e: {  	[hbm4b:s4+s21] =	stream.strided.scatter [tilespmem:s15], [sflag:$0x7], $0x1000, s24, s21, $0x38;
	[tilespmem:$0xF400] =	vst v63  }
0x16f: {  	_ =	swait.ge @!p0 [sflag:s9], $0x1000  }
0x170: {  	s11 =	simm.s32 @!p0 $0x80;
	s4 =	sshra.s32 @!p0 s18, $0x2;
	[sflag:s9] =	ssyncset.done @!p0 $0x0  }
0x171: {  	s4 =	sadd.s32 @!p0 $0x2A00, s4;
	[sflag:s9] =	ssyncadd.s32 @!p0 $0xFFFFF000;
	s9 =	simm.s32 @!p0 $0xB400  }
0x172: {  	[tilespmem:s9], [sflag:$0x1] =	stream.indirect.gather @!p0 [hbm4b:s5+s11], $0x20, s4, s11, $0xb8;
	[tilespmem:$0xF400] =	vst v63  }
0x173: {  	_ =	swait.ge [sflag:s1], $0x1000  }
0x174: {  	s19 =	sand.u32 $0xC, s19;
	[sflag:s1] =	ssyncset.done $0x0  }
0x175: {  	s0 =	sadd.s32 s19, s0;
	s26 =	simm.s32 $0x5;
	[sflag:s1] =	ssyncadd.s32 $0xFFFFF000  }
0x176: {  	[hbm4b:s0+s21] =	stream.strided.scatter [tilespmem:s16], [sflag:$0x8], $0x1000, s24, s21, $0x38;
	[tilespmem:$0xF400] =	vst v63  }
0x177: {  	_ =	swait.ge [sflag:s26], $0x1000  }
0x178: {  	[sflag:s26] =	ssyncset.done $0x0  }
0x179: {  	s30 =	simm.s32 $0x6;
	[sflag:s26] =	ssyncadd.s32 $0xFFFFF000  }
0x17a: {  	_ =	swait.ge [sflag:s30], $0x1000  }
0x17b: {  	[sflag:s30] =	ssyncset.done $0x0  }
0x17c: {  	s20 =	simm.s32 $0x7;
	[sflag:s30] =	ssyncadd.s32 $0xFFFFF000  }
0x17d: {  	_ =	swait.ge [sflag:s20], $0x1000  }
0x17e: {  	[sflag:s20] =	ssyncset.done $0x0  }
0x17f: {  	s12 =	simm.s32 $0x8;
	[sflag:s20] =	ssyncadd.s32 $0xFFFFF000  }
0x180: {  	_ =	swait.ge [sflag:s12], $0x1000  }
0x181: {  	s23 =	rddreg [dreg:$0xe]  }
0x182: {  	s25 =	rddreg [dreg:$0x4];
	s4 =	sadd.s32 $0x1, s23  }
0x183: {  	p0 =	sne.s32 s4, s25  }
.Ltmp3:
0x184: {  	_ = 	snop;
	(pc) =	sbr.rel @p0 .LBB2_1-.Ltmp3, $4  }
0x185: {  	_ = 	snop  }
0x186: {  	s19 =	simm.s32 $0x3400  }
0x187: {  	s20 =	simm.s32 $0x5400;
	[sflag:s12] =	ssyncset.done $0x0;
	s9 =	rddreg [dreg:$0xd]  }
0x188: {  	[sflag:s12] =	ssyncadd.s32 $0xFFFFF000;
	s23 =	simm.s32 $0x7400;
	s25 =	simm.s32 $0x9400  }
0x189: {  	_ =	sfence.sel $0x180000  }
0x18a: {  	[bflag:$0x0] =	sbarrier.arrive $0xFFFF  }
0x18b: {  	_ =	strace $0x9000004A  }
0x18c: {  	s0 =	stileid.u32;
	[bflag:$0x2] =	sbarrier.arrive $0xFFFF  }
0x18d: {  	p0 =	sne.s32 s0, $0x0;
	s0 =	rddreg [dreg:$0x2]  }
0x18e: {  	s0 =	sadd.s32 @!p0 $0x100000, s0  }
0x18f: {  	[sflag:s0] =	ssyncadd.tile.s32 @!p0 $0x1;
	_ =	shalt  }
.Lfunc_end2:
_tile_overlayer_lowered:
.L_overlay_start_2:
0x190: {  	(tag) =	ssettag $0x2  }
0x191: {  	s0 =	rddreg [dreg:$0x0];
	s2 =	stileid.u32  }
0x192: {  	s1 =	rddreg [dreg:$0x1];
	p0 =	sne.s32 s2, $0x0  }
0x193: {  	s3 =	rddreg [dreg:$0x2];
	[bflag:$0x3] =	sbarrier.arrive $0xFFFF;
	s2 =	simm.s32 @!p0 $0x1C09  }
0x194: {  	[timem:s3], [sflag:s2] =	dma.local @!p0 [hbm:s0], s1  }
0x195: {  	s0 =	simm.s32 @!p0 $0x9  }
0x196: {  	_ =	swait.ge @!p0 [sflag:s0], s1  }
0x197: {  	s1 =	ssub.s32 @!p0 $0x0, s1;
	[sflag:s0] =	ssyncset.done @!p0 $0x0  }
0x198: {  	[sflag:s0] =	ssyncadd.s32 @!p0 s1  }
0x199: {  	[bflag:$0x3] =	sbarrier.arrive $0xFFFF  }
0x19a: {  	_ =	shalt  }

// kernel: kernel.9.cloned.1.call-start
scs
__scs_entry_jumppad:
0x0: {  	(pc) =	sbr.rel $0x88, $3  }
0x1: {  	(tag) =	ssettag $0x0;
	lr =	simm.s32 $0x1  }
0x2: {  	[smem:$0x3F97] =	sst lr;
	_ =	strace $0xD0000000  }
0x3: {  	_ = 	snop  }
0x4: {  	_ = 	snop  }
0x5: {  	_ = 	snop  }
0x6: {  	_ = 	snop  }
0x7: {  	_ = 	snop  }
__scs_overlays_trampoline_lowered:
0x8: {  	[smem:$0x3FA6] =	sst s0  }
0x9: {  	[smem:$0x3FA7] =	sst s1  }
0xa: {  	[smem:$0x3FA8] =	sst s2  }
0xb: {  	[smem:$0x3FA9] =	sst s3  }
0xc: {  	[smem:$0x3FAA] =	sst s4  }
0xd: {  	[smem:$0x3FAB] =	sst s5  }
0xe: {  	[smem:$0x3FAC] =	sst s6  }
0xf: {  	[smem:$0x3FAD] =	sst s7  }
0x10: {  	[smem:$0x3FAE] =	sst s8  }
0x11: {  	[smem:$0x3FAF] =	sst s9;
	s0 =	simm.s32 @!p0 $0x0  }
0x12: {  	s1 =	sld [smem:$0x3F95];
	s0 =	simm.s32 @p0 $0x1  }
0x13: {  	[smem:$0x3FB0] =	sst s0;
	s0 =	simm.s32 @!p1 $0x0  }
0x14: {  	s2 =	sld [smem:$0x3F94];
	s0 =	simm.s32 @p1 $0x1  }
0x15: {  	[smem:$0x3FB1] =	sst s0;
	s0 =	simm.s32 @!p2 $0x0  }
0x16: {  	s3 =	sld [smem:$0x3FDB];
	s0 =	simm.s32 @p2 $0x1  }
0x17: {  	s4 =	simm.s32 $0x1BF5;
	[smem:$0x3FB3] =	sst s0  }
0x18: {  	s0 =	sld [smem:$0x3F96];
	_ =	swait.ge [sflag:s4], $0x0  }
0x19: {  	s7 =	sld [smem:$0x3F97]  }
0x1a: {  	s8 =	sadd.s32 $0xFFFFE003, lr  }
0x1b: {  	s9 =	sadd.s32 $0xFFFFFEF7, lr;
	s5 =	simm.s32 $0xFFFFFFFF;
	p2 =	slt.u32 s8, $0xFFFFF086  }
0x1c: {  	p1 =	slt.u32 s9, $0xF7A;
	s5 =	simm.s32 @!p2 $0x0  }
0x1d: {  	s5 =	simm.s32 @p1 $0x1;
	p0 =	seq.s32 s7, s2  }
0x1e: {  	s7 =	smul.u32 @!p0 $0xF7A, s2;
	p2 =	seq.s32 @!p0 s5, $0x0  }
0x1f: {  	s9 =	smul.u32 $0xF7A, s1;
	s8 =	simm.s32 @!p0 $0x1BF5;
	p2 =	por !p2, p0  }
0x20: {  	[sflag:s8] =	ssyncset.s32 @!p0 $0xFFFFF086;
	s6 =	sadd.s32 @!p0 s3, s7;
	s7 =	simm.s32 @!p0 $0x108  }
0x21: {  	s3 =	sadd.s32 s3, s9;
	s6 =	sadd.s32 @!p0 $0x88, s6;
	s7 =	simm.s32 @p2 $0x1082  }
0x22: {  	[simem:s7], [sflag:s8] =	dma.local @!p0 [hbm:s6], $0xF7A  }
0x23: {  	s9 =	sor.u32 $0xD0000000, s2;
	s6 =	simm.s32 $0x108;
	_ =	swait.ge @!p0 [sflag:s8], $0x0  }
0x24: {  	s3 =	sadd.s32 $0x88, s3;
	s6 =	simm.s32 @!p1 $0x1082;
	[sflag:s4] =	ssyncset.s32 $0xFFFFF086  }
0x25: {  	[simem:s6], [sflag:s4] =	dma.local [hbm:s3], $0xF7A  }
0x26: {  	[smem:$0x3F97] =	sst s1;
	(tag) =	ssettag s2;
	_ =	strace s9  }
0x27: {  	s1 =	sld [smem:$0x3FA7]  }
0x28: {  	s2 =	sld [smem:$0x3FA8]  }
0x29: {  	s4 =	sld [smem:$0x3FAA]  }
0x2a: {  	p0 =	seq.s32 s5, $0x0;
	s5 =	sld [smem:$0x3FAB]  }
0x2b: {  	s6 =	sld [smem:$0x3FAC]  }
0x2c: {  	s7 =	sld [smem:$0x3FAD]  }
0x2d: {  	s3 =	simm.s32 $0x108;
	s8 =	sld [smem:$0x3FAE]  }
0x2e: {  	s3 =	simm.s32 @!p0 $0x1082;
	s9 =	sld [smem:$0x3FAF]  }
0x2f: {  	lr =	sadd.s32 s0, s3;
	s0 =	sld [smem:$0x3FA6]  }
0x30: {  	s3 =	sld [smem:$0x3FA9]  }
0x31: {  	[smem:$0x3FB2] =	sst s10  }
0x32: {  	s10 =	sld [smem:$0x3FB0];
	_ =	sdelay $0x3  }
0x33: {  	p0 =	seq.s32 s10, $0x1;
	s10 =	sld [smem:$0x3FB2];
	_ =	sdelay $0x3  }
0x34: {  	[smem:$0x3FB2] =	sst s10  }
0x35: {  	s10 =	sld [smem:$0x3FB1];
	_ =	sdelay $0x3  }
0x36: {  	p1 =	seq.s32 s10, $0x1;
	s10 =	sld [smem:$0x3FB2];
	_ =	sdelay $0x3  }
0x37: {  	[smem:$0x3FB2] =	sst s10  }
0x38: {  	s10 =	sld [smem:$0x3FB3]  }
0x39: {  	_ = 	snop;
	(pc) =	sbr.ind lr, $3  }
0x3a: {  	_ = 	snop  }
0x3b: {  	_ = 	snop  }
0x3c: {  	p2 =	seq.s32 s10, $0x1;
	s10 =	sld [smem:$0x3FB2]  }
0x3d: {  	_ =	shalt  }
0x3e: {  	_ =	shalt  }
0x3f: {  	_ =	shalt  }
0x40: {  	_ =	shalt  }
0x41: {  	_ =	shalt  }
0x42: {  	_ =	shalt  }
0x43: {  	_ =	shalt  }
0x44: {  	_ =	shalt  }
0x45: {  	_ =	shalt  }
0x46: {  	_ =	shalt  }
0x47: {  	_ =	shalt  }
0x48: {  	_ =	shalt  }
0x49: {  	_ =	shalt  }
0x4a: {  	_ =	shalt  }
0x4b: {  	_ =	shalt  }
0x4c: {  	_ =	shalt  }
0x4d: {  	_ =	shalt  }
0x4e: {  	_ =	shalt  }
0x4f: {  	_ =	shalt  }
0x50: {  	_ =	shalt  }
0x51: {  	_ =	shalt  }
0x52: {  	_ =	shalt  }
0x53: {  	_ =	shalt  }
0x54: {  	_ =	shalt  }
0x55: {  	_ =	shalt  }
0x56: {  	_ =	shalt  }
0x57: {  	_ =	shalt  }
0x58: {  	_ =	shalt  }
0x59: {  	_ =	shalt  }
0x5a: {  	_ =	shalt  }
0x5b: {  	_ =	shalt  }
0x5c: {  	_ =	shalt  }
0x5d: {  	_ =	shalt  }
0x5e: {  	_ =	shalt  }
0x5f: {  	_ =	shalt  }
0x60: {  	_ =	shalt  }
0x61: {  	_ =	shalt  }
0x62: {  	_ =	shalt  }
0x63: {  	_ =	shalt  }
0x64: {  	_ =	shalt  }
0x65: {  	_ =	shalt  }
0x66: {  	_ =	shalt  }
0x67: {  	_ =	shalt  }
0x68: {  	_ =	shalt  }
0x69: {  	_ =	shalt  }
0x6a: {  	_ =	shalt  }
0x6b: {  	_ =	shalt  }
0x6c: {  	_ =	shalt  }
0x6d: {  	_ =	shalt  }
0x6e: {  	_ =	shalt  }
0x6f: {  	_ =	shalt  }
0x70: {  	_ =	shalt  }
0x71: {  	_ =	shalt  }
0x72: {  	_ =	shalt  }
0x73: {  	_ =	shalt  }
0x74: {  	_ =	shalt  }
0x75: {  	_ =	shalt  }
0x76: {  	_ =	shalt  }
0x77: {  	_ =	shalt  }
0x78: {  	_ =	shalt  }
0x79: {  	_ =	shalt  }
0x7a: {  	_ =	shalt  }
0x7b: {  	_ =	shalt  }
0x7c: {  	_ =	shalt  }
0x7d: {  	_ =	shalt  }
0x7e: {  	_ =	shalt  }
0x7f: {  	_ =	shalt  }
0x80: {  	_ =	shalt  }
0x81: {  	_ =	shalt  }
0x82: {  	_ =	shalt  }
0x83: {  	_ =	shalt  }
0x84: {  	_ =	shalt  }
0x85: {  	_ =	shalt  }
0x86: {  	_ =	shalt  }
0x87: {  	_ =	shalt  }
.Lfunc_end0:
.L_simem_size_0:
called_computation.1_lowered:
.L_overlay_start_0:
0x88: {  	s2 =	sld [smem:$0x3FD9]  }
0x89: {  	s3 =	sld [smem:$0x3FFE];
	_ =	sdelay $0x1  }
0x8a: {  	s1 =	srdreg.scid  }
0x8b: {  	s0 =	sand.u32 $0x1, s1  }
0x8c: {  	s16 =	sshll.u32 s0, $0xA;
	s2 =	sadd.s32 s3, s2  }
0x8d: {  	s2 =	sadd.s32 s2, s16  }
0x8e: {  	[smem:$0x3FBE] =	sst s2  }
0x8f: {  	_ = 	snop  }
0x90: {  	(tm) =	ssettm $0x1  }
0x91: {  	s17 =	sld [smem:$0x3FFB];
	_ =	sdelay $0x3  }
0x92: {  	_ =	strace s17  }
0x93: {  	s2 =	sld [smem:$0x3FFC];
	_ =	sdelay $0x3  }
0x94: {  	_ =	strace s2  }
0x95: {  	s2 =	sld [smem:$0x3FFD];
	_ =	sdelay $0x3  }
0x96: {  	_ =	strace s2  }
0x97: {  	_ =	strace $0x8FFFFFFF  }
0x98: {  	s18 =	sld [smem:$0x3FDB];
	_ =	sdelay $0x1  }
0x99: {  	s19 =	simm.s32 $_scs_section_size  }
0x9a: {  	s4 =	simm.s32 $_size__tile_overlayer_lowered;
	s5 =	simm.s32 $_tile_overlayer_lowered  }
0x9b: {  	s22 =	simm.s32 $0x1BFF;
	s21 =	sshll.u32 s5, $0x1;
	s2 =	sadd.s32 s19, s18  }
0x9c: {  	s6 =	simm.s32 $0x0;
	s20 =	sshll.u32 s4, $0x1;
	s4 =	sadd.s32 s21, s2  }
0x9d: {  	[timem:s6], [sflag:s22] =	dma.local [hbm:s4], s20  }
0x9e: {  	_ =	swait.ge [sflag:s22], s20  }
0x9f: {  	s3 =	ssub.s32 $0x0, s20;
	[sflag:s22] =	ssyncset.done $0x0  }
0xa0: {  	[sflag:s22] =	ssyncadd.s32 s3;
	_ =	sdelay $0x1  }
0xa1: {  	s23 =	simm.s32 $0x1B8B  }
0xa2: {  	_ =	swait.ge [sflag:s23], $0x1  }
0xa3: {  	[sflag:s23] =	ssyncset.done $0x0  }
0xa4: {  	s25 =	simm.s32 $0x1B8E;
	s24 =	sld [smem:$0x3FFE];
	[sflag:s23] =	ssyncadd.s32 $0xFFFFFFFF  }
0xa5: {  	s26 =	simm.s32 $execute0_lowered;
	[smem:$0x3FD2] =	sst s25  }
0xa6: {  	s4 =	sshll.u32 s26, $0x1;
	_ =	strace $0x80000046;
	[dreg:$0x1] =	wrdreg $0xFFFFFFFF  }
0xa7: {  	s28 =	simm.s32 $_size_execute0_lowered;
	s2 =	sadd.s32 s2, s4;
	[dreg:$0x0] =	wrdreg $0x0  }
0xa8: {  	s4 =	sshll.u32 s28, $0x1;
	[dreg:$0x2] =	wrdreg s2  }
0xa9: {  	[dreg:$0x3] =	wrdreg s4  }
0xaa: {  	[dreg:$0x4] =	wrdreg $0xC0  }
0xab: {  	_ =	task [dreg:s6], $0x5FFFF  }
0xac: {  	[dreg:$0x1] =	wrdreg $0xFFFFFFFF  }
0xad: {  	[dreg:$0x0] =	wrdreg $0x60  }
0xae: {  	[dreg:$0x2] =	wrdreg s24  }
0xaf: {  	[dreg:$0x3] =	wrdreg $0xA  }
0xb0: {  	_ =	task.clear_ibuf [dreg:s6], $0x4FFFF;
	_ =	strace $0x90000046  }
0xb1: {  	s29 =	simm.s32 $0xA;
	_ =	strace $0x80000048  }
0xb2: {  	_ =	swait.ge [sflag:s29], $0x1  }
0xb3: {  	[sflag:s29] =	ssyncadd.s32 $0xFFFFFFFF  }
0xb4: {  	_ =	strace $0x90000048  }
0xb5: {  	_ =	sfence  }
0xb6: {  	s30 =	sld [smem:$0x0];
	_ =	sdelay $0x2  }
0xb7: {  	s31 =	sshll.u32 s1, $0xD;
	s1 =	sshrl.u32 s1, $0x2  }
0xb8: {  	s3 =	sand.u32 $0x4000, s31;
	s1 =	sadd.s32 s1, s30  }
0xb9: {  	s0 =	sor.u32 s3, s0;
	s1 =	sshll.u32 s1, $0x11  }
0xba: {  	s0 =	sor.u32 s1, s0  }
0xbb: {  	s0 =	sadd.s32 $0x8F2B, s0  }
0xbc: {  	[sflag:s0] =	ssyncadd.remote.s32 $0x1  }
0xbd: {  	_ =	sfence.sel $0xFFFF  }
0xbe: {  	[dreg:$0x0] =	wrdreg $0xFFFFFFFF;
	(pc) =	sbr.abs _section_cstart, $3  }
0xbf: {  	[dreg:$0x1] =	wrdreg $0xFFFFFFFF  }
0xc0: {  	_ =	task.clear_ibuf [dreg:s6], $0x2FFFF;
	_ =	strace $0x9FFFFFFF  }
0xc1: {  	(tm) =	ssettm $0x7FFFFFFF  }
tec
execute0_lowered:
.L_overlay_start_1:
0x0: {  	(tag) =	ssettag $0x1  }
0x1: {  	s0 =	srdreg.scid  }
0x2: {  	s13 =	stileid.u32;
	s1 =	rddreg [dreg:$0x0]  }
0x3: {  	s4 =	simm.s32 $0x0;
	s28 =	simm.s32 $0x1;
	s29 =	simm.s32 $0x40  }
0x4: {  	s31 =	simm.s32 $0x2;
	s30 =	simm.s32 $0x6;
	s14 =	simm.s32 $0xC400  }
0x5: {  	s15 =	simm.s32 $0xD400;
	s2 =	sshll.u32 s13, $0x9;
	[smem:$0x7FF] =	sst s4  }
0x6: {  	s0 =	sand.u32 $0x1, s0;
	s4 =	sadd.s32 $0x25AE00, s1;
	s5 =	sadd.s32 $0x2BCA00, s1  }
0x7: {  	s11 =	sadd.s32 $0x31E600, s1;
	s6 =	sadd.s32 $0x70E00, s1;
	s7 =	sadd.s32 $0x10E00, s1  }
0x8: {  	s25 =	sshll.u32 s13, $0xD;
	s3 =	sshll.u32 s0, $0x8;
	s8 =	ssub.s32 $0x2, s0  }
0x9: {  	_ =	strace $0x80000047;
	s2 =	sor.u32 s3, s2;
	s10 =	sshrl.u32 s8, $0x1  }
0xa: {  	s0 =	sshll.u32 s0, $0xC;
	s3 =	sshrl.u32 s2, $0x3;
	s12 =	ssub.s32 s8, s10  }
0xb: {  	s8 =	sshll.u32 s2, $0x4;
	s9 =	sadd.s32 s3, s1;
	s17 =	smax.u32 s12, $0x1  }
0xc: {  	s3 =	sadd.s32 $0x197800, s1;
	s18 =	sadd.s32 s11, s8;
	[dreg:$0x3] =	wrdreg s17  }
0xd: {  	s10 =	sor.u32 $0x800, s8;
	s16 =	sadd.s32 $0x3E00, s9;
	[dreg:$0x4] =	wrdreg s18  }
0xe: {  	s1 =	sadd.s32 $0x31E608, s1;
	s19 =	sadd.s32 s11, s10;
	[dreg:$0x2] =	wrdreg s16  }
0xf: {  	s22 =	sor.u32 $0x120000, s8;
	s20 =	sadd.s32 s8, s1;
	[dreg:$0x5] =	wrdreg s19  }
0x10: {  	s24 =	sor.u32 $0x120800, s8;
	s21 =	sadd.s32 s10, s1;
	[dreg:$0x6] =	wrdreg s20  }
0x11: {  	s12 =	simm.s32 $0x8;
	s23 =	sadd.s32 s11, s22;
	[dreg:$0x7] =	wrdreg s21  }
0x12: {  	s26 =	sadd.s32 s11, s24;
	s11 =	sadd.s32 s25, s11;
	[dreg:$0x8] =	wrdreg s23  }
0x13: {  	s2 =	sadd.s32 s22, s1;
	s1 =	sadd.s32 s24, s1;
	[dreg:$0x9] =	wrdreg s26  }
0x14: {  	s24 =	simm.s32 $0x80;
	s25 =	simm.s32 $0x9400;
	[dreg:$0xa] =	wrdreg s2  }
0x15: {  	s22 =	simm.s32 $0x3;
	[dreg:$0xb] =	wrdreg s1;
	s9 =	sadd.s32 s0, s11  }
0x16: {  	s19 =	simm.s32 $0x3400;
	s20 =	simm.s32 $0x5400;
	s23 =	simm.s32 $0x7400  }
0x17: {  	s26 =	simm.s32 $0x5;
	s2 =	simm.s32 $0x4;
	s21 =	simm.s32 $0x20  }
0x18: {  	s16 =	simm.s32 $0xE400;
	s1 =	simm.s32 $0x0;
	[dreg:$0xc] =	wrdreg s9  }
.LBB2_1:
0x19: {  	[dreg:$0xd] =	wrdreg s1  }
0x1a: {  	s0 =	simm.s32 $0x0;
	s17 =	rddreg [dreg:$0x2]  }
0x1b: {  	s11 =	simm.s32 $0x100;
	s13 =	simm.s32 $0x2000;
	s18 =	simm.s32 $0x9  }
0x1c: {  	[tilespmem:s0], [sflag:$0x9] =	stream.strided.gather [hbm4b:s17+s11], $0x3400, s13, s11, $0x38;
	[tilespmem:$0xF400] =	vst v63  }
0x1d: {  	_ =	swait.ge [sflag:s18], $0x3400  }
0x1e: {  	[sflag:s18] =	ssyncset.done $0x0  }
0x1f: {  	[sflag:s18] =	ssyncadd.s32 $0xFFFFCC00  }
0x20: {  	[tilespmem:s19], [sflag:$0x1] =	stream.indirect.gather [hbm4b:s3+s24], $0x40, s0, s24, $0xb8;
	[tilespmem:$0xF400] =	vst v63  }
0x21: {  	_ = 	snop  }
0x22: {  	[tilespmem:s20], [sflag:$0x2] =	stream.indirect.gather [hbm4b:s3+s24], $0x40, s24, s24, $0xb8;
	[tilespmem:$0xF400] =	vst v63  }
0x23: {  	_ =	swait.ge [sflag:s28], $0x2000  }
0x24: {  	[sflag:s28] =	ssyncset.done $0x0  }
0x25: {  	s13 =	rddreg [dreg:$0x4];
	[sflag:s28] =	ssyncadd.s32 $0xFFFFE000  }
0x26: {  	[hbm4b:s13+s29] =	stream.strided.scatter [tilespmem:s19], [sflag:$0x5], $0x2000, s24, s29, $0x38;
	[tilespmem:$0xF400] =	vst v63  }
0x27: {  	_ = 	snop  }
0x28: {  	[tilespmem:s23], [sflag:$0x3] =	stream.indirect.gather [hbm4b:s3+s24], $0x40, s11, s24, $0xb8;
	[tilespmem:$0xF400] =	vst v63  }
0x29: {  	_ =	swait.ge [sflag:s31], $0x2000  }
0x2a: {  	[sflag:s31] =	ssyncset.done $0x0  }
0x2b: {  	s17 =	rddreg [dreg:$0x5];
	[sflag:s31] =	ssyncadd.s32 $0xFFFFE000  }
0x2c: {  	[hbm4b:s17+s29] =	stream.strided.scatter [tilespmem:s20], [sflag:$0x6], $0x2000, s24, s29, $0x38;
	[tilespmem:$0xF400] =	vst v63  }
0x2d: {  	s18 =	simm.s32 $0x180  }
0x2e: {  	[tilespmem:s25], [sflag:$0x4] =	stream.indirect.gather [hbm4b:s3+s24], $0x40, s18, s24, $0xb8;
	[tilespmem:$0xF400] =	vst v63  }
0x2f: {  	_ =	swait.ge [sflag:s22], $0x2000  }
0x30: {  	[sflag:s22] =	ssyncset.done $0x0  }
0x31: {  	s11 =	rddreg [dreg:$0x6];
	[sflag:s22] =	ssyncadd.s32 $0xFFFFE000  }
0x32: {  	[hbm4b:s11+s29] =	stream.strided.scatter [tilespmem:s23], [sflag:$0x7], $0x2000, s24, s29, $0x38;
	[tilespmem:$0xF400] =	vst v63  }
0x33: {  	_ =	swait.ge [sflag:s26], $0x2000  }
0x34: {  	[sflag:s26] =	ssyncset.done $0x0  }
0x35: {  	s13 =	simm.s32 $0x200;
	[sflag:s26] =	ssyncadd.s32 $0xFFFFE000  }
0x36: {  	[tilespmem:s19], [sflag:$0x1] =	stream.indirect.gather [hbm4b:s3+s24], $0x40, s13, s24, $0xb8;
	[tilespmem:$0xF400] =	vst v63  }
0x37: {  	_ =	swait.ge [sflag:s2], $0x2000  }
0x38: {  	[sflag:s2] =	ssyncset.done $0x0  }
0x39: {  	s17 =	rddreg [dreg:$0x7];
	[sflag:s2] =	ssyncadd.s32 $0xFFFFE000  }
0x3a: {  	[hbm4b:s17+s29] =	stream.strided.scatter [tilespmem:s25], [sflag:$0x8], $0x2000, s24, s29, $0x38;
	[tilespmem:$0xF400] =	vst v63  }
0x3b: {  	_ =	swait.ge [sflag:s30], $0x2000  }
0x3c: {  	[sflag:s30] =	ssyncset.done $0x0  }
0x3d: {  	s18 =	simm.s32 $0x280;
	[sflag:s30] =	ssyncadd.s32 $0xFFFFE000  }
0x3e: {  	[tilespmem:s20], [sflag:$0x2] =	stream.indirect.gather [hbm4b:s3+s24], $0x40, s18, s24, $0xb8;
	[tilespmem:$0xF400] =	vst v63  }
0x3f: {  	_ =	swait.ge [sflag:s28], $0x2000  }
0x40: {  	s0 =	sadd.s32 $0x0, s9;
	[sflag:s28] =	ssyncset.done $0x0  }
0x41: {  	s1 =	simm.s32 $0x7;
	s11 =	sadd.s32 $0x20000, s0;
	[sflag:s28] =	ssyncadd.s32 $0xFFFFE000  }
0x42: {  	[hbm4b:s11+s29] =	stream.strided.scatter [tilespmem:s19], [sflag:$0x5], $0x2000, s24, s29, $0x38;
	[tilespmem:$0xF400] =	vst v63  }
0x43: {  	_ =	swait.ge [sflag:s1], $0x2000  }
0x44: {  	[sflag:s1] =	ssyncset.done $0x0  }
0x45: {  	s17 =	simm.s32 $0x300;
	[sflag:s1] =	ssyncadd.s32 $0xFFFFE000  }
0x46: {  	[tilespmem:s23], [sflag:$0x3] =	stream.indirect.gather [hbm4b:s3+s24], $0x40, s17, s24, $0xb8;
	[tilespmem:$0xF400] =	vst v63  }
0x47: {  	_ =	swait.ge [sflag:s31], $0x2000  }
0x48: {  	[sflag:s31] =	ssyncset.done $0x0  }
0x49: {  	s18 =	sadd.s32 $0x20800, s0;
	[sflag:s31] =	ssyncadd.s32 $0xFFFFE000  }
0x4a: {  	[hbm4b:s18+s29] =	stream.strided.scatter [tilespmem:s20], [sflag:$0x6], $0x2000, s24, s29, $0x38;
	[tilespmem:$0xF400] =	vst v63  }
0x4b: {  	_ =	swait.ge [sflag:s12], $0x2000  }
0x4c: {  	[sflag:s12] =	ssyncset.done $0x0  }
0x4d: {  	s11 =	simm.s32 $0x380;
	[sflag:s12] =	ssyncadd.s32 $0xFFFFE000  }
0x4e: {  	[tilespmem:s25], [sflag:$0x4] =	stream.indirect.gather [hbm4b:s3+s24], $0x40, s11, s24, $0xb8;
	[tilespmem:$0xF400] =	vst v63  }
0x4f: {  	_ =	swait.ge [sflag:s22], $0x2000  }
0x50: {  	[sflag:s22] =	ssyncset.done $0x0  }
0x51: {  	s17 =	sadd.s32 $0x20008, s0;
	[sflag:s22] =	ssyncadd.s32 $0xFFFFE000  }
0x52: {  	[hbm4b:s17+s29] =	stream.strided.scatter [tilespmem:s23], [sflag:$0x7], $0x2000, s24, s29, $0x38;
	[tilespmem:$0xF400] =	vst v63  }
0x53: {  	_ =	swait.ge [sflag:s26], $0x2000  }
0x54: {  	[sflag:s26] =	ssyncset.done $0x0  }
0x55: {  	s18 =	simm.s32 $0x400;
	[sflag:s26] =	ssyncadd.s32 $0xFFFFE000  }
0x56: {  	[tilespmem:s19], [sflag:$0x1] =	stream.indirect.gather [hbm4b:s3+s24], $0x40, s18, s24, $0xb8;
	[tilespmem:$0xF400] =	vst v63  }
0x57: {  	_ =	swait.ge [sflag:s2], $0x2000  }
0x58: {  	s0 =	sadd.s32 $0x20808, s0;
	[sflag:s2] =	ssyncset.done $0x0  }
0x59: {  	s17 =	simm.s32 $0x20000;
	s18 =	simm.s32 $0x600;
	[sflag:s2] =	ssyncadd.s32 $0xFFFFE000  }
.LBB2_2:
0x5a: {  	[hbm4b:s0+s29] =	stream.strided.scatter [tilespmem:s25], [sflag:$0x8], $0x2000, s24, s29, $0x38;
	[tilespmem:$0xF400] =	vst v63  }
0x5b: {  	s0 =	smov.u32 s17  }
0x5c: {  	p0 =	sne.s32 s17, $0xE0000;
	s17 =	sadd.s32 $0x20000, s17;
	_ =	swait.ge [sflag:s30], $0x2000  }
0x5d: {  	[sflag:s30] =	ssyncset.done $0x0  }
0x5e: {  	s13 =	sadd.s32 $0xFFFFFE80, s18;
	[sflag:s30] =	ssyncadd.s32 $0xFFFFE000  }
0x5f: {  	[tilespmem:s20], [sflag:$0x2] =	stream.indirect.gather [hbm4b:s3+s24], $0x40, s13, s24, $0xb8;
	[tilespmem:$0xF400] =	vst v63  }
0x60: {  	_ =	swait.ge [sflag:s28], $0x2000  }
0x61: {  	s0 =	sadd.s32 s0, s9;
	[sflag:s28] =	ssyncset.done $0x0  }
0x62: {  	s13 =	sadd.s32 $0x20000, s0;
	[sflag:s28] =	ssyncadd.s32 $0xFFFFE000  }
0x63: {  	[hbm4b:s13+s29] =	stream.strided.scatter [tilespmem:s19], [sflag:$0x5], $0x2000, s24, s29, $0x38;
	[tilespmem:$0xF400] =	vst v63  }
0x64: {  	_ =	swait.ge [sflag:s1], $0x2000  }
0x65: {  	[sflag:s1] =	ssyncset.done $0x0  }
0x66: {  	s13 =	sadd.s32 $0xFFFFFF00, s18;
	[sflag:s1] =	ssyncadd.s32 $0xFFFFE000  }
0x67: {  	[tilespmem:s23], [sflag:$0x3] =	stream.indirect.gather [hbm4b:s3+s24], $0x40, s13, s24, $0xb8;
	[tilespmem:$0xF400] =	vst v63  }
0x68: {  	_ =	swait.ge [sflag:s31], $0x2000  }
0x69: {  	[sflag:s31] =	ssyncset.done $0x0  }
0x6a: {  	s13 =	sadd.s32 $0x20800, s0;
	[sflag:s31] =	ssyncadd.s32 $0xFFFFE000  }
0x6b: {  	[hbm4b:s13+s29] =	stream.strided.scatter [tilespmem:s20], [sflag:$0x6], $0x2000, s24, s29, $0x38;
	[tilespmem:$0xF400] =	vst v63  }
0x6c: {  	_ =	swait.ge [sflag:s12], $0x2000  }
0x6d: {  	[sflag:s12] =	ssyncset.done $0x0  }
0x6e: {  	s13 =	sadd.s32 $0xFFFFFF80, s18;
	[sflag:s12] =	ssyncadd.s32 $0xFFFFE000  }
0x6f: {  	[tilespmem:s25], [sflag:$0x4] =	stream.indirect.gather [hbm4b:s3+s24], $0x40, s13, s24, $0xb8;
	[tilespmem:$0xF400] =	vst v63  }
0x70: {  	_ =	swait.ge [sflag:s22], $0x2000  }
0x71: {  	[sflag:s22] =	ssyncset.done $0x0  }
0x72: {  	s13 =	sadd.s32 $0x20008, s0;
	[sflag:s22] =	ssyncadd.s32 $0xFFFFE000  }
0x73: {  	[hbm4b:s13+s29] =	stream.strided.scatter [tilespmem:s23], [sflag:$0x7], $0x2000, s24, s29, $0x38;
	[tilespmem:$0xF400] =	vst v63  }
0x74: {  	_ =	swait.ge [sflag:s26], $0x2000  }
0x75: {  	[sflag:s26] =	ssyncset.done $0x0  }
.Ltmp0:
0x76: {  	[sflag:s26] =	ssyncadd.s32 $0xFFFFE000;
	(pc) =	sbr.rel @p0 .LBB2_2-.Ltmp0, $4  }
0x77: {  	[tilespmem:s19], [sflag:$0x1] =	stream.indirect.gather [hbm4b:s3+s24], $0x40, s18, s24, $0xb8;
	[tilespmem:$0xF400] =	vst v63  }
0x78: {  	_ =	swait.ge [sflag:s2], $0x2000  }
0x79: {  	[sflag:s2] =	ssyncset.done $0x0  }
0x7a: {  	s0 =	sadd.s32 $0x20808, s0;
	s18 =	sadd.s32 $0x200, s18;
	[sflag:s2] =	ssyncadd.s32 $0xFFFFE000  }
0x7b: {  	[hbm4b:s0+s29] =	stream.strided.scatter [tilespmem:s25], [sflag:$0x8], $0x2000, s24, s29, $0x38;
	[tilespmem:$0xF400] =	vst v63  }
0x7c: {  	s9 =	simm.s32 $0x6  }
0x7d: {  	_ =	swait.ge [sflag:s9], $0x2000  }
0x7e: {  	[sflag:s9] =	ssyncset.done $0x0  }
0x7f: {  	s18 =	simm.s32 $0x1280;
	[sflag:s9] =	ssyncadd.s32 $0xFFFFE000  }
0x80: {  	[tilespmem:s20], [sflag:$0x2] =	stream.indirect.gather [hbm4b:s3+s24], $0x40, s18, s24, $0xb8;
	[tilespmem:$0xF400] =	vst v63  }
0x81: {  	_ =	swait.ge [sflag:s28], $0x2000  }
0x82: {  	[sflag:s28] =	ssyncset.done $0x0  }
0x83: {  	s11 =	rddreg [dreg:$0x8];
	[sflag:s28] =	ssyncadd.s32 $0xFFFFE000  }
0x84: {  	[hbm4b:s11+s29] =	stream.strided.scatter [tilespmem:s19], [sflag:$0x5], $0x2000, s24, s29, $0x38;
	[tilespmem:$0xF400] =	vst v63  }
0x85: {  	_ =	swait.ge [sflag:s1], $0x2000  }
0x86: {  	[sflag:s1] =	ssyncset.done $0x0  }
0x87: {  	s13 =	simm.s32 $0x1300;
	[sflag:s1] =	ssyncadd.s32 $0xFFFFE000  }
0x88: {  	[tilespmem:s23], [sflag:$0x3] =	stream.indirect.gather [hbm4b:s3+s24], $0x40, s13, s24, $0xb8;
	[tilespmem:$0xF400] =	vst v63  }
0x89: {  	_ =	swait.ge [sflag:s31], $0x2000  }
0x8a: {  	[sflag:s31] =	ssyncset.done $0x0  }
0x8b: {  	s17 =	rddreg [dreg:$0x9];
	[sflag:s31] =	ssyncadd.s32 $0xFFFFE000  }
0x8c: {  	[hbm4b:s17+s29] =	stream.strided.scatter [tilespmem:s20], [sflag:$0x6], $0x2000, s24, s29, $0x38;
	[tilespmem:$0xF400] =	vst v63  }
0x8d: {  	_ =	swait.ge [sflag:s12], $0x2000  }
0x8e: {  	[sflag:s12] =	ssyncset.done $0x0  }
0x8f: {  	s18 =	simm.s32 $0x1380;
	[sflag:s12] =	ssyncadd.s32 $0xFFFFE000  }
0x90: {  	[tilespmem:s25], [sflag:$0x4] =	stream.indirect.gather [hbm4b:s3+s24], $0x40, s18, s24, $0xb8;
	[tilespmem:$0xF400] =	vst v63  }
0x91: {  	_ =	swait.ge [sflag:s22], $0x2000  }
0x92: {  	[sflag:s22] =	ssyncset.done $0x0  }
0x93: {  	s19 =	rddreg [dreg:$0xa];
	[sflag:s22] =	ssyncadd.s32 $0xFFFFE000  }
0x94: {  	[hbm4b:s19+s29] =	stream.strided.scatter [tilespmem:s23], [sflag:$0x7], $0x2000, s24, s29, $0x38;
	[tilespmem:$0xF400] =	vst v63  }
0x95: {  	_ =	swait.ge [sflag:s2], $0x2000  }
0x96: {  	[sflag:s2] =	ssyncset.done $0x0  }
0x97: {  	s20 =	rddreg [dreg:$0xb];
	[sflag:s2] =	ssyncadd.s32 $0xFFFFE000  }
0x98: {  	[hbm4b:s20+s29] =	stream.strided.scatter [tilespmem:s25], [sflag:$0x8], $0x2000, s24, s29, $0x38;
	[tilespmem:$0xF400] =	vst v63  }
0x99: {  	_ =	swait.ge [sflag:s26], $0x2000  }
0x9a: {  	[sflag:s26] =	ssyncset.done $0x0  }
0x9b: {  	[sflag:s26] =	ssyncadd.s32 $0xFFFFE000  }
0x9c: {  	_ =	swait.ge [sflag:s9], $0x2000  }
0x9d: {  	[sflag:s9] =	ssyncset.done $0x0  }
0x9e: {  	[sflag:s9] =	ssyncadd.s32 $0xFFFFE000  }
0x9f: {  	_ =	swait.ge [sflag:s1], $0x2000  }
0xa0: {  	[sflag:s1] =	ssyncset.done $0x0  }
0xa1: {  	[sflag:s1] =	ssyncadd.s32 $0xFFFFE000  }
0xa2: {  	p0 =	por $0x1, $0x1;
	_ =	swait.ge [sflag:s12], $0x2000  }
0xa3: {  	s0 =	simm.s32 @!p0 $0x6;
	[sflag:s12] =	ssyncset.done $0x0  }
0xa4: {  	s23 =	simm.s32 $0x1400;
	[sflag:s12] =	ssyncadd.s32 $0xFFFFE000;
	s12 =	simm.s32 $0xB400  }
0xa5: {  	[tilespmem:s12], [sflag:$0x1] =	stream.indirect.gather [hbm4b:s4+s24], $0x20, s23, s24, $0xb8;
	[tilespmem:$0xF400] =	vst v63  }
0xa6: {  	_ =	swait.ge @!p0 [sflag:s0], $0x1000  }
0xa7: {  	p1 =	por $0x1, $0x1;
	s13 =	simm.s32 $0x0;
	[sflag:s0] =	ssyncset.done @!p0 $0x0  }
0xa8: {  	s17 =	simm.s32 $0x0;
	s25 =	simm.s32 $0x1480;
	[sflag:s0] =	ssyncadd.s32 @!p0 $0xFFFFF000  }
0xa9: {  	[tilespmem:s14], [sflag:$0x2] =	stream.indirect.gather [hbm4b:s4+s24], $0x20, s25, s24, $0xb8;
	[tilespmem:$0xF400] =	vst v63  }
0xaa: {  	s26 =	sand.u32 $0xE0000, s13;
	s1 =	sand.u32 $0x8, s17;
	_ =	swait.ge [sflag:s28], $0x1000  }
0xab: {  	s11 =	sor.u32 s8, s26;
	s17 =	sadd.s32 s6, s1;
	[sflag:s28] =	ssyncset.done $0x0  }
0xac: {  	s18 =	simm.s32 @!p1 $0x7;
	s17 =	sadd.s32 s11, s17;
	[sflag:s28] =	ssyncadd.s32 $0xFFFFF000  }
0xad: {  	[hbm4b:s17+s21] =	stream.strided.scatter [tilespmem:s12], [sflag:$0x5], $0x1000, s24, s21, $0x38;
	[tilespmem:$0xF400] =	vst v63  }
0xae: {  	_ =	swait.ge @!p1 [sflag:s18], $0x1000  }
0xaf: {  	[sflag:s18] =	ssyncset.done @!p1 $0x0  }
0xb0: {  	s20 =	simm.s32 $0x1500;
	[sflag:s18] =	ssyncadd.s32 @!p1 $0xFFFFF000  }
0xb1: {  	[tilespmem:s15], [sflag:$0x3] =	stream.indirect.gather [hbm4b:s4+s24], $0x20, s20, s24, $0xb8;
	[tilespmem:$0xF400] =	vst v63  }
0xb2: {  	s0 =	sor.u32 s10, s26;
	_ =	swait.ge [sflag:s31], $0x1000  }
0xb3: {  	p2 =	por $0x0, $0x0;
	s25 =	sadd.s32 s6, s0;
	[sflag:s31] =	ssyncset.done $0x0  }
0xb4: {  	s13 =	simm.s32 @!p0 $0x8;
	s0 =	sadd.s32 s1, s25;
	[sflag:s31] =	ssyncadd.s32 $0xFFFFF000  }
0xb5: {  	[hbm4b:s0+s21] =	stream.strided.scatter [tilespmem:s14], [sflag:$0x6], $0x1000, s24, s21, $0x38;
	[tilespmem:$0xF400] =	vst v63  }
0xb6: {  	s19 =	simm.s32 @!p2 $0x5;
	_ =	swait.ge @!p0 [sflag:s13], $0x1000  }
0xb7: {  	s23 =	simm.s32 $0x1580;
	s26 =	simm.s32 $0x4;
	[sflag:s13] =	ssyncset.done @!p0 $0x0  }
0xb8: {  	s1 =	sadd.s32 s6, s11;
	s11 =	sand.u32 $0xC, s9;
	[sflag:s13] =	ssyncadd.s32 @!p0 $0xFFFFF000  }
0xb9: {  	[tilespmem:s16], [sflag:$0x4] =	stream.indirect.gather [hbm4b:s4+s24], $0x20, s23, s24, $0xb8;
	[tilespmem:$0xF400] =	vst v63  }
0xba: {  	s30 =	sadd.s32 s11, s25;
	s17 =	simm.s32 $0x1000;
	_ =	swait.ge [sflag:s22], $0x1000  }
0xbb: {  	s18 =	simm.s32 $0x800;
	s0 =	sand.u32 $0xC, s26;
	[sflag:s22] =	ssyncset.done $0x0  }
0xbc: {  	s20 =	simm.s32 $0x0;
	s0 =	sadd.s32 s0, s1;
	[sflag:s22] =	ssyncadd.s32 $0xFFFFF000  }
0xbd: {  	[hbm4b:s0+s21] =	stream.strided.scatter [tilespmem:s15], [sflag:$0x7], $0x1000, s24, s21, $0x38;
	[tilespmem:$0xF400] =	vst v63  }
0xbe: {  	s26 =	simm.s32 @!p2 $0x1600;
	s13 =	simm.s32 @!p2 $0xB400;
	_ =	swait.ge @!p2 [sflag:s19], $0x1000  }
0xbf: {  	p0 =	por $0x0, $0x0;
	s23 =	simm.s32 $0x10000;
	[sflag:s19] =	ssyncset.done @!p2 $0x0  }
0xc0: {  	s0 =	simm.s32 @!p2 $0x80;
	[sflag:s19] =	ssyncadd.s32 @!p2 $0xFFFFF000;
	s19 =	simm.s32 $0xE  }
.LBB2_4:
0xc1: {  	[tilespmem:s13], [sflag:$0x1] =	stream.indirect.gather @!p2 [hbm4b:s4+s0], $0x20, s26, s0, $0xb8;
	[tilespmem:$0xF400] =	vst v63  }
0xc2: {  	s26 =	smov.u32 s18;
	s18 =	smov.u32 s17;
	s25 =	smov.u32 s19  }
0xc3: {  	s17 =	sadd.s32 $0x800, s17;
	_ =	swait.ge [sflag:s2], $0x1000  }
0xc4: {  	s0 =	simm.s32 @!p0 $0x6;
	p1 =	sne.s32 s17, $0x5000;
	[sflag:s2] =	ssyncset.done $0x0  }
0xc5: {  	p2 =	sgt.u32 s20, $0x23;
	s13 =	sshra.s32 s26, $0x2;
	[sflag:s2] =	ssyncadd.s32 $0xFFFFF000  }
0xc6: {  	[hbm4b:s30+s21] =	stream.strided.scatter [tilespmem:s16], [sflag:$0x8], $0x1000, s24, s21, $0x38;
	[tilespmem:$0xF400] =	vst v63  }
0xc7: {  	s30 =	sadd.s32 $0xFFFFFFFA, s19;
	_ =	swait.ge @!p0 [sflag:s0], $0x1000  }
0xc8: {  	s1 =	sand.u32 $0xE0000, s23;
	s30 =	sand.u32 $0x8, s30;
	[sflag:s0] =	ssyncset.done @!p0 $0x0  }
0xc9: {  	s9 =	sadd.s32 s6, s30;
	[sflag:s0] =	ssyncadd.s32 @!p0 $0xFFFFF000;
	s0 =	sadd.s32 $0x1480, s13  }
0xca: {  	[tilespmem:s14], [sflag:$0x2] =	stream.indirect.gather [hbm4b:s4+s24], $0x20, s0, s24, $0xb8;
	[tilespmem:$0xF400] =	vst v63  }
0xcb: {  	s0 =	sor.u32 s8, s1;
	_ =	swait.ge [sflag:s28], $0x1000  }
0xcc: {  	s9 =	sadd.s32 s0, s9;
	[sflag:s28] =	ssyncset.done $0x0  }
0xcd: {  	s11 =	simm.s32 @!p2 $0x7;
	[sflag:s28] =	ssyncadd.s32 $0xFFFFF000  }
0xce: {  	[hbm4b:s9+s21] =	stream.strided.scatter [tilespmem:s12], [sflag:$0x5], $0x1000, s24, s21, $0x38;
	[tilespmem:$0xF400] =	vst v63  }
0xcf: {  	_ =	swait.ge @!p2 [sflag:s11], $0x1000  }
0xd0: {  	s1 =	sor.u32 s10, s1;
	[sflag:s11] =	ssyncset.done @!p2 $0x0  }
0xd1: {  	s1 =	sadd.s32 s6, s1;
	s9 =	sadd.s32 $0x1500, s13;
	[sflag:s11] =	ssyncadd.s32 @!p2 $0xFFFFF000  }
0xd2: {  	[tilespmem:s15], [sflag:$0x3] =	stream.indirect.gather [hbm4b:s4+s24], $0x20, s9, s24, $0xb8;
	[tilespmem:$0xF400] =	vst v63  }
0xd3: {  	s9 =	sadd.s32 s30, s1;
	_ =	swait.ge [sflag:s31], $0x1000  }
0xd4: {  	[sflag:s31] =	ssyncset.done $0x0  }
0xd5: {  	s11 =	simm.s32 @!p0 $0x8;
	[sflag:s31] =	ssyncadd.s32 $0xFFFFF000  }
0xd6: {  	[hbm4b:s9+s21] =	stream.strided.scatter [tilespmem:s14], [sflag:$0x6], $0x1000, s24, s21, $0x38;
	[tilespmem:$0xF400] =	vst v63  }
0xd7: {  	s23 =	sadd.s32 $0x10000, s23;
	p2 =	seq.s32 s26, $0x4800;
	_ =	swait.ge @!p0 [sflag:s11], $0x1000  }
0xd8: {  	s0 =	sadd.s32 s6, s0;
	s9 =	sadd.s32 $0xFFFFFFFE, s19;
	[sflag:s11] =	ssyncset.done @!p0 $0x0  }
0xd9: {  	s9 =	sand.u32 $0xC, s9;
	[sflag:s11] =	ssyncadd.s32 @!p0 $0xFFFFF000;
	s11 =	sadd.s32 $0x1580, s13  }
0xda: {  	[tilespmem:s16], [sflag:$0x4] =	stream.indirect.gather [hbm4b:s4+s24], $0x20, s11, s24, $0xb8;
	[tilespmem:$0xF400] =	vst v63  }
0xdb: {  	s13 =	sshra.s32 @!p2 s26, $0x2;
	s11 =	simm.s32 @!p2 $0x5;
	_ =	swait.ge [sflag:s22], $0x1000  }
0xdc: {  	s20 =	sadd.s32 $0x4, s20;
	s0 =	sadd.s32 s9, s0;
	[sflag:s22] =	ssyncset.done $0x0  }
.Ltmp1:
0xdd: {  	s26 =	sadd.s32 @!p2 $0x1600, s13;
	[sflag:s22] =	ssyncadd.s32 $0xFFFFF000;
	(pc) =	sbr.rel @p1 .LBB2_4-.Ltmp1, $4  }
0xde: {  	[hbm4b:s0+s21] =	stream.strided.scatter [tilespmem:s15], [sflag:$0x7], $0x1000, s24, s21, $0x38;
	[tilespmem:$0xF400] =	vst v63  }
0xdf: {  	s19 =	sadd.s32 $0x8, s19;
	s0 =	simm.s32 @!p2 $0x80;
	_ =	swait.ge @!p2 [sflag:s11], $0x1000  }
0xe0: {  	s9 =	sand.u32 $0xC, s25;
	s13 =	simm.s32 @!p2 $0xB400;
	[sflag:s11] =	ssyncset.done @!p2 $0x0  }
0xe1: {  	p0 =	seq.s32 s18, $0x0;
	s30 =	sadd.s32 s9, s1;
	[sflag:s11] =	ssyncadd.s32 @!p2 $0xFFFFF000  }
0xe2: {  	[tilespmem:s13], [sflag:$0x1] =	stream.indirect.gather @!p2 [hbm4b:s4+s0], $0x20, s26, s0, $0xb8;
	[tilespmem:$0xF400] =	vst v63  }
0xe3: {  	_ =	swait.ge [sflag:s2], $0x1000  }
0xe4: {  	[sflag:s2] =	ssyncset.done $0x0  }
0xe5: {  	s0 =	simm.s32 @!p0 $0x6;
	[sflag:s2] =	ssyncadd.s32 $0xFFFFF000  }
0xe6: {  	[hbm4b:s30+s21] =	stream.strided.scatter [tilespmem:s16], [sflag:$0x8], $0x1000, s24, s21, $0x38;
	[tilespmem:$0xF400] =	vst v63  }
0xe7: {  	_ =	swait.ge @!p0 [sflag:s0], $0x1000  }
0xe8: {  	s1 =	sshra.s32 s18, $0x2;
	p1 =	sgt.u32 s20, $0x23;
	[sflag:s0] =	ssyncset.done @!p0 $0x0  }
0xe9: {  	s9 =	sadd.s32 $0xFFFFFFFA, s19;
	s20 =	sadd.s32 $0x1480, s1;
	[sflag:s0] =	ssyncadd.s32 @!p0 $0xFFFFF000  }
0xea: {  	[tilespmem:s14], [sflag:$0x2] =	stream.indirect.gather [hbm4b:s4+s24], $0x20, s20, s24, $0xb8;
	[tilespmem:$0xF400] =	vst v63  }
0xeb: {  	s25 =	sand.u32 $0xE0000, s23;
	s9 =	sand.u32 $0x8, s9;
	_ =	swait.ge [sflag:s28], $0x1000  }
0xec: {  	s26 =	sor.u32 s8, s25;
	s11 =	sadd.s32 s6, s9;
	[sflag:s28] =	ssyncset.done $0x0  }
0xed: {  	s17 =	simm.s32 @!p1 $0x7;
	s11 =	sadd.s32 s26, s11;
	[sflag:s28] =	ssyncadd.s32 $0xFFFFF000  }
0xee: {  	[hbm4b:s11+s21] =	stream.strided.scatter [tilespmem:s12], [sflag:$0x5], $0x1000, s24, s21, $0x38;
	[tilespmem:$0xF400] =	vst v63  }
0xef: {  	_ =	swait.ge @!p1 [sflag:s17], $0x1000  }
0xf0: {  	[sflag:s17] =	ssyncset.done @!p1 $0x0  }
0xf1: {  	[sflag:s17] =	ssyncadd.s32 @!p1 $0xFFFFF000;
	s17 =	sadd.s32 $0x1500, s1  }
0xf2: {  	[tilespmem:s15], [sflag:$0x3] =	stream.indirect.gather [hbm4b:s4+s24], $0x20, s17, s24, $0xb8;
	[tilespmem:$0xF400] =	vst v63  }
0xf3: {  	s0 =	sor.u32 s10, s25;
	_ =	swait.ge [sflag:s31], $0x1000  }
0xf4: {  	s0 =	sadd.s32 s6, s0;
	[sflag:s31] =	ssyncset.done $0x0  }
0xf5: {  	s9 =	sadd.s32 s9, s0;
	s11 =	simm.s32 @!p0 $0x8;
	[sflag:s31] =	ssyncadd.s32 $0xFFFFF000  }
0xf6: {  	[hbm4b:s9+s21] =	stream.strided.scatter [tilespmem:s14], [sflag:$0x6], $0x1000, s24, s21, $0x38;
	[tilespmem:$0xF400] =	vst v63  }
0xf7: {  	_ =	swait.ge @!p0 [sflag:s11], $0x1000  }
0xf8: {  	[sflag:s11] =	ssyncset.done @!p0 $0x0  }
0xf9: {  	s1 =	sadd.s32 $0x1580, s1;
	[sflag:s11] =	ssyncadd.s32 @!p0 $0xFFFFF000  }
0xfa: {  	[tilespmem:s16], [sflag:$0x4] =	stream.indirect.gather [hbm4b:s4+s24], $0x20, s1, s24, $0xb8;
	[tilespmem:$0xF400] =	vst v63  }
0xfb: {  	s23 =	sadd.s32 s6, s26;
	s20 =	sadd.s32 $0xFFFFFFFE, s19;
	_ =	swait.ge [sflag:s22], $0x1000  }
0xfc: {  	p0 =	seq.s32 s18, $0x4800;
	s1 =	sand.u32 $0xC, s20;
	[sflag:s22] =	ssyncset.done $0x0  }
0xfd: {  	s11 =	simm.s32 @!p0 $0x5;
	s1 =	sadd.s32 s1, s23;
	[sflag:s22] =	ssyncadd.s32 $0xFFFFF000  }
0xfe: {  	[hbm4b:s1+s21] =	stream.strided.scatter [tilespmem:s15], [sflag:$0x7], $0x1000, s24, s21, $0x38;
	[tilespmem:$0xF400] =	vst v63  }
0xff: {  	_ =	swait.ge @!p0 [sflag:s11], $0x1000  }
0x100: {  	s9 =	simm.s32 @!p0 $0x80;
	s1 =	sshra.s32 @!p0 s18, $0x2;
	[sflag:s11] =	ssyncset.done @!p0 $0x0  }
0x101: {  	s13 =	simm.s32 @!p0 $0xB400;
	s1 =	sadd.s32 @!p0 $0x1600, s1;
	[sflag:s11] =	ssyncadd.s32 @!p0 $0xFFFFF000  }
0x102: {  	[tilespmem:s13], [sflag:$0x1] =	stream.indirect.gather @!p0 [hbm4b:s4+s9], $0x20, s1, s9, $0xb8;
	[tilespmem:$0xF400] =	vst v63  }
0x103: {  	_ =	swait.ge [sflag:s2], $0x1000  }
0x104: {  	s25 =	sand.u32 $0xC, s19;
	[sflag:s2] =	ssyncset.done $0x0  }
0x105: {  	s26 =	simm.s32 $0x5;
	s0 =	sadd.s32 s25, s0;
	[sflag:s2] =	ssyncadd.s32 $0xFFFFF000  }
0x106: {  	[hbm4b:s0+s21] =	stream.strided.scatter [tilespmem:s16], [sflag:$0x8], $0x1000, s24, s21, $0x38;
	[tilespmem:$0xF400] =	vst v63  }
0x107: {  	_ =	swait.ge [sflag:s26], $0x1000  }
0x108: {  	[sflag:s26] =	ssyncset.done $0x0  }
0x109: {  	s25 =	simm.s32 $0x6;
	[sflag:s26] =	ssyncadd.s32 $0xFFFFF000  }
0x10a: {  	_ =	swait.ge [sflag:s25], $0x1000  }
0x10b: {  	[sflag:s25] =	ssyncset.done $0x0  }
0x10c: {  	s1 =	simm.s32 $0x7;
	[sflag:s25] =	ssyncadd.s32 $0xFFFFF000  }
0x10d: {  	_ =	swait.ge [sflag:s1], $0x1000  }
0x10e: {  	[sflag:s1] =	ssyncset.done $0x0  }
0x10f: {  	s9 =	simm.s32 $0x8;
	[sflag:s1] =	ssyncadd.s32 $0xFFFFF000  }
0x110: {  	_ =	swait.ge [sflag:s9], $0x1000  }
0x111: {  	p0 =	por $0x1, $0x1;
	[sflag:s9] =	ssyncset.done $0x0  }
0x112: {  	s11 =	simm.s32 $0x2800;
	s0 =	simm.s32 @!p0 $0x6;
	[sflag:s9] =	ssyncadd.s32 $0xFFFFF000  }
0x113: {  	[tilespmem:s12], [sflag:$0x1] =	stream.indirect.gather [hbm4b:s5+s24], $0x20, s11, s24, $0xb8;
	[tilespmem:$0xF400] =	vst v63  }
0x114: {  	_ =	swait.ge @!p0 [sflag:s0], $0x1000  }
0x115: {  	p1 =	por $0x1, $0x1;
	s17 =	simm.s32 $0x0;
	[sflag:s0] =	ssyncset.done @!p0 $0x0  }
0x116: {  	s18 =	simm.s32 $0x2880;
	s13 =	simm.s32 $0x0;
	[sflag:s0] =	ssyncadd.s32 @!p0 $0xFFFFF000  }
0x117: {  	[tilespmem:s14], [sflag:$0x2] =	stream.indirect.gather [hbm4b:s5+s24], $0x20, s18, s24, $0xb8;
	[tilespmem:$0xF400] =	vst v63  }
0x118: {  	s20 =	sand.u32 $0x8, s17;
	s19 =	sand.u32 $0x60000, s13;
	_ =	swait.ge [sflag:s28], $0x1000  }
0x119: {  	s23 =	sor.u32 s8, s19;
	s9 =	sadd.s32 s7, s20;
	[sflag:s28] =	ssyncset.done $0x0  }
0x11a: {  	s13 =	simm.s32 @!p1 $0x7;
	s9 =	sadd.s32 s23, s9;
	[sflag:s28] =	ssyncadd.s32 $0xFFFFF000  }
0x11b: {  	[hbm4b:s9+s21] =	stream.strided.scatter [tilespmem:s12], [sflag:$0x5], $0x1000, s24, s21, $0x38;
	[tilespmem:$0xF400] =	vst v63  }
0x11c: {  	_ =	swait.ge @!p1 [sflag:s13], $0x1000  }
0x11d: {  	[sflag:s13] =	ssyncset.done @!p1 $0x0  }
0x11e: {  	s26 =	simm.s32 $0x2900;
	[sflag:s13] =	ssyncadd.s32 @!p1 $0xFFFFF000  }
0x11f: {  	[tilespmem:s15], [sflag:$0x3] =	stream.indirect.gather [hbm4b:s5+s24], $0x20, s26, s24, $0xb8;
	[tilespmem:$0xF400] =	vst v63  }
0x120: {  	s0 =	sor.u32 s10, s19;
	_ =	swait.ge [sflag:s31], $0x1000  }
0x121: {  	s13 =	sadd.s32 s7, s0;
	[sflag:s31] =	ssyncset.done $0x0  }
0x122: {  	s1 =	simm.s32 @!p0 $0x8;
	s0 =	sadd.s32 s20, s13;
	[sflag:s31] =	ssyncadd.s32 $0xFFFFF000  }
0x123: {  	[hbm4b:s0+s21] =	stream.strided.scatter [tilespmem:s14], [sflag:$0x6], $0x1000, s24, s21, $0x38;
	[tilespmem:$0xF400] =	vst v63  }
0x124: {  	p2 =	por $0x0, $0x0;
	s17 =	simm.s32 $0x2980;
	_ =	swait.ge @!p0 [sflag:s1], $0x1000  }
0x125: {  	s25 =	sand.u32 $0xC, s25;
	s23 =	sadd.s32 s7, s23;
	[sflag:s1] =	ssyncset.done @!p0 $0x0  }
0x126: {  	s11 =	simm.s32 @!p2 $0x5;
	s19 =	simm.s32 $0x4;
	[sflag:s1] =	ssyncadd.s32 @!p0 $0xFFFFF000  }
0x127: {  	[tilespmem:s16], [sflag:$0x4] =	stream.indirect.gather [hbm4b:s5+s24], $0x20, s17, s24, $0xb8;
	[tilespmem:$0xF400] =	vst v63  }
0x128: {  	s18 =	simm.s32 $0x800;
	s20 =	simm.s32 $0x1000;
	_ =	swait.ge [sflag:s22], $0x1000  }
0x129: {  	s26 =	simm.s32 @!p2 $0x2A00;
	s0 =	sand.u32 $0xC, s19;
	[sflag:s22] =	ssyncset.done $0x0  }
0x12a: {  	s30 =	sadd.s32 s25, s13;
	s0 =	sadd.s32 s0, s23;
	[sflag:s22] =	ssyncadd.s32 $0xFFFFF000  }
0x12b: {  	[hbm4b:s0+s21] =	stream.strided.scatter [tilespmem:s15], [sflag:$0x7], $0x1000, s24, s21, $0x38;
	[tilespmem:$0xF400] =	vst v63  }
0x12c: {  	s13 =	simm.s32 @!p2 $0xB400;
	s19 =	simm.s32 $0xE;
	_ =	swait.ge @!p2 [sflag:s11], $0x1000  }
0x12d: {  	s23 =	simm.s32 $0x0;
	p0 =	por $0x0, $0x0;
	[sflag:s11] =	ssyncset.done @!p2 $0x0  }
0x12e: {  	s17 =	simm.s32 $0x10000;
	s0 =	simm.s32 @!p2 $0x80;
	[sflag:s11] =	ssyncadd.s32 @!p2 $0xFFFFF000  }
.LBB2_6:
0x12f: {  	[tilespmem:s13], [sflag:$0x1] =	stream.indirect.gather @!p2 [hbm4b:s5+s0], $0x20, s26, s0, $0xb8;
	[tilespmem:$0xF400] =	vst v63  }
0x130: {  	s26 =	smov.u32 s18;
	s18 =	smov.u32 s20;
	s25 =	smov.u32 s19  }
0x131: {  	s20 =	sadd.s32 $0x800, s20;
	_ =	swait.ge [sflag:s2], $0x1000  }
0x132: {  	s0 =	simm.s32 @!p0 $0x6;
	p1 =	sne.s32 s20, $0x3000;
	[sflag:s2] =	ssyncset.done $0x0  }
0x133: {  	p2 =	sgt.u32 s23, $0x13;
	s1 =	sshra.s32 s26, $0x2;
	[sflag:s2] =	ssyncadd.s32 $0xFFFFF000  }
0x134: {  	[hbm4b:s30+s21] =	stream.strided.scatter [tilespmem:s16], [sflag:$0x8], $0x1000, s24, s21, $0x38;
	[tilespmem:$0xF400] =	vst v63  }
0x135: {  	s9 =	sadd.s32 $0xFFFFFFFA, s19;
	_ =	swait.ge @!p0 [sflag:s0], $0x1000  }
0x136: {  	s11 =	sand.u32 $0x60000, s17;
	s9 =	sand.u32 $0x8, s9;
	[sflag:s0] =	ssyncset.done @!p0 $0x0  }
0x137: {  	s13 =	sadd.s32 s7, s9;
	[sflag:s0] =	ssyncadd.s32 @!p0 $0xFFFFF000;
	s0 =	sadd.s32 $0x2880, s1  }
0x138: {  	[tilespmem:s14], [sflag:$0x2] =	stream.indirect.gather [hbm4b:s5+s24], $0x20, s0, s24, $0xb8;
	[tilespmem:$0xF400] =	vst v63  }
0x139: {  	s0 =	sor.u32 s8, s11;
	_ =	swait.ge [sflag:s28], $0x1000  }
0x13a: {  	s13 =	sadd.s32 s0, s13;
	[sflag:s28] =	ssyncset.done $0x0  }
0x13b: {  	s30 =	simm.s32 @!p2 $0x7;
	[sflag:s28] =	ssyncadd.s32 $0xFFFFF000  }
0x13c: {  	[hbm4b:s13+s21] =	stream.strided.scatter [tilespmem:s12], [sflag:$0x5], $0x1000, s24, s21, $0x38;
	[tilespmem:$0xF400] =	vst v63  }
0x13d: {  	_ =	swait.ge @!p2 [sflag:s30], $0x1000  }
0x13e: {  	s11 =	sor.u32 s10, s11;
	[sflag:s30] =	ssyncset.done @!p2 $0x0  }
0x13f: {  	s11 =	sadd.s32 s7, s11;
	s13 =	sadd.s32 $0x2900, s1;
	[sflag:s30] =	ssyncadd.s32 @!p2 $0xFFFFF000  }
0x140: {  	[tilespmem:s15], [sflag:$0x3] =	stream.indirect.gather [hbm4b:s5+s24], $0x20, s13, s24, $0xb8;
	[tilespmem:$0xF400] =	vst v63  }
0x141: {  	s9 =	sadd.s32 s9, s11;
	_ =	swait.ge [sflag:s31], $0x1000  }
0x142: {  	[sflag:s31] =	ssyncset.done $0x0  }
0x143: {  	s13 =	simm.s32 @!p0 $0x8;
	[sflag:s31] =	ssyncadd.s32 $0xFFFFF000  }
0x144: {  	[hbm4b:s9+s21] =	stream.strided.scatter [tilespmem:s14], [sflag:$0x6], $0x1000, s24, s21, $0x38;
	[tilespmem:$0xF400] =	vst v63  }
0x145: {  	s17 =	sadd.s32 $0x10000, s17;
	p2 =	seq.s32 s26, $0x2800;
	_ =	swait.ge @!p0 [sflag:s13], $0x1000  }
0x146: {  	s0 =	sadd.s32 s7, s0;
	s9 =	sadd.s32 $0xFFFFFFFE, s19;
	[sflag:s13] =	ssyncset.done @!p0 $0x0  }
0x147: {  	s1 =	sadd.s32 $0x2980, s1;
	s9 =	sand.u32 $0xC, s9;
	[sflag:s13] =	ssyncadd.s32 @!p0 $0xFFFFF000  }
0x148: {  	[tilespmem:s16], [sflag:$0x4] =	stream.indirect.gather [hbm4b:s5+s24], $0x20, s1, s24, $0xb8;
	[tilespmem:$0xF400] =	vst v63  }
0x149: {  	s13 =	sshra.s32 @!p2 s26, $0x2;
	s1 =	simm.s32 @!p2 $0x5;
	_ =	swait.ge [sflag:s22], $0x1000  }
0x14a: {  	s23 =	sadd.s32 $0x4, s23;
	s0 =	sadd.s32 s9, s0;
	[sflag:s22] =	ssyncset.done $0x0  }
.Ltmp2:
0x14b: {  	s26 =	sadd.s32 @!p2 $0x2A00, s13;
	[sflag:s22] =	ssyncadd.s32 $0xFFFFF000;
	(pc) =	sbr.rel @p1 .LBB2_6-.Ltmp2, $4  }
0x14c: {  	[hbm4b:s0+s21] =	stream.strided.scatter [tilespmem:s15], [sflag:$0x7], $0x1000, s24, s21, $0x38;
	[tilespmem:$0xF400] =	vst v63  }
0x14d: {  	s19 =	sadd.s32 $0x8, s19;
	s0 =	simm.s32 @!p2 $0x80;
	_ =	swait.ge @!p2 [sflag:s1], $0x1000  }
0x14e: {  	s9 =	sand.u32 $0xC, s25;
	s13 =	simm.s32 @!p2 $0xB400;
	[sflag:s1] =	ssyncset.done @!p2 $0x0  }
0x14f: {  	p0 =	seq.s32 s18, $0x0;
	s30 =	sadd.s32 s9, s11;
	[sflag:s1] =	ssyncadd.s32 @!p2 $0xFFFFF000  }
0x150: {  	[tilespmem:s13], [sflag:$0x1] =	stream.indirect.gather @!p2 [hbm4b:s5+s0], $0x20, s26, s0, $0xb8;
	[tilespmem:$0xF400] =	vst v63  }
0x151: {  	_ =	swait.ge [sflag:s2], $0x1000  }
0x152: {  	[sflag:s2] =	ssyncset.done $0x0  }
0x153: {  	s0 =	simm.s32 @!p0 $0x6;
	[sflag:s2] =	ssyncadd.s32 $0xFFFFF000  }
0x154: {  	[hbm4b:s30+s21] =	stream.strided.scatter [tilespmem:s16], [sflag:$0x8], $0x1000, s24, s21, $0x38;
	[tilespmem:$0xF400] =	vst v63  }
0x155: {  	_ =	swait.ge @!p0 [sflag:s0], $0x1000  }
0x156: {  	s1 =	sshra.s32 s18, $0x2;
	[sflag:s0] =	ssyncset.done @!p0 $0x0  }
0x157: {  	s9 =	sadd.s32 $0xFFFFFFFA, s19;
	s13 =	sadd.s32 $0x2880, s1;
	[sflag:s0] =	ssyncadd.s32 @!p0 $0xFFFFF000  }
0x158: {  	[tilespmem:s14], [sflag:$0x2] =	stream.indirect.gather [hbm4b:s5+s24], $0x20, s13, s24, $0xb8;
	[tilespmem:$0xF400] =	vst v63  }
0x159: {  	s20 =	sand.u32 $0x60000, s17;
	s9 =	sand.u32 $0x8, s9;
	_ =	swait.ge [sflag:s28], $0x1000  }
0x15a: {  	s25 =	sor.u32 s8, s20;
	s11 =	sadd.s32 s7, s9;
	[sflag:s28] =	ssyncset.done $0x0  }
0x15b: {  	p1 =	sgt.u32 s23, $0x13;
	s11 =	sadd.s32 s25, s11;
	[sflag:s28] =	ssyncadd.s32 $0xFFFFF000  }
0x15c: {  	[hbm4b:s11+s21] =	stream.strided.scatter [tilespmem:s12], [sflag:$0x5], $0x1000, s24, s21, $0x38;
	[tilespmem:$0xF400] =	vst v63  }
0x15d: {  	s11 =	simm.s32 @!p1 $0x7  }
0x15e: {  	_ =	swait.ge @!p1 [sflag:s11], $0x1000  }
0x15f: {  	[sflag:s11] =	ssyncset.done @!p1 $0x0  }
0x160: {  	s26 =	sadd.s32 $0x2900, s1;
	[sflag:s11] =	ssyncadd.s32 @!p1 $0xFFFFF000  }
0x161: {  	[tilespmem:s15], [sflag:$0x3] =	stream.indirect.gather [hbm4b:s5+s24], $0x20, s26, s24, $0xb8;
	[tilespmem:$0xF400] =	vst v63  }
0x162: {  	s0 =	sor.u32 s10, s20;
	_ =	swait.ge [sflag:s31], $0x1000  }
0x163: {  	s0 =	sadd.s32 s7, s0;
	[sflag:s31] =	ssyncset.done $0x0  }
0x164: {  	s9 =	sadd.s32 s9, s0;
	[sflag:s31] =	ssyncadd.s32 $0xFFFFF000  }
0x165: {  	[hbm4b:s9+s21] =	stream.strided.scatter [tilespmem:s14], [sflag:$0x6], $0x1000, s24, s21, $0x38;
	[tilespmem:$0xF400] =	vst v63  }
0x166: {  	s9 =	simm.s32 @!p0 $0x8  }
0x167: {  	_ =	swait.ge @!p0 [sflag:s9], $0x1000  }
0x168: {  	[sflag:s9] =	ssyncset.done @!p0 $0x0  }
0x169: {  	s1 =	sadd.s32 $0x2980, s1;
	[sflag:s9] =	ssyncadd.s32 @!p0 $0xFFFFF000  }
0x16a: {  	[tilespmem:s16], [sflag:$0x4] =	stream.indirect.gather [hbm4b:s5+s24], $0x20, s1, s24, $0xb8;
	[tilespmem:$0xF400] =	vst v63  }
0x16b: {  	s17 =	sadd.s32 s7, s25;
	s12 =	sadd.s32 $0xFFFFFFFE, s19;
	_ =	swait.ge [sflag:s22], $0x1000  }
0x16c: {  	p0 =	seq.s32 s18, $0x2800;
	s1 =	sand.u32 $0xC, s12;
	[sflag:s22] =	ssyncset.done $0x0  }
0x16d: {  	s9 =	simm.s32 @!p0 $0x5;
	s1 =	sadd.s32 s1, s17;
	[sflag:s22] =	ssyncadd.s32 $0xFFFFF000  }
0x16e: {  	[hbm4b:s1+s21] =	stream.strided.scatter [tilespmem:s15], [sflag:$0x7], $0x1000, s24, s21, $0x38;
	[tilespmem:$0xF400] =	vst v63  }
0x16f: {  	_ =	swait.ge @!p0 [sflag:s9], $0x1000  }
0x170: {  	s11 =	simm.s32 @!p0 $0x80;
	s1 =	sshra.s32 @!p0 s18, $0x2;
	[sflag:s9] =	ssyncset.done @!p0 $0x0  }
0x171: {  	s1 =	sadd.s32 @!p0 $0x2A00, s1;
	[sflag:s9] =	ssyncadd.s32 @!p0 $0xFFFFF000;
	s9 =	simm.s32 @!p0 $0xB400  }
0x172: {  	[tilespmem:s9], [sflag:$0x1] =	stream.indirect.gather @!p0 [hbm4b:s5+s11], $0x20, s1, s11, $0xb8;
	[tilespmem:$0xF400] =	vst v63  }
0x173: {  	_ =	swait.ge [sflag:s2], $0x1000  }
0x174: {  	s19 =	sand.u32 $0xC, s19;
	[sflag:s2] =	ssyncset.done $0x0  }
0x175: {  	s0 =	sadd.s32 s19, s0;
	s26 =	simm.s32 $0x5;
	[sflag:s2] =	ssyncadd.s32 $0xFFFFF000  }
0x176: {  	[hbm4b:s0+s21] =	stream.strided.scatter [tilespmem:s16], [sflag:$0x8], $0x1000, s24, s21, $0x38;
	[tilespmem:$0xF400] =	vst v63  }
0x177: {  	_ =	swait.ge [sflag:s26], $0x1000  }
0x178: {  	[sflag:s26] =	ssyncset.done $0x0  }
0x179: {  	s30 =	simm.s32 $0x6;
	[sflag:s26] =	ssyncadd.s32 $0xFFFFF000  }
0x17a: {  	_ =	swait.ge [sflag:s30], $0x1000  }
0x17b: {  	[sflag:s30] =	ssyncset.done $0x0  }
0x17c: {  	s20 =	simm.s32 $0x7;
	[sflag:s30] =	ssyncadd.s32 $0xFFFFF000  }
0x17d: {  	_ =	swait.ge [sflag:s20], $0x1000  }
0x17e: {  	[sflag:s20] =	ssyncset.done $0x0  }
0x17f: {  	s12 =	simm.s32 $0x8;
	[sflag:s20] =	ssyncadd.s32 $0xFFFFF000  }
0x180: {  	_ =	swait.ge [sflag:s12], $0x1000  }
0x181: {  	s23 =	rddreg [dreg:$0xd]  }
0x182: {  	s25 =	rddreg [dreg:$0x3];
	s1 =	sadd.s32 $0x1, s23  }
0x183: {  	p0 =	sne.s32 s1, s25  }
.Ltmp3:
0x184: {  	_ = 	snop;
	(pc) =	sbr.rel @p0 .LBB2_1-.Ltmp3, $4  }
0x185: {  	_ = 	snop  }
0x186: {  	s19 =	simm.s32 $0x3400  }
0x187: {  	s20 =	simm.s32 $0x5400;
	[sflag:s12] =	ssyncset.done $0x0;
	s9 =	rddreg [dreg:$0xc]  }
0x188: {  	[sflag:s12] =	ssyncadd.s32 $0xFFFFF000;
	s23 =	simm.s32 $0x7400;
	s25 =	simm.s32 $0x9400  }
0x189: {  	_ =	sfence.sel $0x180000  }
0x18a: {  	[bflag:$0x0] =	sbarrier.arrive $0xFFFF  }
0x18b: {  	_ =	strace $0x90000047  }
0x18c: {  	s0 =	stileid.u32;
	[bflag:$0x2] =	sbarrier.arrive $0xFFFF  }
0x18d: {  	p0 =	sne.s32 s0, $0x0;
	s0 =	rddreg [dreg:$0x1]  }
0x18e: {  	s0 =	sadd.s32 @!p0 $0x100000, s0  }
0x18f: {  	[sflag:s0] =	ssyncadd.tile.s32 @!p0 $0x1;
	_ =	shalt  }
.Lfunc_end2:
_tile_overlayer_lowered:
.L_overlay_start_2:
0x190: {  	(tag) =	ssettag $0x2  }
0x191: {  	s0 =	rddreg [dreg:$0x0];
	s2 =	stileid.u32  }
0x192: {  	s1 =	rddreg [dreg:$0x1];
	p0 =	sne.s32 s2, $0x0  }
0x193: {  	s3 =	rddreg [dreg:$0x2];
	[bflag:$0x3] =	sbarrier.arrive $0xFFFF;
	s2 =	simm.s32 @!p0 $0x1C09  }
0x194: {  	[timem:s3], [sflag:s2] =	dma.local @!p0 [hbm:s0], s1  }
0x195: {  	s0 =	simm.s32 @!p0 $0x9  }
0x196: {  	_ =	swait.ge @!p0 [sflag:s0], s1  }
0x197: {  	s1 =	ssub.s32 @!p0 $0x0, s1;
	[sflag:s0] =	ssyncset.done @!p0 $0x0  }
0x198: {  	[sflag:s0] =	ssyncadd.s32 @!p0 s1  }
0x199: {  	[bflag:$0x3] =	sbarrier.arrive $0xFFFF  }
0x19a: {  	_ =	shalt  }

</sc_bundles>
